<compile_context>
chip_gen: v7x
topology: tpu7x:2x2x1
jax: 0.10.2.dev20260603
libtpu: 0.0.44.dev20260713+nightly
codegen_flags: <defaults>
</compile_context>

<pallas_src>
import jax
import jax.numpy as jnp
from jax import lax
from jax.experimental import pallas as pl
from jax.experimental.pallas import tpu as pltpu
from jax.experimental.pallas import tpu_sc as plsc

HIDDEN = 64
BATCH = 16384
NUM_CLASSES = 1000000
NUM_CORES = 2
NUM_SUBCORES = 16
NW = NUM_CORES * NUM_SUBCORES
B_PER_W = BATCH // NW
CHUNKS = B_PER_W // 16
NBUF = 8


def _sc_body(labels_hbm, tablet_hbm, out_hbm, lab_v, buf_v, out_v, sems):
    wid = lax.axis_index("s") * NUM_CORES + lax.axis_index("c")
    blk = pl.multiple_of((wid // 2) * 1024, 1024)
    pltpu.sync_copy(labels_hbm.at[pl.ds(blk, 1024)], lab_v)
    off = (wid % 2) * 512

    lanes = lax.iota(jnp.int32, 16)

    def fire(l, sl):
        start = pl.multiple_of((l >> 7) * 128, 128)
        pltpu.async_copy(
            tablet_hbm.at[:, pl.ds(start, 128)], buf_v.at[sl], sems.at[sl]
        )

    lv0 = lab_v[pl.ds(off, 16)]
    for j in range(NBUF):
        fire(lv0[j], j)

    def load_cols(l, sl):
        pltpu.make_async_copy(
            tablet_hbm.at[:, pl.ds(0, 128)], buf_v.at[sl], sems.at[sl]
        ).wait()
        colv = jnp.full((16,), l & 127, jnp.int32)
        sv = jnp.full((16,), sl, jnp.int32)
        return [
            plsc.load_gather(buf_v, [sv, lanes + 16 * k, colv])
            for k in range(4)
        ]

    def scale_store(vs, iv):
        n2 = jnp.sum(vs[0] * vs[0] + vs[1] * vs[1] + vs[2] * vs[2]
                     + vs[3] * vs[3])
        acc = jnp.full((16,), n2, jnp.float32)
        xi = plsc.bitcast(acc, jnp.int32)
        y = plsc.bitcast(jnp.int32(0x5F3759DF) - (xi >> 1), jnp.float32)
        for _ in range(3):
            y = y * (1.5 - 0.5 * acc * y * y)
        scale = jnp.minimum(y, 1.0)
        for k in range(4):
            plsc.store_scatter(out_v, [lanes + 16 * k, iv], vs[k] * scale)

    def chunk(ci, carry):
        lv = lab_v[pl.ds(off + ci * 16, 16)]
        for j in range(16):
            sl = j % NBUF
            iv = jnp.full((16,), ci * 16 + j, jnp.int32)
            vs = load_cols(lv[j], sl)
            if j < NBUF:
                fire(lv[j + NBUF], sl)
            else:
                @pl.when(ci < CHUNKS - 1)
                def _():
                    lvn = lab_v[pl.ds(off + ci * 16 + 16, 16)]
                    fire(lvn[j - NBUF], sl)
            scale_store(vs, iv)
        return carry

    lax.fori_loop(0, CHUNKS, chunk, 0)

    base = wid * B_PER_W
    pltpu.sync_copy(out_v, out_hbm.at[:, pl.ds(base, B_PER_W)])


def kernel(labels, embedding_table):
    labels_i = labels.astype(jnp.int32)
    run = pl.kernel(
        _sc_body,
        out_type=jax.ShapeDtypeStruct((HIDDEN, BATCH), jnp.float32),
        mesh=plsc.VectorSubcoreMesh(core_axis_name="c", subcore_axis_name="s"),
        scratch_types=[
            pltpu.VMEM((1024,), jnp.int32),
            pltpu.VMEM((NBUF, HIDDEN, 128), jnp.float32),
            pltpu.VMEM((HIDDEN, B_PER_W), jnp.float32),
            pltpu.SemaphoreType.DMA((NBUF,)),
        ],
        compiler_params=pltpu.CompilerParams(
            use_tc_tiling_on_sc=True, needs_layout_passes=False
        ),
    )
    out_t = run(labels_i, embedding_table.T)
    return out_t.T

# --- scband reference (transcript-rebuilt; emitter-appended) ---
"""Pipeline reference for scband-label-embedder-71743133712870 (READ-ONLY COPY).

The authoritative reference and input builder live on the scoring server;
editing this copy changes nothing except your own understanding.
"""

import jax, jax.numpy as jnp
import numpy as np

NUM_CLASSES = 1000000
HIDDEN_SIZE = 64
BATCH = 16384
MAX_NORM = 1.0


def setup_inputs(seed: int = 0) -> dict:
    key = jax.random.key(seed)
    k1, k2 = jax.random.split(key)
    labels = jax.random.randint(k1, (BATCH,), 0, NUM_CLASSES)
    embedding_table = jax.random.normal(k2, (NUM_CLASSES, HIDDEN_SIZE), dtype=jnp.float32)
    return {"labels": labels, "embedding_table": embedding_table}


def reference(labels, embedding_table):
    # nn.Embedding lookup (gather)
    emb = jnp.take(embedding_table, labels, axis=0)
    # max_norm=1.0: renormalize gathered rows whose L2 norm exceeds max_norm
    norms = jnp.linalg.norm(emb, axis=-1, keepdims=True)
    scale = jnp.where(norms > MAX_NORM, MAX_NORM / (norms + 1e-7), 1.0)
    return emb * scale

if __name__ == "__main__":
    import jax
    _d = setup_inputs()
    print(jax.jit(kernel)(*tuple(_d.values())))

</pallas_src>

<mosaic_0001>
#map = affine_map<(d0, d1) -> (0)>
#map1 = affine_map<(d0, d1) -> (0, 0)>
module attributes {stable_mosaic.version = 14 : i64} {
  func.func @_sc_body(%arg0: i32, %arg1: i32, %arg2: memref<16384xi32, #tpu.memory_space<hbm>>, %arg3: memref<64x1000000xf32, #tpu.memory_space<hbm>>, %arg4: memref<64x16384xf32, #tpu.memory_space<hbm>>, %arg5: memref<1024xi32, #tpu.memory_space<vmem>>, %arg6: memref<8x64x128xf32, #tpu.memory_space<vmem>>, %arg7: memref<64x512xf32, #tpu.memory_space<vmem>>, %arg8: memref<8x!tpu.dma_semaphore, #tpu.memory_space<semaphore_mem>>) attributes {dimension_semantics = [#tpu.dimension_semantics<core_parallel>, #tpu.dimension_semantics<subcore_parallel>], iteration_bounds = array<i64: 2, 16>, scalar_prefetch = 0 : i64, scratch_operands = 4 : i64, tpu.core_type = #tpu.core_type<sc_vector_subcore>, window_params = [{transform_indices = #map}, {transform_indices = #map1}, {transform_indices = #map1}]} {
    %mul3A = arith.constant 2 : i32
    %mul3A_0 = arith.muli %arg1, %mul3A : i32
    %add3A = arith.addi %mul3A_0, %arg0 : i32
    %jit3A = arith.constant 2 : i32
    %div3A = arith.divsi %add3A, %jit3A : i32
    %sign3A = arith.constant 0 : i32
    %sign3A_1 = arith.cmpi sgt, %add3A, %sign3A : i32
    %sign3A_2 = arith.extui %sign3A_1 : i1 to i32
    %sign3A_3 = arith.constant 0 : i32
    %sign3A_4 = arith.cmpi slt, %add3A, %sign3A_3 : i32
    %sign3A_5 = arith.extui %sign3A_4 : i1 to i32
    %sign3A_6 = arith.subi %sign3A_2, %sign3A_5 : i32
    %sign3A_7 = arith.constant 0 : i32
    %sign3A_8 = arith.cmpi sgt, %jit3A, %sign3A_7 : i32
    %sign3A_9 = arith.extui %sign3A_8 : i1 to i32
    %sign3A_10 = arith.constant 0 : i32
    %sign3A_11 = arith.cmpi slt, %jit3A, %sign3A_10 : i32
    %sign3A_12 = arith.extui %sign3A_11 : i1 to i32
    %sign3A_13 = arith.subi %sign3A_9, %sign3A_12 : i32
    %ne3A = arith.cmpi ne, %sign3A_6, %sign3A_13 : i32
    %rem3A = arith.remsi %add3A, %jit3A : i32
    %ne3A_14 = arith.constant 0 : i32
    %ne3A_15 = arith.cmpi ne, %rem3A, %ne3A_14 : i32
    %and3A = arith.andi %ne3A, %ne3A_15 : i1
    %sub3A = arith.constant 1 : i32
    %sub3A_16 = arith.subi %div3A, %sub3A : i32
    %select_n3A = arith.select %and3A, %sub3A_16, %div3A : i32
    %mul3A_17 = arith.constant 1024 : i32
    %mul3A_18 = arith.muli %select_n3A, %mul3A_17 : i32
    %multiple_of3A = tpu.assume_multiple %mul3A_18, 1024 : i32
    "tpu.region"() ({
      %run_scoped3A = tpu.sem_alloc : memref<!tpu.dma_semaphore, #tpu.memory_space<semaphore_mem>>
      %dma_start3A_223 = tpu.memref_slice %arg2[%multiple_of3A] : memref<16384xi32, #tpu.memory_space<hbm>> -> memref<1024xi32, #tpu.memory_space<hbm>>
      %dma_start3A_224 = tpu.memref_slice %arg2[%multiple_of3A] : memref<16384xi32, #tpu.memory_space<hbm>> -> memref<1024xi32, #tpu.memory_space<hbm>>
      tpu.enqueue_dma source(%dma_start3A_224 : memref<1024xi32, #tpu.memory_space<hbm>>) target(%arg5 : memref<1024xi32, #tpu.memory_space<vmem>>) target_semaphore(%run_scoped3A : memref<!tpu.dma_semaphore, #tpu.memory_space<semaphore_mem>>)
      %dma_wait3A = tpu.memref_slice %arg2[%multiple_of3A] : memref<16384xi32, #tpu.memory_space<hbm>> -> memref<1024xi32, #tpu.memory_space<hbm>>
      %dma_wait3A_225 = tpu.memref_slice %arg2[%multiple_of3A] : memref<16384xi32, #tpu.memory_space<hbm>> -> memref<1024xi32, #tpu.memory_space<hbm>>
      tpu.wait_dma2 semaphore(%run_scoped3A : memref<!tpu.dma_semaphore, #tpu.memory_space<semaphore_mem>>) src(%dma_wait3A_225 : memref<1024xi32, #tpu.memory_space<hbm>>) dst(%arg5 : memref<1024xi32, #tpu.memory_space<vmem>>)
      tpu.yield
    }) : () -> ()
    %jit3A_19 = arith.constant 2 : i32
    %eq3A = arith.constant 0 : i32
    %eq3A_20 = arith.cmpi eq, %jit3A_19, %eq3A : i32
    %jit3A_21 = arith.constant 1 : i32
    %select_n3A_22 = arith.select %eq3A_20, %jit3A_21, %jit3A_19 : i32
    %rem3A_23 = arith.remsi %add3A, %select_n3A_22 : i32
    %ne3A_24 = arith.constant 0 : i32
    %ne3A_25 = arith.cmpi ne, %rem3A_23, %ne3A_24 : i32
    %lt3A = arith.constant 0 : i32
    %lt3A_26 = arith.cmpi slt, %rem3A_23, %lt3A : i32
    %lt3A_27 = arith.constant 0 : i32
    %lt3A_28 = arith.cmpi slt, %select_n3A_22, %lt3A_27 : i32
    %ne3A_29 = arith.xori %lt3A_26, %lt3A_28 : i1
    %and3A_30 = arith.andi %ne3A_29, %ne3A_25 : i1
    %add3A_31 = arith.addi %rem3A_23, %select_n3A_22 : i32
    %select_n3A_32 = arith.select %and3A_30, %add3A_31, %rem3A_23 : i32
    %mul3A_33 = arith.constant 512 : i32
    %mul3A_34 = arith.muli %select_n3A_32, %mul3A_33 : i32
    %iota3A = tpu.iota {dimensions = array<i32: 0>} : vector<16xi32>
    %get3A = arith.index_cast %mul3A_34 : i32 to index
    %get3A_35 = tpu.vector_load %arg5[%get3A] {strides = array<i32>} : memref<1024xi32, #tpu.memory_space<vmem>>, vector<16xi32>,
    %slice3A = vector.extract_strided_slice %get3A_35 {offsets = [0], sizes = [1], strides = [1]} : vector<16xi32> to vector<1xi32>
    %squeeze3A = vector.extract %slice3A[0] : i32 from vector<1xi32>
    %shift_right_arithmetic3A = arith.constant 7 : i32
    %shift_right_arithmetic3A_36 = arith.shrsi %squeeze3A, %shift_right_arithmetic3A : i32
    %mul3A_37 = arith.constant 128 : i32
    %mul3A_38 = arith.muli %shift_right_arithmetic3A_36, %mul3A_37 : i32
    %multiple_of3A_39 = tpu.assume_multiple %mul3A_38, 128 : i32
    %dma_start3A = arith.constant 0 : i32
    %dma_start3A_40 = arith.constant 0 : i32
    %dma_start3A_41 = arith.constant 0 : i32
    %dma_start3A_42 = arith.constant 0 : i32
    %dma_start3A_43 = tpu.memref_slice %arg6[%dma_start3A, %dma_start3A_41, %dma_start3A_42] : memref<8x64x128xf32, #tpu.memory_space<vmem>> -> memref<1x64x128xf32, #tpu.memory_space<vmem>>
    %dma_start3A_44 = tpu.memref_squeeze %dma_start3A_43 : memref<1x64x128xf32, #tpu.memory_space<vmem>> -> memref<64x128xf32, #tpu.memory_space<vmem>>
    %dma_start3A_45 = arith.constant 0 : i32
    %dma_start3A_46 = tpu.memref_slice %arg3[%dma_start3A_45, %multiple_of3A_39] : memref<64x1000000xf32, #tpu.memory_space<hbm>> -> memref<64x128xf32, #tpu.memory_space<hbm>>
    %dma_start3A_47 = tpu.memref_slice %arg8[%dma_start3A_40] : memref<8x!tpu.dma_semaphore, #tpu.memory_space<semaphore_mem>> -> memref<1x!tpu.dma_semaphore, #tpu.memory_space<semaphore_mem>>
    %dma_start3A_48 = tpu.memref_squeeze %dma_start3A_47 : memref<1x!tpu.dma_semaphore, #tpu.memory_space<semaphore_mem>> -> memref<!tpu.dma_semaphore, #tpu.memory_space<semaphore_mem>>
    %dma_start3A_49 = arith.constant 0 : i32
    %dma_start3A_50 = arith.constant 0 : i32
    %dma_start3A_51 = tpu.memref_slice %arg6[%dma_start3A, %dma_start3A_49, %dma_start3A_50] : memref<8x64x128xf32, #tpu.memory_space<vmem>> -> memref<1x64x128xf32, #tpu.memory_space<vmem>>
    %dma_start3A_52 = tpu.memref_squeeze %dma_start3A_51 : memref<1x64x128xf32, #tpu.memory_space<vmem>> -> memref<64x128xf32, #tpu.memory_space<vmem>>
    %dma_start3A_53 = arith.constant 0 : i32
    %dma_start3A_54 = tpu.memref_slice %arg3[%dma_start3A_53, %multiple_of3A_39] : memref<64x1000000xf32, #tpu.memory_space<hbm>> -> memref<64x128xf32, #tpu.memory_space<hbm>>
    tpu.enqueue_dma source(%dma_start3A_54 : memref<64x128xf32, #tpu.memory_space<hbm>>) target(%dma_start3A_52 : memref<64x128xf32, #tpu.memory_space<vmem>>) target_semaphore(%dma_start3A_48 : memref<!tpu.dma_semaphore, #tpu.memory_space<semaphore_mem>>)
    %slice3A_55 = vector.extract_strided_slice %get3A_35 {offsets = [1], sizes = [1], strides = [1]} : vector<16xi32> to vector<1xi32>
    %squeeze3A_56 = vector.extract %slice3A_55[0] : i32 from vector<1xi32>
    %shift_right_arithmetic3A_57 = arith.constant 7 : i32
    %shift_right_arithmetic3A_58 = arith.shrsi %squeeze3A_56, %shift_right_arithmetic3A_57 : i32
    %mul3A_59 = arith.constant 128 : i32
    %mul3A_60 = arith.muli %shift_right_arithmetic3A_58, %mul3A_59 : i32
    %multiple_of3A_61 = tpu.assume_multiple %mul3A_60, 128 : i32
    %dma_start3A_62 = arith.constant 1 : i32
    %dma_start3A_63 = arith.constant 1 : i32
    %dma_start3A_64 = arith.constant 0 : i32
    %dma_start3A_65 = arith.constant 0 : i32
    %dma_start3A_66 = tpu.memref_slice %arg6[%dma_start3A_62, %dma_start3A_64, %dma_start3A_65] : memref<8x64x128xf32, #tpu.memory_space<vmem>> -> memref<1x64x128xf32, #tpu.memory_space<vmem>>
    %dma_start3A_67 = tpu.memref_squeeze %dma_start3A_66 : memref<1x64x128xf32, #tpu.memory_space<vmem>> -> memref<64x128xf32, #tpu.memory_space<vmem>>
    %dma_start3A_68 = arith.constant 0 : i32
    %dma_start3A_69 = tpu.memref_slice %arg3[%dma_start3A_68, %multiple_of3A_61] : memref<64x1000000xf32, #tpu.memory_space<hbm>> -> memref<64x128xf32, #tpu.memory_space<hbm>>
    %dma_start3A_70 = tpu.memref_slice %arg8[%dma_start3A_63] : memref<8x!tpu.dma_semaphore, #tpu.memory_space<semaphore_mem>> -> memref<1x!tpu.dma_semaphore, #tpu.memory_space<semaphore_mem>>
    %dma_start3A_71 = tpu.memref_squeeze %dma_start3A_70 : memref<1x!tpu.dma_semaphore, #tpu.memory_space<semaphore_mem>> -> memref<!tpu.dma_semaphore, #tpu.memory_space<semaphore_mem>>
    %dma_start3A_72 = arith.constant 0 : i32
    %dma_start3A_73 = arith.constant 0 : i32
    %dma_start3A_74 = tpu.memref_slice %arg6[%dma_start3A_62, %dma_start3A_72, %dma_start3A_73] : memref<8x64x128xf32, #tpu.memory_space<vmem>> -> memref<1x64x128xf32, #tpu.memory_space<vmem>>
    %dma_start3A_75 = tpu.memref_squeeze %dma_start3A_74 : memref<1x64x128xf32, #tpu.memory_space<vmem>> -> memref<64x128xf32, #tpu.memory_space<vmem>>
    %dma_start3A_76 = arith.constant 0 : i32
    %dma_start3A_77 = tpu.memref_slice %arg3[%dma_start3A_76, %multiple_of3A_61] : memref<64x1000000xf32, #tpu.memory_space<hbm>> -> memref<64x128xf32, #tpu.memory_space<hbm>>
    tpu.enqueue_dma source(%dma_start3A_77 : memref<64x128xf32, #tpu.memory_space<hbm>>) target(%dma_start3A_75 : memref<64x128xf32, #tpu.memory_space<vmem>>) target_semaphore(%dma_start3A_71 : memref<!tpu.dma_semaphore, #tpu.memory_space<semaphore_mem>>)
    %slice3A_78 = vector.extract_strided_slice %get3A_35 {offsets = [2], sizes = [1], strides = [1]} : vector<16xi32> to vector<1xi32>
    %squeeze3A_79 = vector.extract %slice3A_78[0] : i32 from vector<1xi32>
    %shift_right_arithmetic3A_80 = arith.constant 7 : i32
    %shift_right_arithmetic3A_81 = arith.shrsi %squeeze3A_79, %shift_right_arithmetic3A_80 : i32
    %mul3A_82 = arith.constant 128 : i32
    %mul3A_83 = arith.muli %shift_right_arithmetic3A_81, %mul3A_82 : i32
    %multiple_of3A_84 = tpu.assume_multiple %mul3A_83, 128 : i32
    %dma_start3A_85 = arith.constant 2 : i32
    %dma_start3A_86 = arith.constant 2 : i32
    %dma_start3A_87 = arith.constant 0 : i32
    %dma_start3A_88 = arith.constant 0 : i32
    %dma_start3A_89 = tpu.memref_slice %arg6[%dma_start3A_85, %dma_start3A_87, %dma_start3A_88] : memref<8x64x128xf32, #tpu.memory_space<vmem>> -> memref<1x64x128xf32, #tpu.memory_space<vmem>>
    %dma_start3A_90 = tpu.memref_squeeze %dma_start3A_89 : memref<1x64x128xf32, #tpu.memory_space<vmem>> -> memref<64x128xf32, #tpu.memory_space<vmem>>
    %dma_start3A_91 = arith.constant 0 : i32
    %dma_start3A_92 = tpu.memref_slice %arg3[%dma_start3A_91, %multiple_of3A_84] : memref<64x1000000xf32, #tpu.memory_space<hbm>> -> memref<64x128xf32, #tpu.memory_space<hbm>>
    %dma_start3A_93 = tpu.memref_slice %arg8[%dma_start3A_86] : memref<8x!tpu.dma_semaphore, #tpu.memory_space<semaphore_mem>> -> memref<1x!tpu.dma_semaphore, #tpu.memory_space<semaphore_mem>>
    %dma_start3A_94 = tpu.memref_squeeze %dma_start3A_93 : memref<1x!tpu.dma_semaphore, #tpu.memory_space<semaphore_mem>> -> memref<!tpu.dma_semaphore, #tpu.memory_space<semaphore_mem>>
    %dma_start3A_95 = arith.constant 0 : i32
    %dma_start3A_96 = arith.constant 0 : i32
    %dma_start3A_97 = tpu.memref_slice %arg6[%dma_start3A_85, %dma_start3A_95, %dma_start3A_96] : memref<8x64x128xf32, #tpu.memory_space<vmem>> -> memref<1x64x128xf32, #tpu.memory_space<vmem>>
    %dma_start3A_98 = tpu.memref_squeeze %dma_start3A_97 : memref<1x64x128xf32, #tpu.memory_space<vmem>> -> memref<64x128xf32, #tpu.memory_space<vmem>>
    %dma_start3A_99 = arith.constant 0 : i32
    %dma_start3A_100 = tpu.memref_slice %arg3[%dma_start3A_99, %multiple_of3A_84] : memref<64x1000000xf32, #tpu.memory_space<hbm>> -> memref<64x128xf32, #tpu.memory_space<hbm>>
    tpu.enqueue_dma source(%dma_start3A_100 : memref<64x128xf32, #tpu.memory_space<hbm>>) target(%dma_start3A_98 : memref<64x128xf32, #tpu.memory_space<vmem>>) target_semaphore(%dma_start3A_94 : memref<!tpu.dma_semaphore, #tpu.memory_space<semaphore_mem>>)
    %slice3A_101 = vector.extract_strided_slice %get3A_35 {offsets = [3], sizes = [1], strides = [1]} : vector<16xi32> to vector<1xi32>
    %squeeze3A_102 = vector.extract %slice3A_101[0] : i32 from vector<1xi32>
    %shift_right_arithmetic3A_103 = arith.constant 7 : i32
    %shift_right_arithmetic3A_104 = arith.shrsi %squeeze3A_102, %shift_right_arithmetic3A_103 : i32
    %mul3A_105 = arith.constant 128 : i32
    %mul3A_106 = arith.muli %shift_right_arithmetic3A_104, %mul3A_105 : i32
    %multiple_of3A_107 = tpu.assume_multiple %mul3A_106, 128 : i32
    %dma_start3A_108 = arith.constant 3 : i32
    %dma_start3A_109 = arith.constant 3 : i32
    %dma_start3A_110 = arith.constant 0 : i32
    %dma_start3A_111 = arith.constant 0 : i32
    %dma_start3A_112 = tpu.memref_slice %arg6[%dma_start3A_108, %dma_start3A_110, %dma_start3A_111] : memref<8x64x128xf32, #tpu.memory_space<vmem>> -> memref<1x64x128xf32, #tpu.memory_space<vmem>>
    %dma_start3A_113 = tpu.memref_squeeze %dma_start3A_112 : memref<1x64x128xf32, #tpu.memory_space<vmem>> -> memref<64x128xf32, #tpu.memory_space<vmem>>
    %dma_start3A_114 = arith.constant 0 : i32
    %dma_start3A_115 = tpu.memref_slice %arg3[%dma_start3A_114, %multiple_of3A_107] : memref<64x1000000xf32, #tpu.memory_space<hbm>> -> memref<64x128xf32, #tpu.memory_space<hbm>>
    %dma_start3A_116 = tpu.memref_slice %arg8[%dma_start3A_109] : memref<8x!tpu.dma_semaphore, #tpu.memory_space<semaphore_mem>> -> memref<1x!tpu.dma_semaphore, #tpu.memory_space<semaphore_mem>>
    %dma_start3A_117 = tpu.memref_squeeze %dma_start3A_116 : memref<1x!tpu.dma_semaphore, #tpu.memory_space<semaphore_mem>> -> memref<!tpu.dma_semaphore, #tpu.memory_space<semaphore_mem>>
    %dma_start3A_118 = arith.constant 0 : i32
    %dma_start3A_119 = arith.constant 0 : i32
    %dma_start3A_120 = tpu.memref_slice %arg6[%dma_start3A_108, %dma_start3A_118, %dma_start3A_119] : memref<8x64x128xf32, #tpu.memory_space<vmem>> -> memref<1x64x128xf32, #tpu.memory_space<vmem>>
    %dma_start3A_121 = tpu.memref_squeeze %dma_start3A_120 : memref<1x64x128xf32, #tpu.memory_space<vmem>> -> memref<64x128xf32, #tpu.memory_space<vmem>>
    %dma_start3A_122 = arith.constant 0 : i32
    %dma_start3A_123 = tpu.memref_slice %arg3[%dma_start3A_122, %multiple_of3A_107] : memref<64x1000000xf32, #tpu.memory_space<hbm>> -> memref<64x128xf32, #tpu.memory_space<hbm>>
    tpu.enqueue_dma source(%dma_start3A_123 : memref<64x128xf32, #tpu.memory_space<hbm>>) target(%dma_start3A_121 : memref<64x128xf32, #tpu.memory_space<vmem>>) target_semaphore(%dma_start3A_117 : memref<!tpu.dma_semaphore, #tpu.memory_space<semaphore_mem>>)
    %slice3A_124 = vector.extract_strided_slice %get3A_35 {offsets = [4], sizes = [1], strides = [1]} : vector<16xi32> to vector<1xi32>
    %squeeze3A_125 = vector.extract %slice3A_124[0] : i32 from vector<1xi32>
    %shift_right_arithmetic3A_126 = arith.constant 7 : i32
    %shift_right_arithmetic3A_127 = arith.shrsi %squeeze3A_125, %shift_right_arithmetic3A_126 : i32
    %mul3A_128 = arith.constant 128 : i32
    %mul3A_129 = arith.muli %shift_right_arithmetic3A_127, %mul3A_128 : i32
    %multiple_of3A_130 = tpu.assume_multiple %mul3A_129, 128 : i32
    %dma_start3A_131 = arith.constant 4 : i32
    %dma_start3A_132 = arith.constant 4 : i32
    %dma_start3A_133 = arith.constant 0 : i32
    %dma_start3A_134 = arith.constant 0 : i32
    %dma_start3A_135 = tpu.memref_slice %arg6[%dma_start3A_131, %dma_start3A_133, %dma_start3A_134] : memref<8x64x128xf32, #tpu.memory_space<vmem>> -> memref<1x64x128xf32, #tpu.memory_space<vmem>>
    %dma_start3A_136 = tpu.memref_squeeze %dma_start3A_135 : memref<1x64x128xf32, #tpu.memory_space<vmem>> -> memref<64x128xf32, #tpu.memory_space<vmem>>
    %dma_start3A_137 = arith.constant 0 : i32
    %dma_start3A_138 = tpu.memref_slice %arg3[%dma_start3A_137, %multiple_of3A_130] : memref<64x1000000xf32, #tpu.memory_space<hbm>> -> memref<64x128xf32, #tpu.memory_space<hbm>>
    %dma_start3A_139 = tpu.memref_slice %arg8[%dma_start3A_132] : memref<8x!tpu.dma_semaphore, #tpu.memory_space<semaphore_mem>> -> memref<1x!tpu.dma_semaphore, #tpu.memory_space<semaphore_mem>>
    %dma_start3A_140 = tpu.memref_squeeze %dma_start3A_139 : memref<1x!tpu.dma_semaphore, #tpu.memory_space<semaphore_mem>> -> memref<!tpu.dma_semaphore, #tpu.memory_space<semaphore_mem>>
    %dma_start3A_141 = arith.constant 0 : i32
    %dma_start3A_142 = arith.constant 0 : i32
    %dma_start3A_143 = tpu.memref_slice %arg6[%dma_start3A_131, %dma_start3A_141, %dma_start3A_142] : memref<8x64x128xf32, #tpu.memory_space<vmem>> -> memref<1x64x128xf32, #tpu.memory_space<vmem>>
    %dma_start3A_144 = tpu.memref_squeeze %dma_start3A_143 : memref<1x64x128xf32, #tpu.memory_space<vmem>> -> memref<64x128xf32, #tpu.memory_space<vmem>>
    %dma_start3A_145 = arith.constant 0 : i32
    %dma_start3A_146 = tpu.memref_slice %arg3[%dma_start3A_145, %multiple_of3A_130] : memref<64x1000000xf32, #tpu.memory_space<hbm>> -> memref<64x128xf32, #tpu.memory_space<hbm>>
    tpu.enqueue_dma source(%dma_start3A_146 : memref<64x128xf32, #tpu.memory_space<hbm>>) target(%dma_start3A_144 : memref<64x128xf32, #tpu.memory_space<vmem>>) target_semaphore(%dma_start3A_140 : memref<!tpu.dma_semaphore, #tpu.memory_space<semaphore_mem>>)
    %slice3A_147 = vector.extract_strided_slice %get3A_35 {offsets = [5], sizes = [1], strides = [1]} : vector<16xi32> to vector<1xi32>
    %squeeze3A_148 = vector.extract %slice3A_147[0] : i32 from vector<1xi32>
    %shift_right_arithmetic3A_149 = arith.constant 7 : i32
    %shift_right_arithmetic3A_150 = arith.shrsi %squeeze3A_148, %shift_right_arithmetic3A_149 : i32
    %mul3A_151 = arith.constant 128 : i32
    %mul3A_152 = arith.muli %shift_right_arithmetic3A_150, %mul3A_151 : i32
    %multiple_of3A_153 = tpu.assume_multiple %mul3A_152, 128 : i32
    %dma_start3A_154 = arith.constant 5 : i32
    %dma_start3A_155 = arith.constant 5 : i32
    %dma_start3A_156 = arith.constant 0 : i32
    %dma_start3A_157 = arith.constant 0 : i32
    %dma_start3A_158 = tpu.memref_slice %arg6[%dma_start3A_154, %dma_start3A_156, %dma_start3A_157] : memref<8x64x128xf32, #tpu.memory_space<vmem>> -> memref<1x64x128xf32, #tpu.memory_space<vmem>>
    %dma_start3A_159 = tpu.memref_squeeze %dma_start3A_158 : memref<1x64x128xf32, #tpu.memory_space<vmem>> -> memref<64x128xf32, #tpu.memory_space<vmem>>
    %dma_start3A_160 = arith.constant 0 : i32
    %dma_start3A_161 = tpu.memref_slice %arg3[%dma_start3A_160, %multiple_of3A_153] : memref<64x1000000xf32, #tpu.memory_space<hbm>> -> memref<64x128xf32, #tpu.memory_space<hbm>>
    %dma_start3A_162 = tpu.memref_slice %arg8[%dma_start3A_155] : memref<8x!tpu.dma_semaphore, #tpu.memory_space<semaphore_mem>> -> memref<1x!tpu.dma_semaphore, #tpu.memory_space<semaphore_mem>>
    %dma_start3A_163 = tpu.memref_squeeze %dma_start3A_162 : memref<1x!tpu.dma_semaphore, #tpu.memory_space<semaphore_mem>> -> memref<!tpu.dma_semaphore, #tpu.memory_space<semaphore_mem>>
    %dma_start3A_164 = arith.constant 0 : i32
    %dma_start3A_165 = arith.constant 0 : i32
    %dma_start3A_166 = tpu.memref_slice %arg6[%dma_start3A_154, %dma_start3A_164, %dma_start3A_165] : memref<8x64x128xf32, #tpu.memory_space<vmem>> -> memref<1x64x128xf32, #tpu.memory_space<vmem>>
    %dma_start3A_167 = tpu.memref_squeeze %dma_start3A_166 : memref<1x64x128xf32, #tpu.memory_space<vmem>> -> memref<64x128xf32, #tpu.memory_space<vmem>>
    %dma_start3A_168 = arith.constant 0 : i32
    %dma_start3A_169 = tpu.memref_slice %arg3[%dma_start3A_168, %multiple_of3A_153] : memref<64x1000000xf32, #tpu.memory_space<hbm>> -> memref<64x128xf32, #tpu.memory_space<hbm>>
    tpu.enqueue_dma source(%dma_start3A_169 : memref<64x128xf32, #tpu.memory_space<hbm>>) target(%dma_start3A_167 : memref<64x128xf32, #tpu.memory_space<vmem>>) target_semaphore(%dma_start3A_163 : memref<!tpu.dma_semaphore, #tpu.memory_space<semaphore_mem>>)
    %slice3A_170 = vector.extract_strided_slice %get3A_35 {offsets = [6], sizes = [1], strides = [1]} : vector<16xi32> to vector<1xi32>
    %squeeze3A_171 = vector.extract %slice3A_170[0] : i32 from vector<1xi32>
    %shift_right_arithmetic3A_172 = arith.constant 7 : i32
    %shift_right_arithmetic3A_173 = arith.shrsi %squeeze3A_171, %shift_right_arithmetic3A_172 : i32
    %mul3A_174 = arith.constant 128 : i32
    %mul3A_175 = arith.muli %shift_right_arithmetic3A_173, %mul3A_174 : i32
    %multiple_of3A_176 = tpu.assume_multiple %mul3A_175, 128 : i32
    %dma_start3A_177 = arith.constant 6 : i32
    %dma_start3A_178 = arith.constant 6 : i32
    %dma_start3A_179 = arith.constant 0 : i32
    %dma_start3A_180 = arith.constant 0 : i32
    %dma_start3A_181 = tpu.memref_slice %arg6[%dma_start3A_177, %dma_start3A_179, %dma_start3A_180] : memref<8x64x128xf32, #tpu.memory_space<vmem>> -> memref<1x64x128xf32, #tpu.memory_space<vmem>>
    %dma_start3A_182 = tpu.memref_squeeze %dma_start3A_181 : memref<1x64x128xf32, #tpu.memory_space<vmem>> -> memref<64x128xf32, #tpu.memory_space<vmem>>
    %dma_start3A_183 = arith.constant 0 : i32
    %dma_start3A_184 = tpu.memref_slice %arg3[%dma_start3A_183, %multiple_of3A_176] : memref<64x1000000xf32, #tpu.memory_space<hbm>> -> memref<64x128xf32, #tpu.memory_space<hbm>>
    %dma_start3A_185 = tpu.memref_slice %arg8[%dma_start3A_178] : memref<8x!tpu.dma_semaphore, #tpu.memory_space<semaphore_mem>> -> memref<1x!tpu.dma_semaphore, #tpu.memory_space<semaphore_mem>>
    %dma_start3A_186 = tpu.memref_squeeze %dma_start3A_185 : memref<1x!tpu.dma_semaphore, #tpu.memory_space<semaphore_mem>> -> memref<!tpu.dma_semaphore, #tpu.memory_space<semaphore_mem>>
    %dma_start3A_187 = arith.constant 0 : i32
    %dma_start3A_188 = arith.constant 0 : i32
    %dma_start3A_189 = tpu.memref_slice %arg6[%dma_start3A_177, %dma_start3A_187, %dma_start3A_188] : memref<8x64x128xf32, #tpu.memory_space<vmem>> -> memref<1x64x128xf32, #tpu.memory_space<vmem>>
    %dma_start3A_190 = tpu.memref_squeeze %dma_start3A_189 : memref<1x64x128xf32, #tpu.memory_space<vmem>> -> memref<64x128xf32, #tpu.memory_space<vmem>>
    %dma_start3A_191 = arith.constant 0 : i32
    %dma_start3A_192 = tpu.memref_slice %arg3[%dma_start3A_191, %multiple_of3A_176] : memref<64x1000000xf32, #tpu.memory_space<hbm>> -> memref<64x128xf32, #tpu.memory_space<hbm>>
    tpu.enqueue_dma source(%dma_start3A_192 : memref<64x128xf32, #tpu.memory_space<hbm>>) target(%dma_start3A_190 : memref<64x128xf32, #tpu.memory_space<vmem>>) target_semaphore(%dma_start3A_186 : memref<!tpu.dma_semaphore, #tpu.memory_space<semaphore_mem>>)
    %slice3A_193 = vector.extract_strided_slice %get3A_35 {offsets = [7], sizes = [1], strides = [1]} : vector<16xi32> to vector<1xi32>
    %squeeze3A_194 = vector.extract %slice3A_193[0] : i32 from vector<1xi32>
    %shift_right_arithmetic3A_195 = arith.constant 7 : i32
    %shift_right_arithmetic3A_196 = arith.shrsi %squeeze3A_194, %shift_right_arithmetic3A_195 : i32
    %mul3A_197 = arith.constant 128 : i32
    %mul3A_198 = arith.muli %shift_right_arithmetic3A_196, %mul3A_197 : i32
    %multiple_of3A_199 = tpu.assume_multiple %mul3A_198, 128 : i32
    %dma_start3A_200 = arith.constant 7 : i32
    %dma_start3A_201 = arith.constant 7 : i32
    %dma_start3A_202 = arith.constant 0 : i32
    %dma_start3A_203 = arith.constant 0 : i32
    %dma_start3A_204 = tpu.memref_slice %arg6[%dma_start3A_200, %dma_start3A_202, %dma_start3A_203] : memref<8x64x128xf32, #tpu.memory_space<vmem>> -> memref<1x64x128xf32, #tpu.memory_space<vmem>>
    %dma_start3A_205 = tpu.memref_squeeze %dma_start3A_204 : memref<1x64x128xf32, #tpu.memory_space<vmem>> -> memref<64x128xf32, #tpu.memory_space<vmem>>
    %dma_start3A_206 = arith.constant 0 : i32
    %dma_start3A_207 = tpu.memref_slice %arg3[%dma_start3A_206, %multiple_of3A_199] : memref<64x1000000xf32, #tpu.memory_space<hbm>> -> memref<64x128xf32, #tpu.memory_space<hbm>>
    %dma_start3A_208 = tpu.memref_slice %arg8[%dma_start3A_201] : memref<8x!tpu.dma_semaphore, #tpu.memory_space<semaphore_mem>> -> memref<1x!tpu.dma_semaphore, #tpu.memory_space<semaphore_mem>>
    %dma_start3A_209 = tpu.memref_squeeze %dma_start3A_208 : memref<1x!tpu.dma_semaphore, #tpu.memory_space<semaphore_mem>> -> memref<!tpu.dma_semaphore, #tpu.memory_space<semaphore_mem>>
    %dma_start3A_210 = arith.constant 0 : i32
    %dma_start3A_211 = arith.constant 0 : i32
    %dma_start3A_212 = tpu.memref_slice %arg6[%dma_start3A_200, %dma_start3A_210, %dma_start3A_211] : memref<8x64x128xf32, #tpu.memory_space<vmem>> -> memref<1x64x128xf32, #tpu.memory_space<vmem>>
    %dma_start3A_213 = tpu.memref_squeeze %dma_start3A_212 : memref<1x64x128xf32, #tpu.memory_space<vmem>> -> memref<64x128xf32, #tpu.memory_space<vmem>>
    %dma_start3A_214 = arith.constant 0 : i32
    %dma_start3A_215 = tpu.memref_slice %arg3[%dma_start3A_214, %multiple_of3A_199] : memref<64x1000000xf32, #tpu.memory_space<hbm>> -> memref<64x128xf32, #tpu.memory_space<hbm>>
    tpu.enqueue_dma source(%dma_start3A_215 : memref<64x128xf32, #tpu.memory_space<hbm>>) target(%dma_start3A_213 : memref<64x128xf32, #tpu.memory_space<vmem>>) target_semaphore(%dma_start3A_209 : memref<!tpu.dma_semaphore, #tpu.memory_space<semaphore_mem>>)
    %scan3A = arith.constant 0 : i32
    %scan3A_216 = arith.constant 0 : i32
    %scan3A_217 = arith.constant 32 : i32
    %scan3A_218 = arith.addi %scan3A_216, %scan3A_217 : i32
    %scan3A_219 = arith.constant 1 : i32
    scf.for %scan3A_223 = %scan3A_216 to %scan3A_218 step %scan3A_219  : i32 {
      %mul3A_224 = arith.constant 16 : i32
      %mul3A_225 = arith.muli %scan3A_223, %mul3A_224 : i32
      %add3A_226 = arith.addi %mul3A_34, %mul3A_225 : i32
      %get3A_227 = arith.index_cast %add3A_226 : i32 to index
      %get3A_228 = tpu.vector_load %arg5[%get3A_227] {strides = array<i32>} : memref<1024xi32, #tpu.memory_space<vmem>>, vector<16xi32>,
      %mul3A_229 = arith.constant 16 : i32
      %mul3A_230 = arith.muli %scan3A_223, %mul3A_229 : i32
      %add3A_231 = arith.constant 0 : i32
      %add3A_232 = arith.addi %mul3A_230, %add3A_231 : i32
      %broadcast_in_dim3A = vector.broadcast %add3A_232 : i32 to vector<16xi32>
      %slice3A_233 = vector.extract_strided_slice %get3A_228 {offsets = [0], sizes = [1], strides = [1]} : vector<16xi32> to vector<1xi32>
      %squeeze3A_234 = vector.extract %slice3A_233[0] : i32 from vector<1xi32>
      %dma_wait3A = arith.constant 0 : i32
      %dma_wait3A_235 = arith.constant 0 : i32
      %dma_wait3A_236 = arith.constant 0 : i32
      %dma_wait3A_237 = arith.constant 0 : i32
      %dma_wait3A_238 = tpu.memref_slice %arg6[%dma_wait3A, %dma_wait3A_236, %dma_wait3A_237] : memref<8x64x128xf32, #tpu.memory_space<vmem>> -> memref<1x64x128xf32, #tpu.memory_space<vmem>>
      %dma_wait3A_239 = tpu.memref_squeeze %dma_wait3A_238 : memref<1x64x128xf32, #tpu.memory_space<vmem>> -> memref<64x128xf32, #tpu.memory_space<vmem>>
      %dma_wait3A_240 = arith.constant 0 : i32
      %dma_wait3A_241 = arith.constant 0 : i32
      %dma_wait3A_242 = tpu.memref_slice %arg3[%dma_wait3A_240, %dma_wait3A_241] : memref<64x1000000xf32, #tpu.memory_space<hbm>> -> memref<64x128xf32, #tpu.memory_space<hbm>>
      %dma_wait3A_243 = tpu.memref_slice %arg8[%dma_wait3A_235] : memref<8x!tpu.dma_semaphore, #tpu.memory_space<semaphore_mem>> -> memref<1x!tpu.dma_semaphore, #tpu.memory_space<semaphore_mem>>
      %dma_wait3A_244 = tpu.memref_squeeze %dma_wait3A_243 : memref<1x!tpu.dma_semaphore, #tpu.memory_space<semaphore_mem>> -> memref<!tpu.dma_semaphore, #tpu.memory_space<semaphore_mem>>
      %dma_wait3A_245 = arith.constant 0 : i32
      %dma_wait3A_246 = arith.constant 0 : i32
      %dma_wait3A_247 = tpu.memref_slice %arg6[%dma_wait3A, %dma_wait3A_245, %dma_wait3A_246] : memref<8x64x128xf32, #tpu.memory_space<vmem>> -> memref<1x64x128xf32, #tpu.memory_space<vmem>>
      %dma_wait3A_248 = tpu.memref_squeeze %dma_wait3A_247 : memref<1x64x128xf32, #tpu.memory_space<vmem>> -> memref<64x128xf32, #tpu.memory_space<vmem>>
      %dma_wait3A_249 = arith.constant 0 : i32
      %dma_wait3A_250 = arith.constant 0 : i32
      %dma_wait3A_251 = tpu.memref_slice %arg3[%dma_wait3A_249, %dma_wait3A_250] : memref<64x1000000xf32, #tpu.memory_space<hbm>> -> memref<64x128xf32, #tpu.memory_space<hbm>>
      tpu.wait_dma2 semaphore(%dma_wait3A_244 : memref<!tpu.dma_semaphore, #tpu.memory_space<semaphore_mem>>) src(%dma_wait3A_251 : memref<64x128xf32, #tpu.memory_space<hbm>>) dst(%dma_wait3A_248 : memref<64x128xf32, #tpu.memory_space<vmem>>)
      %and3A_252 = arith.constant 127 : i32
      %and3A_253 = arith.andi %squeeze3A_234, %and3A_252 : i32
      %broadcast_in_dim3A_254 = vector.broadcast %and3A_253 : i32 to vector<16xi32>
      %broadcast_in_dim3A_255 = arith.constant 0 : i32
      %broadcast_in_dim3A_256 = vector.broadcast %broadcast_in_dim3A_255 : i32 to vector<16xi32>
      %add3A_257 = arith.constant 0 : i32
      %add3A_258 = vector.broadcast %add3A_257 : i32 to vector<16xi32>
      %add3A_259 = arith.addi %iota3A, %add3A_258 : vector<16xi32>
      %gather3A = tpu.vector_load_idx %arg6[%broadcast_in_dim3A_256, %add3A_259, %broadcast_in_dim3A_254] : memref<8x64x128xf32, #tpu.memory_space<vmem>>[vector<16xi32>, vector<16xi32>, vector<16xi32>], vector<16xf32>,
      %add3A_260 = arith.constant 16 : i32
      %add3A_261 = vector.broadcast %add3A_260 : i32 to vector<16xi32>
      %add3A_262 = arith.addi %iota3A, %add3A_261 : vector<16xi32>
      %gather3A_263 = tpu.vector_load_idx %arg6[%broadcast_in_dim3A_256, %add3A_262, %broadcast_in_dim3A_254] : memref<8x64x128xf32, #tpu.memory_space<vmem>>[vector<16xi32>, vector<16xi32>, vector<16xi32>], vector<16xf32>,
      %add3A_264 = arith.constant 32 : i32
      %add3A_265 = vector.broadcast %add3A_264 : i32 to vector<16xi32>
      %add3A_266 = arith.addi %iota3A, %add3A_265 : vector<16xi32>
      %gather3A_267 = tpu.vector_load_idx %arg6[%broadcast_in_dim3A_256, %add3A_266, %broadcast_in_dim3A_254] : memref<8x64x128xf32, #tpu.memory_space<vmem>>[vector<16xi32>, vector<16xi32>, vector<16xi32>], vector<16xf32>,
      %add3A_268 = arith.constant 48 : i32
      %add3A_269 = vector.broadcast %add3A_268 : i32 to vector<16xi32>
      %add3A_270 = arith.addi %iota3A, %add3A_269 : vector<16xi32>
      %gather3A_271 = tpu.vector_load_idx %arg6[%broadcast_in_dim3A_256, %add3A_270, %broadcast_in_dim3A_254] : memref<8x64x128xf32, #tpu.memory_space<vmem>>[vector<16xi32>, vector<16xi32>, vector<16xi32>], vector<16xf32>,
      %slice3A_272 = vector.extract_strided_slice %get3A_228 {offsets = [8], sizes = [1], strides = [1]} : vector<16xi32> to vector<1xi32>
      %squeeze3A_273 = vector.extract %slice3A_272[0] : i32 from vector<1xi32>
      %shift_right_arithmetic3A_274 = arith.constant 7 : i32
      %shift_right_arithmetic3A_275 = arith.shrsi %squeeze3A_273, %shift_right_arithmetic3A_274 : i32
      %mul3A_276 = arith.constant 128 : i32
      %mul3A_277 = arith.muli %shift_right_arithmetic3A_275, %mul3A_276 : i32
      %multiple_of3A_278 = tpu.assume_multiple %mul3A_277, 128 : i32
      %dma_start3A_279 = arith.constant 0 : i32
      %dma_start3A_280 = arith.constant 0 : i32
      %dma_start3A_281 = arith.constant 0 : i32
      %dma_start3A_282 = arith.constant 0 : i32
      %dma_start3A_283 = tpu.memref_slice %arg6[%dma_start3A_279, %dma_start3A_281, %dma_start3A_282] : memref<8x64x128xf32, #tpu.memory_space<vmem>> -> memref<1x64x128xf32, #tpu.memory_space<vmem>>
      %dma_start3A_284 = tpu.memref_squeeze %dma_start3A_283 : memref<1x64x128xf32, #tpu.memory_space<vmem>> -> memref<64x128xf32, #tpu.memory_space<vmem>>
      %dma_start3A_285 = arith.constant 0 : i32
      %dma_start3A_286 = tpu.memref_slice %arg3[%dma_start3A_285, %multiple_of3A_278] : memref<64x1000000xf32, #tpu.memory_space<hbm>> -> memref<64x128xf32, #tpu.memory_space<hbm>>
      %dma_start3A_287 = tpu.memref_slice %arg8[%dma_start3A_280] : memref<8x!tpu.dma_semaphore, #tpu.memory_space<semaphore_mem>> -> memref<1x!tpu.dma_semaphore, #tpu.memory_space<semaphore_mem>>
      %dma_start3A_288 = tpu.memref_squeeze %dma_start3A_287 : memref<1x!tpu.dma_semaphore, #tpu.memory_space<semaphore_mem>> -> memref<!tpu.dma_semaphore, #tpu.memory_space<semaphore_mem>>
      %dma_start3A_289 = arith.constant 0 : i32
      %dma_start3A_290 = arith.constant 0 : i32
      %dma_start3A_291 = tpu.memref_slice %arg6[%dma_start3A_279, %dma_start3A_289, %dma_start3A_290] : memref<8x64x128xf32, #tpu.memory_space<vmem>> -> memref<1x64x128xf32, #tpu.memory_space<vmem>>
      %dma_start3A_292 = tpu.memref_squeeze %dma_start3A_291 : memref<1x64x128xf32, #tpu.memory_space<vmem>> -> memref<64x128xf32, #tpu.memory_space<vmem>>
      %dma_start3A_293 = arith.constant 0 : i32
      %dma_start3A_294 = tpu.memref_slice %arg3[%dma_start3A_293, %multiple_of3A_278] : memref<64x1000000xf32, #tpu.memory_space<hbm>> -> memref<64x128xf32, #tpu.memory_space<hbm>>
      tpu.enqueue_dma source(%dma_start3A_294 : memref<64x128xf32, #tpu.memory_space<hbm>>) target(%dma_start3A_292 : memref<64x128xf32, #tpu.memory_space<vmem>>) target_semaphore(%dma_start3A_288 : memref<!tpu.dma_semaphore, #tpu.memory_space<semaphore_mem>>)
      %mul3A_295 = arith.mulf %gather3A, %gather3A : vector<16xf32>
      %mul3A_296 = arith.mulf %gather3A_263, %gather3A_263 : vector<16xf32>
      %add3A_297 = arith.addf %mul3A_295, %mul3A_296 : vector<16xf32>
      %mul3A_298 = arith.mulf %gather3A_267, %gather3A_267 : vector<16xf32>
      %add3A_299 = arith.addf %add3A_297, %mul3A_298 : vector<16xf32>
      %mul3A_300 = arith.mulf %gather3A_271, %gather3A_271 : vector<16xf32>
      %add3A_301 = arith.addf %add3A_299, %mul3A_300 : vector<16xf32>
      %reduce_sum3A = arith.constant true
      %reduce_sum3A_302 = vector.broadcast %reduce_sum3A : i1 to vector<16xi1>
      %reduce_sum3A_303 = tpu.scan <sum>, %add3A_301 masked %reduce_sum3A_302 : vector<16xf32>, vector<16xi1> -> vector<16xf32>
      %reduce_sum3A_304 = vector.extract %reduce_sum3A_303[15] : f32 from vector<16xf32>
      %broadcast_in_dim3A_305 = vector.broadcast %reduce_sum3A_304 : f32 to vector<16xf32>
      %bitcast3A = vector.bitcast %broadcast_in_dim3A_305 : vector<16xf32> to vector<16xi32>
      %shift_right_arithmetic3A_306 = arith.constant 1 : i32
      %shift_right_arithmetic3A_307 = vector.broadcast %shift_right_arithmetic3A_306 : i32 to vector<16xi32>
      %shift_right_arithmetic3A_308 = arith.shrsi %bitcast3A, %shift_right_arithmetic3A_307 : vector<16xi32>
      %sub3A_309 = arith.constant 1597463007 : i32
      %sub3A_310 = vector.broadcast %sub3A_309 : i32 to vector<16xi32>
      %sub3A_311 = arith.subi %sub3A_310, %shift_right_arithmetic3A_308 : vector<16xi32>
      %bitcast3A_312 = vector.bitcast %sub3A_311 : vector<16xi32> to vector<16xf32>
      %mul3A_313 = arith.constant 5.000000e-01 : f32
      %mul3A_314 = vector.broadcast %mul3A_313 : f32 to vector<16xf32>
      %mul3A_315 = arith.mulf %mul3A_314, %broadcast_in_dim3A_305 : vector<16xf32>
      %mul3A_316 = arith.mulf %mul3A_315, %bitcast3A_312 : vector<16xf32>
      %mul3A_317 = arith.mulf %mul3A_316, %bitcast3A_312 : vector<16xf32>
      %sub3A_318 = arith.constant 1.500000e+00 : f32
      %sub3A_319 = vector.broadcast %sub3A_318 : f32 to vector<16xf32>
      %sub3A_320 = arith.subf %sub3A_319, %mul3A_317 : vector<16xf32>
      %mul3A_321 = arith.mulf %bitcast3A_312, %sub3A_320 : vector<16xf32>
      %mul3A_322 = arith.constant 5.000000e-01 : f32
      %mul3A_323 = vector.broadcast %mul3A_322 : f32 to vector<16xf32>
      %mul3A_324 = arith.mulf %mul3A_323, %broadcast_in_dim3A_305 : vector<16xf32>
      %mul3A_325 = arith.mulf %mul3A_324, %mul3A_321 : vector<16xf32>
      %mul3A_326 = arith.mulf %mul3A_325, %mul3A_321 : vector<16xf32>
      %sub3A_327 = arith.constant 1.500000e+00 : f32
      %sub3A_328 = vector.broadcast %sub3A_327 : f32 to vector<16xf32>
      %sub3A_329 = arith.subf %sub3A_328, %mul3A_326 : vector<16xf32>
      %mul3A_330 = arith.mulf %mul3A_321, %sub3A_329 : vector<16xf32>
      %mul3A_331 = arith.constant 5.000000e-01 : f32
      %mul3A_332 = vector.broadcast %mul3A_331 : f32 to vector<16xf32>
      %mul3A_333 = arith.mulf %mul3A_332, %broadcast_in_dim3A_305 : vector<16xf32>
      %mul3A_334 = arith.mulf %mul3A_333, %mul3A_330 : vector<16xf32>
      %mul3A_335 = arith.mulf %mul3A_334, %mul3A_330 : vector<16xf32>
      %sub3A_336 = arith.constant 1.500000e+00 : f32
      %sub3A_337 = vector.broadcast %sub3A_336 : f32 to vector<16xf32>
      %sub3A_338 = arith.subf %sub3A_337, %mul3A_335 : vector<16xf32>
      %mul3A_339 = arith.mulf %mul3A_330, %sub3A_338 : vector<16xf32>
      %min3A = arith.constant 1.000000e+00 : f32
      %min3A_340 = vector.broadcast %min3A : f32 to vector<16xf32>
      %min3A_341 = arith.minimumf %mul3A_339, %min3A_340 : vector<16xf32>
      %add3A_342 = arith.constant 0 : i32
      %add3A_343 = vector.broadcast %add3A_342 : i32 to vector<16xi32>
      %add3A_344 = arith.addi %iota3A, %add3A_343 : vector<16xi32>
      %mul3A_345 = arith.mulf %gather3A, %min3A_341 : vector<16xf32>
      tpu.vector_store_idx %arg7[%add3A_344, %broadcast_in_dim3A], %mul3A_345 : memref<64x512xf32, #tpu.memory_space<vmem>>[vector<16xi32>, vector<16xi32>], vector<16xf32>,
      %add3A_346 = arith.constant 16 : i32
      %add3A_347 = vector.broadcast %add3A_346 : i32 to vector<16xi32>
      %add3A_348 = arith.addi %iota3A, %add3A_347 : vector<16xi32>
      %mul3A_349 = arith.mulf %gather3A_263, %min3A_341 : vector<16xf32>
      tpu.vector_store_idx %arg7[%add3A_348, %broadcast_in_dim3A], %mul3A_349 : memref<64x512xf32, #tpu.memory_space<vmem>>[vector<16xi32>, vector<16xi32>], vector<16xf32>,
      %add3A_350 = arith.constant 32 : i32
      %add3A_351 = vector.broadcast %add3A_350 : i32 to vector<16xi32>
      %add3A_352 = arith.addi %iota3A, %add3A_351 : vector<16xi32>
      %mul3A_353 = arith.mulf %gather3A_267, %min3A_341 : vector<16xf32>
      tpu.vector_store_idx %arg7[%add3A_352, %broadcast_in_dim3A], %mul3A_353 : memref<64x512xf32, #tpu.memory_space<vmem>>[vector<16xi32>, vector<16xi32>], vector<16xf32>,
      %add3A_354 = arith.constant 48 : i32
      %add3A_355 = vector.broadcast %add3A_354 : i32 to vector<16xi32>
      %add3A_356 = arith.addi %iota3A, %add3A_355 : vector<16xi32>
      %mul3A_357 = arith.mulf %gather3A_271, %min3A_341 : vector<16xf32>
      tpu.vector_store_idx %arg7[%add3A_356, %broadcast_in_dim3A], %mul3A_357 : memref<64x512xf32, #tpu.memory_space<vmem>>[vector<16xi32>, vector<16xi32>], vector<16xf32>,
      %mul3A_358 = arith.constant 16 : i32
      %mul3A_359 = arith.muli %scan3A_223, %mul3A_358 : i32
      %add3A_360 = arith.constant 1 : i32
      %add3A_361 = arith.addi %mul3A_359, %add3A_360 : i32
      %broadcast_in_dim3A_362 = vector.broadcast %add3A_361 : i32 to vector<16xi32>
      %slice3A_363 = vector.extract_strided_slice %get3A_228 {offsets = [1], sizes = [1], strides = [1]} : vector<16xi32> to vector<1xi32>
      %squeeze3A_364 = vector.extract %slice3A_363[0] : i32 from vector<1xi32>
      %dma_wait3A_365 = arith.constant 1 : i32
      %dma_wait3A_366 = arith.constant 1 : i32
      %dma_wait3A_367 = arith.constant 0 : i32
      %dma_wait3A_368 = arith.constant 0 : i32
      %dma_wait3A_369 = tpu.memref_slice %arg6[%dma_wait3A_365, %dma_wait3A_367, %dma_wait3A_368] : memref<8x64x128xf32, #tpu.memory_space<vmem>> -> memref<1x64x128xf32, #tpu.memory_space<vmem>>
      %dma_wait3A_370 = tpu.memref_squeeze %dma_wait3A_369 : memref<1x64x128xf32, #tpu.memory_space<vmem>> -> memref<64x128xf32, #tpu.memory_space<vmem>>
      %dma_wait3A_371 = arith.constant 0 : i32
      %dma_wait3A_372 = arith.constant 0 : i32
      %dma_wait3A_373 = tpu.memref_slice %arg3[%dma_wait3A_371, %dma_wait3A_372] : memref<64x1000000xf32, #tpu.memory_space<hbm>> -> memref<64x128xf32, #tpu.memory_space<hbm>>
      %dma_wait3A_374 = tpu.memref_slice %arg8[%dma_wait3A_366] : memref<8x!tpu.dma_semaphore, #tpu.memory_space<semaphore_mem>> -> memref<1x!tpu.dma_semaphore, #tpu.memory_space<semaphore_mem>>
      %dma_wait3A_375 = tpu.memref_squeeze %dma_wait3A_374 : memref<1x!tpu.dma_semaphore, #tpu.memory_space<semaphore_mem>> -> memref<!tpu.dma_semaphore, #tpu.memory_space<semaphore_mem>>
      %dma_wait3A_376 = arith.constant 0 : i32
      %dma_wait3A_377 = arith.constant 0 : i32
      %dma_wait3A_378 = tpu.memref_slice %arg6[%dma_wait3A_365, %dma_wait3A_376, %dma_wait3A_377] : memref<8x64x128xf32, #tpu.memory_space<vmem>> -> memref<1x64x128xf32, #tpu.memory_space<vmem>>
      %dma_wait3A_379 = tpu.memref_squeeze %dma_wait3A_378 : memref<1x64x128xf32, #tpu.memory_space<vmem>> -> memref<64x128xf32, #tpu.memory_space<vmem>>
      %dma_wait3A_380 = arith.constant 0 : i32
      %dma_wait3A_381 = arith.constant 0 : i32
      %dma_wait3A_382 = tpu.memref_slice %arg3[%dma_wait3A_380, %dma_wait3A_381] : memref<64x1000000xf32, #tpu.memory_space<hbm>> -> memref<64x128xf32, #tpu.memory_space<hbm>>
      tpu.wait_dma2 semaphore(%dma_wait3A_375 : memref<!tpu.dma_semaphore, #tpu.memory_space<semaphore_mem>>) src(%dma_wait3A_382 : memref<64x128xf32, #tpu.memory_space<hbm>>) dst(%dma_wait3A_379 : memref<64x128xf32, #tpu.memory_space<vmem>>)
      %and3A_383 = arith.constant 127 : i32
      %and3A_384 = arith.andi %squeeze3A_364, %and3A_383 : i32
      %broadcast_in_dim3A_385 = vector.broadcast %and3A_384 : i32 to vector<16xi32>
      %broadcast_in_dim3A_386 = arith.constant 1 : i32
      %broadcast_in_dim3A_387 = vector.broadcast %broadcast_in_dim3A_386 : i32 to vector<16xi32>
      %add3A_388 = arith.constant 0 : i32
      %add3A_389 = vector.broadcast %add3A_388 : i32 to vector<16xi32>
      %add3A_390 = arith.addi %iota3A, %add3A_389 : vector<16xi32>
      %gather3A_391 = tpu.vector_load_idx %arg6[%broadcast_in_dim3A_387, %add3A_390, %broadcast_in_dim3A_385] : memref<8x64x128xf32, #tpu.memory_space<vmem>>[vector<16xi32>, vector<16xi32>, vector<16xi32>], vector<16xf32>,
      %add3A_392 = arith.constant 16 : i32
      %add3A_393 = vector.broadcast %add3A_392 : i32 to vector<16xi32>
      %add3A_394 = arith.addi %iota3A, %add3A_393 : vector<16xi32>
      %gather3A_395 = tpu.vector_load_idx %arg6[%broadcast_in_dim3A_387, %add3A_394, %broadcast_in_dim3A_385] : memref<8x64x128xf32, #tpu.memory_space<vmem>>[vector<16xi32>, vector<16xi32>, vector<16xi32>], vector<16xf32>,
      %add3A_396 = arith.constant 32 : i32
      %add3A_397 = vector.broadcast %add3A_396 : i32 to vector<16xi32>
      %add3A_398 = arith.addi %iota3A, %add3A_397 : vector<16xi32>
      %gather3A_399 = tpu.vector_load_idx %arg6[%broadcast_in_dim3A_387, %add3A_398, %broadcast_in_dim3A_385] : memref<8x64x128xf32, #tpu.memory_space<vmem>>[vector<16xi32>, vector<16xi32>, vector<16xi32>], vector<16xf32>,
      %add3A_400 = arith.constant 48 : i32
      %add3A_401 = vector.broadcast %add3A_400 : i32 to vector<16xi32>
      %add3A_402 = arith.addi %iota3A, %add3A_401 : vector<16xi32>
      %gather3A_403 = tpu.vector_load_idx %arg6[%broadcast_in_dim3A_387, %add3A_402, %broadcast_in_dim3A_385] : memref<8x64x128xf32, #tpu.memory_space<vmem>>[vector<16xi32>, vector<16xi32>, vector<16xi32>], vector<16xf32>,
      %slice3A_404 = vector.extract_strided_slice %get3A_228 {offsets = [9], sizes = [1], strides = [1]} : vector<16xi32> to vector<1xi32>
      %squeeze3A_405 = vector.extract %slice3A_404[0] : i32 from vector<1xi32>
      %shift_right_arithmetic3A_406 = arith.constant 7 : i32
      %shift_right_arithmetic3A_407 = arith.shrsi %squeeze3A_405, %shift_right_arithmetic3A_406 : i32
      %mul3A_408 = arith.constant 128 : i32
      %mul3A_409 = arith.muli %shift_right_arithmetic3A_407, %mul3A_408 : i32
      %multiple_of3A_410 = tpu.assume_multiple %mul3A_409, 128 : i32
      %dma_start3A_411 = arith.constant 1 : i32
      %dma_start3A_412 = arith.constant 1 : i32
      %dma_start3A_413 = arith.constant 0 : i32
      %dma_start3A_414 = arith.constant 0 : i32
      %dma_start3A_415 = tpu.memref_slice %arg6[%dma_start3A_411, %dma_start3A_413, %dma_start3A_414] : memref<8x64x128xf32, #tpu.memory_space<vmem>> -> memref<1x64x128xf32, #tpu.memory_space<vmem>>
      %dma_start3A_416 = tpu.memref_squeeze %dma_start3A_415 : memref<1x64x128xf32, #tpu.memory_space<vmem>> -> memref<64x128xf32, #tpu.memory_space<vmem>>
      %dma_start3A_417 = arith.constant 0 : i32
      %dma_start3A_418 = tpu.memref_slice %arg3[%dma_start3A_417, %multiple_of3A_410] : memref<64x1000000xf32, #tpu.memory_space<hbm>> -> memref<64x128xf32, #tpu.memory_space<hbm>>
      %dma_start3A_419 = tpu.memref_slice %arg8[%dma_start3A_412] : memref<8x!tpu.dma_semaphore, #tpu.memory_space<semaphore_mem>> -> memref<1x!tpu.dma_semaphore, #tpu.memory_space<semaphore_mem>>
      %dma_start3A_420 = tpu.memref_squeeze %dma_start3A_419 : memref<1x!tpu.dma_semaphore, #tpu.memory_space<semaphore_mem>> -> memref<!tpu.dma_semaphore, #tpu.memory_space<semaphore_mem>>
      %dma_start3A_421 = arith.constant 0 : i32
      %dma_start3A_422 = arith.constant 0 : i32
      %dma_start3A_423 = tpu.memref_slice %arg6[%dma_start3A_411, %dma_start3A_421, %dma_start3A_422] : memref<8x64x128xf32, #tpu.memory_space<vmem>> -> memref<1x64x128xf32, #tpu.memory_space<vmem>>
      %dma_start3A_424 = tpu.memref_squeeze %dma_start3A_423 : memref<1x64x128xf32, #tpu.memory_space<vmem>> -> memref<64x128xf32, #tpu.memory_space<vmem>>
      %dma_start3A_425 = arith.constant 0 : i32
      %dma_start3A_426 = tpu.memref_slice %arg3[%dma_start3A_425, %multiple_of3A_410] : memref<64x1000000xf32, #tpu.memory_space<hbm>> -> memref<64x128xf32, #tpu.memory_space<hbm>>
      tpu.enqueue_dma source(%dma_start3A_426 : memref<64x128xf32, #tpu.memory_space<hbm>>) target(%dma_start3A_424 : memref<64x128xf32, #tpu.memory_space<vmem>>) target_semaphore(%dma_start3A_420 : memref<!tpu.dma_semaphore, #tpu.memory_space<semaphore_mem>>)
      %mul3A_427 = arith.mulf %gather3A_391, %gather3A_391 : vector<16xf32>
      %mul3A_428 = arith.mulf %gather3A_395, %gather3A_395 : vector<16xf32>
      %add3A_429 = arith.addf %mul3A_427, %mul3A_428 : vector<16xf32>
      %mul3A_430 = arith.mulf %gather3A_399, %gather3A_399 : vector<16xf32>
      %add3A_431 = arith.addf %add3A_429, %mul3A_430 : vector<16xf32>
      %mul3A_432 = arith.mulf %gather3A_403, %gather3A_403 : vector<16xf32>
      %add3A_433 = arith.addf %add3A_431, %mul3A_432 : vector<16xf32>
      %reduce_sum3A_434 = arith.constant true
      %reduce_sum3A_435 = vector.broadcast %reduce_sum3A_434 : i1 to vector<16xi1>
      %reduce_sum3A_436 = tpu.scan <sum>, %add3A_433 masked %reduce_sum3A_435 : vector<16xf32>, vector<16xi1> -> vector<16xf32>
      %reduce_sum3A_437 = vector.extract %reduce_sum3A_436[15] : f32 from vector<16xf32>
      %broadcast_in_dim3A_438 = vector.broadcast %reduce_sum3A_437 : f32 to vector<16xf32>
      %bitcast3A_439 = vector.bitcast %broadcast_in_dim3A_438 : vector<16xf32> to vector<16xi32>
      %shift_right_arithmetic3A_440 = arith.constant 1 : i32
      %shift_right_arithmetic3A_441 = vector.broadcast %shift_right_arithmetic3A_440 : i32 to vector<16xi32>
      %shift_right_arithmetic3A_442 = arith.shrsi %bitcast3A_439, %shift_right_arithmetic3A_441 : vector<16xi32>
      %sub3A_443 = arith.constant 1597463007 : i32
      %sub3A_444 = vector.broadcast %sub3A_443 : i32 to vector<16xi32>
      %sub3A_445 = arith.subi %sub3A_444, %shift_right_arithmetic3A_442 : vector<16xi32>
      %bitcast3A_446 = vector.bitcast %sub3A_445 : vector<16xi32> to vector<16xf32>
      %mul3A_447 = arith.constant 5.000000e-01 : f32
      %mul3A_448 = vector.broadcast %mul3A_447 : f32 to vector<16xf32>
      %mul3A_449 = arith.mulf %mul3A_448, %broadcast_in_dim3A_438 : vector<16xf32>
      %mul3A_450 = arith.mulf %mul3A_449, %bitcast3A_446 : vector<16xf32>
      %mul3A_451 = arith.mulf %mul3A_450, %bitcast3A_446 : vector<16xf32>
      %sub3A_452 = arith.constant 1.500000e+00 : f32
      %sub3A_453 = vector.broadcast %sub3A_452 : f32 to vector<16xf32>
      %sub3A_454 = arith.subf %sub3A_453, %mul3A_451 : vector<16xf32>
      %mul3A_455 = arith.mulf %bitcast3A_446, %sub3A_454 : vector<16xf32>
      %mul3A_456 = arith.constant 5.000000e-01 : f32
      %mul3A_457 = vector.broadcast %mul3A_456 : f32 to vector<16xf32>
      %mul3A_458 = arith.mulf %mul3A_457, %broadcast_in_dim3A_438 : vector<16xf32>
      %mul3A_459 = arith.mulf %mul3A_458, %mul3A_455 : vector<16xf32>
      %mul3A_460 = arith.mulf %mul3A_459, %mul3A_455 : vector<16xf32>
      %sub3A_461 = arith.constant 1.500000e+00 : f32
      %sub3A_462 = vector.broadcast %sub3A_461 : f32 to vector<16xf32>
      %sub3A_463 = arith.subf %sub3A_462, %mul3A_460 : vector<16xf32>
      %mul3A_464 = arith.mulf %mul3A_455, %sub3A_463 : vector<16xf32>
      %mul3A_465 = arith.constant 5.000000e-01 : f32
      %mul3A_466 = vector.broadcast %mul3A_465 : f32 to vector<16xf32>
      %mul3A_467 = arith.mulf %mul3A_466, %broadcast_in_dim3A_438 : vector<16xf32>
      %mul3A_468 = arith.mulf %mul3A_467, %mul3A_464 : vector<16xf32>
      %mul3A_469 = arith.mulf %mul3A_468, %mul3A_464 : vector<16xf32>
      %sub3A_470 = arith.constant 1.500000e+00 : f32
      %sub3A_471 = vector.broadcast %sub3A_470 : f32 to vector<16xf32>
      %sub3A_472 = arith.subf %sub3A_471, %mul3A_469 : vector<16xf32>
      %mul3A_473 = arith.mulf %mul3A_464, %sub3A_472 : vector<16xf32>
      %min3A_474 = arith.constant 1.000000e+00 : f32
      %min3A_475 = vector.broadcast %min3A_474 : f32 to vector<16xf32>
      %min3A_476 = arith.minimumf %mul3A_473, %min3A_475 : vector<16xf32>
      %add3A_477 = arith.constant 0 : i32
      %add3A_478 = vector.broadcast %add3A_477 : i32 to vector<16xi32>
      %add3A_479 = arith.addi %iota3A, %add3A_478 : vector<16xi32>
      %mul3A_480 = arith.mulf %gather3A_391, %min3A_476 : vector<16xf32>
      tpu.vector_store_idx %arg7[%add3A_479, %broadcast_in_dim3A_362], %mul3A_480 : memref<64x512xf32, #tpu.memory_space<vmem>>[vector<16xi32>, vector<16xi32>], vector<16xf32>,
      %add3A_481 = arith.constant 16 : i32
      %add3A_482 = vector.broadcast %add3A_481 : i32 to vector<16xi32>
      %add3A_483 = arith.addi %iota3A, %add3A_482 : vector<16xi32>
      %mul3A_484 = arith.mulf %gather3A_395, %min3A_476 : vector<16xf32>
      tpu.vector_store_idx %arg7[%add3A_483, %broadcast_in_dim3A_362], %mul3A_484 : memref<64x512xf32, #tpu.memory_space<vmem>>[vector<16xi32>, vector<16xi32>], vector<16xf32>,
      %add3A_485 = arith.constant 32 : i32
      %add3A_486 = vector.broadcast %add3A_485 : i32 to vector<16xi32>
      %add3A_487 = arith.addi %iota3A, %add3A_486 : vector<16xi32>
      %mul3A_488 = arith.mulf %gather3A_399, %min3A_476 : vector<16xf32>
      tpu.vector_store_idx %arg7[%add3A_487, %broadcast_in_dim3A_362], %mul3A_488 : memref<64x512xf32, #tpu.memory_space<vmem>>[vector<16xi32>, vector<16xi32>], vector<16xf32>,
      %add3A_489 = arith.constant 48 : i32
      %add3A_490 = vector.broadcast %add3A_489 : i32 to vector<16xi32>
      %add3A_491 = arith.addi %iota3A, %add3A_490 : vector<16xi32>
      %mul3A_492 = arith.mulf %gather3A_403, %min3A_476 : vector<16xf32>
      tpu.vector_store_idx %arg7[%add3A_491, %broadcast_in_dim3A_362], %mul3A_492 : memref<64x512xf32, #tpu.memory_space<vmem>>[vector<16xi32>, vector<16xi32>], vector<16xf32>,
      %mul3A_493 = arith.constant 16 : i32
      %mul3A_494 = arith.muli %scan3A_223, %mul3A_493 : i32
      %add3A_495 = arith.constant 2 : i32
      %add3A_496 = arith.addi %mul3A_494, %add3A_495 : i32
      %broadcast_in_dim3A_497 = vector.broadcast %add3A_496 : i32 to vector<16xi32>
      %slice3A_498 = vector.extract_strided_slice %get3A_228 {offsets = [2], sizes = [1], strides = [1]} : vector<16xi32> to vector<1xi32>
      %squeeze3A_499 = vector.extract %slice3A_498[0] : i32 from vector<1xi32>
      %dma_wait3A_500 = arith.constant 2 : i32
      %dma_wait3A_501 = arith.constant 2 : i32
      %dma_wait3A_502 = arith.constant 0 : i32
      %dma_wait3A_503 = arith.constant 0 : i32
      %dma_wait3A_504 = tpu.memref_slice %arg6[%dma_wait3A_500, %dma_wait3A_502, %dma_wait3A_503] : memref<8x64x128xf32, #tpu.memory_space<vmem>> -> memref<1x64x128xf32, #tpu.memory_space<vmem>>
      %dma_wait3A_505 = tpu.memref_squeeze %dma_wait3A_504 : memref<1x64x128xf32, #tpu.memory_space<vmem>> -> memref<64x128xf32, #tpu.memory_space<vmem>>
      %dma_wait3A_506 = arith.constant 0 : i32
      %dma_wait3A_507 = arith.constant 0 : i32
      %dma_wait3A_508 = tpu.memref_slice %arg3[%dma_wait3A_506, %dma_wait3A_507] : memref<64x1000000xf32, #tpu.memory_space<hbm>> -> memref<64x128xf32, #tpu.memory_space<hbm>>
      %dma_wait3A_509 = tpu.memref_slice %arg8[%dma_wait3A_501] : memref<8x!tpu.dma_semaphore, #tpu.memory_space<semaphore_mem>> -> memref<1x!tpu.dma_semaphore, #tpu.memory_space<semaphore_mem>>
      %dma_wait3A_510 = tpu.memref_squeeze %dma_wait3A_509 : memref<1x!tpu.dma_semaphore, #tpu.memory_space<semaphore_mem>> -> memref<!tpu.dma_semaphore, #tpu.memory_space<semaphore_mem>>
      %dma_wait3A_511 = arith.constant 0 : i32
      %dma_wait3A_512 = arith.constant 0 : i32
      %dma_wait3A_513 = tpu.memref_slice %arg6[%dma_wait3A_500, %dma_wait3A_511, %dma_wait3A_512] : memref<8x64x128xf32, #tpu.memory_space<vmem>> -> memref<1x64x128xf32, #tpu.memory_space<vmem>>
      %dma_wait3A_514 = tpu.memref_squeeze %dma_wait3A_513 : memref<1x64x128xf32, #tpu.memory_space<vmem>> -> memref<64x128xf32, #tpu.memory_space<vmem>>
      %dma_wait3A_515 = arith.constant 0 : i32
      %dma_wait3A_516 = arith.constant 0 : i32
      %dma_wait3A_517 = tpu.memref_slice %arg3[%dma_wait3A_515, %dma_wait3A_516] : memref<64x1000000xf32, #tpu.memory_space<hbm>> -> memref<64x128xf32, #tpu.memory_space<hbm>>
      tpu.wait_dma2 semaphore(%dma_wait3A_510 : memref<!tpu.dma_semaphore, #tpu.memory_space<semaphore_mem>>) src(%dma_wait3A_517 : memref<64x128xf32, #tpu.memory_space<hbm>>) dst(%dma_wait3A_514 : memref<64x128xf32, #tpu.memory_space<vmem>>)
      %and3A_518 = arith.constant 127 : i32
      %and3A_519 = arith.andi %squeeze3A_499, %and3A_518 : i32
      %broadcast_in_dim3A_520 = vector.broadcast %and3A_519 : i32 to vector<16xi32>
      %broadcast_in_dim3A_521 = arith.constant 2 : i32
      %broadcast_in_dim3A_522 = vector.broadcast %broadcast_in_dim3A_521 : i32 to vector<16xi32>
      %add3A_523 = arith.constant 0 : i32
      %add3A_524 = vector.broadcast %add3A_523 : i32 to vector<16xi32>
      %add3A_525 = arith.addi %iota3A, %add3A_524 : vector<16xi32>
      %gather3A_526 = tpu.vector_load_idx %arg6[%broadcast_in_dim3A_522, %add3A_525, %broadcast_in_dim3A_520] : memref<8x64x128xf32, #tpu.memory_space<vmem>>[vector<16xi32>, vector<16xi32>, vector<16xi32>], vector<16xf32>,
      %add3A_527 = arith.constant 16 : i32
      %add3A_528 = vector.broadcast %add3A_527 : i32 to vector<16xi32>
      %add3A_529 = arith.addi %iota3A, %add3A_528 : vector<16xi32>
      %gather3A_530 = tpu.vector_load_idx %arg6[%broadcast_in_dim3A_522, %add3A_529, %broadcast_in_dim3A_520] : memref<8x64x128xf32, #tpu.memory_space<vmem>>[vector<16xi32>, vector<16xi32>, vector<16xi32>], vector<16xf32>,
      %add3A_531 = arith.constant 32 : i32
      %add3A_532 = vector.broadcast %add3A_531 : i32 to vector<16xi32>
      %add3A_533 = arith.addi %iota3A, %add3A_532 : vector<16xi32>
      %gather3A_534 = tpu.vector_load_idx %arg6[%broadcast_in_dim3A_522, %add3A_533, %broadcast_in_dim3A_520] : memref<8x64x128xf32, #tpu.memory_space<vmem>>[vector<16xi32>, vector<16xi32>, vector<16xi32>], vector<16xf32>,
      %add3A_535 = arith.constant 48 : i32
      %add3A_536 = vector.broadcast %add3A_535 : i32 to vector<16xi32>
      %add3A_537 = arith.addi %iota3A, %add3A_536 : vector<16xi32>
      %gather3A_538 = tpu.vector_load_idx %arg6[%broadcast_in_dim3A_522, %add3A_537, %broadcast_in_dim3A_520] : memref<8x64x128xf32, #tpu.memory_space<vmem>>[vector<16xi32>, vector<16xi32>, vector<16xi32>], vector<16xf32>,
      %slice3A_539 = vector.extract_strided_slice %get3A_228 {offsets = [10], sizes = [1], strides = [1]} : vector<16xi32> to vector<1xi32>
      %squeeze3A_540 = vector.extract %slice3A_539[0] : i32 from vector<1xi32>
      %shift_right_arithmetic3A_541 = arith.constant 7 : i32
      %shift_right_arithmetic3A_542 = arith.shrsi %squeeze3A_540, %shift_right_arithmetic3A_541 : i32
      %mul3A_543 = arith.constant 128 : i32
      %mul3A_544 = arith.muli %shift_right_arithmetic3A_542, %mul3A_543 : i32
      %multiple_of3A_545 = tpu.assume_multiple %mul3A_544, 128 : i32
      %dma_start3A_546 = arith.constant 2 : i32
      %dma_start3A_547 = arith.constant 2 : i32
      %dma_start3A_548 = arith.constant 0 : i32
      %dma_start3A_549 = arith.constant 0 : i32
      %dma_start3A_550 = tpu.memref_slice %arg6[%dma_start3A_546, %dma_start3A_548, %dma_start3A_549] : memref<8x64x128xf32, #tpu.memory_space<vmem>> -> memref<1x64x128xf32, #tpu.memory_space<vmem>>
      %dma_start3A_551 = tpu.memref_squeeze %dma_start3A_550 : memref<1x64x128xf32, #tpu.memory_space<vmem>> -> memref<64x128xf32, #tpu.memory_space<vmem>>
      %dma_start3A_552 = arith.constant 0 : i32
      %dma_start3A_553 = tpu.memref_slice %arg3[%dma_start3A_552, %multiple_of3A_545] : memref<64x1000000xf32, #tpu.memory_space<hbm>> -> memref<64x128xf32, #tpu.memory_space<hbm>>
      %dma_start3A_554 = tpu.memref_slice %arg8[%dma_start3A_547] : memref<8x!tpu.dma_semaphore, #tpu.memory_space<semaphore_mem>> -> memref<1x!tpu.dma_semaphore, #tpu.memory_space<semaphore_mem>>
      %dma_start3A_555 = tpu.memref_squeeze %dma_start3A_554 : memref<1x!tpu.dma_semaphore, #tpu.memory_space<semaphore_mem>> -> memref<!tpu.dma_semaphore, #tpu.memory_space<semaphore_mem>>
      %dma_start3A_556 = arith.constant 0 : i32
      %dma_start3A_557 = arith.constant 0 : i32
      %dma_start3A_558 = tpu.memref_slice %arg6[%dma_start3A_546, %dma_start3A_556, %dma_start3A_557] : memref<8x64x128xf32, #tpu.memory_space<vmem>> -> memref<1x64x128xf32, #tpu.memory_space<vmem>>
      %dma_start3A_559 = tpu.memref_squeeze %dma_start3A_558 : memref<1x64x128xf32, #tpu.memory_space<vmem>> -> memref<64x128xf32, #tpu.memory_space<vmem>>
      %dma_start3A_560 = arith.constant 0 : i32
      %dma_start3A_561 = tpu.memref_slice %arg3[%dma_start3A_560, %multiple_of3A_545] : memref<64x1000000xf32, #tpu.memory_space<hbm>> -> memref<64x128xf32, #tpu.memory_space<hbm>>
      tpu.enqueue_dma source(%dma_start3A_561 : memref<64x128xf32, #tpu.memory_space<hbm>>) target(%dma_start3A_559 : memref<64x128xf32, #tpu.memory_space<vmem>>) target_semaphore(%dma_start3A_555 : memref<!tpu.dma_semaphore, #tpu.memory_space<semaphore_mem>>)
      %mul3A_562 = arith.mulf %gather3A_526, %gather3A_526 : vector<16xf32>
      %mul3A_563 = arith.mulf %gather3A_530, %gather3A_530 : vector<16xf32>
      %add3A_564 = arith.addf %mul3A_562, %mul3A_563 : vector<16xf32>
      %mul3A_565 = arith.mulf %gather3A_534, %gather3A_534 : vector<16xf32>
      %add3A_566 = arith.addf %add3A_564, %mul3A_565 : vector<16xf32>
      %mul3A_567 = arith.mulf %gather3A_538, %gather3A_538 : vector<16xf32>
      %add3A_568 = arith.addf %add3A_566, %mul3A_567 : vector<16xf32>
      %reduce_sum3A_569 = arith.constant true
      %reduce_sum3A_570 = vector.broadcast %reduce_sum3A_569 : i1 to vector<16xi1>
      %reduce_sum3A_571 = tpu.scan <sum>, %add3A_568 masked %reduce_sum3A_570 : vector<16xf32>, vector<16xi1> -> vector<16xf32>
      %reduce_sum3A_572 = vector.extract %reduce_sum3A_571[15] : f32 from vector<16xf32>
      %broadcast_in_dim3A_573 = vector.broadcast %reduce_sum3A_572 : f32 to vector<16xf32>
      %bitcast3A_574 = vector.bitcast %broadcast_in_dim3A_573 : vector<16xf32> to vector<16xi32>
      %shift_right_arithmetic3A_575 = arith.constant 1 : i32
      %shift_right_arithmetic3A_576 = vector.broadcast %shift_right_arithmetic3A_575 : i32 to vector<16xi32>
      %shift_right_arithmetic3A_577 = arith.shrsi %bitcast3A_574, %shift_right_arithmetic3A_576 : vector<16xi32>
      %sub3A_578 = arith.constant 1597463007 : i32
      %sub3A_579 = vector.broadcast %sub3A_578 : i32 to vector<16xi32>
      %sub3A_580 = arith.subi %sub3A_579, %shift_right_arithmetic3A_577 : vector<16xi32>
      %bitcast3A_581 = vector.bitcast %sub3A_580 : vector<16xi32> to vector<16xf32>
      %mul3A_582 = arith.constant 5.000000e-01 : f32
      %mul3A_583 = vector.broadcast %mul3A_582 : f32 to vector<16xf32>
      %mul3A_584 = arith.mulf %mul3A_583, %broadcast_in_dim3A_573 : vector<16xf32>
      %mul3A_585 = arith.mulf %mul3A_584, %bitcast3A_581 : vector<16xf32>
      %mul3A_586 = arith.mulf %mul3A_585, %bitcast3A_581 : vector<16xf32>
      %sub3A_587 = arith.constant 1.500000e+00 : f32
      %sub3A_588 = vector.broadcast %sub3A_587 : f32 to vector<16xf32>
      %sub3A_589 = arith.subf %sub3A_588, %mul3A_586 : vector<16xf32>
      %mul3A_590 = arith.mulf %bitcast3A_581, %sub3A_589 : vector<16xf32>
      %mul3A_591 = arith.constant 5.000000e-01 : f32
      %mul3A_592 = vector.broadcast %mul3A_591 : f32 to vector<16xf32>
      %mul3A_593 = arith.mulf %mul3A_592, %broadcast_in_dim3A_573 : vector<16xf32>
      %mul3A_594 = arith.mulf %mul3A_593, %mul3A_590 : vector<16xf32>
      %mul3A_595 = arith.mulf %mul3A_594, %mul3A_590 : vector<16xf32>
      %sub3A_596 = arith.constant 1.500000e+00 : f32
      %sub3A_597 = vector.broadcast %sub3A_596 : f32 to vector<16xf32>
      %sub3A_598 = arith.subf %sub3A_597, %mul3A_595 : vector<16xf32>
      %mul3A_599 = arith.mulf %mul3A_590, %sub3A_598 : vector<16xf32>
      %mul3A_600 = arith.constant 5.000000e-01 : f32
      %mul3A_601 = vector.broadcast %mul3A_600 : f32 to vector<16xf32>
      %mul3A_602 = arith.mulf %mul3A_601, %broadcast_in_dim3A_573 : vector<16xf32>
      %mul3A_603 = arith.mulf %mul3A_602, %mul3A_599 : vector<16xf32>
      %mul3A_604 = arith.mulf %mul3A_603, %mul3A_599 : vector<16xf32>
      %sub3A_605 = arith.constant 1.500000e+00 : f32
      %sub3A_606 = vector.broadcast %sub3A_605 : f32 to vector<16xf32>
      %sub3A_607 = arith.subf %sub3A_606, %mul3A_604 : vector<16xf32>
      %mul3A_608 = arith.mulf %mul3A_599, %sub3A_607 : vector<16xf32>
      %min3A_609 = arith.constant 1.000000e+00 : f32
      %min3A_610 = vector.broadcast %min3A_609 : f32 to vector<16xf32>
      %min3A_611 = arith.minimumf %mul3A_608, %min3A_610 : vector<16xf32>
      %add3A_612 = arith.constant 0 : i32
      %add3A_613 = vector.broadcast %add3A_612 : i32 to vector<16xi32>
      %add3A_614 = arith.addi %iota3A, %add3A_613 : vector<16xi32>
      %mul3A_615 = arith.mulf %gather3A_526, %min3A_611 : vector<16xf32>
      tpu.vector_store_idx %arg7[%add3A_614, %broadcast_in_dim3A_497], %mul3A_615 : memref<64x512xf32, #tpu.memory_space<vmem>>[vector<16xi32>, vector<16xi32>], vector<16xf32>,
      %add3A_616 = arith.constant 16 : i32
      %add3A_617 = vector.broadcast %add3A_616 : i32 to vector<16xi32>
      %add3A_618 = arith.addi %iota3A, %add3A_617 : vector<16xi32>
      %mul3A_619 = arith.mulf %gather3A_530, %min3A_611 : vector<16xf32>
      tpu.vector_store_idx %arg7[%add3A_618, %broadcast_in_dim3A_497], %mul3A_619 : memref<64x512xf32, #tpu.memory_space<vmem>>[vector<16xi32>, vector<16xi32>], vector<16xf32>,
      %add3A_620 = arith.constant 32 : i32
      %add3A_621 = vector.broadcast %add3A_620 : i32 to vector<16xi32>
      %add3A_622 = arith.addi %iota3A, %add3A_621 : vector<16xi32>
      %mul3A_623 = arith.mulf %gather3A_534, %min3A_611 : vector<16xf32>
      tpu.vector_store_idx %arg7[%add3A_622, %broadcast_in_dim3A_497], %mul3A_623 : memref<64x512xf32, #tpu.memory_space<vmem>>[vector<16xi32>, vector<16xi32>], vector<16xf32>,
      %add3A_624 = arith.constant 48 : i32
      %add3A_625 = vector.broadcast %add3A_624 : i32 to vector<16xi32>
      %add3A_626 = arith.addi %iota3A, %add3A_625 : vector<16xi32>
      %mul3A_627 = arith.mulf %gather3A_538, %min3A_611 : vector<16xf32>
      tpu.vector_store_idx %arg7[%add3A_626, %broadcast_in_dim3A_497], %mul3A_627 : memref<64x512xf32, #tpu.memory_space<vmem>>[vector<16xi32>, vector<16xi32>], vector<16xf32>,
      %mul3A_628 = arith.constant 16 : i32
      %mul3A_629 = arith.muli %scan3A_223, %mul3A_628 : i32
      %add3A_630 = arith.constant 3 : i32
      %add3A_631 = arith.addi %mul3A_629, %add3A_630 : i32
      %broadcast_in_dim3A_632 = vector.broadcast %add3A_631 : i32 to vector<16xi32>
      %slice3A_633 = vector.extract_strided_slice %get3A_228 {offsets = [3], sizes = [1], strides = [1]} : vector<16xi32> to vector<1xi32>
      %squeeze3A_634 = vector.extract %slice3A_633[0] : i32 from vector<1xi32>
      %dma_wait3A_635 = arith.constant 3 : i32
      %dma_wait3A_636 = arith.constant 3 : i32
      %dma_wait3A_637 = arith.constant 0 : i32
      %dma_wait3A_638 = arith.constant 0 : i32
      %dma_wait3A_639 = tpu.memref_slice %arg6[%dma_wait3A_635, %dma_wait3A_637, %dma_wait3A_638] : memref<8x64x128xf32, #tpu.memory_space<vmem>> -> memref<1x64x128xf32, #tpu.memory_space<vmem>>
      %dma_wait3A_640 = tpu.memref_squeeze %dma_wait3A_639 : memref<1x64x128xf32, #tpu.memory_space<vmem>> -> memref<64x128xf32, #tpu.memory_space<vmem>>
      %dma_wait3A_641 = arith.constant 0 : i32
      %dma_wait3A_642 = arith.constant 0 : i32
      %dma_wait3A_643 = tpu.memref_slice %arg3[%dma_wait3A_641, %dma_wait3A_642] : memref<64x1000000xf32, #tpu.memory_space<hbm>> -> memref<64x128xf32, #tpu.memory_space<hbm>>
      %dma_wait3A_644 = tpu.memref_slice %arg8[%dma_wait3A_636] : memref<8x!tpu.dma_semaphore, #tpu.memory_space<semaphore_mem>> -> memref<1x!tpu.dma_semaphore, #tpu.memory_space<semaphore_mem>>
      %dma_wait3A_645 = tpu.memref_squeeze %dma_wait3A_644 : memref<1x!tpu.dma_semaphore, #tpu.memory_space<semaphore_mem>> -> memref<!tpu.dma_semaphore, #tpu.memory_space<semaphore_mem>>
      %dma_wait3A_646 = arith.constant 0 : i32
      %dma_wait3A_647 = arith.constant 0 : i32
      %dma_wait3A_648 = tpu.memref_slice %arg6[%dma_wait3A_635, %dma_wait3A_646, %dma_wait3A_647] : memref<8x64x128xf32, #tpu.memory_space<vmem>> -> memref<1x64x128xf32, #tpu.memory_space<vmem>>
      %dma_wait3A_649 = tpu.memref_squeeze %dma_wait3A_648 : memref<1x64x128xf32, #tpu.memory_space<vmem>> -> memref<64x128xf32, #tpu.memory_space<vmem>>
      %dma_wait3A_650 = arith.constant 0 : i32
      %dma_wait3A_651 = arith.constant 0 : i32
      %dma_wait3A_652 = tpu.memref_slice %arg3[%dma_wait3A_650, %dma_wait3A_651] : memref<64x1000000xf32, #tpu.memory_space<hbm>> -> memref<64x128xf32, #tpu.memory_space<hbm>>
      tpu.wait_dma2 semaphore(%dma_wait3A_645 : memref<!tpu.dma_semaphore, #tpu.memory_space<semaphore_mem>>) src(%dma_wait3A_652 : memref<64x128xf32, #tpu.memory_space<hbm>>) dst(%dma_wait3A_649 : memref<64x128xf32, #tpu.memory_space<vmem>>)
      %and3A_653 = arith.constant 127 : i32
      %and3A_654 = arith.andi %squeeze3A_634, %and3A_653 : i32
      %broadcast_in_dim3A_655 = vector.broadcast %and3A_654 : i32 to vector<16xi32>
      %broadcast_in_dim3A_656 = arith.constant 3 : i32
      %broadcast_in_dim3A_657 = vector.broadcast %broadcast_in_dim3A_656 : i32 to vector<16xi32>
      %add3A_658 = arith.constant 0 : i32
      %add3A_659 = vector.broadcast %add3A_658 : i32 to vector<16xi32>
      %add3A_660 = arith.addi %iota3A, %add3A_659 : vector<16xi32>
      %gather3A_661 = tpu.vector_load_idx %arg6[%broadcast_in_dim3A_657, %add3A_660, %broadcast_in_dim3A_655] : memref<8x64x128xf32, #tpu.memory_space<vmem>>[vector<16xi32>, vector<16xi32>, vector<16xi32>], vector<16xf32>,
      %add3A_662 = arith.constant 16 : i32
      %add3A_663 = vector.broadcast %add3A_662 : i32 to vector<16xi32>
      %add3A_664 = arith.addi %iota3A, %add3A_663 : vector<16xi32>
      %gather3A_665 = tpu.vector_load_idx %arg6[%broadcast_in_dim3A_657, %add3A_664, %broadcast_in_dim3A_655] : memref<8x64x128xf32, #tpu.memory_space<vmem>>[vector<16xi32>, vector<16xi32>, vector<16xi32>], vector<16xf32>,
      %add3A_666 = arith.constant 32 : i32
      %add3A_667 = vector.broadcast %add3A_666 : i32 to vector<16xi32>
      %add3A_668 = arith.addi %iota3A, %add3A_667 : vector<16xi32>
      %gather3A_669 = tpu.vector_load_idx %arg6[%broadcast_in_dim3A_657, %add3A_668, %broadcast_in_dim3A_655] : memref<8x64x128xf32, #tpu.memory_space<vmem>>[vector<16xi32>, vector<16xi32>, vector<16xi32>], vector<16xf32>,
      %add3A_670 = arith.constant 48 : i32
      %add3A_671 = vector.broadcast %add3A_670 : i32 to vector<16xi32>
      %add3A_672 = arith.addi %iota3A, %add3A_671 : vector<16xi32>
      %gather3A_673 = tpu.vector_load_idx %arg6[%broadcast_in_dim3A_657, %add3A_672, %broadcast_in_dim3A_655] : memref<8x64x128xf32, #tpu.memory_space<vmem>>[vector<16xi32>, vector<16xi32>, vector<16xi32>], vector<16xf32>,
      %slice3A_674 = vector.extract_strided_slice %get3A_228 {offsets = [11], sizes = [1], strides = [1]} : vector<16xi32> to vector<1xi32>
      %squeeze3A_675 = vector.extract %slice3A_674[0] : i32 from vector<1xi32>
      %shift_right_arithmetic3A_676 = arith.constant 7 : i32
      %shift_right_arithmetic3A_677 = arith.shrsi %squeeze3A_675, %shift_right_arithmetic3A_676 : i32
      %mul3A_678 = arith.constant 128 : i32
      %mul3A_679 = arith.muli %shift_right_arithmetic3A_677, %mul3A_678 : i32
      %multiple_of3A_680 = tpu.assume_multiple %mul3A_679, 128 : i32
      %dma_start3A_681 = arith.constant 3 : i32
      %dma_start3A_682 = arith.constant 3 : i32
      %dma_start3A_683 = arith.constant 0 : i32
      %dma_start3A_684 = arith.constant 0 : i32
      %dma_start3A_685 = tpu.memref_slice %arg6[%dma_start3A_681, %dma_start3A_683, %dma_start3A_684] : memref<8x64x128xf32, #tpu.memory_space<vmem>> -> memref<1x64x128xf32, #tpu.memory_space<vmem>>
      %dma_start3A_686 = tpu.memref_squeeze %dma_start3A_685 : memref<1x64x128xf32, #tpu.memory_space<vmem>> -> memref<64x128xf32, #tpu.memory_space<vmem>>
      %dma_start3A_687 = arith.constant 0 : i32
      %dma_start3A_688 = tpu.memref_slice %arg3[%dma_start3A_687, %multiple_of3A_680] : memref<64x1000000xf32, #tpu.memory_space<hbm>> -> memref<64x128xf32, #tpu.memory_space<hbm>>
      %dma_start3A_689 = tpu.memref_slice %arg8[%dma_start3A_682] : memref<8x!tpu.dma_semaphore, #tpu.memory_space<semaphore_mem>> -> memref<1x!tpu.dma_semaphore, #tpu.memory_space<semaphore_mem>>
      %dma_start3A_690 = tpu.memref_squeeze %dma_start3A_689 : memref<1x!tpu.dma_semaphore, #tpu.memory_space<semaphore_mem>> -> memref<!tpu.dma_semaphore, #tpu.memory_space<semaphore_mem>>
      %dma_start3A_691 = arith.constant 0 : i32
      %dma_start3A_692 = arith.constant 0 : i32
      %dma_start3A_693 = tpu.memref_slice %arg6[%dma_start3A_681, %dma_start3A_691, %dma_start3A_692] : memref<8x64x128xf32, #tpu.memory_space<vmem>> -> memref<1x64x128xf32, #tpu.memory_space<vmem>>
      %dma_start3A_694 = tpu.memref_squeeze %dma_start3A_693 : memref<1x64x128xf32, #tpu.memory_space<vmem>> -> memref<64x128xf32, #tpu.memory_space<vmem>>
      %dma_start3A_695 = arith.constant 0 : i32
      %dma_start3A_696 = tpu.memref_slice %arg3[%dma_start3A_695, %multiple_of3A_680] : memref<64x1000000xf32, #tpu.memory_space<hbm>> -> memref<64x128xf32, #tpu.memory_space<hbm>>
      tpu.enqueue_dma source(%dma_start3A_696 : memref<64x128xf32, #tpu.memory_space<hbm>>) target(%dma_start3A_694 : memref<64x128xf32, #tpu.memory_space<vmem>>) target_semaphore(%dma_start3A_690 : memref<!tpu.dma_semaphore, #tpu.memory_space<semaphore_mem>>)
      %mul3A_697 = arith.mulf %gather3A_661, %gather3A_661 : vector<16xf32>
      %mul3A_698 = arith.mulf %gather3A_665, %gather3A_665 : vector<16xf32>
      %add3A_699 = arith.addf %mul3A_697, %mul3A_698 : vector<16xf32>
      %mul3A_700 = arith.mulf %gather3A_669, %gather3A_669 : vector<16xf32>
      %add3A_701 = arith.addf %add3A_699, %mul3A_700 : vector<16xf32>
      %mul3A_702 = arith.mulf %gather3A_673, %gather3A_673 : vector<16xf32>
      %add3A_703 = arith.addf %add3A_701, %mul3A_702 : vector<16xf32>
      %reduce_sum3A_704 = arith.constant true
      %reduce_sum3A_705 = vector.broadcast %reduce_sum3A_704 : i1 to vector<16xi1>
      %reduce_sum3A_706 = tpu.scan <sum>, %add3A_703 masked %reduce_sum3A_705 : vector<16xf32>, vector<16xi1> -> vector<16xf32>
      %reduce_sum3A_707 = vector.extract %reduce_sum3A_706[15] : f32 from vector<16xf32>
      %broadcast_in_dim3A_708 = vector.broadcast %reduce_sum3A_707 : f32 to vector<16xf32>
      %bitcast3A_709 = vector.bitcast %broadcast_in_dim3A_708 : vector<16xf32> to vector<16xi32>
      %shift_right_arithmetic3A_710 = arith.constant 1 : i32
      %shift_right_arithmetic3A_711 = vector.broadcast %shift_right_arithmetic3A_710 : i32 to vector<16xi32>
      %shift_right_arithmetic3A_712 = arith.shrsi %bitcast3A_709, %shift_right_arithmetic3A_711 : vector<16xi32>
      %sub3A_713 = arith.constant 1597463007 : i32
      %sub3A_714 = vector.broadcast %sub3A_713 : i32 to vector<16xi32>
      %sub3A_715 = arith.subi %sub3A_714, %shift_right_arithmetic3A_712 : vector<16xi32>
      %bitcast3A_716 = vector.bitcast %sub3A_715 : vector<16xi32> to vector<16xf32>
      %mul3A_717 = arith.constant 5.000000e-01 : f32
      %mul3A_718 = vector.broadcast %mul3A_717 : f32 to vector<16xf32>
      %mul3A_719 = arith.mulf %mul3A_718, %broadcast_in_dim3A_708 : vector<16xf32>
      %mul3A_720 = arith.mulf %mul3A_719, %bitcast3A_716 : vector<16xf32>
      %mul3A_721 = arith.mulf %mul3A_720, %bitcast3A_716 : vector<16xf32>
      %sub3A_722 = arith.constant 1.500000e+00 : f32
      %sub3A_723 = vector.broadcast %sub3A_722 : f32 to vector<16xf32>
      %sub3A_724 = arith.subf %sub3A_723, %mul3A_721 : vector<16xf32>
      %mul3A_725 = arith.mulf %bitcast3A_716, %sub3A_724 : vector<16xf32>
      %mul3A_726 = arith.constant 5.000000e-01 : f32
      %mul3A_727 = vector.broadcast %mul3A_726 : f32 to vector<16xf32>
      %mul3A_728 = arith.mulf %mul3A_727, %broadcast_in_dim3A_708 : vector<16xf32>
      %mul3A_729 = arith.mulf %mul3A_728, %mul3A_725 : vector<16xf32>
      %mul3A_730 = arith.mulf %mul3A_729, %mul3A_725 : vector<16xf32>
      %sub3A_731 = arith.constant 1.500000e+00 : f32
      %sub3A_732 = vector.broadcast %sub3A_731 : f32 to vector<16xf32>
      %sub3A_733 = arith.subf %sub3A_732, %mul3A_730 : vector<16xf32>
      %mul3A_734 = arith.mulf %mul3A_725, %sub3A_733 : vector<16xf32>
      %mul3A_735 = arith.constant 5.000000e-01 : f32
      %mul3A_736 = vector.broadcast %mul3A_735 : f32 to vector<16xf32>
      %mul3A_737 = arith.mulf %mul3A_736, %broadcast_in_dim3A_708 : vector<16xf32>
      %mul3A_738 = arith.mulf %mul3A_737, %mul3A_734 : vector<16xf32>
      %mul3A_739 = arith.mulf %mul3A_738, %mul3A_734 : vector<16xf32>
      %sub3A_740 = arith.constant 1.500000e+00 : f32
      %sub3A_741 = vector.broadcast %sub3A_740 : f32 to vector<16xf32>
      %sub3A_742 = arith.subf %sub3A_741, %mul3A_739 : vector<16xf32>
      %mul3A_743 = arith.mulf %mul3A_734, %sub3A_742 : vector<16xf32>
      %min3A_744 = arith.constant 1.000000e+00 : f32
      %min3A_745 = vector.broadcast %min3A_744 : f32 to vector<16xf32>
      %min3A_746 = arith.minimumf %mul3A_743, %min3A_745 : vector<16xf32>
      %add3A_747 = arith.constant 0 : i32
      %add3A_748 = vector.broadcast %add3A_747 : i32 to vector<16xi32>
      %add3A_749 = arith.addi %iota3A, %add3A_748 : vector<16xi32>
      %mul3A_750 = arith.mulf %gather3A_661, %min3A_746 : vector<16xf32>
      tpu.vector_store_idx %arg7[%add3A_749, %broadcast_in_dim3A_632], %mul3A_750 : memref<64x512xf32, #tpu.memory_space<vmem>>[vector<16xi32>, vector<16xi32>], vector<16xf32>,
      %add3A_751 = arith.constant 16 : i32
      %add3A_752 = vector.broadcast %add3A_751 : i32 to vector<16xi32>
      %add3A_753 = arith.addi %iota3A, %add3A_752 : vector<16xi32>
      %mul3A_754 = arith.mulf %gather3A_665, %min3A_746 : vector<16xf32>
      tpu.vector_store_idx %arg7[%add3A_753, %broadcast_in_dim3A_632], %mul3A_754 : memref<64x512xf32, #tpu.memory_space<vmem>>[vector<16xi32>, vector<16xi32>], vector<16xf32>,
      %add3A_755 = arith.constant 32 : i32
      %add3A_756 = vector.broadcast %add3A_755 : i32 to vector<16xi32>
      %add3A_757 = arith.addi %iota3A, %add3A_756 : vector<16xi32>
      %mul3A_758 = arith.mulf %gather3A_669, %min3A_746 : vector<16xf32>
      tpu.vector_store_idx %arg7[%add3A_757, %broadcast_in_dim3A_632], %mul3A_758 : memref<64x512xf32, #tpu.memory_space<vmem>>[vector<16xi32>, vector<16xi32>], vector<16xf32>,
      %add3A_759 = arith.constant 48 : i32
      %add3A_760 = vector.broadcast %add3A_759 : i32 to vector<16xi32>
      %add3A_761 = arith.addi %iota3A, %add3A_760 : vector<16xi32>
      %mul3A_762 = arith.mulf %gather3A_673, %min3A_746 : vector<16xf32>
      tpu.vector_store_idx %arg7[%add3A_761, %broadcast_in_dim3A_632], %mul3A_762 : memref<64x512xf32, #tpu.memory_space<vmem>>[vector<16xi32>, vector<16xi32>], vector<16xf32>,
      %mul3A_763 = arith.constant 16 : i32
      %mul3A_764 = arith.muli %scan3A_223, %mul3A_763 : i32
      %add3A_765 = arith.constant 4 : i32
      %add3A_766 = arith.addi %mul3A_764, %add3A_765 : i32
      %broadcast_in_dim3A_767 = vector.broadcast %add3A_766 : i32 to vector<16xi32>
      %slice3A_768 = vector.extract_strided_slice %get3A_228 {offsets = [4], sizes = [1], strides = [1]} : vector<16xi32> to vector<1xi32>
      %squeeze3A_769 = vector.extract %slice3A_768[0] : i32 from vector<1xi32>
      %dma_wait3A_770 = arith.constant 4 : i32
      %dma_wait3A_771 = arith.constant 4 : i32
      %dma_wait3A_772 = arith.constant 0 : i32
      %dma_wait3A_773 = arith.constant 0 : i32
      %dma_wait3A_774 = tpu.memref_slice %arg6[%dma_wait3A_770, %dma_wait3A_772, %dma_wait3A_773] : memref<8x64x128xf32, #tpu.memory_space<vmem>> -> memref<1x64x128xf32, #tpu.memory_space<vmem>>
      %dma_wait3A_775 = tpu.memref_squeeze %dma_wait3A_774 : memref<1x64x128xf32, #tpu.memory_space<vmem>> -> memref<64x128xf32, #tpu.memory_space<vmem>>
      %dma_wait3A_776 = arith.constant 0 : i32
      %dma_wait3A_777 = arith.constant 0 : i32
      %dma_wait3A_778 = tpu.memref_slice %arg3[%dma_wait3A_776, %dma_wait3A_777] : memref<64x1000000xf32, #tpu.memory_space<hbm>> -> memref<64x128xf32, #tpu.memory_space<hbm>>
      %dma_wait3A_779 = tpu.memref_slice %arg8[%dma_wait3A_771] : memref<8x!tpu.dma_semaphore, #tpu.memory_space<semaphore_mem>> -> memref<1x!tpu.dma_semaphore, #tpu.memory_space<semaphore_mem>>
      %dma_wait3A_780 = tpu.memref_squeeze %dma_wait3A_779 : memref<1x!tpu.dma_semaphore, #tpu.memory_space<semaphore_mem>> -> memref<!tpu.dma_semaphore, #tpu.memory_space<semaphore_mem>>
      %dma_wait3A_781 = arith.constant 0 : i32
      %dma_wait3A_782 = arith.constant 0 : i32
      %dma_wait3A_783 = tpu.memref_slice %arg6[%dma_wait3A_770, %dma_wait3A_781, %dma_wait3A_782] : memref<8x64x128xf32, #tpu.memory_space<vmem>> -> memref<1x64x128xf32, #tpu.memory_space<vmem>>
      %dma_wait3A_784 = tpu.memref_squeeze %dma_wait3A_783 : memref<1x64x128xf32, #tpu.memory_space<vmem>> -> memref<64x128xf32, #tpu.memory_space<vmem>>
      %dma_wait3A_785 = arith.constant 0 : i32
      %dma_wait3A_786 = arith.constant 0 : i32
      %dma_wait3A_787 = tpu.memref_slice %arg3[%dma_wait3A_785, %dma_wait3A_786] : memref<64x1000000xf32, #tpu.memory_space<hbm>> -> memref<64x128xf32, #tpu.memory_space<hbm>>
      tpu.wait_dma2 semaphore(%dma_wait3A_780 : memref<!tpu.dma_semaphore, #tpu.memory_space<semaphore_mem>>) src(%dma_wait3A_787 : memref<64x128xf32, #tpu.memory_space<hbm>>) dst(%dma_wait3A_784 : memref<64x128xf32, #tpu.memory_space<vmem>>)
      %and3A_788 = arith.constant 127 : i32
      %and3A_789 = arith.andi %squeeze3A_769, %and3A_788 : i32
      %broadcast_in_dim3A_790 = vector.broadcast %and3A_789 : i32 to vector<16xi32>
      %broadcast_in_dim3A_791 = arith.constant 4 : i32
      %broadcast_in_dim3A_792 = vector.broadcast %broadcast_in_dim3A_791 : i32 to vector<16xi32>
      %add3A_793 = arith.constant 0 : i32
      %add3A_794 = vector.broadcast %add3A_793 : i32 to vector<16xi32>
      %add3A_795 = arith.addi %iota3A, %add3A_794 : vector<16xi32>
      %gather3A_796 = tpu.vector_load_idx %arg6[%broadcast_in_dim3A_792, %add3A_795, %broadcast_in_dim3A_790] : memref<8x64x128xf32, #tpu.memory_space<vmem>>[vector<16xi32>, vector<16xi32>, vector<16xi32>], vector<16xf32>,
      %add3A_797 = arith.constant 16 : i32
      %add3A_798 = vector.broadcast %add3A_797 : i32 to vector<16xi32>
      %add3A_799 = arith.addi %iota3A, %add3A_798 : vector<16xi32>
      %gather3A_800 = tpu.vector_load_idx %arg6[%broadcast_in_dim3A_792, %add3A_799, %broadcast_in_dim3A_790] : memref<8x64x128xf32, #tpu.memory_space<vmem>>[vector<16xi32>, vector<16xi32>, vector<16xi32>], vector<16xf32>,
      %add3A_801 = arith.constant 32 : i32
      %add3A_802 = vector.broadcast %add3A_801 : i32 to vector<16xi32>
      %add3A_803 = arith.addi %iota3A, %add3A_802 : vector<16xi32>
      %gather3A_804 = tpu.vector_load_idx %arg6[%broadcast_in_dim3A_792, %add3A_803, %broadcast_in_dim3A_790] : memref<8x64x128xf32, #tpu.memory_space<vmem>>[vector<16xi32>, vector<16xi32>, vector<16xi32>], vector<16xf32>,
      %add3A_805 = arith.constant 48 : i32
      %add3A_806 = vector.broadcast %add3A_805 : i32 to vector<16xi32>
      %add3A_807 = arith.addi %iota3A, %add3A_806 : vector<16xi32>
      %gather3A_808 = tpu.vector_load_idx %arg6[%broadcast_in_dim3A_792, %add3A_807, %broadcast_in_dim3A_790] : memref<8x64x128xf32, #tpu.memory_space<vmem>>[vector<16xi32>, vector<16xi32>, vector<16xi32>], vector<16xf32>,
      %slice3A_809 = vector.extract_strided_slice %get3A_228 {offsets = [12], sizes = [1], strides = [1]} : vector<16xi32> to vector<1xi32>
      %squeeze3A_810 = vector.extract %slice3A_809[0] : i32 from vector<1xi32>
      %shift_right_arithmetic3A_811 = arith.constant 7 : i32
      %shift_right_arithmetic3A_812 = arith.shrsi %squeeze3A_810, %shift_right_arithmetic3A_811 : i32
      %mul3A_813 = arith.constant 128 : i32
      %mul3A_814 = arith.muli %shift_right_arithmetic3A_812, %mul3A_813 : i32
      %multiple_of3A_815 = tpu.assume_multiple %mul3A_814, 128 : i32
      %dma_start3A_816 = arith.constant 4 : i32
      %dma_start3A_817 = arith.constant 4 : i32
      %dma_start3A_818 = arith.constant 0 : i32
      %dma_start3A_819 = arith.constant 0 : i32
      %dma_start3A_820 = tpu.memref_slice %arg6[%dma_start3A_816, %dma_start3A_818, %dma_start3A_819] : memref<8x64x128xf32, #tpu.memory_space<vmem>> -> memref<1x64x128xf32, #tpu.memory_space<vmem>>
      %dma_start3A_821 = tpu.memref_squeeze %dma_start3A_820 : memref<1x64x128xf32, #tpu.memory_space<vmem>> -> memref<64x128xf32, #tpu.memory_space<vmem>>
      %dma_start3A_822 = arith.constant 0 : i32
      %dma_start3A_823 = tpu.memref_slice %arg3[%dma_start3A_822, %multiple_of3A_815] : memref<64x1000000xf32, #tpu.memory_space<hbm>> -> memref<64x128xf32, #tpu.memory_space<hbm>>
      %dma_start3A_824 = tpu.memref_slice %arg8[%dma_start3A_817] : memref<8x!tpu.dma_semaphore, #tpu.memory_space<semaphore_mem>> -> memref<1x!tpu.dma_semaphore, #tpu.memory_space<semaphore_mem>>
      %dma_start3A_825 = tpu.memref_squeeze %dma_start3A_824 : memref<1x!tpu.dma_semaphore, #tpu.memory_space<semaphore_mem>> -> memref<!tpu.dma_semaphore, #tpu.memory_space<semaphore_mem>>
      %dma_start3A_826 = arith.constant 0 : i32
      %dma_start3A_827 = arith.constant 0 : i32
      %dma_start3A_828 = tpu.memref_slice %arg6[%dma_start3A_816, %dma_start3A_826, %dma_start3A_827] : memref<8x64x128xf32, #tpu.memory_space<vmem>> -> memref<1x64x128xf32, #tpu.memory_space<vmem>>
      %dma_start3A_829 = tpu.memref_squeeze %dma_start3A_828 : memref<1x64x128xf32, #tpu.memory_space<vmem>> -> memref<64x128xf32, #tpu.memory_space<vmem>>
      %dma_start3A_830 = arith.constant 0 : i32
      %dma_start3A_831 = tpu.memref_slice %arg3[%dma_start3A_830, %multiple_of3A_815] : memref<64x1000000xf32, #tpu.memory_space<hbm>> -> memref<64x128xf32, #tpu.memory_space<hbm>>
      tpu.enqueue_dma source(%dma_start3A_831 : memref<64x128xf32, #tpu.memory_space<hbm>>) target(%dma_start3A_829 : memref<64x128xf32, #tpu.memory_space<vmem>>) target_semaphore(%dma_start3A_825 : memref<!tpu.dma_semaphore, #tpu.memory_space<semaphore_mem>>)
      %mul3A_832 = arith.mulf %gather3A_796, %gather3A_796 : vector<16xf32>
      %mul3A_833 = arith.mulf %gather3A_800, %gather3A_800 : vector<16xf32>
      %add3A_834 = arith.addf %mul3A_832, %mul3A_833 : vector<16xf32>
      %mul3A_835 = arith.mulf %gather3A_804, %gather3A_804 : vector<16xf32>
      %add3A_836 = arith.addf %add3A_834, %mul3A_835 : vector<16xf32>
      %mul3A_837 = arith.mulf %gather3A_808, %gather3A_808 : vector<16xf32>
      %add3A_838 = arith.addf %add3A_836, %mul3A_837 : vector<16xf32>
      %reduce_sum3A_839 = arith.constant true
      %reduce_sum3A_840 = vector.broadcast %reduce_sum3A_839 : i1 to vector<16xi1>
      %reduce_sum3A_841 = tpu.scan <sum>, %add3A_838 masked %reduce_sum3A_840 : vector<16xf32>, vector<16xi1> -> vector<16xf32>
      %reduce_sum3A_842 = vector.extract %reduce_sum3A_841[15] : f32 from vector<16xf32>
      %broadcast_in_dim3A_843 = vector.broadcast %reduce_sum3A_842 : f32 to vector<16xf32>
      %bitcast3A_844 = vector.bitcast %broadcast_in_dim3A_843 : vector<16xf32> to vector<16xi32>
      %shift_right_arithmetic3A_845 = arith.constant 1 : i32
      %shift_right_arithmetic3A_846 = vector.broadcast %shift_right_arithmetic3A_845 : i32 to vector<16xi32>
      %shift_right_arithmetic3A_847 = arith.shrsi %bitcast3A_844, %shift_right_arithmetic3A_846 : vector<16xi32>
      %sub3A_848 = arith.constant 1597463007 : i32
      %sub3A_849 = vector.broadcast %sub3A_848 : i32 to vector<16xi32>
      %sub3A_850 = arith.subi %sub3A_849, %shift_right_arithmetic3A_847 : vector<16xi32>
      %bitcast3A_851 = vector.bitcast %sub3A_850 : vector<16xi32> to vector<16xf32>
      %mul3A_852 = arith.constant 5.000000e-01 : f32
      %mul3A_853 = vector.broadcast %mul3A_852 : f32 to vector<16xf32>
      %mul3A_854 = arith.mulf %mul3A_853, %broadcast_in_dim3A_843 : vector<16xf32>
      %mul3A_855 = arith.mulf %mul3A_854, %bitcast3A_851 : vector<16xf32>
      %mul3A_856 = arith.mulf %mul3A_855, %bitcast3A_851 : vector<16xf32>
      %sub3A_857 = arith.constant 1.500000e+00 : f32
      %sub3A_858 = vector.broadcast %sub3A_857 : f32 to vector<16xf32>
      %sub3A_859 = arith.subf %sub3A_858, %mul3A_856 : vector<16xf32>
      %mul3A_860 = arith.mulf %bitcast3A_851, %sub3A_859 : vector<16xf32>
      %mul3A_861 = arith.constant 5.000000e-01 : f32
      %mul3A_862 = vector.broadcast %mul3A_861 : f32 to vector<16xf32>
      %mul3A_863 = arith.mulf %mul3A_862, %broadcast_in_dim3A_843 : vector<16xf32>
      %mul3A_864 = arith.mulf %mul3A_863, %mul3A_860 : vector<16xf32>
      %mul3A_865 = arith.mulf %mul3A_864, %mul3A_860 : vector<16xf32>
      %sub3A_866 = arith.constant 1.500000e+00 : f32
      %sub3A_867 = vector.broadcast %sub3A_866 : f32 to vector<16xf32>
      %sub3A_868 = arith.subf %sub3A_867, %mul3A_865 : vector<16xf32>
      %mul3A_869 = arith.mulf %mul3A_860, %sub3A_868 : vector<16xf32>
      %mul3A_870 = arith.constant 5.000000e-01 : f32
      %mul3A_871 = vector.broadcast %mul3A_870 : f32 to vector<16xf32>
      %mul3A_872 = arith.mulf %mul3A_871, %broadcast_in_dim3A_843 : vector<16xf32>
      %mul3A_873 = arith.mulf %mul3A_872, %mul3A_869 : vector<16xf32>
      %mul3A_874 = arith.mulf %mul3A_873, %mul3A_869 : vector<16xf32>
      %sub3A_875 = arith.constant 1.500000e+00 : f32
      %sub3A_876 = vector.broadcast %sub3A_875 : f32 to vector<16xf32>
      %sub3A_877 = arith.subf %sub3A_876, %mul3A_874 : vector<16xf32>
      %mul3A_878 = arith.mulf %mul3A_869, %sub3A_877 : vector<16xf32>
      %min3A_879 = arith.constant 1.000000e+00 : f32
      %min3A_880 = vector.broadcast %min3A_879 : f32 to vector<16xf32>
      %min3A_881 = arith.minimumf %mul3A_878, %min3A_880 : vector<16xf32>
      %add3A_882 = arith.constant 0 : i32
      %add3A_883 = vector.broadcast %add3A_882 : i32 to vector<16xi32>
      %add3A_884 = arith.addi %iota3A, %add3A_883 : vector<16xi32>
      %mul3A_885 = arith.mulf %gather3A_796, %min3A_881 : vector<16xf32>
      tpu.vector_store_idx %arg7[%add3A_884, %broadcast_in_dim3A_767], %mul3A_885 : memref<64x512xf32, #tpu.memory_space<vmem>>[vector<16xi32>, vector<16xi32>], vector<16xf32>,
      %add3A_886 = arith.constant 16 : i32
      %add3A_887 = vector.broadcast %add3A_886 : i32 to vector<16xi32>
      %add3A_888 = arith.addi %iota3A, %add3A_887 : vector<16xi32>
      %mul3A_889 = arith.mulf %gather3A_800, %min3A_881 : vector<16xf32>
      tpu.vector_store_idx %arg7[%add3A_888, %broadcast_in_dim3A_767], %mul3A_889 : memref<64x512xf32, #tpu.memory_space<vmem>>[vector<16xi32>, vector<16xi32>], vector<16xf32>,
      %add3A_890 = arith.constant 32 : i32
      %add3A_891 = vector.broadcast %add3A_890 : i32 to vector<16xi32>
      %add3A_892 = arith.addi %iota3A, %add3A_891 : vector<16xi32>
      %mul3A_893 = arith.mulf %gather3A_804, %min3A_881 : vector<16xf32>
      tpu.vector_store_idx %arg7[%add3A_892, %broadcast_in_dim3A_767], %mul3A_893 : memref<64x512xf32, #tpu.memory_space<vmem>>[vector<16xi32>, vector<16xi32>], vector<16xf32>,
      %add3A_894 = arith.constant 48 : i32
      %add3A_895 = vector.broadcast %add3A_894 : i32 to vector<16xi32>
      %add3A_896 = arith.addi %iota3A, %add3A_895 : vector<16xi32>
      %mul3A_897 = arith.mulf %gather3A_808, %min3A_881 : vector<16xf32>
      tpu.vector_store_idx %arg7[%add3A_896, %broadcast_in_dim3A_767], %mul3A_897 : memref<64x512xf32, #tpu.memory_space<vmem>>[vector<16xi32>, vector<16xi32>], vector<16xf32>,
      %mul3A_898 = arith.constant 16 : i32
      %mul3A_899 = arith.muli %scan3A_223, %mul3A_898 : i32
      %add3A_900 = arith.constant 5 : i32
      %add3A_901 = arith.addi %mul3A_899, %add3A_900 : i32
      %broadcast_in_dim3A_902 = vector.broadcast %add3A_901 : i32 to vector<16xi32>
      %slice3A_903 = vector.extract_strided_slice %get3A_228 {offsets = [5], sizes = [1], strides = [1]} : vector<16xi32> to vector<1xi32>
      %squeeze3A_904 = vector.extract %slice3A_903[0] : i32 from vector<1xi32>
      %dma_wait3A_905 = arith.constant 5 : i32
      %dma_wait3A_906 = arith.constant 5 : i32
      %dma_wait3A_907 = arith.constant 0 : i32
      %dma_wait3A_908 = arith.constant 0 : i32
      %dma_wait3A_909 = tpu.memref_slice %arg6[%dma_wait3A_905, %dma_wait3A_907, %dma_wait3A_908] : memref<8x64x128xf32, #tpu.memory_space<vmem>> -> memref<1x64x128xf32, #tpu.memory_space<vmem>>
      %dma_wait3A_910 = tpu.memref_squeeze %dma_wait3A_909 : memref<1x64x128xf32, #tpu.memory_space<vmem>> -> memref<64x128xf32, #tpu.memory_space<vmem>>
      %dma_wait3A_911 = arith.constant 0 : i32
      %dma_wait3A_912 = arith.constant 0 : i32
      %dma_wait3A_913 = tpu.memref_slice %arg3[%dma_wait3A_911, %dma_wait3A_912] : memref<64x1000000xf32, #tpu.memory_space<hbm>> -> memref<64x128xf32, #tpu.memory_space<hbm>>
      %dma_wait3A_914 = tpu.memref_slice %arg8[%dma_wait3A_906] : memref<8x!tpu.dma_semaphore, #tpu.memory_space<semaphore_mem>> -> memref<1x!tpu.dma_semaphore, #tpu.memory_space<semaphore_mem>>
      %dma_wait3A_915 = tpu.memref_squeeze %dma_wait3A_914 : memref<1x!tpu.dma_semaphore, #tpu.memory_space<semaphore_mem>> -> memref<!tpu.dma_semaphore, #tpu.memory_space<semaphore_mem>>
      %dma_wait3A_916 = arith.constant 0 : i32
      %dma_wait3A_917 = arith.constant 0 : i32
      %dma_wait3A_918 = tpu.memref_slice %arg6[%dma_wait3A_905, %dma_wait3A_916, %dma_wait3A_917] : memref<8x64x128xf32, #tpu.memory_space<vmem>> -> memref<1x64x128xf32, #tpu.memory_space<vmem>>
      %dma_wait3A_919 = tpu.memref_squeeze %dma_wait3A_918 : memref<1x64x128xf32, #tpu.memory_space<vmem>> -> memref<64x128xf32, #tpu.memory_space<vmem>>
      %dma_wait3A_920 = arith.constant 0 : i32
      %dma_wait3A_921 = arith.constant 0 : i32
      %dma_wait3A_922 = tpu.memref_slice %arg3[%dma_wait3A_920, %dma_wait3A_921] : memref<64x1000000xf32, #tpu.memory_space<hbm>> -> memref<64x128xf32, #tpu.memory_space<hbm>>
      tpu.wait_dma2 semaphore(%dma_wait3A_915 : memref<!tpu.dma_semaphore, #tpu.memory_space<semaphore_mem>>) src(%dma_wait3A_922 : memref<64x128xf32, #tpu.memory_space<hbm>>) dst(%dma_wait3A_919 : memref<64x128xf32, #tpu.memory_space<vmem>>)
      %and3A_923 = arith.constant 127 : i32
      %and3A_924 = arith.andi %squeeze3A_904, %and3A_923 : i32
      %broadcast_in_dim3A_925 = vector.broadcast %and3A_924 : i32 to vector<16xi32>
      %broadcast_in_dim3A_926 = arith.constant 5 : i32
      %broadcast_in_dim3A_927 = vector.broadcast %broadcast_in_dim3A_926 : i32 to vector<16xi32>
      %add3A_928 = arith.constant 0 : i32
      %add3A_929 = vector.broadcast %add3A_928 : i32 to vector<16xi32>
      %add3A_930 = arith.addi %iota3A, %add3A_929 : vector<16xi32>
      %gather3A_931 = tpu.vector_load_idx %arg6[%broadcast_in_dim3A_927, %add3A_930, %broadcast_in_dim3A_925] : memref<8x64x128xf32, #tpu.memory_space<vmem>>[vector<16xi32>, vector<16xi32>, vector<16xi32>], vector<16xf32>,
      %add3A_932 = arith.constant 16 : i32
      %add3A_933 = vector.broadcast %add3A_932 : i32 to vector<16xi32>
      %add3A_934 = arith.addi %iota3A, %add3A_933 : vector<16xi32>
      %gather3A_935 = tpu.vector_load_idx %arg6[%broadcast_in_dim3A_927, %add3A_934, %broadcast_in_dim3A_925] : memref<8x64x128xf32, #tpu.memory_space<vmem>>[vector<16xi32>, vector<16xi32>, vector<16xi32>], vector<16xf32>,
      %add3A_936 = arith.constant 32 : i32
      %add3A_937 = vector.broadcast %add3A_936 : i32 to vector<16xi32>
      %add3A_938 = arith.addi %iota3A, %add3A_937 : vector<16xi32>
      %gather3A_939 = tpu.vector_load_idx %arg6[%broadcast_in_dim3A_927, %add3A_938, %broadcast_in_dim3A_925] : memref<8x64x128xf32, #tpu.memory_space<vmem>>[vector<16xi32>, vector<16xi32>, vector<16xi32>], vector<16xf32>,
      %add3A_940 = arith.constant 48 : i32
      %add3A_941 = vector.broadcast %add3A_940 : i32 to vector<16xi32>
      %add3A_942 = arith.addi %iota3A, %add3A_941 : vector<16xi32>
      %gather3A_943 = tpu.vector_load_idx %arg6[%broadcast_in_dim3A_927, %add3A_942, %broadcast_in_dim3A_925] : memref<8x64x128xf32, #tpu.memory_space<vmem>>[vector<16xi32>, vector<16xi32>, vector<16xi32>], vector<16xf32>,
      %slice3A_944 = vector.extract_strided_slice %get3A_228 {offsets = [13], sizes = [1], strides = [1]} : vector<16xi32> to vector<1xi32>
      %squeeze3A_945 = vector.extract %slice3A_944[0] : i32 from vector<1xi32>
      %shift_right_arithmetic3A_946 = arith.constant 7 : i32
      %shift_right_arithmetic3A_947 = arith.shrsi %squeeze3A_945, %shift_right_arithmetic3A_946 : i32
      %mul3A_948 = arith.constant 128 : i32
      %mul3A_949 = arith.muli %shift_right_arithmetic3A_947, %mul3A_948 : i32
      %multiple_of3A_950 = tpu.assume_multiple %mul3A_949, 128 : i32
      %dma_start3A_951 = arith.constant 5 : i32
      %dma_start3A_952 = arith.constant 5 : i32
      %dma_start3A_953 = arith.constant 0 : i32
      %dma_start3A_954 = arith.constant 0 : i32
      %dma_start3A_955 = tpu.memref_slice %arg6[%dma_start3A_951, %dma_start3A_953, %dma_start3A_954] : memref<8x64x128xf32, #tpu.memory_space<vmem>> -> memref<1x64x128xf32, #tpu.memory_space<vmem>>
      %dma_start3A_956 = tpu.memref_squeeze %dma_start3A_955 : memref<1x64x128xf32, #tpu.memory_space<vmem>> -> memref<64x128xf32, #tpu.memory_space<vmem>>
      %dma_start3A_957 = arith.constant 0 : i32
      %dma_start3A_958 = tpu.memref_slice %arg3[%dma_start3A_957, %multiple_of3A_950] : memref<64x1000000xf32, #tpu.memory_space<hbm>> -> memref<64x128xf32, #tpu.memory_space<hbm>>
      %dma_start3A_959 = tpu.memref_slice %arg8[%dma_start3A_952] : memref<8x!tpu.dma_semaphore, #tpu.memory_space<semaphore_mem>> -> memref<1x!tpu.dma_semaphore, #tpu.memory_space<semaphore_mem>>
      %dma_start3A_960 = tpu.memref_squeeze %dma_start3A_959 : memref<1x!tpu.dma_semaphore, #tpu.memory_space<semaphore_mem>> -> memref<!tpu.dma_semaphore, #tpu.memory_space<semaphore_mem>>
      %dma_start3A_961 = arith.constant 0 : i32
      %dma_start3A_962 = arith.constant 0 : i32
      %dma_start3A_963 = tpu.memref_slice %arg6[%dma_start3A_951, %dma_start3A_961, %dma_start3A_962] : memref<8x64x128xf32, #tpu.memory_space<vmem>> -> memref<1x64x128xf32, #tpu.memory_space<vmem>>
      %dma_start3A_964 = tpu.memref_squeeze %dma_start3A_963 : memref<1x64x128xf32, #tpu.memory_space<vmem>> -> memref<64x128xf32, #tpu.memory_space<vmem>>
      %dma_start3A_965 = arith.constant 0 : i32
      %dma_start3A_966 = tpu.memref_slice %arg3[%dma_start3A_965, %multiple_of3A_950] : memref<64x1000000xf32, #tpu.memory_space<hbm>> -> memref<64x128xf32, #tpu.memory_space<hbm>>
      tpu.enqueue_dma source(%dma_start3A_966 : memref<64x128xf32, #tpu.memory_space<hbm>>) target(%dma_start3A_964 : memref<64x128xf32, #tpu.memory_space<vmem>>) target_semaphore(%dma_start3A_960 : memref<!tpu.dma_semaphore, #tpu.memory_space<semaphore_mem>>)
      %mul3A_967 = arith.mulf %gather3A_931, %gather3A_931 : vector<16xf32>
      %mul3A_968 = arith.mulf %gather3A_935, %gather3A_935 : vector<16xf32>
      %add3A_969 = arith.addf %mul3A_967, %mul3A_968 : vector<16xf32>
      %mul3A_970 = arith.mulf %gather3A_939, %gather3A_939 : vector<16xf32>
      %add3A_971 = arith.addf %add3A_969, %mul3A_970 : vector<16xf32>
      %mul3A_972 = arith.mulf %gather3A_943, %gather3A_943 : vector<16xf32>
      %add3A_973 = arith.addf %add3A_971, %mul3A_972 : vector<16xf32>
      %reduce_sum3A_974 = arith.constant true
      %reduce_sum3A_975 = vector.broadcast %reduce_sum3A_974 : i1 to vector<16xi1>
      %reduce_sum3A_976 = tpu.scan <sum>, %add3A_973 masked %reduce_sum3A_975 : vector<16xf32>, vector<16xi1> -> vector<16xf32>
      %reduce_sum3A_977 = vector.extract %reduce_sum3A_976[15] : f32 from vector<16xf32>
      %broadcast_in_dim3A_978 = vector.broadcast %reduce_sum3A_977 : f32 to vector<16xf32>
      %bitcast3A_979 = vector.bitcast %broadcast_in_dim3A_978 : vector<16xf32> to vector<16xi32>
      %shift_right_arithmetic3A_980 = arith.constant 1 : i32
      %shift_right_arithmetic3A_981 = vector.broadcast %shift_right_arithmetic3A_980 : i32 to vector<16xi32>
      %shift_right_arithmetic3A_982 = arith.shrsi %bitcast3A_979, %shift_right_arithmetic3A_981 : vector<16xi32>
      %sub3A_983 = arith.constant 1597463007 : i32
      %sub3A_984 = vector.broadcast %sub3A_983 : i32 to vector<16xi32>
      %sub3A_985 = arith.subi %sub3A_984, %shift_right_arithmetic3A_982 : vector<16xi32>
      %bitcast3A_986 = vector.bitcast %sub3A_985 : vector<16xi32> to vector<16xf32>
      %mul3A_987 = arith.constant 5.000000e-01 : f32
      %mul3A_988 = vector.broadcast %mul3A_987 : f32 to vector<16xf32>
      %mul3A_989 = arith.mulf %mul3A_988, %broadcast_in_dim3A_978 : vector<16xf32>
      %mul3A_990 = arith.mulf %mul3A_989, %bitcast3A_986 : vector<16xf32>
      %mul3A_991 = arith.mulf %mul3A_990, %bitcast3A_986 : vector<16xf32>
      %sub3A_992 = arith.constant 1.500000e+00 : f32
      %sub3A_993 = vector.broadcast %sub3A_992 : f32 to vector<16xf32>
      %sub3A_994 = arith.subf %sub3A_993, %mul3A_991 : vector<16xf32>
      %mul3A_995 = arith.mulf %bitcast3A_986, %sub3A_994 : vector<16xf32>
      %mul3A_996 = arith.constant 5.000000e-01 : f32
      %mul3A_997 = vector.broadcast %mul3A_996 : f32 to vector<16xf32>
      %mul3A_998 = arith.mulf %mul3A_997, %broadcast_in_dim3A_978 : vector<16xf32>
      %mul3A_999 = arith.mulf %mul3A_998, %mul3A_995 : vector<16xf32>
      %mul3A_1000 = arith.mulf %mul3A_999, %mul3A_995 : vector<16xf32>
      %sub3A_1001 = arith.constant 1.500000e+00 : f32
      %sub3A_1002 = vector.broadcast %sub3A_1001 : f32 to vector<16xf32>
      %sub3A_1003 = arith.subf %sub3A_1002, %mul3A_1000 : vector<16xf32>
      %mul3A_1004 = arith.mulf %mul3A_995, %sub3A_1003 : vector<16xf32>
      %mul3A_1005 = arith.constant 5.000000e-01 : f32
      %mul3A_1006 = vector.broadcast %mul3A_1005 : f32 to vector<16xf32>
      %mul3A_1007 = arith.mulf %mul3A_1006, %broadcast_in_dim3A_978 : vector<16xf32>
      %mul3A_1008 = arith.mulf %mul3A_1007, %mul3A_1004 : vector<16xf32>
      %mul3A_1009 = arith.mulf %mul3A_1008, %mul3A_1004 : vector<16xf32>
      %sub3A_1010 = arith.constant 1.500000e+00 : f32
      %sub3A_1011 = vector.broadcast %sub3A_1010 : f32 to vector<16xf32>
      %sub3A_1012 = arith.subf %sub3A_1011, %mul3A_1009 : vector<16xf32>
      %mul3A_1013 = arith.mulf %mul3A_1004, %sub3A_1012 : vector<16xf32>
      %min3A_1014 = arith.constant 1.000000e+00 : f32
      %min3A_1015 = vector.broadcast %min3A_1014 : f32 to vector<16xf32>
      %min3A_1016 = arith.minimumf %mul3A_1013, %min3A_1015 : vector<16xf32>
      %add3A_1017 = arith.constant 0 : i32
      %add3A_1018 = vector.broadcast %add3A_1017 : i32 to vector<16xi32>
      %add3A_1019 = arith.addi %iota3A, %add3A_1018 : vector<16xi32>
      %mul3A_1020 = arith.mulf %gather3A_931, %min3A_1016 : vector<16xf32>
      tpu.vector_store_idx %arg7[%add3A_1019, %broadcast_in_dim3A_902], %mul3A_1020 : memref<64x512xf32, #tpu.memory_space<vmem>>[vector<16xi32>, vector<16xi32>], vector<16xf32>,
      %add3A_1021 = arith.constant 16 : i32
      %add3A_1022 = vector.broadcast %add3A_1021 : i32 to vector<16xi32>
      %add3A_1023 = arith.addi %iota3A, %add3A_1022 : vector<16xi32>
      %mul3A_1024 = arith.mulf %gather3A_935, %min3A_1016 : vector<16xf32>
      tpu.vector_store_idx %arg7[%add3A_1023, %broadcast_in_dim3A_902], %mul3A_1024 : memref<64x512xf32, #tpu.memory_space<vmem>>[vector<16xi32>, vector<16xi32>], vector<16xf32>,
      %add3A_1025 = arith.constant 32 : i32
      %add3A_1026 = vector.broadcast %add3A_1025 : i32 to vector<16xi32>
      %add3A_1027 = arith.addi %iota3A, %add3A_1026 : vector<16xi32>
      %mul3A_1028 = arith.mulf %gather3A_939, %min3A_1016 : vector<16xf32>
      tpu.vector_store_idx %arg7[%add3A_1027, %broadcast_in_dim3A_902], %mul3A_1028 : memref<64x512xf32, #tpu.memory_space<vmem>>[vector<16xi32>, vector<16xi32>], vector<16xf32>,
      %add3A_1029 = arith.constant 48 : i32
      %add3A_1030 = vector.broadcast %add3A_1029 : i32 to vector<16xi32>
      %add3A_1031 = arith.addi %iota3A, %add3A_1030 : vector<16xi32>
      %mul3A_1032 = arith.mulf %gather3A_943, %min3A_1016 : vector<16xf32>
      tpu.vector_store_idx %arg7[%add3A_1031, %broadcast_in_dim3A_902], %mul3A_1032 : memref<64x512xf32, #tpu.memory_space<vmem>>[vector<16xi32>, vector<16xi32>], vector<16xf32>,
      %mul3A_1033 = arith.constant 16 : i32
      %mul3A_1034 = arith.muli %scan3A_223, %mul3A_1033 : i32
      %add3A_1035 = arith.constant 6 : i32
      %add3A_1036 = arith.addi %mul3A_1034, %add3A_1035 : i32
      %broadcast_in_dim3A_1037 = vector.broadcast %add3A_1036 : i32 to vector<16xi32>
      %slice3A_1038 = vector.extract_strided_slice %get3A_228 {offsets = [6], sizes = [1], strides = [1]} : vector<16xi32> to vector<1xi32>
      %squeeze3A_1039 = vector.extract %slice3A_1038[0] : i32 from vector<1xi32>
      %dma_wait3A_1040 = arith.constant 6 : i32
      %dma_wait3A_1041 = arith.constant 6 : i32
      %dma_wait3A_1042 = arith.constant 0 : i32
      %dma_wait3A_1043 = arith.constant 0 : i32
      %dma_wait3A_1044 = tpu.memref_slice %arg6[%dma_wait3A_1040, %dma_wait3A_1042, %dma_wait3A_1043] : memref<8x64x128xf32, #tpu.memory_space<vmem>> -> memref<1x64x128xf32, #tpu.memory_space<vmem>>
      %dma_wait3A_1045 = tpu.memref_squeeze %dma_wait3A_1044 : memref<1x64x128xf32, #tpu.memory_space<vmem>> -> memref<64x128xf32, #tpu.memory_space<vmem>>
      %dma_wait3A_1046 = arith.constant 0 : i32
      %dma_wait3A_1047 = arith.constant 0 : i32
      %dma_wait3A_1048 = tpu.memref_slice %arg3[%dma_wait3A_1046, %dma_wait3A_1047] : memref<64x1000000xf32, #tpu.memory_space<hbm>> -> memref<64x128xf32, #tpu.memory_space<hbm>>
      %dma_wait3A_1049 = tpu.memref_slice %arg8[%dma_wait3A_1041] : memref<8x!tpu.dma_semaphore, #tpu.memory_space<semaphore_mem>> -> memref<1x!tpu.dma_semaphore, #tpu.memory_space<semaphore_mem>>
      %dma_wait3A_1050 = tpu.memref_squeeze %dma_wait3A_1049 : memref<1x!tpu.dma_semaphore, #tpu.memory_space<semaphore_mem>> -> memref<!tpu.dma_semaphore, #tpu.memory_space<semaphore_mem>>
      %dma_wait3A_1051 = arith.constant 0 : i32
      %dma_wait3A_1052 = arith.constant 0 : i32
      %dma_wait3A_1053 = tpu.memref_slice %arg6[%dma_wait3A_1040, %dma_wait3A_1051, %dma_wait3A_1052] : memref<8x64x128xf32, #tpu.memory_space<vmem>> -> memref<1x64x128xf32, #tpu.memory_space<vmem>>
      %dma_wait3A_1054 = tpu.memref_squeeze %dma_wait3A_1053 : memref<1x64x128xf32, #tpu.memory_space<vmem>> -> memref<64x128xf32, #tpu.memory_space<vmem>>
      %dma_wait3A_1055 = arith.constant 0 : i32
      %dma_wait3A_1056 = arith.constant 0 : i32
      %dma_wait3A_1057 = tpu.memref_slice %arg3[%dma_wait3A_1055, %dma_wait3A_1056] : memref<64x1000000xf32, #tpu.memory_space<hbm>> -> memref<64x128xf32, #tpu.memory_space<hbm>>
      tpu.wait_dma2 semaphore(%dma_wait3A_1050 : memref<!tpu.dma_semaphore, #tpu.memory_space<semaphore_mem>>) src(%dma_wait3A_1057 : memref<64x128xf32, #tpu.memory_space<hbm>>) dst(%dma_wait3A_1054 : memref<64x128xf32, #tpu.memory_space<vmem>>)
      %and3A_1058 = arith.constant 127 : i32
      %and3A_1059 = arith.andi %squeeze3A_1039, %and3A_1058 : i32
      %broadcast_in_dim3A_1060 = vector.broadcast %and3A_1059 : i32 to vector<16xi32>
      %broadcast_in_dim3A_1061 = arith.constant 6 : i32
      %broadcast_in_dim3A_1062 = vector.broadcast %broadcast_in_dim3A_1061 : i32 to vector<16xi32>
      %add3A_1063 = arith.constant 0 : i32
      %add3A_1064 = vector.broadcast %add3A_1063 : i32 to vector<16xi32>
      %add3A_1065 = arith.addi %iota3A, %add3A_1064 : vector<16xi32>
      %gather3A_1066 = tpu.vector_load_idx %arg6[%broadcast_in_dim3A_1062, %add3A_1065, %broadcast_in_dim3A_1060] : memref<8x64x128xf32, #tpu.memory_space<vmem>>[vector<16xi32>, vector<16xi32>, vector<16xi32>], vector<16xf32>,
      %add3A_1067 = arith.constant 16 : i32
      %add3A_1068 = vector.broadcast %add3A_1067 : i32 to vector<16xi32>
      %add3A_1069 = arith.addi %iota3A, %add3A_1068 : vector<16xi32>
      %gather3A_1070 = tpu.vector_load_idx %arg6[%broadcast_in_dim3A_1062, %add3A_1069, %broadcast_in_dim3A_1060] : memref<8x64x128xf32, #tpu.memory_space<vmem>>[vector<16xi32>, vector<16xi32>, vector<16xi32>], vector<16xf32>,
      %add3A_1071 = arith.constant 32 : i32
      %add3A_1072 = vector.broadcast %add3A_1071 : i32 to vector<16xi32>
      %add3A_1073 = arith.addi %iota3A, %add3A_1072 : vector<16xi32>
      %gather3A_1074 = tpu.vector_load_idx %arg6[%broadcast_in_dim3A_1062, %add3A_1073, %broadcast_in_dim3A_1060] : memref<8x64x128xf32, #tpu.memory_space<vmem>>[vector<16xi32>, vector<16xi32>, vector<16xi32>], vector<16xf32>,
      %add3A_1075 = arith.constant 48 : i32
      %add3A_1076 = vector.broadcast %add3A_1075 : i32 to vector<16xi32>
      %add3A_1077 = arith.addi %iota3A, %add3A_1076 : vector<16xi32>
      %gather3A_1078 = tpu.vector_load_idx %arg6[%broadcast_in_dim3A_1062, %add3A_1077, %broadcast_in_dim3A_1060] : memref<8x64x128xf32, #tpu.memory_space<vmem>>[vector<16xi32>, vector<16xi32>, vector<16xi32>], vector<16xf32>,
      %slice3A_1079 = vector.extract_strided_slice %get3A_228 {offsets = [14], sizes = [1], strides = [1]} : vector<16xi32> to vector<1xi32>
      %squeeze3A_1080 = vector.extract %slice3A_1079[0] : i32 from vector<1xi32>
      %shift_right_arithmetic3A_1081 = arith.constant 7 : i32
      %shift_right_arithmetic3A_1082 = arith.shrsi %squeeze3A_1080, %shift_right_arithmetic3A_1081 : i32
      %mul3A_1083 = arith.constant 128 : i32
      %mul3A_1084 = arith.muli %shift_right_arithmetic3A_1082, %mul3A_1083 : i32
      %multiple_of3A_1085 = tpu.assume_multiple %mul3A_1084, 128 : i32
      %dma_start3A_1086 = arith.constant 6 : i32
      %dma_start3A_1087 = arith.constant 6 : i32
      %dma_start3A_1088 = arith.constant 0 : i32
      %dma_start3A_1089 = arith.constant 0 : i32
      %dma_start3A_1090 = tpu.memref_slice %arg6[%dma_start3A_1086, %dma_start3A_1088, %dma_start3A_1089] : memref<8x64x128xf32, #tpu.memory_space<vmem>> -> memref<1x64x128xf32, #tpu.memory_space<vmem>>
      %dma_start3A_1091 = tpu.memref_squeeze %dma_start3A_1090 : memref<1x64x128xf32, #tpu.memory_space<vmem>> -> memref<64x128xf32, #tpu.memory_space<vmem>>
      %dma_start3A_1092 = arith.constant 0 : i32
      %dma_start3A_1093 = tpu.memref_slice %arg3[%dma_start3A_1092, %multiple_of3A_1085] : memref<64x1000000xf32, #tpu.memory_space<hbm>> -> memref<64x128xf32, #tpu.memory_space<hbm>>
      %dma_start3A_1094 = tpu.memref_slice %arg8[%dma_start3A_1087] : memref<8x!tpu.dma_semaphore, #tpu.memory_space<semaphore_mem>> -> memref<1x!tpu.dma_semaphore, #tpu.memory_space<semaphore_mem>>
      %dma_start3A_1095 = tpu.memref_squeeze %dma_start3A_1094 : memref<1x!tpu.dma_semaphore, #tpu.memory_space<semaphore_mem>> -> memref<!tpu.dma_semaphore, #tpu.memory_space<semaphore_mem>>
      %dma_start3A_1096 = arith.constant 0 : i32
      %dma_start3A_1097 = arith.constant 0 : i32
      %dma_start3A_1098 = tpu.memref_slice %arg6[%dma_start3A_1086, %dma_start3A_1096, %dma_start3A_1097] : memref<8x64x128xf32, #tpu.memory_space<vmem>> -> memref<1x64x128xf32, #tpu.memory_space<vmem>>
      %dma_start3A_1099 = tpu.memref_squeeze %dma_start3A_1098 : memref<1x64x128xf32, #tpu.memory_space<vmem>> -> memref<64x128xf32, #tpu.memory_space<vmem>>
      %dma_start3A_1100 = arith.constant 0 : i32
      %dma_start3A_1101 = tpu.memref_slice %arg3[%dma_start3A_1100, %multiple_of3A_1085] : memref<64x1000000xf32, #tpu.memory_space<hbm>> -> memref<64x128xf32, #tpu.memory_space<hbm>>
      tpu.enqueue_dma source(%dma_start3A_1101 : memref<64x128xf32, #tpu.memory_space<hbm>>) target(%dma_start3A_1099 : memref<64x128xf32, #tpu.memory_space<vmem>>) target_semaphore(%dma_start3A_1095 : memref<!tpu.dma_semaphore, #tpu.memory_space<semaphore_mem>>)
      %mul3A_1102 = arith.mulf %gather3A_1066, %gather3A_1066 : vector<16xf32>
      %mul3A_1103 = arith.mulf %gather3A_1070, %gather3A_1070 : vector<16xf32>
      %add3A_1104 = arith.addf %mul3A_1102, %mul3A_1103 : vector<16xf32>
      %mul3A_1105 = arith.mulf %gather3A_1074, %gather3A_1074 : vector<16xf32>
      %add3A_1106 = arith.addf %add3A_1104, %mul3A_1105 : vector<16xf32>
      %mul3A_1107 = arith.mulf %gather3A_1078, %gather3A_1078 : vector<16xf32>
      %add3A_1108 = arith.addf %add3A_1106, %mul3A_1107 : vector<16xf32>
      %reduce_sum3A_1109 = arith.constant true
      %reduce_sum3A_1110 = vector.broadcast %reduce_sum3A_1109 : i1 to vector<16xi1>
      %reduce_sum3A_1111 = tpu.scan <sum>, %add3A_1108 masked %reduce_sum3A_1110 : vector<16xf32>, vector<16xi1> -> vector<16xf32>
      %reduce_sum3A_1112 = vector.extract %reduce_sum3A_1111[15] : f32 from vector<16xf32>
      %broadcast_in_dim3A_1113 = vector.broadcast %reduce_sum3A_1112 : f32 to vector<16xf32>
      %bitcast3A_1114 = vector.bitcast %broadcast_in_dim3A_1113 : vector<16xf32> to vector<16xi32>
      %shift_right_arithmetic3A_1115 = arith.constant 1 : i32
      %shift_right_arithmetic3A_1116 = vector.broadcast %shift_right_arithmetic3A_1115 : i32 to vector<16xi32>
      %shift_right_arithmetic3A_1117 = arith.shrsi %bitcast3A_1114, %shift_right_arithmetic3A_1116 : vector<16xi32>
      %sub3A_1118 = arith.constant 1597463007 : i32
      %sub3A_1119 = vector.broadcast %sub3A_1118 : i32 to vector<16xi32>
      %sub3A_1120 = arith.subi %sub3A_1119, %shift_right_arithmetic3A_1117 : vector<16xi32>
      %bitcast3A_1121 = vector.bitcast %sub3A_1120 : vector<16xi32> to vector<16xf32>
      %mul3A_1122 = arith.constant 5.000000e-01 : f32
      %mul3A_1123 = vector.broadcast %mul3A_1122 : f32 to vector<16xf32>
      %mul3A_1124 = arith.mulf %mul3A_1123, %broadcast_in_dim3A_1113 : vector<16xf32>
      %mul3A_1125 = arith.mulf %mul3A_1124, %bitcast3A_1121 : vector<16xf32>
      %mul3A_1126 = arith.mulf %mul3A_1125, %bitcast3A_1121 : vector<16xf32>
      %sub3A_1127 = arith.constant 1.500000e+00 : f32
      %sub3A_1128 = vector.broadcast %sub3A_1127 : f32 to vector<16xf32>
      %sub3A_1129 = arith.subf %sub3A_1128, %mul3A_1126 : vector<16xf32>
      %mul3A_1130 = arith.mulf %bitcast3A_1121, %sub3A_1129 : vector<16xf32>
      %mul3A_1131 = arith.constant 5.000000e-01 : f32
      %mul3A_1132 = vector.broadcast %mul3A_1131 : f32 to vector<16xf32>
      %mul3A_1133 = arith.mulf %mul3A_1132, %broadcast_in_dim3A_1113 : vector<16xf32>
      %mul3A_1134 = arith.mulf %mul3A_1133, %mul3A_1130 : vector<16xf32>
      %mul3A_1135 = arith.mulf %mul3A_1134, %mul3A_1130 : vector<16xf32>
      %sub3A_1136 = arith.constant 1.500000e+00 : f32
      %sub3A_1137 = vector.broadcast %sub3A_1136 : f32 to vector<16xf32>
      %sub3A_1138 = arith.subf %sub3A_1137, %mul3A_1135 : vector<16xf32>
      %mul3A_1139 = arith.mulf %mul3A_1130, %sub3A_1138 : vector<16xf32>
      %mul3A_1140 = arith.constant 5.000000e-01 : f32
      %mul3A_1141 = vector.broadcast %mul3A_1140 : f32 to vector<16xf32>
      %mul3A_1142 = arith.mulf %mul3A_1141, %broadcast_in_dim3A_1113 : vector<16xf32>
      %mul3A_1143 = arith.mulf %mul3A_1142, %mul3A_1139 : vector<16xf32>
      %mul3A_1144 = arith.mulf %mul3A_1143, %mul3A_1139 : vector<16xf32>
      %sub3A_1145 = arith.constant 1.500000e+00 : f32
      %sub3A_1146 = vector.broadcast %sub3A_1145 : f32 to vector<16xf32>
      %sub3A_1147 = arith.subf %sub3A_1146, %mul3A_1144 : vector<16xf32>
      %mul3A_1148 = arith.mulf %mul3A_1139, %sub3A_1147 : vector<16xf32>
      %min3A_1149 = arith.constant 1.000000e+00 : f32
      %min3A_1150 = vector.broadcast %min3A_1149 : f32 to vector<16xf32>
      %min3A_1151 = arith.minimumf %mul3A_1148, %min3A_1150 : vector<16xf32>
      %add3A_1152 = arith.constant 0 : i32
      %add3A_1153 = vector.broadcast %add3A_1152 : i32 to vector<16xi32>
      %add3A_1154 = arith.addi %iota3A, %add3A_1153 : vector<16xi32>
      %mul3A_1155 = arith.mulf %gather3A_1066, %min3A_1151 : vector<16xf32>
      tpu.vector_store_idx %arg7[%add3A_1154, %broadcast_in_dim3A_1037], %mul3A_1155 : memref<64x512xf32, #tpu.memory_space<vmem>>[vector<16xi32>, vector<16xi32>], vector<16xf32>,
      %add3A_1156 = arith.constant 16 : i32
      %add3A_1157 = vector.broadcast %add3A_1156 : i32 to vector<16xi32>
      %add3A_1158 = arith.addi %iota3A, %add3A_1157 : vector<16xi32>
      %mul3A_1159 = arith.mulf %gather3A_1070, %min3A_1151 : vector<16xf32>
      tpu.vector_store_idx %arg7[%add3A_1158, %broadcast_in_dim3A_1037], %mul3A_1159 : memref<64x512xf32, #tpu.memory_space<vmem>>[vector<16xi32>, vector<16xi32>], vector<16xf32>,
      %add3A_1160 = arith.constant 32 : i32
      %add3A_1161 = vector.broadcast %add3A_1160 : i32 to vector<16xi32>
      %add3A_1162 = arith.addi %iota3A, %add3A_1161 : vector<16xi32>
      %mul3A_1163 = arith.mulf %gather3A_1074, %min3A_1151 : vector<16xf32>
      tpu.vector_store_idx %arg7[%add3A_1162, %broadcast_in_dim3A_1037], %mul3A_1163 : memref<64x512xf32, #tpu.memory_space<vmem>>[vector<16xi32>, vector<16xi32>], vector<16xf32>,
      %add3A_1164 = arith.constant 48 : i32
      %add3A_1165 = vector.broadcast %add3A_1164 : i32 to vector<16xi32>
      %add3A_1166 = arith.addi %iota3A, %add3A_1165 : vector<16xi32>
      %mul3A_1167 = arith.mulf %gather3A_1078, %min3A_1151 : vector<16xf32>
      tpu.vector_store_idx %arg7[%add3A_1166, %broadcast_in_dim3A_1037], %mul3A_1167 : memref<64x512xf32, #tpu.memory_space<vmem>>[vector<16xi32>, vector<16xi32>], vector<16xf32>,
      %mul3A_1168 = arith.constant 16 : i32
      %mul3A_1169 = arith.muli %scan3A_223, %mul3A_1168 : i32
      %add3A_1170 = arith.constant 7 : i32
      %add3A_1171 = arith.addi %mul3A_1169, %add3A_1170 : i32
      %broadcast_in_dim3A_1172 = vector.broadcast %add3A_1171 : i32 to vector<16xi32>
      %slice3A_1173 = vector.extract_strided_slice %get3A_228 {offsets = [7], sizes = [1], strides = [1]} : vector<16xi32> to vector<1xi32>
      %squeeze3A_1174 = vector.extract %slice3A_1173[0] : i32 from vector<1xi32>
      %dma_wait3A_1175 = arith.constant 7 : i32
      %dma_wait3A_1176 = arith.constant 7 : i32
      %dma_wait3A_1177 = arith.constant 0 : i32
      %dma_wait3A_1178 = arith.constant 0 : i32
      %dma_wait3A_1179 = tpu.memref_slice %arg6[%dma_wait3A_1175, %dma_wait3A_1177, %dma_wait3A_1178] : memref<8x64x128xf32, #tpu.memory_space<vmem>> -> memref<1x64x128xf32, #tpu.memory_space<vmem>>
      %dma_wait3A_1180 = tpu.memref_squeeze %dma_wait3A_1179 : memref<1x64x128xf32, #tpu.memory_space<vmem>> -> memref<64x128xf32, #tpu.memory_space<vmem>>
      %dma_wait3A_1181 = arith.constant 0 : i32
      %dma_wait3A_1182 = arith.constant 0 : i32
      %dma_wait3A_1183 = tpu.memref_slice %arg3[%dma_wait3A_1181, %dma_wait3A_1182] : memref<64x1000000xf32, #tpu.memory_space<hbm>> -> memref<64x128xf32, #tpu.memory_space<hbm>>
      %dma_wait3A_1184 = tpu.memref_slice %arg8[%dma_wait3A_1176] : memref<8x!tpu.dma_semaphore, #tpu.memory_space<semaphore_mem>> -> memref<1x!tpu.dma_semaphore, #tpu.memory_space<semaphore_mem>>
      %dma_wait3A_1185 = tpu.memref_squeeze %dma_wait3A_1184 : memref<1x!tpu.dma_semaphore, #tpu.memory_space<semaphore_mem>> -> memref<!tpu.dma_semaphore, #tpu.memory_space<semaphore_mem>>
      %dma_wait3A_1186 = arith.constant 0 : i32
      %dma_wait3A_1187 = arith.constant 0 : i32
      %dma_wait3A_1188 = tpu.memref_slice %arg6[%dma_wait3A_1175, %dma_wait3A_1186, %dma_wait3A_1187] : memref<8x64x128xf32, #tpu.memory_space<vmem>> -> memref<1x64x128xf32, #tpu.memory_space<vmem>>
      %dma_wait3A_1189 = tpu.memref_squeeze %dma_wait3A_1188 : memref<1x64x128xf32, #tpu.memory_space<vmem>> -> memref<64x128xf32, #tpu.memory_space<vmem>>
      %dma_wait3A_1190 = arith.constant 0 : i32
      %dma_wait3A_1191 = arith.constant 0 : i32
      %dma_wait3A_1192 = tpu.memref_slice %arg3[%dma_wait3A_1190, %dma_wait3A_1191] : memref<64x1000000xf32, #tpu.memory_space<hbm>> -> memref<64x128xf32, #tpu.memory_space<hbm>>
      tpu.wait_dma2 semaphore(%dma_wait3A_1185 : memref<!tpu.dma_semaphore, #tpu.memory_space<semaphore_mem>>) src(%dma_wait3A_1192 : memref<64x128xf32, #tpu.memory_space<hbm>>) dst(%dma_wait3A_1189 : memref<64x128xf32, #tpu.memory_space<vmem>>)
      %and3A_1193 = arith.constant 127 : i32
      %and3A_1194 = arith.andi %squeeze3A_1174, %and3A_1193 : i32
      %broadcast_in_dim3A_1195 = vector.broadcast %and3A_1194 : i32 to vector<16xi32>
      %broadcast_in_dim3A_1196 = arith.constant 7 : i32
      %broadcast_in_dim3A_1197 = vector.broadcast %broadcast_in_dim3A_1196 : i32 to vector<16xi32>
      %add3A_1198 = arith.constant 0 : i32
      %add3A_1199 = vector.broadcast %add3A_1198 : i32 to vector<16xi32>
      %add3A_1200 = arith.addi %iota3A, %add3A_1199 : vector<16xi32>
      %gather3A_1201 = tpu.vector_load_idx %arg6[%broadcast_in_dim3A_1197, %add3A_1200, %broadcast_in_dim3A_1195] : memref<8x64x128xf32, #tpu.memory_space<vmem>>[vector<16xi32>, vector<16xi32>, vector<16xi32>], vector<16xf32>,
      %add3A_1202 = arith.constant 16 : i32
      %add3A_1203 = vector.broadcast %add3A_1202 : i32 to vector<16xi32>
      %add3A_1204 = arith.addi %iota3A, %add3A_1203 : vector<16xi32>
      %gather3A_1205 = tpu.vector_load_idx %arg6[%broadcast_in_dim3A_1197, %add3A_1204, %broadcast_in_dim3A_1195] : memref<8x64x128xf32, #tpu.memory_space<vmem>>[vector<16xi32>, vector<16xi32>, vector<16xi32>], vector<16xf32>,
      %add3A_1206 = arith.constant 32 : i32
      %add3A_1207 = vector.broadcast %add3A_1206 : i32 to vector<16xi32>
      %add3A_1208 = arith.addi %iota3A, %add3A_1207 : vector<16xi32>
      %gather3A_1209 = tpu.vector_load_idx %arg6[%broadcast_in_dim3A_1197, %add3A_1208, %broadcast_in_dim3A_1195] : memref<8x64x128xf32, #tpu.memory_space<vmem>>[vector<16xi32>, vector<16xi32>, vector<16xi32>], vector<16xf32>,
      %add3A_1210 = arith.constant 48 : i32
      %add3A_1211 = vector.broadcast %add3A_1210 : i32 to vector<16xi32>
      %add3A_1212 = arith.addi %iota3A, %add3A_1211 : vector<16xi32>
      %gather3A_1213 = tpu.vector_load_idx %arg6[%broadcast_in_dim3A_1197, %add3A_1212, %broadcast_in_dim3A_1195] : memref<8x64x128xf32, #tpu.memory_space<vmem>>[vector<16xi32>, vector<16xi32>, vector<16xi32>], vector<16xf32>,
      %slice3A_1214 = vector.extract_strided_slice %get3A_228 {offsets = [15], sizes = [1], strides = [1]} : vector<16xi32> to vector<1xi32>
      %squeeze3A_1215 = vector.extract %slice3A_1214[0] : i32 from vector<1xi32>
      %shift_right_arithmetic3A_1216 = arith.constant 7 : i32
      %shift_right_arithmetic3A_1217 = arith.shrsi %squeeze3A_1215, %shift_right_arithmetic3A_1216 : i32
      %mul3A_1218 = arith.constant 128 : i32
      %mul3A_1219 = arith.muli %shift_right_arithmetic3A_1217, %mul3A_1218 : i32
      %multiple_of3A_1220 = tpu.assume_multiple %mul3A_1219, 128 : i32
      %dma_start3A_1221 = arith.constant 7 : i32
      %dma_start3A_1222 = arith.constant 7 : i32
      %dma_start3A_1223 = arith.constant 0 : i32
      %dma_start3A_1224 = arith.constant 0 : i32
      %dma_start3A_1225 = tpu.memref_slice %arg6[%dma_start3A_1221, %dma_start3A_1223, %dma_start3A_1224] : memref<8x64x128xf32, #tpu.memory_space<vmem>> -> memref<1x64x128xf32, #tpu.memory_space<vmem>>
      %dma_start3A_1226 = tpu.memref_squeeze %dma_start3A_1225 : memref<1x64x128xf32, #tpu.memory_space<vmem>> -> memref<64x128xf32, #tpu.memory_space<vmem>>
      %dma_start3A_1227 = arith.constant 0 : i32
      %dma_start3A_1228 = tpu.memref_slice %arg3[%dma_start3A_1227, %multiple_of3A_1220] : memref<64x1000000xf32, #tpu.memory_space<hbm>> -> memref<64x128xf32, #tpu.memory_space<hbm>>
      %dma_start3A_1229 = tpu.memref_slice %arg8[%dma_start3A_1222] : memref<8x!tpu.dma_semaphore, #tpu.memory_space<semaphore_mem>> -> memref<1x!tpu.dma_semaphore, #tpu.memory_space<semaphore_mem>>
      %dma_start3A_1230 = tpu.memref_squeeze %dma_start3A_1229 : memref<1x!tpu.dma_semaphore, #tpu.memory_space<semaphore_mem>> -> memref<!tpu.dma_semaphore, #tpu.memory_space<semaphore_mem>>
      %dma_start3A_1231 = arith.constant 0 : i32
      %dma_start3A_1232 = arith.constant 0 : i32
      %dma_start3A_1233 = tpu.memref_slice %arg6[%dma_start3A_1221, %dma_start3A_1231, %dma_start3A_1232] : memref<8x64x128xf32, #tpu.memory_space<vmem>> -> memref<1x64x128xf32, #tpu.memory_space<vmem>>
      %dma_start3A_1234 = tpu.memref_squeeze %dma_start3A_1233 : memref<1x64x128xf32, #tpu.memory_space<vmem>> -> memref<64x128xf32, #tpu.memory_space<vmem>>
      %dma_start3A_1235 = arith.constant 0 : i32
      %dma_start3A_1236 = tpu.memref_slice %arg3[%dma_start3A_1235, %multiple_of3A_1220] : memref<64x1000000xf32, #tpu.memory_space<hbm>> -> memref<64x128xf32, #tpu.memory_space<hbm>>
      tpu.enqueue_dma source(%dma_start3A_1236 : memref<64x128xf32, #tpu.memory_space<hbm>>) target(%dma_start3A_1234 : memref<64x128xf32, #tpu.memory_space<vmem>>) target_semaphore(%dma_start3A_1230 : memref<!tpu.dma_semaphore, #tpu.memory_space<semaphore_mem>>)
      %mul3A_1237 = arith.mulf %gather3A_1201, %gather3A_1201 : vector<16xf32>
      %mul3A_1238 = arith.mulf %gather3A_1205, %gather3A_1205 : vector<16xf32>
      %add3A_1239 = arith.addf %mul3A_1237, %mul3A_1238 : vector<16xf32>
      %mul3A_1240 = arith.mulf %gather3A_1209, %gather3A_1209 : vector<16xf32>
      %add3A_1241 = arith.addf %add3A_1239, %mul3A_1240 : vector<16xf32>
      %mul3A_1242 = arith.mulf %gather3A_1213, %gather3A_1213 : vector<16xf32>
      %add3A_1243 = arith.addf %add3A_1241, %mul3A_1242 : vector<16xf32>
      %reduce_sum3A_1244 = arith.constant true
      %reduce_sum3A_1245 = vector.broadcast %reduce_sum3A_1244 : i1 to vector<16xi1>
      %reduce_sum3A_1246 = tpu.scan <sum>, %add3A_1243 masked %reduce_sum3A_1245 : vector<16xf32>, vector<16xi1> -> vector<16xf32>
      %reduce_sum3A_1247 = vector.extract %reduce_sum3A_1246[15] : f32 from vector<16xf32>
      %broadcast_in_dim3A_1248 = vector.broadcast %reduce_sum3A_1247 : f32 to vector<16xf32>
      %bitcast3A_1249 = vector.bitcast %broadcast_in_dim3A_1248 : vector<16xf32> to vector<16xi32>
      %shift_right_arithmetic3A_1250 = arith.constant 1 : i32
      %shift_right_arithmetic3A_1251 = vector.broadcast %shift_right_arithmetic3A_1250 : i32 to vector<16xi32>
      %shift_right_arithmetic3A_1252 = arith.shrsi %bitcast3A_1249, %shift_right_arithmetic3A_1251 : vector<16xi32>
      %sub3A_1253 = arith.constant 1597463007 : i32
      %sub3A_1254 = vector.broadcast %sub3A_1253 : i32 to vector<16xi32>
      %sub3A_1255 = arith.subi %sub3A_1254, %shift_right_arithmetic3A_1252 : vector<16xi32>
      %bitcast3A_1256 = vector.bitcast %sub3A_1255 : vector<16xi32> to vector<16xf32>
      %mul3A_1257 = arith.constant 5.000000e-01 : f32
      %mul3A_1258 = vector.broadcast %mul3A_1257 : f32 to vector<16xf32>
      %mul3A_1259 = arith.mulf %mul3A_1258, %broadcast_in_dim3A_1248 : vector<16xf32>
      %mul3A_1260 = arith.mulf %mul3A_1259, %bitcast3A_1256 : vector<16xf32>
      %mul3A_1261 = arith.mulf %mul3A_1260, %bitcast3A_1256 : vector<16xf32>
      %sub3A_1262 = arith.constant 1.500000e+00 : f32
      %sub3A_1263 = vector.broadcast %sub3A_1262 : f32 to vector<16xf32>
      %sub3A_1264 = arith.subf %sub3A_1263, %mul3A_1261 : vector<16xf32>
      %mul3A_1265 = arith.mulf %bitcast3A_1256, %sub3A_1264 : vector<16xf32>
      %mul3A_1266 = arith.constant 5.000000e-01 : f32
      %mul3A_1267 = vector.broadcast %mul3A_1266 : f32 to vector<16xf32>
      %mul3A_1268 = arith.mulf %mul3A_1267, %broadcast_in_dim3A_1248 : vector<16xf32>
      %mul3A_1269 = arith.mulf %mul3A_1268, %mul3A_1265 : vector<16xf32>
      %mul3A_1270 = arith.mulf %mul3A_1269, %mul3A_1265 : vector<16xf32>
      %sub3A_1271 = arith.constant 1.500000e+00 : f32
      %sub3A_1272 = vector.broadcast %sub3A_1271 : f32 to vector<16xf32>
      %sub3A_1273 = arith.subf %sub3A_1272, %mul3A_1270 : vector<16xf32>
      %mul3A_1274 = arith.mulf %mul3A_1265, %sub3A_1273 : vector<16xf32>
      %mul3A_1275 = arith.constant 5.000000e-01 : f32
      %mul3A_1276 = vector.broadcast %mul3A_1275 : f32 to vector<16xf32>
      %mul3A_1277 = arith.mulf %mul3A_1276, %broadcast_in_dim3A_1248 : vector<16xf32>
      %mul3A_1278 = arith.mulf %mul3A_1277, %mul3A_1274 : vector<16xf32>
      %mul3A_1279 = arith.mulf %mul3A_1278, %mul3A_1274 : vector<16xf32>
      %sub3A_1280 = arith.constant 1.500000e+00 : f32
      %sub3A_1281 = vector.broadcast %sub3A_1280 : f32 to vector<16xf32>
      %sub3A_1282 = arith.subf %sub3A_1281, %mul3A_1279 : vector<16xf32>
      %mul3A_1283 = arith.mulf %mul3A_1274, %sub3A_1282 : vector<16xf32>
      %min3A_1284 = arith.constant 1.000000e+00 : f32
      %min3A_1285 = vector.broadcast %min3A_1284 : f32 to vector<16xf32>
      %min3A_1286 = arith.minimumf %mul3A_1283, %min3A_1285 : vector<16xf32>
      %add3A_1287 = arith.constant 0 : i32
      %add3A_1288 = vector.broadcast %add3A_1287 : i32 to vector<16xi32>
      %add3A_1289 = arith.addi %iota3A, %add3A_1288 : vector<16xi32>
      %mul3A_1290 = arith.mulf %gather3A_1201, %min3A_1286 : vector<16xf32>
      tpu.vector_store_idx %arg7[%add3A_1289, %broadcast_in_dim3A_1172], %mul3A_1290 : memref<64x512xf32, #tpu.memory_space<vmem>>[vector<16xi32>, vector<16xi32>], vector<16xf32>,
      %add3A_1291 = arith.constant 16 : i32
      %add3A_1292 = vector.broadcast %add3A_1291 : i32 to vector<16xi32>
      %add3A_1293 = arith.addi %iota3A, %add3A_1292 : vector<16xi32>
      %mul3A_1294 = arith.mulf %gather3A_1205, %min3A_1286 : vector<16xf32>
      tpu.vector_store_idx %arg7[%add3A_1293, %broadcast_in_dim3A_1172], %mul3A_1294 : memref<64x512xf32, #tpu.memory_space<vmem>>[vector<16xi32>, vector<16xi32>], vector<16xf32>,
      %add3A_1295 = arith.constant 32 : i32
      %add3A_1296 = vector.broadcast %add3A_1295 : i32 to vector<16xi32>
      %add3A_1297 = arith.addi %iota3A, %add3A_1296 : vector<16xi32>
      %mul3A_1298 = arith.mulf %gather3A_1209, %min3A_1286 : vector<16xf32>
      tpu.vector_store_idx %arg7[%add3A_1297, %broadcast_in_dim3A_1172], %mul3A_1298 : memref<64x512xf32, #tpu.memory_space<vmem>>[vector<16xi32>, vector<16xi32>], vector<16xf32>,
      %add3A_1299 = arith.constant 48 : i32
      %add3A_1300 = vector.broadcast %add3A_1299 : i32 to vector<16xi32>
      %add3A_1301 = arith.addi %iota3A, %add3A_1300 : vector<16xi32>
      %mul3A_1302 = arith.mulf %gather3A_1213, %min3A_1286 : vector<16xf32>
      tpu.vector_store_idx %arg7[%add3A_1301, %broadcast_in_dim3A_1172], %mul3A_1302 : memref<64x512xf32, #tpu.memory_space<vmem>>[vector<16xi32>, vector<16xi32>], vector<16xf32>,
      %mul3A_1303 = arith.constant 16 : i32
      %mul3A_1304 = arith.muli %scan3A_223, %mul3A_1303 : i32
      %add3A_1305 = arith.constant 8 : i32
      %add3A_1306 = arith.addi %mul3A_1304, %add3A_1305 : i32
      %broadcast_in_dim3A_1307 = vector.broadcast %add3A_1306 : i32 to vector<16xi32>
      %slice3A_1308 = vector.extract_strided_slice %get3A_228 {offsets = [8], sizes = [1], strides = [1]} : vector<16xi32> to vector<1xi32>
      %squeeze3A_1309 = vector.extract %slice3A_1308[0] : i32 from vector<1xi32>
      %dma_wait3A_1310 = arith.constant 0 : i32
      %dma_wait3A_1311 = arith.constant 0 : i32
      %dma_wait3A_1312 = arith.constant 0 : i32
      %dma_wait3A_1313 = arith.constant 0 : i32
      %dma_wait3A_1314 = tpu.memref_slice %arg6[%dma_wait3A_1310, %dma_wait3A_1312, %dma_wait3A_1313] : memref<8x64x128xf32, #tpu.memory_space<vmem>> -> memref<1x64x128xf32, #tpu.memory_space<vmem>>
      %dma_wait3A_1315 = tpu.memref_squeeze %dma_wait3A_1314 : memref<1x64x128xf32, #tpu.memory_space<vmem>> -> memref<64x128xf32, #tpu.memory_space<vmem>>
      %dma_wait3A_1316 = arith.constant 0 : i32
      %dma_wait3A_1317 = arith.constant 0 : i32
      %dma_wait3A_1318 = tpu.memref_slice %arg3[%dma_wait3A_1316, %dma_wait3A_1317] : memref<64x1000000xf32, #tpu.memory_space<hbm>> -> memref<64x128xf32, #tpu.memory_space<hbm>>
      %dma_wait3A_1319 = tpu.memref_slice %arg8[%dma_wait3A_1311] : memref<8x!tpu.dma_semaphore, #tpu.memory_space<semaphore_mem>> -> memref<1x!tpu.dma_semaphore, #tpu.memory_space<semaphore_mem>>
      %dma_wait3A_1320 = tpu.memref_squeeze %dma_wait3A_1319 : memref<1x!tpu.dma_semaphore, #tpu.memory_space<semaphore_mem>> -> memref<!tpu.dma_semaphore, #tpu.memory_space<semaphore_mem>>
      %dma_wait3A_1321 = arith.constant 0 : i32
      %dma_wait3A_1322 = arith.constant 0 : i32
      %dma_wait3A_1323 = tpu.memref_slice %arg6[%dma_wait3A_1310, %dma_wait3A_1321, %dma_wait3A_1322] : memref<8x64x128xf32, #tpu.memory_space<vmem>> -> memref<1x64x128xf32, #tpu.memory_space<vmem>>
      %dma_wait3A_1324 = tpu.memref_squeeze %dma_wait3A_1323 : memref<1x64x128xf32, #tpu.memory_space<vmem>> -> memref<64x128xf32, #tpu.memory_space<vmem>>
      %dma_wait3A_1325 = arith.constant 0 : i32
      %dma_wait3A_1326 = arith.constant 0 : i32
      %dma_wait3A_1327 = tpu.memref_slice %arg3[%dma_wait3A_1325, %dma_wait3A_1326] : memref<64x1000000xf32, #tpu.memory_space<hbm>> -> memref<64x128xf32, #tpu.memory_space<hbm>>
      tpu.wait_dma2 semaphore(%dma_wait3A_1320 : memref<!tpu.dma_semaphore, #tpu.memory_space<semaphore_mem>>) src(%dma_wait3A_1327 : memref<64x128xf32, #tpu.memory_space<hbm>>) dst(%dma_wait3A_1324 : memref<64x128xf32, #tpu.memory_space<vmem>>)
      %and3A_1328 = arith.constant 127 : i32
      %and3A_1329 = arith.andi %squeeze3A_1309, %and3A_1328 : i32
      %broadcast_in_dim3A_1330 = vector.broadcast %and3A_1329 : i32 to vector<16xi32>
      %broadcast_in_dim3A_1331 = arith.constant 0 : i32
      %broadcast_in_dim3A_1332 = vector.broadcast %broadcast_in_dim3A_1331 : i32 to vector<16xi32>
      %add3A_1333 = arith.constant 0 : i32
      %add3A_1334 = vector.broadcast %add3A_1333 : i32 to vector<16xi32>
      %add3A_1335 = arith.addi %iota3A, %add3A_1334 : vector<16xi32>
      %gather3A_1336 = tpu.vector_load_idx %arg6[%broadcast_in_dim3A_1332, %add3A_1335, %broadcast_in_dim3A_1330] : memref<8x64x128xf32, #tpu.memory_space<vmem>>[vector<16xi32>, vector<16xi32>, vector<16xi32>], vector<16xf32>,
      %add3A_1337 = arith.constant 16 : i32
      %add3A_1338 = vector.broadcast %add3A_1337 : i32 to vector<16xi32>
      %add3A_1339 = arith.addi %iota3A, %add3A_1338 : vector<16xi32>
      %gather3A_1340 = tpu.vector_load_idx %arg6[%broadcast_in_dim3A_1332, %add3A_1339, %broadcast_in_dim3A_1330] : memref<8x64x128xf32, #tpu.memory_space<vmem>>[vector<16xi32>, vector<16xi32>, vector<16xi32>], vector<16xf32>,
      %add3A_1341 = arith.constant 32 : i32
      %add3A_1342 = vector.broadcast %add3A_1341 : i32 to vector<16xi32>
      %add3A_1343 = arith.addi %iota3A, %add3A_1342 : vector<16xi32>
      %gather3A_1344 = tpu.vector_load_idx %arg6[%broadcast_in_dim3A_1332, %add3A_1343, %broadcast_in_dim3A_1330] : memref<8x64x128xf32, #tpu.memory_space<vmem>>[vector<16xi32>, vector<16xi32>, vector<16xi32>], vector<16xf32>,
      %add3A_1345 = arith.constant 48 : i32
      %add3A_1346 = vector.broadcast %add3A_1345 : i32 to vector<16xi32>
      %add3A_1347 = arith.addi %iota3A, %add3A_1346 : vector<16xi32>
      %gather3A_1348 = tpu.vector_load_idx %arg6[%broadcast_in_dim3A_1332, %add3A_1347, %broadcast_in_dim3A_1330] : memref<8x64x128xf32, #tpu.memory_space<vmem>>[vector<16xi32>, vector<16xi32>, vector<16xi32>], vector<16xf32>,
      %lt3A_1349 = arith.constant 31 : i32
      %lt3A_1350 = arith.cmpi slt, %scan3A_223, %lt3A_1349 : i32
      %convert_element_type3A = arith.extui %lt3A_1350 : i1 to i32
      %cond3A = arith.constant 0 : i32
      %cond3A_1351 = arith.cmpi ne, %convert_element_type3A, %cond3A : i32
      scf.if %cond3A_1351 {
        %mul3A_2237 = arith.constant 16 : i32
        %mul3A_2238 = arith.muli %scan3A_223, %mul3A_2237 : i32
        %add3A_2239 = arith.addi %mul3A_34, %mul3A_2238 : i32
        %add3A_2240 = arith.constant 16 : i32
        %add3A_2241 = arith.addi %add3A_2239, %add3A_2240 : i32
        %get3A_2242 = arith.index_cast %add3A_2241 : i32 to index
        %get3A_2243 = tpu.vector_load %arg5[%get3A_2242] {strides = array<i32>} : memref<1024xi32, #tpu.memory_space<vmem>>, vector<16xi32>,
        %slice3A_2244 = vector.extract_strided_slice %get3A_2243 {offsets = [0], sizes = [1], strides = [1]} : vector<16xi32> to vector<1xi32>
        %squeeze3A_2245 = vector.extract %slice3A_2244[0] : i32 from vector<1xi32>
        %shift_right_arithmetic3A_2246 = arith.constant 7 : i32
        %shift_right_arithmetic3A_2247 = arith.shrsi %squeeze3A_2245, %shift_right_arithmetic3A_2246 : i32
        %mul3A_2248 = arith.constant 128 : i32
        %mul3A_2249 = arith.muli %shift_right_arithmetic3A_2247, %mul3A_2248 : i32
        %multiple_of3A_2250 = tpu.assume_multiple %mul3A_2249, 128 : i32
        %dma_start3A_2251 = arith.constant 0 : i32
        %dma_start3A_2252 = arith.constant 0 : i32
        %dma_start3A_2253 = arith.constant 0 : i32
        %dma_start3A_2254 = arith.constant 0 : i32
        %dma_start3A_2255 = tpu.memref_slice %arg6[%dma_start3A_2251, %dma_start3A_2253, %dma_start3A_2254] : memref<8x64x128xf32, #tpu.memory_space<vmem>> -> memref<1x64x128xf32, #tpu.memory_space<vmem>>
        %dma_start3A_2256 = tpu.memref_squeeze %dma_start3A_2255 : memref<1x64x128xf32, #tpu.memory_space<vmem>> -> memref<64x128xf32, #tpu.memory_space<vmem>>
        %dma_start3A_2257 = arith.constant 0 : i32
        %dma_start3A_2258 = tpu.memref_slice %arg3[%dma_start3A_2257, %multiple_of3A_2250] : memref<64x1000000xf32, #tpu.memory_space<hbm>> -> memref<64x128xf32, #tpu.memory_space<hbm>>
        %dma_start3A_2259 = tpu.memref_slice %arg8[%dma_start3A_2252] : memref<8x!tpu.dma_semaphore, #tpu.memory_space<semaphore_mem>> -> memref<1x!tpu.dma_semaphore, #tpu.memory_space<semaphore_mem>>
        %dma_start3A_2260 = tpu.memref_squeeze %dma_start3A_2259 : memref<1x!tpu.dma_semaphore, #tpu.memory_space<semaphore_mem>> -> memref<!tpu.dma_semaphore, #tpu.memory_space<semaphore_mem>>
        %dma_start3A_2261 = arith.constant 0 : i32
        %dma_start3A_2262 = arith.constant 0 : i32
        %dma_start3A_2263 = tpu.memref_slice %arg6[%dma_start3A_2251, %dma_start3A_2261, %dma_start3A_2262] : memref<8x64x128xf32, #tpu.memory_space<vmem>> -> memref<1x64x128xf32, #tpu.memory_space<vmem>>
        %dma_start3A_2264 = tpu.memref_squeeze %dma_start3A_2263 : memref<1x64x128xf32, #tpu.memory_space<vmem>> -> memref<64x128xf32, #tpu.memory_space<vmem>>
        %dma_start3A_2265 = arith.constant 0 : i32
        %dma_start3A_2266 = tpu.memref_slice %arg3[%dma_start3A_2265, %multiple_of3A_2250] : memref<64x1000000xf32, #tpu.memory_space<hbm>> -> memref<64x128xf32, #tpu.memory_space<hbm>>
        tpu.enqueue_dma source(%dma_start3A_2266 : memref<64x128xf32, #tpu.memory_space<hbm>>) target(%dma_start3A_2264 : memref<64x128xf32, #tpu.memory_space<vmem>>) target_semaphore(%dma_start3A_2260 : memref<!tpu.dma_semaphore, #tpu.memory_space<semaphore_mem>>)
      } else {
      }
      %mul3A_1352 = arith.mulf %gather3A_1336, %gather3A_1336 : vector<16xf32>
      %mul3A_1353 = arith.mulf %gather3A_1340, %gather3A_1340 : vector<16xf32>
      %add3A_1354 = arith.addf %mul3A_1352, %mul3A_1353 : vector<16xf32>
      %mul3A_1355 = arith.mulf %gather3A_1344, %gather3A_1344 : vector<16xf32>
      %add3A_1356 = arith.addf %add3A_1354, %mul3A_1355 : vector<16xf32>
      %mul3A_1357 = arith.mulf %gather3A_1348, %gather3A_1348 : vector<16xf32>
      %add3A_1358 = arith.addf %add3A_1356, %mul3A_1357 : vector<16xf32>
      %reduce_sum3A_1359 = arith.constant true
      %reduce_sum3A_1360 = vector.broadcast %reduce_sum3A_1359 : i1 to vector<16xi1>
      %reduce_sum3A_1361 = tpu.scan <sum>, %add3A_1358 masked %reduce_sum3A_1360 : vector<16xf32>, vector<16xi1> -> vector<16xf32>
      %reduce_sum3A_1362 = vector.extract %reduce_sum3A_1361[15] : f32 from vector<16xf32>
      %broadcast_in_dim3A_1363 = vector.broadcast %reduce_sum3A_1362 : f32 to vector<16xf32>
      %bitcast3A_1364 = vector.bitcast %broadcast_in_dim3A_1363 : vector<16xf32> to vector<16xi32>
      %shift_right_arithmetic3A_1365 = arith.constant 1 : i32
      %shift_right_arithmetic3A_1366 = vector.broadcast %shift_right_arithmetic3A_1365 : i32 to vector<16xi32>
      %shift_right_arithmetic3A_1367 = arith.shrsi %bitcast3A_1364, %shift_right_arithmetic3A_1366 : vector<16xi32>
      %sub3A_1368 = arith.constant 1597463007 : i32
      %sub3A_1369 = vector.broadcast %sub3A_1368 : i32 to vector<16xi32>
      %sub3A_1370 = arith.subi %sub3A_1369, %shift_right_arithmetic3A_1367 : vector<16xi32>
      %bitcast3A_1371 = vector.bitcast %sub3A_1370 : vector<16xi32> to vector<16xf32>
      %mul3A_1372 = arith.constant 5.000000e-01 : f32
      %mul3A_1373 = vector.broadcast %mul3A_1372 : f32 to vector<16xf32>
      %mul3A_1374 = arith.mulf %mul3A_1373, %broadcast_in_dim3A_1363 : vector<16xf32>
      %mul3A_1375 = arith.mulf %mul3A_1374, %bitcast3A_1371 : vector<16xf32>
      %mul3A_1376 = arith.mulf %mul3A_1375, %bitcast3A_1371 : vector<16xf32>
      %sub3A_1377 = arith.constant 1.500000e+00 : f32
      %sub3A_1378 = vector.broadcast %sub3A_1377 : f32 to vector<16xf32>
      %sub3A_1379 = arith.subf %sub3A_1378, %mul3A_1376 : vector<16xf32>
      %mul3A_1380 = arith.mulf %bitcast3A_1371, %sub3A_1379 : vector<16xf32>
      %mul3A_1381 = arith.constant 5.000000e-01 : f32
      %mul3A_1382 = vector.broadcast %mul3A_1381 : f32 to vector<16xf32>
      %mul3A_1383 = arith.mulf %mul3A_1382, %broadcast_in_dim3A_1363 : vector<16xf32>
      %mul3A_1384 = arith.mulf %mul3A_1383, %mul3A_1380 : vector<16xf32>
      %mul3A_1385 = arith.mulf %mul3A_1384, %mul3A_1380 : vector<16xf32>
      %sub3A_1386 = arith.constant 1.500000e+00 : f32
      %sub3A_1387 = vector.broadcast %sub3A_1386 : f32 to vector<16xf32>
      %sub3A_1388 = arith.subf %sub3A_1387, %mul3A_1385 : vector<16xf32>
      %mul3A_1389 = arith.mulf %mul3A_1380, %sub3A_1388 : vector<16xf32>
      %mul3A_1390 = arith.constant 5.000000e-01 : f32
      %mul3A_1391 = vector.broadcast %mul3A_1390 : f32 to vector<16xf32>
      %mul3A_1392 = arith.mulf %mul3A_1391, %broadcast_in_dim3A_1363 : vector<16xf32>
      %mul3A_1393 = arith.mulf %mul3A_1392, %mul3A_1389 : vector<16xf32>
      %mul3A_1394 = arith.mulf %mul3A_1393, %mul3A_1389 : vector<16xf32>
      %sub3A_1395 = arith.constant 1.500000e+00 : f32
      %sub3A_1396 = vector.broadcast %sub3A_1395 : f32 to vector<16xf32>
      %sub3A_1397 = arith.subf %sub3A_1396, %mul3A_1394 : vector<16xf32>
      %mul3A_1398 = arith.mulf %mul3A_1389, %sub3A_1397 : vector<16xf32>
      %min3A_1399 = arith.constant 1.000000e+00 : f32
      %min3A_1400 = vector.broadcast %min3A_1399 : f32 to vector<16xf32>
      %min3A_1401 = arith.minimumf %mul3A_1398, %min3A_1400 : vector<16xf32>
      %add3A_1402 = arith.constant 0 : i32
      %add3A_1403 = vector.broadcast %add3A_1402 : i32 to vector<16xi32>
      %add3A_1404 = arith.addi %iota3A, %add3A_1403 : vector<16xi32>
      %mul3A_1405 = arith.mulf %gather3A_1336, %min3A_1401 : vector<16xf32>
      tpu.vector_store_idx %arg7[%add3A_1404, %broadcast_in_dim3A_1307], %mul3A_1405 : memref<64x512xf32, #tpu.memory_space<vmem>>[vector<16xi32>, vector<16xi32>], vector<16xf32>,
      %add3A_1406 = arith.constant 16 : i32
      %add3A_1407 = vector.broadcast %add3A_1406 : i32 to vector<16xi32>
      %add3A_1408 = arith.addi %iota3A, %add3A_1407 : vector<16xi32>
      %mul3A_1409 = arith.mulf %gather3A_1340, %min3A_1401 : vector<16xf32>
      tpu.vector_store_idx %arg7[%add3A_1408, %broadcast_in_dim3A_1307], %mul3A_1409 : memref<64x512xf32, #tpu.memory_space<vmem>>[vector<16xi32>, vector<16xi32>], vector<16xf32>,
      %add3A_1410 = arith.constant 32 : i32
      %add3A_1411 = vector.broadcast %add3A_1410 : i32 to vector<16xi32>
      %add3A_1412 = arith.addi %iota3A, %add3A_1411 : vector<16xi32>
      %mul3A_1413 = arith.mulf %gather3A_1344, %min3A_1401 : vector<16xf32>
      tpu.vector_store_idx %arg7[%add3A_1412, %broadcast_in_dim3A_1307], %mul3A_1413 : memref<64x512xf32, #tpu.memory_space<vmem>>[vector<16xi32>, vector<16xi32>], vector<16xf32>,
      %add3A_1414 = arith.constant 48 : i32
      %add3A_1415 = vector.broadcast %add3A_1414 : i32 to vector<16xi32>
      %add3A_1416 = arith.addi %iota3A, %add3A_1415 : vector<16xi32>
      %mul3A_1417 = arith.mulf %gather3A_1348, %min3A_1401 : vector<16xf32>
      tpu.vector_store_idx %arg7[%add3A_1416, %broadcast_in_dim3A_1307], %mul3A_1417 : memref<64x512xf32, #tpu.memory_space<vmem>>[vector<16xi32>, vector<16xi32>], vector<16xf32>,
      %mul3A_1418 = arith.constant 16 : i32
      %mul3A_1419 = arith.muli %scan3A_223, %mul3A_1418 : i32
      %add3A_1420 = arith.constant 9 : i32
      %add3A_1421 = arith.addi %mul3A_1419, %add3A_1420 : i32
      %broadcast_in_dim3A_1422 = vector.broadcast %add3A_1421 : i32 to vector<16xi32>
      %slice3A_1423 = vector.extract_strided_slice %get3A_228 {offsets = [9], sizes = [1], strides = [1]} : vector<16xi32> to vector<1xi32>
      %squeeze3A_1424 = vector.extract %slice3A_1423[0] : i32 from vector<1xi32>
      %dma_wait3A_1425 = arith.constant 1 : i32
      %dma_wait3A_1426 = arith.constant 1 : i32
      %dma_wait3A_1427 = arith.constant 0 : i32
      %dma_wait3A_1428 = arith.constant 0 : i32
      %dma_wait3A_1429 = tpu.memref_slice %arg6[%dma_wait3A_1425, %dma_wait3A_1427, %dma_wait3A_1428] : memref<8x64x128xf32, #tpu.memory_space<vmem>> -> memref<1x64x128xf32, #tpu.memory_space<vmem>>
      %dma_wait3A_1430 = tpu.memref_squeeze %dma_wait3A_1429 : memref<1x64x128xf32, #tpu.memory_space<vmem>> -> memref<64x128xf32, #tpu.memory_space<vmem>>
      %dma_wait3A_1431 = arith.constant 0 : i32
      %dma_wait3A_1432 = arith.constant 0 : i32
      %dma_wait3A_1433 = tpu.memref_slice %arg3[%dma_wait3A_1431, %dma_wait3A_1432] : memref<64x1000000xf32, #tpu.memory_space<hbm>> -> memref<64x128xf32, #tpu.memory_space<hbm>>
      %dma_wait3A_1434 = tpu.memref_slice %arg8[%dma_wait3A_1426] : memref<8x!tpu.dma_semaphore, #tpu.memory_space<semaphore_mem>> -> memref<1x!tpu.dma_semaphore, #tpu.memory_space<semaphore_mem>>
      %dma_wait3A_1435 = tpu.memref_squeeze %dma_wait3A_1434 : memref<1x!tpu.dma_semaphore, #tpu.memory_space<semaphore_mem>> -> memref<!tpu.dma_semaphore, #tpu.memory_space<semaphore_mem>>
      %dma_wait3A_1436 = arith.constant 0 : i32
      %dma_wait3A_1437 = arith.constant 0 : i32
      %dma_wait3A_1438 = tpu.memref_slice %arg6[%dma_wait3A_1425, %dma_wait3A_1436, %dma_wait3A_1437] : memref<8x64x128xf32, #tpu.memory_space<vmem>> -> memref<1x64x128xf32, #tpu.memory_space<vmem>>
      %dma_wait3A_1439 = tpu.memref_squeeze %dma_wait3A_1438 : memref<1x64x128xf32, #tpu.memory_space<vmem>> -> memref<64x128xf32, #tpu.memory_space<vmem>>
      %dma_wait3A_1440 = arith.constant 0 : i32
      %dma_wait3A_1441 = arith.constant 0 : i32
      %dma_wait3A_1442 = tpu.memref_slice %arg3[%dma_wait3A_1440, %dma_wait3A_1441] : memref<64x1000000xf32, #tpu.memory_space<hbm>> -> memref<64x128xf32, #tpu.memory_space<hbm>>
      tpu.wait_dma2 semaphore(%dma_wait3A_1435 : memref<!tpu.dma_semaphore, #tpu.memory_space<semaphore_mem>>) src(%dma_wait3A_1442 : memref<64x128xf32, #tpu.memory_space<hbm>>) dst(%dma_wait3A_1439 : memref<64x128xf32, #tpu.memory_space<vmem>>)
      %and3A_1443 = arith.constant 127 : i32
      %and3A_1444 = arith.andi %squeeze3A_1424, %and3A_1443 : i32
      %broadcast_in_dim3A_1445 = vector.broadcast %and3A_1444 : i32 to vector<16xi32>
      %broadcast_in_dim3A_1446 = arith.constant 1 : i32
      %broadcast_in_dim3A_1447 = vector.broadcast %broadcast_in_dim3A_1446 : i32 to vector<16xi32>
      %add3A_1448 = arith.constant 0 : i32
      %add3A_1449 = vector.broadcast %add3A_1448 : i32 to vector<16xi32>
      %add3A_1450 = arith.addi %iota3A, %add3A_1449 : vector<16xi32>
      %gather3A_1451 = tpu.vector_load_idx %arg6[%broadcast_in_dim3A_1447, %add3A_1450, %broadcast_in_dim3A_1445] : memref<8x64x128xf32, #tpu.memory_space<vmem>>[vector<16xi32>, vector<16xi32>, vector<16xi32>], vector<16xf32>,
      %add3A_1452 = arith.constant 16 : i32
      %add3A_1453 = vector.broadcast %add3A_1452 : i32 to vector<16xi32>
      %add3A_1454 = arith.addi %iota3A, %add3A_1453 : vector<16xi32>
      %gather3A_1455 = tpu.vector_load_idx %arg6[%broadcast_in_dim3A_1447, %add3A_1454, %broadcast_in_dim3A_1445] : memref<8x64x128xf32, #tpu.memory_space<vmem>>[vector<16xi32>, vector<16xi32>, vector<16xi32>], vector<16xf32>,
      %add3A_1456 = arith.constant 32 : i32
      %add3A_1457 = vector.broadcast %add3A_1456 : i32 to vector<16xi32>
      %add3A_1458 = arith.addi %iota3A, %add3A_1457 : vector<16xi32>
      %gather3A_1459 = tpu.vector_load_idx %arg6[%broadcast_in_dim3A_1447, %add3A_1458, %broadcast_in_dim3A_1445] : memref<8x64x128xf32, #tpu.memory_space<vmem>>[vector<16xi32>, vector<16xi32>, vector<16xi32>], vector<16xf32>,
      %add3A_1460 = arith.constant 48 : i32
      %add3A_1461 = vector.broadcast %add3A_1460 : i32 to vector<16xi32>
      %add3A_1462 = arith.addi %iota3A, %add3A_1461 : vector<16xi32>
      %gather3A_1463 = tpu.vector_load_idx %arg6[%broadcast_in_dim3A_1447, %add3A_1462, %broadcast_in_dim3A_1445] : memref<8x64x128xf32, #tpu.memory_space<vmem>>[vector<16xi32>, vector<16xi32>, vector<16xi32>], vector<16xf32>,
      %lt3A_1464 = arith.constant 31 : i32
      %lt3A_1465 = arith.cmpi slt, %scan3A_223, %lt3A_1464 : i32
      %convert_element_type3A_1466 = arith.extui %lt3A_1465 : i1 to i32
      %cond3A_1467 = arith.constant 0 : i32
      %cond3A_1468 = arith.cmpi ne, %convert_element_type3A_1466, %cond3A_1467 : i32
      scf.if %cond3A_1468 {
        %mul3A_2237 = arith.constant 16 : i32
        %mul3A_2238 = arith.muli %scan3A_223, %mul3A_2237 : i32
        %add3A_2239 = arith.addi %mul3A_34, %mul3A_2238 : i32
        %add3A_2240 = arith.constant 16 : i32
        %add3A_2241 = arith.addi %add3A_2239, %add3A_2240 : i32
        %get3A_2242 = arith.index_cast %add3A_2241 : i32 to index
        %get3A_2243 = tpu.vector_load %arg5[%get3A_2242] {strides = array<i32>} : memref<1024xi32, #tpu.memory_space<vmem>>, vector<16xi32>,
        %slice3A_2244 = vector.extract_strided_slice %get3A_2243 {offsets = [1], sizes = [1], strides = [1]} : vector<16xi32> to vector<1xi32>
        %squeeze3A_2245 = vector.extract %slice3A_2244[0] : i32 from vector<1xi32>
        %shift_right_arithmetic3A_2246 = arith.constant 7 : i32
        %shift_right_arithmetic3A_2247 = arith.shrsi %squeeze3A_2245, %shift_right_arithmetic3A_2246 : i32
        %mul3A_2248 = arith.constant 128 : i32
        %mul3A_2249 = arith.muli %shift_right_arithmetic3A_2247, %mul3A_2248 : i32
        %multiple_of3A_2250 = tpu.assume_multiple %mul3A_2249, 128 : i32
        %dma_start3A_2251 = arith.constant 1 : i32
        %dma_start3A_2252 = arith.constant 1 : i32
        %dma_start3A_2253 = arith.constant 0 : i32
        %dma_start3A_2254 = arith.constant 0 : i32
        %dma_start3A_2255 = tpu.memref_slice %arg6[%dma_start3A_2251, %dma_start3A_2253, %dma_start3A_2254] : memref<8x64x128xf32, #tpu.memory_space<vmem>> -> memref<1x64x128xf32, #tpu.memory_space<vmem>>
        %dma_start3A_2256 = tpu.memref_squeeze %dma_start3A_2255 : memref<1x64x128xf32, #tpu.memory_space<vmem>> -> memref<64x128xf32, #tpu.memory_space<vmem>>
        %dma_start3A_2257 = arith.constant 0 : i32
        %dma_start3A_2258 = tpu.memref_slice %arg3[%dma_start3A_2257, %multiple_of3A_2250] : memref<64x1000000xf32, #tpu.memory_space<hbm>> -> memref<64x128xf32, #tpu.memory_space<hbm>>
        %dma_start3A_2259 = tpu.memref_slice %arg8[%dma_start3A_2252] : memref<8x!tpu.dma_semaphore, #tpu.memory_space<semaphore_mem>> -> memref<1x!tpu.dma_semaphore, #tpu.memory_space<semaphore_mem>>
        %dma_start3A_2260 = tpu.memref_squeeze %dma_start3A_2259 : memref<1x!tpu.dma_semaphore, #tpu.memory_space<semaphore_mem>> -> memref<!tpu.dma_semaphore, #tpu.memory_space<semaphore_mem>>
        %dma_start3A_2261 = arith.constant 0 : i32
        %dma_start3A_2262 = arith.constant 0 : i32
        %dma_start3A_2263 = tpu.memref_slice %arg6[%dma_start3A_2251, %dma_start3A_2261, %dma_start3A_2262] : memref<8x64x128xf32, #tpu.memory_space<vmem>> -> memref<1x64x128xf32, #tpu.memory_space<vmem>>
        %dma_start3A_2264 = tpu.memref_squeeze %dma_start3A_2263 : memref<1x64x128xf32, #tpu.memory_space<vmem>> -> memref<64x128xf32, #tpu.memory_space<vmem>>
        %dma_start3A_2265 = arith.constant 0 : i32
        %dma_start3A_2266 = tpu.memref_slice %arg3[%dma_start3A_2265, %multiple_of3A_2250] : memref<64x1000000xf32, #tpu.memory_space<hbm>> -> memref<64x128xf32, #tpu.memory_space<hbm>>
        tpu.enqueue_dma source(%dma_start3A_2266 : memref<64x128xf32, #tpu.memory_space<hbm>>) target(%dma_start3A_2264 : memref<64x128xf32, #tpu.memory_space<vmem>>) target_semaphore(%dma_start3A_2260 : memref<!tpu.dma_semaphore, #tpu.memory_space<semaphore_mem>>)
      } else {
      }
      %mul3A_1469 = arith.mulf %gather3A_1451, %gather3A_1451 : vector<16xf32>
      %mul3A_1470 = arith.mulf %gather3A_1455, %gather3A_1455 : vector<16xf32>
      %add3A_1471 = arith.addf %mul3A_1469, %mul3A_1470 : vector<16xf32>
      %mul3A_1472 = arith.mulf %gather3A_1459, %gather3A_1459 : vector<16xf32>
      %add3A_1473 = arith.addf %add3A_1471, %mul3A_1472 : vector<16xf32>
      %mul3A_1474 = arith.mulf %gather3A_1463, %gather3A_1463 : vector<16xf32>
      %add3A_1475 = arith.addf %add3A_1473, %mul3A_1474 : vector<16xf32>
      %reduce_sum3A_1476 = arith.constant true
      %reduce_sum3A_1477 = vector.broadcast %reduce_sum3A_1476 : i1 to vector<16xi1>
      %reduce_sum3A_1478 = tpu.scan <sum>, %add3A_1475 masked %reduce_sum3A_1477 : vector<16xf32>, vector<16xi1> -> vector<16xf32>
      %reduce_sum3A_1479 = vector.extract %reduce_sum3A_1478[15] : f32 from vector<16xf32>
      %broadcast_in_dim3A_1480 = vector.broadcast %reduce_sum3A_1479 : f32 to vector<16xf32>
      %bitcast3A_1481 = vector.bitcast %broadcast_in_dim3A_1480 : vector<16xf32> to vector<16xi32>
      %shift_right_arithmetic3A_1482 = arith.constant 1 : i32
      %shift_right_arithmetic3A_1483 = vector.broadcast %shift_right_arithmetic3A_1482 : i32 to vector<16xi32>
      %shift_right_arithmetic3A_1484 = arith.shrsi %bitcast3A_1481, %shift_right_arithmetic3A_1483 : vector<16xi32>
      %sub3A_1485 = arith.constant 1597463007 : i32
      %sub3A_1486 = vector.broadcast %sub3A_1485 : i32 to vector<16xi32>
      %sub3A_1487 = arith.subi %sub3A_1486, %shift_right_arithmetic3A_1484 : vector<16xi32>
      %bitcast3A_1488 = vector.bitcast %sub3A_1487 : vector<16xi32> to vector<16xf32>
      %mul3A_1489 = arith.constant 5.000000e-01 : f32
      %mul3A_1490 = vector.broadcast %mul3A_1489 : f32 to vector<16xf32>
      %mul3A_1491 = arith.mulf %mul3A_1490, %broadcast_in_dim3A_1480 : vector<16xf32>
      %mul3A_1492 = arith.mulf %mul3A_1491, %bitcast3A_1488 : vector<16xf32>
      %mul3A_1493 = arith.mulf %mul3A_1492, %bitcast3A_1488 : vector<16xf32>
      %sub3A_1494 = arith.constant 1.500000e+00 : f32
      %sub3A_1495 = vector.broadcast %sub3A_1494 : f32 to vector<16xf32>
      %sub3A_1496 = arith.subf %sub3A_1495, %mul3A_1493 : vector<16xf32>
      %mul3A_1497 = arith.mulf %bitcast3A_1488, %sub3A_1496 : vector<16xf32>
      %mul3A_1498 = arith.constant 5.000000e-01 : f32
      %mul3A_1499 = vector.broadcast %mul3A_1498 : f32 to vector<16xf32>
      %mul3A_1500 = arith.mulf %mul3A_1499, %broadcast_in_dim3A_1480 : vector<16xf32>
      %mul3A_1501 = arith.mulf %mul3A_1500, %mul3A_1497 : vector<16xf32>
      %mul3A_1502 = arith.mulf %mul3A_1501, %mul3A_1497 : vector<16xf32>
      %sub3A_1503 = arith.constant 1.500000e+00 : f32
      %sub3A_1504 = vector.broadcast %sub3A_1503 : f32 to vector<16xf32>
      %sub3A_1505 = arith.subf %sub3A_1504, %mul3A_1502 : vector<16xf32>
      %mul3A_1506 = arith.mulf %mul3A_1497, %sub3A_1505 : vector<16xf32>
      %mul3A_1507 = arith.constant 5.000000e-01 : f32
      %mul3A_1508 = vector.broadcast %mul3A_1507 : f32 to vector<16xf32>
      %mul3A_1509 = arith.mulf %mul3A_1508, %broadcast_in_dim3A_1480 : vector<16xf32>
      %mul3A_1510 = arith.mulf %mul3A_1509, %mul3A_1506 : vector<16xf32>
      %mul3A_1511 = arith.mulf %mul3A_1510, %mul3A_1506 : vector<16xf32>
      %sub3A_1512 = arith.constant 1.500000e+00 : f32
      %sub3A_1513 = vector.broadcast %sub3A_1512 : f32 to vector<16xf32>
      %sub3A_1514 = arith.subf %sub3A_1513, %mul3A_1511 : vector<16xf32>
      %mul3A_1515 = arith.mulf %mul3A_1506, %sub3A_1514 : vector<16xf32>
      %min3A_1516 = arith.constant 1.000000e+00 : f32
      %min3A_1517 = vector.broadcast %min3A_1516 : f32 to vector<16xf32>
      %min3A_1518 = arith.minimumf %mul3A_1515, %min3A_1517 : vector<16xf32>
      %add3A_1519 = arith.constant 0 : i32
      %add3A_1520 = vector.broadcast %add3A_1519 : i32 to vector<16xi32>
      %add3A_1521 = arith.addi %iota3A, %add3A_1520 : vector<16xi32>
      %mul3A_1522 = arith.mulf %gather3A_1451, %min3A_1518 : vector<16xf32>
      tpu.vector_store_idx %arg7[%add3A_1521, %broadcast_in_dim3A_1422], %mul3A_1522 : memref<64x512xf32, #tpu.memory_space<vmem>>[vector<16xi32>, vector<16xi32>], vector<16xf32>,
      %add3A_1523 = arith.constant 16 : i32
      %add3A_1524 = vector.broadcast %add3A_1523 : i32 to vector<16xi32>
      %add3A_1525 = arith.addi %iota3A, %add3A_1524 : vector<16xi32>
      %mul3A_1526 = arith.mulf %gather3A_1455, %min3A_1518 : vector<16xf32>
      tpu.vector_store_idx %arg7[%add3A_1525, %broadcast_in_dim3A_1422], %mul3A_1526 : memref<64x512xf32, #tpu.memory_space<vmem>>[vector<16xi32>, vector<16xi32>], vector<16xf32>,
      %add3A_1527 = arith.constant 32 : i32
      %add3A_1528 = vector.broadcast %add3A_1527 : i32 to vector<16xi32>
      %add3A_1529 = arith.addi %iota3A, %add3A_1528 : vector<16xi32>
      %mul3A_1530 = arith.mulf %gather3A_1459, %min3A_1518 : vector<16xf32>
      tpu.vector_store_idx %arg7[%add3A_1529, %broadcast_in_dim3A_1422], %mul3A_1530 : memref<64x512xf32, #tpu.memory_space<vmem>>[vector<16xi32>, vector<16xi32>], vector<16xf32>,
      %add3A_1531 = arith.constant 48 : i32
      %add3A_1532 = vector.broadcast %add3A_1531 : i32 to vector<16xi32>
      %add3A_1533 = arith.addi %iota3A, %add3A_1532 : vector<16xi32>
      %mul3A_1534 = arith.mulf %gather3A_1463, %min3A_1518 : vector<16xf32>
      tpu.vector_store_idx %arg7[%add3A_1533, %broadcast_in_dim3A_1422], %mul3A_1534 : memref<64x512xf32, #tpu.memory_space<vmem>>[vector<16xi32>, vector<16xi32>], vector<16xf32>,
      %mul3A_1535 = arith.constant 16 : i32
      %mul3A_1536 = arith.muli %scan3A_223, %mul3A_1535 : i32
      %add3A_1537 = arith.constant 10 : i32
      %add3A_1538 = arith.addi %mul3A_1536, %add3A_1537 : i32
      %broadcast_in_dim3A_1539 = vector.broadcast %add3A_1538 : i32 to vector<16xi32>
      %slice3A_1540 = vector.extract_strided_slice %get3A_228 {offsets = [10], sizes = [1], strides = [1]} : vector<16xi32> to vector<1xi32>
      %squeeze3A_1541 = vector.extract %slice3A_1540[0] : i32 from vector<1xi32>
      %dma_wait3A_1542 = arith.constant 2 : i32
      %dma_wait3A_1543 = arith.constant 2 : i32
      %dma_wait3A_1544 = arith.constant 0 : i32
      %dma_wait3A_1545 = arith.constant 0 : i32
      %dma_wait3A_1546 = tpu.memref_slice %arg6[%dma_wait3A_1542, %dma_wait3A_1544, %dma_wait3A_1545] : memref<8x64x128xf32, #tpu.memory_space<vmem>> -> memref<1x64x128xf32, #tpu.memory_space<vmem>>
      %dma_wait3A_1547 = tpu.memref_squeeze %dma_wait3A_1546 : memref<1x64x128xf32, #tpu.memory_space<vmem>> -> memref<64x128xf32, #tpu.memory_space<vmem>>
      %dma_wait3A_1548 = arith.constant 0 : i32
      %dma_wait3A_1549 = arith.constant 0 : i32
      %dma_wait3A_1550 = tpu.memref_slice %arg3[%dma_wait3A_1548, %dma_wait3A_1549] : memref<64x1000000xf32, #tpu.memory_space<hbm>> -> memref<64x128xf32, #tpu.memory_space<hbm>>
      %dma_wait3A_1551 = tpu.memref_slice %arg8[%dma_wait3A_1543] : memref<8x!tpu.dma_semaphore, #tpu.memory_space<semaphore_mem>> -> memref<1x!tpu.dma_semaphore, #tpu.memory_space<semaphore_mem>>
      %dma_wait3A_1552 = tpu.memref_squeeze %dma_wait3A_1551 : memref<1x!tpu.dma_semaphore, #tpu.memory_space<semaphore_mem>> -> memref<!tpu.dma_semaphore, #tpu.memory_space<semaphore_mem>>
      %dma_wait3A_1553 = arith.constant 0 : i32
      %dma_wait3A_1554 = arith.constant 0 : i32
      %dma_wait3A_1555 = tpu.memref_slice %arg6[%dma_wait3A_1542, %dma_wait3A_1553, %dma_wait3A_1554] : memref<8x64x128xf32, #tpu.memory_space<vmem>> -> memref<1x64x128xf32, #tpu.memory_space<vmem>>
      %dma_wait3A_1556 = tpu.memref_squeeze %dma_wait3A_1555 : memref<1x64x128xf32, #tpu.memory_space<vmem>> -> memref<64x128xf32, #tpu.memory_space<vmem>>
      %dma_wait3A_1557 = arith.constant 0 : i32
      %dma_wait3A_1558 = arith.constant 0 : i32
      %dma_wait3A_1559 = tpu.memref_slice %arg3[%dma_wait3A_1557, %dma_wait3A_1558] : memref<64x1000000xf32, #tpu.memory_space<hbm>> -> memref<64x128xf32, #tpu.memory_space<hbm>>
      tpu.wait_dma2 semaphore(%dma_wait3A_1552 : memref<!tpu.dma_semaphore, #tpu.memory_space<semaphore_mem>>) src(%dma_wait3A_1559 : memref<64x128xf32, #tpu.memory_space<hbm>>) dst(%dma_wait3A_1556 : memref<64x128xf32, #tpu.memory_space<vmem>>)
      %and3A_1560 = arith.constant 127 : i32
      %and3A_1561 = arith.andi %squeeze3A_1541, %and3A_1560 : i32
      %broadcast_in_dim3A_1562 = vector.broadcast %and3A_1561 : i32 to vector<16xi32>
      %broadcast_in_dim3A_1563 = arith.constant 2 : i32
      %broadcast_in_dim3A_1564 = vector.broadcast %broadcast_in_dim3A_1563 : i32 to vector<16xi32>
      %add3A_1565 = arith.constant 0 : i32
      %add3A_1566 = vector.broadcast %add3A_1565 : i32 to vector<16xi32>
      %add3A_1567 = arith.addi %iota3A, %add3A_1566 : vector<16xi32>
      %gather3A_1568 = tpu.vector_load_idx %arg6[%broadcast_in_dim3A_1564, %add3A_1567, %broadcast_in_dim3A_1562] : memref<8x64x128xf32, #tpu.memory_space<vmem>>[vector<16xi32>, vector<16xi32>, vector<16xi32>], vector<16xf32>,
      %add3A_1569 = arith.constant 16 : i32
      %add3A_1570 = vector.broadcast %add3A_1569 : i32 to vector<16xi32>
      %add3A_1571 = arith.addi %iota3A, %add3A_1570 : vector<16xi32>
      %gather3A_1572 = tpu.vector_load_idx %arg6[%broadcast_in_dim3A_1564, %add3A_1571, %broadcast_in_dim3A_1562] : memref<8x64x128xf32, #tpu.memory_space<vmem>>[vector<16xi32>, vector<16xi32>, vector<16xi32>], vector<16xf32>,
      %add3A_1573 = arith.constant 32 : i32
      %add3A_1574 = vector.broadcast %add3A_1573 : i32 to vector<16xi32>
      %add3A_1575 = arith.addi %iota3A, %add3A_1574 : vector<16xi32>
      %gather3A_1576 = tpu.vector_load_idx %arg6[%broadcast_in_dim3A_1564, %add3A_1575, %broadcast_in_dim3A_1562] : memref<8x64x128xf32, #tpu.memory_space<vmem>>[vector<16xi32>, vector<16xi32>, vector<16xi32>], vector<16xf32>,
      %add3A_1577 = arith.constant 48 : i32
      %add3A_1578 = vector.broadcast %add3A_1577 : i32 to vector<16xi32>
      %add3A_1579 = arith.addi %iota3A, %add3A_1578 : vector<16xi32>
      %gather3A_1580 = tpu.vector_load_idx %arg6[%broadcast_in_dim3A_1564, %add3A_1579, %broadcast_in_dim3A_1562] : memref<8x64x128xf32, #tpu.memory_space<vmem>>[vector<16xi32>, vector<16xi32>, vector<16xi32>], vector<16xf32>,
      %lt3A_1581 = arith.constant 31 : i32
      %lt3A_1582 = arith.cmpi slt, %scan3A_223, %lt3A_1581 : i32
      %convert_element_type3A_1583 = arith.extui %lt3A_1582 : i1 to i32
      %cond3A_1584 = arith.constant 0 : i32
      %cond3A_1585 = arith.cmpi ne, %convert_element_type3A_1583, %cond3A_1584 : i32
      scf.if %cond3A_1585 {
        %mul3A_2237 = arith.constant 16 : i32
        %mul3A_2238 = arith.muli %scan3A_223, %mul3A_2237 : i32
        %add3A_2239 = arith.addi %mul3A_34, %mul3A_2238 : i32
        %add3A_2240 = arith.constant 16 : i32
        %add3A_2241 = arith.addi %add3A_2239, %add3A_2240 : i32
        %get3A_2242 = arith.index_cast %add3A_2241 : i32 to index
        %get3A_2243 = tpu.vector_load %arg5[%get3A_2242] {strides = array<i32>} : memref<1024xi32, #tpu.memory_space<vmem>>, vector<16xi32>,
        %slice3A_2244 = vector.extract_strided_slice %get3A_2243 {offsets = [2], sizes = [1], strides = [1]} : vector<16xi32> to vector<1xi32>
        %squeeze3A_2245 = vector.extract %slice3A_2244[0] : i32 from vector<1xi32>
        %shift_right_arithmetic3A_2246 = arith.constant 7 : i32
        %shift_right_arithmetic3A_2247 = arith.shrsi %squeeze3A_2245, %shift_right_arithmetic3A_2246 : i32
        %mul3A_2248 = arith.constant 128 : i32
        %mul3A_2249 = arith.muli %shift_right_arithmetic3A_2247, %mul3A_2248 : i32
        %multiple_of3A_2250 = tpu.assume_multiple %mul3A_2249, 128 : i32
        %dma_start3A_2251 = arith.constant 2 : i32
        %dma_start3A_2252 = arith.constant 2 : i32
        %dma_start3A_2253 = arith.constant 0 : i32
        %dma_start3A_2254 = arith.constant 0 : i32
        %dma_start3A_2255 = tpu.memref_slice %arg6[%dma_start3A_2251, %dma_start3A_2253, %dma_start3A_2254] : memref<8x64x128xf32, #tpu.memory_space<vmem>> -> memref<1x64x128xf32, #tpu.memory_space<vmem>>
        %dma_start3A_2256 = tpu.memref_squeeze %dma_start3A_2255 : memref<1x64x128xf32, #tpu.memory_space<vmem>> -> memref<64x128xf32, #tpu.memory_space<vmem>>
        %dma_start3A_2257 = arith.constant 0 : i32
        %dma_start3A_2258 = tpu.memref_slice %arg3[%dma_start3A_2257, %multiple_of3A_2250] : memref<64x1000000xf32, #tpu.memory_space<hbm>> -> memref<64x128xf32, #tpu.memory_space<hbm>>
        %dma_start3A_2259 = tpu.memref_slice %arg8[%dma_start3A_2252] : memref<8x!tpu.dma_semaphore, #tpu.memory_space<semaphore_mem>> -> memref<1x!tpu.dma_semaphore, #tpu.memory_space<semaphore_mem>>
        %dma_start3A_2260 = tpu.memref_squeeze %dma_start3A_2259 : memref<1x!tpu.dma_semaphore, #tpu.memory_space<semaphore_mem>> -> memref<!tpu.dma_semaphore, #tpu.memory_space<semaphore_mem>>
        %dma_start3A_2261 = arith.constant 0 : i32
        %dma_start3A_2262 = arith.constant 0 : i32
        %dma_start3A_2263 = tpu.memref_slice %arg6[%dma_start3A_2251, %dma_start3A_2261, %dma_start3A_2262] : memref<8x64x128xf32, #tpu.memory_space<vmem>> -> memref<1x64x128xf32, #tpu.memory_space<vmem>>
        %dma_start3A_2264 = tpu.memref_squeeze %dma_start3A_2263 : memref<1x64x128xf32, #tpu.memory_space<vmem>> -> memref<64x128xf32, #tpu.memory_space<vmem>>
        %dma_start3A_2265 = arith.constant 0 : i32
        %dma_start3A_2266 = tpu.memref_slice %arg3[%dma_start3A_2265, %multiple_of3A_2250] : memref<64x1000000xf32, #tpu.memory_space<hbm>> -> memref<64x128xf32, #tpu.memory_space<hbm>>
        tpu.enqueue_dma source(%dma_start3A_2266 : memref<64x128xf32, #tpu.memory_space<hbm>>) target(%dma_start3A_2264 : memref<64x128xf32, #tpu.memory_space<vmem>>) target_semaphore(%dma_start3A_2260 : memref<!tpu.dma_semaphore, #tpu.memory_space<semaphore_mem>>)
      } else {
      }
      %mul3A_1586 = arith.mulf %gather3A_1568, %gather3A_1568 : vector<16xf32>
      %mul3A_1587 = arith.mulf %gather3A_1572, %gather3A_1572 : vector<16xf32>
      %add3A_1588 = arith.addf %mul3A_1586, %mul3A_1587 : vector<16xf32>
      %mul3A_1589 = arith.mulf %gather3A_1576, %gather3A_1576 : vector<16xf32>
      %add3A_1590 = arith.addf %add3A_1588, %mul3A_1589 : vector<16xf32>
      %mul3A_1591 = arith.mulf %gather3A_1580, %gather3A_1580 : vector<16xf32>
      %add3A_1592 = arith.addf %add3A_1590, %mul3A_1591 : vector<16xf32>
      %reduce_sum3A_1593 = arith.constant true
      %reduce_sum3A_1594 = vector.broadcast %reduce_sum3A_1593 : i1 to vector<16xi1>
      %reduce_sum3A_1595 = tpu.scan <sum>, %add3A_1592 masked %reduce_sum3A_1594 : vector<16xf32>, vector<16xi1> -> vector<16xf32>
      %reduce_sum3A_1596 = vector.extract %reduce_sum3A_1595[15] : f32 from vector<16xf32>
      %broadcast_in_dim3A_1597 = vector.broadcast %reduce_sum3A_1596 : f32 to vector<16xf32>
      %bitcast3A_1598 = vector.bitcast %broadcast_in_dim3A_1597 : vector<16xf32> to vector<16xi32>
      %shift_right_arithmetic3A_1599 = arith.constant 1 : i32
      %shift_right_arithmetic3A_1600 = vector.broadcast %shift_right_arithmetic3A_1599 : i32 to vector<16xi32>
      %shift_right_arithmetic3A_1601 = arith.shrsi %bitcast3A_1598, %shift_right_arithmetic3A_1600 : vector<16xi32>
      %sub3A_1602 = arith.constant 1597463007 : i32
      %sub3A_1603 = vector.broadcast %sub3A_1602 : i32 to vector<16xi32>
      %sub3A_1604 = arith.subi %sub3A_1603, %shift_right_arithmetic3A_1601 : vector<16xi32>
      %bitcast3A_1605 = vector.bitcast %sub3A_1604 : vector<16xi32> to vector<16xf32>
      %mul3A_1606 = arith.constant 5.000000e-01 : f32
      %mul3A_1607 = vector.broadcast %mul3A_1606 : f32 to vector<16xf32>
      %mul3A_1608 = arith.mulf %mul3A_1607, %broadcast_in_dim3A_1597 : vector<16xf32>
      %mul3A_1609 = arith.mulf %mul3A_1608, %bitcast3A_1605 : vector<16xf32>
      %mul3A_1610 = arith.mulf %mul3A_1609, %bitcast3A_1605 : vector<16xf32>
      %sub3A_1611 = arith.constant 1.500000e+00 : f32
      %sub3A_1612 = vector.broadcast %sub3A_1611 : f32 to vector<16xf32>
      %sub3A_1613 = arith.subf %sub3A_1612, %mul3A_1610 : vector<16xf32>
      %mul3A_1614 = arith.mulf %bitcast3A_1605, %sub3A_1613 : vector<16xf32>
      %mul3A_1615 = arith.constant 5.000000e-01 : f32
      %mul3A_1616 = vector.broadcast %mul3A_1615 : f32 to vector<16xf32>
      %mul3A_1617 = arith.mulf %mul3A_1616, %broadcast_in_dim3A_1597 : vector<16xf32>
      %mul3A_1618 = arith.mulf %mul3A_1617, %mul3A_1614 : vector<16xf32>
      %mul3A_1619 = arith.mulf %mul3A_1618, %mul3A_1614 : vector<16xf32>
      %sub3A_1620 = arith.constant 1.500000e+00 : f32
      %sub3A_1621 = vector.broadcast %sub3A_1620 : f32 to vector<16xf32>
      %sub3A_1622 = arith.subf %sub3A_1621, %mul3A_1619 : vector<16xf32>
      %mul3A_1623 = arith.mulf %mul3A_1614, %sub3A_1622 : vector<16xf32>
      %mul3A_1624 = arith.constant 5.000000e-01 : f32
      %mul3A_1625 = vector.broadcast %mul3A_1624 : f32 to vector<16xf32>
      %mul3A_1626 = arith.mulf %mul3A_1625, %broadcast_in_dim3A_1597 : vector<16xf32>
      %mul3A_1627 = arith.mulf %mul3A_1626, %mul3A_1623 : vector<16xf32>
      %mul3A_1628 = arith.mulf %mul3A_1627, %mul3A_1623 : vector<16xf32>
      %sub3A_1629 = arith.constant 1.500000e+00 : f32
      %sub3A_1630 = vector.broadcast %sub3A_1629 : f32 to vector<16xf32>
      %sub3A_1631 = arith.subf %sub3A_1630, %mul3A_1628 : vector<16xf32>
      %mul3A_1632 = arith.mulf %mul3A_1623, %sub3A_1631 : vector<16xf32>
      %min3A_1633 = arith.constant 1.000000e+00 : f32
      %min3A_1634 = vector.broadcast %min3A_1633 : f32 to vector<16xf32>
      %min3A_1635 = arith.minimumf %mul3A_1632, %min3A_1634 : vector<16xf32>
      %add3A_1636 = arith.constant 0 : i32
      %add3A_1637 = vector.broadcast %add3A_1636 : i32 to vector<16xi32>
      %add3A_1638 = arith.addi %iota3A, %add3A_1637 : vector<16xi32>
      %mul3A_1639 = arith.mulf %gather3A_1568, %min3A_1635 : vector<16xf32>
      tpu.vector_store_idx %arg7[%add3A_1638, %broadcast_in_dim3A_1539], %mul3A_1639 : memref<64x512xf32, #tpu.memory_space<vmem>>[vector<16xi32>, vector<16xi32>], vector<16xf32>,
      %add3A_1640 = arith.constant 16 : i32
      %add3A_1641 = vector.broadcast %add3A_1640 : i32 to vector<16xi32>
      %add3A_1642 = arith.addi %iota3A, %add3A_1641 : vector<16xi32>
      %mul3A_1643 = arith.mulf %gather3A_1572, %min3A_1635 : vector<16xf32>
      tpu.vector_store_idx %arg7[%add3A_1642, %broadcast_in_dim3A_1539], %mul3A_1643 : memref<64x512xf32, #tpu.memory_space<vmem>>[vector<16xi32>, vector<16xi32>], vector<16xf32>,
      %add3A_1644 = arith.constant 32 : i32
      %add3A_1645 = vector.broadcast %add3A_1644 : i32 to vector<16xi32>
      %add3A_1646 = arith.addi %iota3A, %add3A_1645 : vector<16xi32>
      %mul3A_1647 = arith.mulf %gather3A_1576, %min3A_1635 : vector<16xf32>
      tpu.vector_store_idx %arg7[%add3A_1646, %broadcast_in_dim3A_1539], %mul3A_1647 : memref<64x512xf32, #tpu.memory_space<vmem>>[vector<16xi32>, vector<16xi32>], vector<16xf32>,
      %add3A_1648 = arith.constant 48 : i32
      %add3A_1649 = vector.broadcast %add3A_1648 : i32 to vector<16xi32>
      %add3A_1650 = arith.addi %iota3A, %add3A_1649 : vector<16xi32>
      %mul3A_1651 = arith.mulf %gather3A_1580, %min3A_1635 : vector<16xf32>
      tpu.vector_store_idx %arg7[%add3A_1650, %broadcast_in_dim3A_1539], %mul3A_1651 : memref<64x512xf32, #tpu.memory_space<vmem>>[vector<16xi32>, vector<16xi32>], vector<16xf32>,
      %mul3A_1652 = arith.constant 16 : i32
      %mul3A_1653 = arith.muli %scan3A_223, %mul3A_1652 : i32
      %add3A_1654 = arith.constant 11 : i32
      %add3A_1655 = arith.addi %mul3A_1653, %add3A_1654 : i32
      %broadcast_in_dim3A_1656 = vector.broadcast %add3A_1655 : i32 to vector<16xi32>
      %slice3A_1657 = vector.extract_strided_slice %get3A_228 {offsets = [11], sizes = [1], strides = [1]} : vector<16xi32> to vector<1xi32>
      %squeeze3A_1658 = vector.extract %slice3A_1657[0] : i32 from vector<1xi32>
      %dma_wait3A_1659 = arith.constant 3 : i32
      %dma_wait3A_1660 = arith.constant 3 : i32
      %dma_wait3A_1661 = arith.constant 0 : i32
      %dma_wait3A_1662 = arith.constant 0 : i32
      %dma_wait3A_1663 = tpu.memref_slice %arg6[%dma_wait3A_1659, %dma_wait3A_1661, %dma_wait3A_1662] : memref<8x64x128xf32, #tpu.memory_space<vmem>> -> memref<1x64x128xf32, #tpu.memory_space<vmem>>
      %dma_wait3A_1664 = tpu.memref_squeeze %dma_wait3A_1663 : memref<1x64x128xf32, #tpu.memory_space<vmem>> -> memref<64x128xf32, #tpu.memory_space<vmem>>
      %dma_wait3A_1665 = arith.constant 0 : i32
      %dma_wait3A_1666 = arith.constant 0 : i32
      %dma_wait3A_1667 = tpu.memref_slice %arg3[%dma_wait3A_1665, %dma_wait3A_1666] : memref<64x1000000xf32, #tpu.memory_space<hbm>> -> memref<64x128xf32, #tpu.memory_space<hbm>>
      %dma_wait3A_1668 = tpu.memref_slice %arg8[%dma_wait3A_1660] : memref<8x!tpu.dma_semaphore, #tpu.memory_space<semaphore_mem>> -> memref<1x!tpu.dma_semaphore, #tpu.memory_space<semaphore_mem>>
      %dma_wait3A_1669 = tpu.memref_squeeze %dma_wait3A_1668 : memref<1x!tpu.dma_semaphore, #tpu.memory_space<semaphore_mem>> -> memref<!tpu.dma_semaphore, #tpu.memory_space<semaphore_mem>>
      %dma_wait3A_1670 = arith.constant 0 : i32
      %dma_wait3A_1671 = arith.constant 0 : i32
      %dma_wait3A_1672 = tpu.memref_slice %arg6[%dma_wait3A_1659, %dma_wait3A_1670, %dma_wait3A_1671] : memref<8x64x128xf32, #tpu.memory_space<vmem>> -> memref<1x64x128xf32, #tpu.memory_space<vmem>>
      %dma_wait3A_1673 = tpu.memref_squeeze %dma_wait3A_1672 : memref<1x64x128xf32, #tpu.memory_space<vmem>> -> memref<64x128xf32, #tpu.memory_space<vmem>>
      %dma_wait3A_1674 = arith.constant 0 : i32
      %dma_wait3A_1675 = arith.constant 0 : i32
      %dma_wait3A_1676 = tpu.memref_slice %arg3[%dma_wait3A_1674, %dma_wait3A_1675] : memref<64x1000000xf32, #tpu.memory_space<hbm>> -> memref<64x128xf32, #tpu.memory_space<hbm>>
      tpu.wait_dma2 semaphore(%dma_wait3A_1669 : memref<!tpu.dma_semaphore, #tpu.memory_space<semaphore_mem>>) src(%dma_wait3A_1676 : memref<64x128xf32, #tpu.memory_space<hbm>>) dst(%dma_wait3A_1673 : memref<64x128xf32, #tpu.memory_space<vmem>>)
      %and3A_1677 = arith.constant 127 : i32
      %and3A_1678 = arith.andi %squeeze3A_1658, %and3A_1677 : i32
      %broadcast_in_dim3A_1679 = vector.broadcast %and3A_1678 : i32 to vector<16xi32>
      %broadcast_in_dim3A_1680 = arith.constant 3 : i32
      %broadcast_in_dim3A_1681 = vector.broadcast %broadcast_in_dim3A_1680 : i32 to vector<16xi32>
      %add3A_1682 = arith.constant 0 : i32
      %add3A_1683 = vector.broadcast %add3A_1682 : i32 to vector<16xi32>
      %add3A_1684 = arith.addi %iota3A, %add3A_1683 : vector<16xi32>
      %gather3A_1685 = tpu.vector_load_idx %arg6[%broadcast_in_dim3A_1681, %add3A_1684, %broadcast_in_dim3A_1679] : memref<8x64x128xf32, #tpu.memory_space<vmem>>[vector<16xi32>, vector<16xi32>, vector<16xi32>], vector<16xf32>,
      %add3A_1686 = arith.constant 16 : i32
      %add3A_1687 = vector.broadcast %add3A_1686 : i32 to vector<16xi32>
      %add3A_1688 = arith.addi %iota3A, %add3A_1687 : vector<16xi32>
      %gather3A_1689 = tpu.vector_load_idx %arg6[%broadcast_in_dim3A_1681, %add3A_1688, %broadcast_in_dim3A_1679] : memref<8x64x128xf32, #tpu.memory_space<vmem>>[vector<16xi32>, vector<16xi32>, vector<16xi32>], vector<16xf32>,
      %add3A_1690 = arith.constant 32 : i32
      %add3A_1691 = vector.broadcast %add3A_1690 : i32 to vector<16xi32>
      %add3A_1692 = arith.addi %iota3A, %add3A_1691 : vector<16xi32>
      %gather3A_1693 = tpu.vector_load_idx %arg6[%broadcast_in_dim3A_1681, %add3A_1692, %broadcast_in_dim3A_1679] : memref<8x64x128xf32, #tpu.memory_space<vmem>>[vector<16xi32>, vector<16xi32>, vector<16xi32>], vector<16xf32>,
      %add3A_1694 = arith.constant 48 : i32
      %add3A_1695 = vector.broadcast %add3A_1694 : i32 to vector<16xi32>
      %add3A_1696 = arith.addi %iota3A, %add3A_1695 : vector<16xi32>
      %gather3A_1697 = tpu.vector_load_idx %arg6[%broadcast_in_dim3A_1681, %add3A_1696, %broadcast_in_dim3A_1679] : memref<8x64x128xf32, #tpu.memory_space<vmem>>[vector<16xi32>, vector<16xi32>, vector<16xi32>], vector<16xf32>,
      %lt3A_1698 = arith.constant 31 : i32
      %lt3A_1699 = arith.cmpi slt, %scan3A_223, %lt3A_1698 : i32
      %convert_element_type3A_1700 = arith.extui %lt3A_1699 : i1 to i32
      %cond3A_1701 = arith.constant 0 : i32
      %cond3A_1702 = arith.cmpi ne, %convert_element_type3A_1700, %cond3A_1701 : i32
      scf.if %cond3A_1702 {
        %mul3A_2237 = arith.constant 16 : i32
        %mul3A_2238 = arith.muli %scan3A_223, %mul3A_2237 : i32
        %add3A_2239 = arith.addi %mul3A_34, %mul3A_2238 : i32
        %add3A_2240 = arith.constant 16 : i32
        %add3A_2241 = arith.addi %add3A_2239, %add3A_2240 : i32
        %get3A_2242 = arith.index_cast %add3A_2241 : i32 to index
        %get3A_2243 = tpu.vector_load %arg5[%get3A_2242] {strides = array<i32>} : memref<1024xi32, #tpu.memory_space<vmem>>, vector<16xi32>,
        %slice3A_2244 = vector.extract_strided_slice %get3A_2243 {offsets = [3], sizes = [1], strides = [1]} : vector<16xi32> to vector<1xi32>
        %squeeze3A_2245 = vector.extract %slice3A_2244[0] : i32 from vector<1xi32>
        %shift_right_arithmetic3A_2246 = arith.constant 7 : i32
        %shift_right_arithmetic3A_2247 = arith.shrsi %squeeze3A_2245, %shift_right_arithmetic3A_2246 : i32
        %mul3A_2248 = arith.constant 128 : i32
        %mul3A_2249 = arith.muli %shift_right_arithmetic3A_2247, %mul3A_2248 : i32
        %multiple_of3A_2250 = tpu.assume_multiple %mul3A_2249, 128 : i32
        %dma_start3A_2251 = arith.constant 3 : i32
        %dma_start3A_2252 = arith.constant 3 : i32
        %dma_start3A_2253 = arith.constant 0 : i32
        %dma_start3A_2254 = arith.constant 0 : i32
        %dma_start3A_2255 = tpu.memref_slice %arg6[%dma_start3A_2251, %dma_start3A_2253, %dma_start3A_2254] : memref<8x64x128xf32, #tpu.memory_space<vmem>> -> memref<1x64x128xf32, #tpu.memory_space<vmem>>
        %dma_start3A_2256 = tpu.memref_squeeze %dma_start3A_2255 : memref<1x64x128xf32, #tpu.memory_space<vmem>> -> memref<64x128xf32, #tpu.memory_space<vmem>>
        %dma_start3A_2257 = arith.constant 0 : i32
        %dma_start3A_2258 = tpu.memref_slice %arg3[%dma_start3A_2257, %multiple_of3A_2250] : memref<64x1000000xf32, #tpu.memory_space<hbm>> -> memref<64x128xf32, #tpu.memory_space<hbm>>
        %dma_start3A_2259 = tpu.memref_slice %arg8[%dma_start3A_2252] : memref<8x!tpu.dma_semaphore, #tpu.memory_space<semaphore_mem>> -> memref<1x!tpu.dma_semaphore, #tpu.memory_space<semaphore_mem>>
        %dma_start3A_2260 = tpu.memref_squeeze %dma_start3A_2259 : memref<1x!tpu.dma_semaphore, #tpu.memory_space<semaphore_mem>> -> memref<!tpu.dma_semaphore, #tpu.memory_space<semaphore_mem>>
        %dma_start3A_2261 = arith.constant 0 : i32
        %dma_start3A_2262 = arith.constant 0 : i32
        %dma_start3A_2263 = tpu.memref_slice %arg6[%dma_start3A_2251, %dma_start3A_2261, %dma_start3A_2262] : memref<8x64x128xf32, #tpu.memory_space<vmem>> -> memref<1x64x128xf32, #tpu.memory_space<vmem>>
        %dma_start3A_2264 = tpu.memref_squeeze %dma_start3A_2263 : memref<1x64x128xf32, #tpu.memory_space<vmem>> -> memref<64x128xf32, #tpu.memory_space<vmem>>
        %dma_start3A_2265 = arith.constant 0 : i32
        %dma_start3A_2266 = tpu.memref_slice %arg3[%dma_start3A_2265, %multiple_of3A_2250] : memref<64x1000000xf32, #tpu.memory_space<hbm>> -> memref<64x128xf32, #tpu.memory_space<hbm>>
        tpu.enqueue_dma source(%dma_start3A_2266 : memref<64x128xf32, #tpu.memory_space<hbm>>) target(%dma_start3A_2264 : memref<64x128xf32, #tpu.memory_space<vmem>>) target_semaphore(%dma_start3A_2260 : memref<!tpu.dma_semaphore, #tpu.memory_space<semaphore_mem>>)
      } else {
      }
      %mul3A_1703 = arith.mulf %gather3A_1685, %gather3A_1685 : vector<16xf32>
      %mul3A_1704 = arith.mulf %gather3A_1689, %gather3A_1689 : vector<16xf32>
      %add3A_1705 = arith.addf %mul3A_1703, %mul3A_1704 : vector<16xf32>
      %mul3A_1706 = arith.mulf %gather3A_1693, %gather3A_1693 : vector<16xf32>
      %add3A_1707 = arith.addf %add3A_1705, %mul3A_1706 : vector<16xf32>
      %mul3A_1708 = arith.mulf %gather3A_1697, %gather3A_1697 : vector<16xf32>
      %add3A_1709 = arith.addf %add3A_1707, %mul3A_1708 : vector<16xf32>
      %reduce_sum3A_1710 = arith.constant true
      %reduce_sum3A_1711 = vector.broadcast %reduce_sum3A_1710 : i1 to vector<16xi1>
      %reduce_sum3A_1712 = tpu.scan <sum>, %add3A_1709 masked %reduce_sum3A_1711 : vector<16xf32>, vector<16xi1> -> vector<16xf32>
      %reduce_sum3A_1713 = vector.extract %reduce_sum3A_1712[15] : f32 from vector<16xf32>
      %broadcast_in_dim3A_1714 = vector.broadcast %reduce_sum3A_1713 : f32 to vector<16xf32>
      %bitcast3A_1715 = vector.bitcast %broadcast_in_dim3A_1714 : vector<16xf32> to vector<16xi32>
      %shift_right_arithmetic3A_1716 = arith.constant 1 : i32
      %shift_right_arithmetic3A_1717 = vector.broadcast %shift_right_arithmetic3A_1716 : i32 to vector<16xi32>
      %shift_right_arithmetic3A_1718 = arith.shrsi %bitcast3A_1715, %shift_right_arithmetic3A_1717 : vector<16xi32>
      %sub3A_1719 = arith.constant 1597463007 : i32
      %sub3A_1720 = vector.broadcast %sub3A_1719 : i32 to vector<16xi32>
      %sub3A_1721 = arith.subi %sub3A_1720, %shift_right_arithmetic3A_1718 : vector<16xi32>
      %bitcast3A_1722 = vector.bitcast %sub3A_1721 : vector<16xi32> to vector<16xf32>
      %mul3A_1723 = arith.constant 5.000000e-01 : f32
      %mul3A_1724 = vector.broadcast %mul3A_1723 : f32 to vector<16xf32>
      %mul3A_1725 = arith.mulf %mul3A_1724, %broadcast_in_dim3A_1714 : vector<16xf32>
      %mul3A_1726 = arith.mulf %mul3A_1725, %bitcast3A_1722 : vector<16xf32>
      %mul3A_1727 = arith.mulf %mul3A_1726, %bitcast3A_1722 : vector<16xf32>
      %sub3A_1728 = arith.constant 1.500000e+00 : f32
      %sub3A_1729 = vector.broadcast %sub3A_1728 : f32 to vector<16xf32>
      %sub3A_1730 = arith.subf %sub3A_1729, %mul3A_1727 : vector<16xf32>
      %mul3A_1731 = arith.mulf %bitcast3A_1722, %sub3A_1730 : vector<16xf32>
      %mul3A_1732 = arith.constant 5.000000e-01 : f32
      %mul3A_1733 = vector.broadcast %mul3A_1732 : f32 to vector<16xf32>
      %mul3A_1734 = arith.mulf %mul3A_1733, %broadcast_in_dim3A_1714 : vector<16xf32>
      %mul3A_1735 = arith.mulf %mul3A_1734, %mul3A_1731 : vector<16xf32>
      %mul3A_1736 = arith.mulf %mul3A_1735, %mul3A_1731 : vector<16xf32>
      %sub3A_1737 = arith.constant 1.500000e+00 : f32
      %sub3A_1738 = vector.broadcast %sub3A_1737 : f32 to vector<16xf32>
      %sub3A_1739 = arith.subf %sub3A_1738, %mul3A_1736 : vector<16xf32>
      %mul3A_1740 = arith.mulf %mul3A_1731, %sub3A_1739 : vector<16xf32>
      %mul3A_1741 = arith.constant 5.000000e-01 : f32
      %mul3A_1742 = vector.broadcast %mul3A_1741 : f32 to vector<16xf32>
      %mul3A_1743 = arith.mulf %mul3A_1742, %broadcast_in_dim3A_1714 : vector<16xf32>
      %mul3A_1744 = arith.mulf %mul3A_1743, %mul3A_1740 : vector<16xf32>
      %mul3A_1745 = arith.mulf %mul3A_1744, %mul3A_1740 : vector<16xf32>
      %sub3A_1746 = arith.constant 1.500000e+00 : f32
      %sub3A_1747 = vector.broadcast %sub3A_1746 : f32 to vector<16xf32>
      %sub3A_1748 = arith.subf %sub3A_1747, %mul3A_1745 : vector<16xf32>
      %mul3A_1749 = arith.mulf %mul3A_1740, %sub3A_1748 : vector<16xf32>
      %min3A_1750 = arith.constant 1.000000e+00 : f32
      %min3A_1751 = vector.broadcast %min3A_1750 : f32 to vector<16xf32>
      %min3A_1752 = arith.minimumf %mul3A_1749, %min3A_1751 : vector<16xf32>
      %add3A_1753 = arith.constant 0 : i32
      %add3A_1754 = vector.broadcast %add3A_1753 : i32 to vector<16xi32>
      %add3A_1755 = arith.addi %iota3A, %add3A_1754 : vector<16xi32>
      %mul3A_1756 = arith.mulf %gather3A_1685, %min3A_1752 : vector<16xf32>
      tpu.vector_store_idx %arg7[%add3A_1755, %broadcast_in_dim3A_1656], %mul3A_1756 : memref<64x512xf32, #tpu.memory_space<vmem>>[vector<16xi32>, vector<16xi32>], vector<16xf32>,
      %add3A_1757 = arith.constant 16 : i32
      %add3A_1758 = vector.broadcast %add3A_1757 : i32 to vector<16xi32>
      %add3A_1759 = arith.addi %iota3A, %add3A_1758 : vector<16xi32>
      %mul3A_1760 = arith.mulf %gather3A_1689, %min3A_1752 : vector<16xf32>
      tpu.vector_store_idx %arg7[%add3A_1759, %broadcast_in_dim3A_1656], %mul3A_1760 : memref<64x512xf32, #tpu.memory_space<vmem>>[vector<16xi32>, vector<16xi32>], vector<16xf32>,
      %add3A_1761 = arith.constant 32 : i32
      %add3A_1762 = vector.broadcast %add3A_1761 : i32 to vector<16xi32>
      %add3A_1763 = arith.addi %iota3A, %add3A_1762 : vector<16xi32>
      %mul3A_1764 = arith.mulf %gather3A_1693, %min3A_1752 : vector<16xf32>
      tpu.vector_store_idx %arg7[%add3A_1763, %broadcast_in_dim3A_1656], %mul3A_1764 : memref<64x512xf32, #tpu.memory_space<vmem>>[vector<16xi32>, vector<16xi32>], vector<16xf32>,
      %add3A_1765 = arith.constant 48 : i32
      %add3A_1766 = vector.broadcast %add3A_1765 : i32 to vector<16xi32>
      %add3A_1767 = arith.addi %iota3A, %add3A_1766 : vector<16xi32>
      %mul3A_1768 = arith.mulf %gather3A_1697, %min3A_1752 : vector<16xf32>
      tpu.vector_store_idx %arg7[%add3A_1767, %broadcast_in_dim3A_1656], %mul3A_1768 : memref<64x512xf32, #tpu.memory_space<vmem>>[vector<16xi32>, vector<16xi32>], vector<16xf32>,
      %mul3A_1769 = arith.constant 16 : i32
      %mul3A_1770 = arith.muli %scan3A_223, %mul3A_1769 : i32
      %add3A_1771 = arith.constant 12 : i32
      %add3A_1772 = arith.addi %mul3A_1770, %add3A_1771 : i32
      %broadcast_in_dim3A_1773 = vector.broadcast %add3A_1772 : i32 to vector<16xi32>
      %slice3A_1774 = vector.extract_strided_slice %get3A_228 {offsets = [12], sizes = [1], strides = [1]} : vector<16xi32> to vector<1xi32>
      %squeeze3A_1775 = vector.extract %slice3A_1774[0] : i32 from vector<1xi32>
      %dma_wait3A_1776 = arith.constant 4 : i32
      %dma_wait3A_1777 = arith.constant 4 : i32
      %dma_wait3A_1778 = arith.constant 0 : i32
      %dma_wait3A_1779 = arith.constant 0 : i32
      %dma_wait3A_1780 = tpu.memref_slice %arg6[%dma_wait3A_1776, %dma_wait3A_1778, %dma_wait3A_1779] : memref<8x64x128xf32, #tpu.memory_space<vmem>> -> memref<1x64x128xf32, #tpu.memory_space<vmem>>
      %dma_wait3A_1781 = tpu.memref_squeeze %dma_wait3A_1780 : memref<1x64x128xf32, #tpu.memory_space<vmem>> -> memref<64x128xf32, #tpu.memory_space<vmem>>
      %dma_wait3A_1782 = arith.constant 0 : i32
      %dma_wait3A_1783 = arith.constant 0 : i32
      %dma_wait3A_1784 = tpu.memref_slice %arg3[%dma_wait3A_1782, %dma_wait3A_1783] : memref<64x1000000xf32, #tpu.memory_space<hbm>> -> memref<64x128xf32, #tpu.memory_space<hbm>>
      %dma_wait3A_1785 = tpu.memref_slice %arg8[%dma_wait3A_1777] : memref<8x!tpu.dma_semaphore, #tpu.memory_space<semaphore_mem>> -> memref<1x!tpu.dma_semaphore, #tpu.memory_space<semaphore_mem>>
      %dma_wait3A_1786 = tpu.memref_squeeze %dma_wait3A_1785 : memref<1x!tpu.dma_semaphore, #tpu.memory_space<semaphore_mem>> -> memref<!tpu.dma_semaphore, #tpu.memory_space<semaphore_mem>>
      %dma_wait3A_1787 = arith.constant 0 : i32
      %dma_wait3A_1788 = arith.constant 0 : i32
      %dma_wait3A_1789 = tpu.memref_slice %arg6[%dma_wait3A_1776, %dma_wait3A_1787, %dma_wait3A_1788] : memref<8x64x128xf32, #tpu.memory_space<vmem>> -> memref<1x64x128xf32, #tpu.memory_space<vmem>>
      %dma_wait3A_1790 = tpu.memref_squeeze %dma_wait3A_1789 : memref<1x64x128xf32, #tpu.memory_space<vmem>> -> memref<64x128xf32, #tpu.memory_space<vmem>>
      %dma_wait3A_1791 = arith.constant 0 : i32
      %dma_wait3A_1792 = arith.constant 0 : i32
      %dma_wait3A_1793 = tpu.memref_slice %arg3[%dma_wait3A_1791, %dma_wait3A_1792] : memref<64x1000000xf32, #tpu.memory_space<hbm>> -> memref<64x128xf32, #tpu.memory_space<hbm>>
      tpu.wait_dma2 semaphore(%dma_wait3A_1786 : memref<!tpu.dma_semaphore, #tpu.memory_space<semaphore_mem>>) src(%dma_wait3A_1793 : memref<64x128xf32, #tpu.memory_space<hbm>>) dst(%dma_wait3A_1790 : memref<64x128xf32, #tpu.memory_space<vmem>>)
      %and3A_1794 = arith.constant 127 : i32
      %and3A_1795 = arith.andi %squeeze3A_1775, %and3A_1794 : i32
      %broadcast_in_dim3A_1796 = vector.broadcast %and3A_1795 : i32 to vector<16xi32>
      %broadcast_in_dim3A_1797 = arith.constant 4 : i32
      %broadcast_in_dim3A_1798 = vector.broadcast %broadcast_in_dim3A_1797 : i32 to vector<16xi32>
      %add3A_1799 = arith.constant 0 : i32
      %add3A_1800 = vector.broadcast %add3A_1799 : i32 to vector<16xi32>
      %add3A_1801 = arith.addi %iota3A, %add3A_1800 : vector<16xi32>
      %gather3A_1802 = tpu.vector_load_idx %arg6[%broadcast_in_dim3A_1798, %add3A_1801, %broadcast_in_dim3A_1796] : memref<8x64x128xf32, #tpu.memory_space<vmem>>[vector<16xi32>, vector<16xi32>, vector<16xi32>], vector<16xf32>,
      %add3A_1803 = arith.constant 16 : i32
      %add3A_1804 = vector.broadcast %add3A_1803 : i32 to vector<16xi32>
      %add3A_1805 = arith.addi %iota3A, %add3A_1804 : vector<16xi32>
      %gather3A_1806 = tpu.vector_load_idx %arg6[%broadcast_in_dim3A_1798, %add3A_1805, %broadcast_in_dim3A_1796] : memref<8x64x128xf32, #tpu.memory_space<vmem>>[vector<16xi32>, vector<16xi32>, vector<16xi32>], vector<16xf32>,
      %add3A_1807 = arith.constant 32 : i32
      %add3A_1808 = vector.broadcast %add3A_1807 : i32 to vector<16xi32>
      %add3A_1809 = arith.addi %iota3A, %add3A_1808 : vector<16xi32>
      %gather3A_1810 = tpu.vector_load_idx %arg6[%broadcast_in_dim3A_1798, %add3A_1809, %broadcast_in_dim3A_1796] : memref<8x64x128xf32, #tpu.memory_space<vmem>>[vector<16xi32>, vector<16xi32>, vector<16xi32>], vector<16xf32>,
      %add3A_1811 = arith.constant 48 : i32
      %add3A_1812 = vector.broadcast %add3A_1811 : i32 to vector<16xi32>
      %add3A_1813 = arith.addi %iota3A, %add3A_1812 : vector<16xi32>
      %gather3A_1814 = tpu.vector_load_idx %arg6[%broadcast_in_dim3A_1798, %add3A_1813, %broadcast_in_dim3A_1796] : memref<8x64x128xf32, #tpu.memory_space<vmem>>[vector<16xi32>, vector<16xi32>, vector<16xi32>], vector<16xf32>,
      %lt3A_1815 = arith.constant 31 : i32
      %lt3A_1816 = arith.cmpi slt, %scan3A_223, %lt3A_1815 : i32
      %convert_element_type3A_1817 = arith.extui %lt3A_1816 : i1 to i32
      %cond3A_1818 = arith.constant 0 : i32
      %cond3A_1819 = arith.cmpi ne, %convert_element_type3A_1817, %cond3A_1818 : i32
      scf.if %cond3A_1819 {
        %mul3A_2237 = arith.constant 16 : i32
        %mul3A_2238 = arith.muli %scan3A_223, %mul3A_2237 : i32
        %add3A_2239 = arith.addi %mul3A_34, %mul3A_2238 : i32
        %add3A_2240 = arith.constant 16 : i32
        %add3A_2241 = arith.addi %add3A_2239, %add3A_2240 : i32
        %get3A_2242 = arith.index_cast %add3A_2241 : i32 to index
        %get3A_2243 = tpu.vector_load %arg5[%get3A_2242] {strides = array<i32>} : memref<1024xi32, #tpu.memory_space<vmem>>, vector<16xi32>,
        %slice3A_2244 = vector.extract_strided_slice %get3A_2243 {offsets = [4], sizes = [1], strides = [1]} : vector<16xi32> to vector<1xi32>
        %squeeze3A_2245 = vector.extract %slice3A_2244[0] : i32 from vector<1xi32>
        %shift_right_arithmetic3A_2246 = arith.constant 7 : i32
        %shift_right_arithmetic3A_2247 = arith.shrsi %squeeze3A_2245, %shift_right_arithmetic3A_2246 : i32
        %mul3A_2248 = arith.constant 128 : i32
        %mul3A_2249 = arith.muli %shift_right_arithmetic3A_2247, %mul3A_2248 : i32
        %multiple_of3A_2250 = tpu.assume_multiple %mul3A_2249, 128 : i32
        %dma_start3A_2251 = arith.constant 4 : i32
        %dma_start3A_2252 = arith.constant 4 : i32
        %dma_start3A_2253 = arith.constant 0 : i32
        %dma_start3A_2254 = arith.constant 0 : i32
        %dma_start3A_2255 = tpu.memref_slice %arg6[%dma_start3A_2251, %dma_start3A_2253, %dma_start3A_2254] : memref<8x64x128xf32, #tpu.memory_space<vmem>> -> memref<1x64x128xf32, #tpu.memory_space<vmem>>
        %dma_start3A_2256 = tpu.memref_squeeze %dma_start3A_2255 : memref<1x64x128xf32, #tpu.memory_space<vmem>> -> memref<64x128xf32, #tpu.memory_space<vmem>>
        %dma_start3A_2257 = arith.constant 0 : i32
        %dma_start3A_2258 = tpu.memref_slice %arg3[%dma_start3A_2257, %multiple_of3A_2250] : memref<64x1000000xf32, #tpu.memory_space<hbm>> -> memref<64x128xf32, #tpu.memory_space<hbm>>
        %dma_start3A_2259 = tpu.memref_slice %arg8[%dma_start3A_2252] : memref<8x!tpu.dma_semaphore, #tpu.memory_space<semaphore_mem>> -> memref<1x!tpu.dma_semaphore, #tpu.memory_space<semaphore_mem>>
        %dma_start3A_2260 = tpu.memref_squeeze %dma_start3A_2259 : memref<1x!tpu.dma_semaphore, #tpu.memory_space<semaphore_mem>> -> memref<!tpu.dma_semaphore, #tpu.memory_space<semaphore_mem>>
        %dma_start3A_2261 = arith.constant 0 : i32
        %dma_start3A_2262 = arith.constant 0 : i32
        %dma_start3A_2263 = tpu.memref_slice %arg6[%dma_start3A_2251, %dma_start3A_2261, %dma_start3A_2262] : memref<8x64x128xf32, #tpu.memory_space<vmem>> -> memref<1x64x128xf32, #tpu.memory_space<vmem>>
        %dma_start3A_2264 = tpu.memref_squeeze %dma_start3A_2263 : memref<1x64x128xf32, #tpu.memory_space<vmem>> -> memref<64x128xf32, #tpu.memory_space<vmem>>
        %dma_start3A_2265 = arith.constant 0 : i32
        %dma_start3A_2266 = tpu.memref_slice %arg3[%dma_start3A_2265, %multiple_of3A_2250] : memref<64x1000000xf32, #tpu.memory_space<hbm>> -> memref<64x128xf32, #tpu.memory_space<hbm>>
        tpu.enqueue_dma source(%dma_start3A_2266 : memref<64x128xf32, #tpu.memory_space<hbm>>) target(%dma_start3A_2264 : memref<64x128xf32, #tpu.memory_space<vmem>>) target_semaphore(%dma_start3A_2260 : memref<!tpu.dma_semaphore, #tpu.memory_space<semaphore_mem>>)
      } else {
      }
      %mul3A_1820 = arith.mulf %gather3A_1802, %gather3A_1802 : vector<16xf32>
      %mul3A_1821 = arith.mulf %gather3A_1806, %gather3A_1806 : vector<16xf32>
      %add3A_1822 = arith.addf %mul3A_1820, %mul3A_1821 : vector<16xf32>
      %mul3A_1823 = arith.mulf %gather3A_1810, %gather3A_1810 : vector<16xf32>
      %add3A_1824 = arith.addf %add3A_1822, %mul3A_1823 : vector<16xf32>
      %mul3A_1825 = arith.mulf %gather3A_1814, %gather3A_1814 : vector<16xf32>
      %add3A_1826 = arith.addf %add3A_1824, %mul3A_1825 : vector<16xf32>
      %reduce_sum3A_1827 = arith.constant true
      %reduce_sum3A_1828 = vector.broadcast %reduce_sum3A_1827 : i1 to vector<16xi1>
      %reduce_sum3A_1829 = tpu.scan <sum>, %add3A_1826 masked %reduce_sum3A_1828 : vector<16xf32>, vector<16xi1> -> vector<16xf32>
      %reduce_sum3A_1830 = vector.extract %reduce_sum3A_1829[15] : f32 from vector<16xf32>
      %broadcast_in_dim3A_1831 = vector.broadcast %reduce_sum3A_1830 : f32 to vector<16xf32>
      %bitcast3A_1832 = vector.bitcast %broadcast_in_dim3A_1831 : vector<16xf32> to vector<16xi32>
      %shift_right_arithmetic3A_1833 = arith.constant 1 : i32
      %shift_right_arithmetic3A_1834 = vector.broadcast %shift_right_arithmetic3A_1833 : i32 to vector<16xi32>
      %shift_right_arithmetic3A_1835 = arith.shrsi %bitcast3A_1832, %shift_right_arithmetic3A_1834 : vector<16xi32>
      %sub3A_1836 = arith.constant 1597463007 : i32
      %sub3A_1837 = vector.broadcast %sub3A_1836 : i32 to vector<16xi32>
      %sub3A_1838 = arith.subi %sub3A_1837, %shift_right_arithmetic3A_1835 : vector<16xi32>
      %bitcast3A_1839 = vector.bitcast %sub3A_1838 : vector<16xi32> to vector<16xf32>
      %mul3A_1840 = arith.constant 5.000000e-01 : f32
      %mul3A_1841 = vector.broadcast %mul3A_1840 : f32 to vector<16xf32>
      %mul3A_1842 = arith.mulf %mul3A_1841, %broadcast_in_dim3A_1831 : vector<16xf32>
      %mul3A_1843 = arith.mulf %mul3A_1842, %bitcast3A_1839 : vector<16xf32>
      %mul3A_1844 = arith.mulf %mul3A_1843, %bitcast3A_1839 : vector<16xf32>
      %sub3A_1845 = arith.constant 1.500000e+00 : f32
      %sub3A_1846 = vector.broadcast %sub3A_1845 : f32 to vector<16xf32>
      %sub3A_1847 = arith.subf %sub3A_1846, %mul3A_1844 : vector<16xf32>
      %mul3A_1848 = arith.mulf %bitcast3A_1839, %sub3A_1847 : vector<16xf32>
      %mul3A_1849 = arith.constant 5.000000e-01 : f32
      %mul3A_1850 = vector.broadcast %mul3A_1849 : f32 to vector<16xf32>
      %mul3A_1851 = arith.mulf %mul3A_1850, %broadcast_in_dim3A_1831 : vector<16xf32>
      %mul3A_1852 = arith.mulf %mul3A_1851, %mul3A_1848 : vector<16xf32>
      %mul3A_1853 = arith.mulf %mul3A_1852, %mul3A_1848 : vector<16xf32>
      %sub3A_1854 = arith.constant 1.500000e+00 : f32
      %sub3A_1855 = vector.broadcast %sub3A_1854 : f32 to vector<16xf32>
      %sub3A_1856 = arith.subf %sub3A_1855, %mul3A_1853 : vector<16xf32>
      %mul3A_1857 = arith.mulf %mul3A_1848, %sub3A_1856 : vector<16xf32>
      %mul3A_1858 = arith.constant 5.000000e-01 : f32
      %mul3A_1859 = vector.broadcast %mul3A_1858 : f32 to vector<16xf32>
      %mul3A_1860 = arith.mulf %mul3A_1859, %broadcast_in_dim3A_1831 : vector<16xf32>
      %mul3A_1861 = arith.mulf %mul3A_1860, %mul3A_1857 : vector<16xf32>
      %mul3A_1862 = arith.mulf %mul3A_1861, %mul3A_1857 : vector<16xf32>
      %sub3A_1863 = arith.constant 1.500000e+00 : f32
      %sub3A_1864 = vector.broadcast %sub3A_1863 : f32 to vector<16xf32>
      %sub3A_1865 = arith.subf %sub3A_1864, %mul3A_1862 : vector<16xf32>
      %mul3A_1866 = arith.mulf %mul3A_1857, %sub3A_1865 : vector<16xf32>
      %min3A_1867 = arith.constant 1.000000e+00 : f32
      %min3A_1868 = vector.broadcast %min3A_1867 : f32 to vector<16xf32>
      %min3A_1869 = arith.minimumf %mul3A_1866, %min3A_1868 : vector<16xf32>
      %add3A_1870 = arith.constant 0 : i32
      %add3A_1871 = vector.broadcast %add3A_1870 : i32 to vector<16xi32>
      %add3A_1872 = arith.addi %iota3A, %add3A_1871 : vector<16xi32>
      %mul3A_1873 = arith.mulf %gather3A_1802, %min3A_1869 : vector<16xf32>
      tpu.vector_store_idx %arg7[%add3A_1872, %broadcast_in_dim3A_1773], %mul3A_1873 : memref<64x512xf32, #tpu.memory_space<vmem>>[vector<16xi32>, vector<16xi32>], vector<16xf32>,
      %add3A_1874 = arith.constant 16 : i32
      %add3A_1875 = vector.broadcast %add3A_1874 : i32 to vector<16xi32>
      %add3A_1876 = arith.addi %iota3A, %add3A_1875 : vector<16xi32>
      %mul3A_1877 = arith.mulf %gather3A_1806, %min3A_1869 : vector<16xf32>
      tpu.vector_store_idx %arg7[%add3A_1876, %broadcast_in_dim3A_1773], %mul3A_1877 : memref<64x512xf32, #tpu.memory_space<vmem>>[vector<16xi32>, vector<16xi32>], vector<16xf32>,
      %add3A_1878 = arith.constant 32 : i32
      %add3A_1879 = vector.broadcast %add3A_1878 : i32 to vector<16xi32>
      %add3A_1880 = arith.addi %iota3A, %add3A_1879 : vector<16xi32>
      %mul3A_1881 = arith.mulf %gather3A_1810, %min3A_1869 : vector<16xf32>
      tpu.vector_store_idx %arg7[%add3A_1880, %broadcast_in_dim3A_1773], %mul3A_1881 : memref<64x512xf32, #tpu.memory_space<vmem>>[vector<16xi32>, vector<16xi32>], vector<16xf32>,
      %add3A_1882 = arith.constant 48 : i32
      %add3A_1883 = vector.broadcast %add3A_1882 : i32 to vector<16xi32>
      %add3A_1884 = arith.addi %iota3A, %add3A_1883 : vector<16xi32>
      %mul3A_1885 = arith.mulf %gather3A_1814, %min3A_1869 : vector<16xf32>
      tpu.vector_store_idx %arg7[%add3A_1884, %broadcast_in_dim3A_1773], %mul3A_1885 : memref<64x512xf32, #tpu.memory_space<vmem>>[vector<16xi32>, vector<16xi32>], vector<16xf32>,
      %mul3A_1886 = arith.constant 16 : i32
      %mul3A_1887 = arith.muli %scan3A_223, %mul3A_1886 : i32
      %add3A_1888 = arith.constant 13 : i32
      %add3A_1889 = arith.addi %mul3A_1887, %add3A_1888 : i32
      %broadcast_in_dim3A_1890 = vector.broadcast %add3A_1889 : i32 to vector<16xi32>
      %slice3A_1891 = vector.extract_strided_slice %get3A_228 {offsets = [13], sizes = [1], strides = [1]} : vector<16xi32> to vector<1xi32>
      %squeeze3A_1892 = vector.extract %slice3A_1891[0] : i32 from vector<1xi32>
      %dma_wait3A_1893 = arith.constant 5 : i32
      %dma_wait3A_1894 = arith.constant 5 : i32
      %dma_wait3A_1895 = arith.constant 0 : i32
      %dma_wait3A_1896 = arith.constant 0 : i32
      %dma_wait3A_1897 = tpu.memref_slice %arg6[%dma_wait3A_1893, %dma_wait3A_1895, %dma_wait3A_1896] : memref<8x64x128xf32, #tpu.memory_space<vmem>> -> memref<1x64x128xf32, #tpu.memory_space<vmem>>
      %dma_wait3A_1898 = tpu.memref_squeeze %dma_wait3A_1897 : memref<1x64x128xf32, #tpu.memory_space<vmem>> -> memref<64x128xf32, #tpu.memory_space<vmem>>
      %dma_wait3A_1899 = arith.constant 0 : i32
      %dma_wait3A_1900 = arith.constant 0 : i32
      %dma_wait3A_1901 = tpu.memref_slice %arg3[%dma_wait3A_1899, %dma_wait3A_1900] : memref<64x1000000xf32, #tpu.memory_space<hbm>> -> memref<64x128xf32, #tpu.memory_space<hbm>>
      %dma_wait3A_1902 = tpu.memref_slice %arg8[%dma_wait3A_1894] : memref<8x!tpu.dma_semaphore, #tpu.memory_space<semaphore_mem>> -> memref<1x!tpu.dma_semaphore, #tpu.memory_space<semaphore_mem>>
      %dma_wait3A_1903 = tpu.memref_squeeze %dma_wait3A_1902 : memref<1x!tpu.dma_semaphore, #tpu.memory_space<semaphore_mem>> -> memref<!tpu.dma_semaphore, #tpu.memory_space<semaphore_mem>>
      %dma_wait3A_1904 = arith.constant 0 : i32
      %dma_wait3A_1905 = arith.constant 0 : i32
      %dma_wait3A_1906 = tpu.memref_slice %arg6[%dma_wait3A_1893, %dma_wait3A_1904, %dma_wait3A_1905] : memref<8x64x128xf32, #tpu.memory_space<vmem>> -> memref<1x64x128xf32, #tpu.memory_space<vmem>>
      %dma_wait3A_1907 = tpu.memref_squeeze %dma_wait3A_1906 : memref<1x64x128xf32, #tpu.memory_space<vmem>> -> memref<64x128xf32, #tpu.memory_space<vmem>>
      %dma_wait3A_1908 = arith.constant 0 : i32
      %dma_wait3A_1909 = arith.constant 0 : i32
      %dma_wait3A_1910 = tpu.memref_slice %arg3[%dma_wait3A_1908, %dma_wait3A_1909] : memref<64x1000000xf32, #tpu.memory_space<hbm>> -> memref<64x128xf32, #tpu.memory_space<hbm>>
      tpu.wait_dma2 semaphore(%dma_wait3A_1903 : memref<!tpu.dma_semaphore, #tpu.memory_space<semaphore_mem>>) src(%dma_wait3A_1910 : memref<64x128xf32, #tpu.memory_space<hbm>>) dst(%dma_wait3A_1907 : memref<64x128xf32, #tpu.memory_space<vmem>>)
      %and3A_1911 = arith.constant 127 : i32
      %and3A_1912 = arith.andi %squeeze3A_1892, %and3A_1911 : i32
      %broadcast_in_dim3A_1913 = vector.broadcast %and3A_1912 : i32 to vector<16xi32>
      %broadcast_in_dim3A_1914 = arith.constant 5 : i32
      %broadcast_in_dim3A_1915 = vector.broadcast %broadcast_in_dim3A_1914 : i32 to vector<16xi32>
      %add3A_1916 = arith.constant 0 : i32
      %add3A_1917 = vector.broadcast %add3A_1916 : i32 to vector<16xi32>
      %add3A_1918 = arith.addi %iota3A, %add3A_1917 : vector<16xi32>
      %gather3A_1919 = tpu.vector_load_idx %arg6[%broadcast_in_dim3A_1915, %add3A_1918, %broadcast_in_dim3A_1913] : memref<8x64x128xf32, #tpu.memory_space<vmem>>[vector<16xi32>, vector<16xi32>, vector<16xi32>], vector<16xf32>,
      %add3A_1920 = arith.constant 16 : i32
      %add3A_1921 = vector.broadcast %add3A_1920 : i32 to vector<16xi32>
      %add3A_1922 = arith.addi %iota3A, %add3A_1921 : vector<16xi32>
      %gather3A_1923 = tpu.vector_load_idx %arg6[%broadcast_in_dim3A_1915, %add3A_1922, %broadcast_in_dim3A_1913] : memref<8x64x128xf32, #tpu.memory_space<vmem>>[vector<16xi32>, vector<16xi32>, vector<16xi32>], vector<16xf32>,
      %add3A_1924 = arith.constant 32 : i32
      %add3A_1925 = vector.broadcast %add3A_1924 : i32 to vector<16xi32>
      %add3A_1926 = arith.addi %iota3A, %add3A_1925 : vector<16xi32>
      %gather3A_1927 = tpu.vector_load_idx %arg6[%broadcast_in_dim3A_1915, %add3A_1926, %broadcast_in_dim3A_1913] : memref<8x64x128xf32, #tpu.memory_space<vmem>>[vector<16xi32>, vector<16xi32>, vector<16xi32>], vector<16xf32>,
      %add3A_1928 = arith.constant 48 : i32
      %add3A_1929 = vector.broadcast %add3A_1928 : i32 to vector<16xi32>
      %add3A_1930 = arith.addi %iota3A, %add3A_1929 : vector<16xi32>
      %gather3A_1931 = tpu.vector_load_idx %arg6[%broadcast_in_dim3A_1915, %add3A_1930, %broadcast_in_dim3A_1913] : memref<8x64x128xf32, #tpu.memory_space<vmem>>[vector<16xi32>, vector<16xi32>, vector<16xi32>], vector<16xf32>,
      %lt3A_1932 = arith.constant 31 : i32
      %lt3A_1933 = arith.cmpi slt, %scan3A_223, %lt3A_1932 : i32
      %convert_element_type3A_1934 = arith.extui %lt3A_1933 : i1 to i32
      %cond3A_1935 = arith.constant 0 : i32
      %cond3A_1936 = arith.cmpi ne, %convert_element_type3A_1934, %cond3A_1935 : i32
      scf.if %cond3A_1936 {
        %mul3A_2237 = arith.constant 16 : i32
        %mul3A_2238 = arith.muli %scan3A_223, %mul3A_2237 : i32
        %add3A_2239 = arith.addi %mul3A_34, %mul3A_2238 : i32
        %add3A_2240 = arith.constant 16 : i32
        %add3A_2241 = arith.addi %add3A_2239, %add3A_2240 : i32
        %get3A_2242 = arith.index_cast %add3A_2241 : i32 to index
        %get3A_2243 = tpu.vector_load %arg5[%get3A_2242] {strides = array<i32>} : memref<1024xi32, #tpu.memory_space<vmem>>, vector<16xi32>,
        %slice3A_2244 = vector.extract_strided_slice %get3A_2243 {offsets = [5], sizes = [1], strides = [1]} : vector<16xi32> to vector<1xi32>
        %squeeze3A_2245 = vector.extract %slice3A_2244[0] : i32 from vector<1xi32>
        %shift_right_arithmetic3A_2246 = arith.constant 7 : i32
        %shift_right_arithmetic3A_2247 = arith.shrsi %squeeze3A_2245, %shift_right_arithmetic3A_2246 : i32
        %mul3A_2248 = arith.constant 128 : i32
        %mul3A_2249 = arith.muli %shift_right_arithmetic3A_2247, %mul3A_2248 : i32
        %multiple_of3A_2250 = tpu.assume_multiple %mul3A_2249, 128 : i32
        %dma_start3A_2251 = arith.constant 5 : i32
        %dma_start3A_2252 = arith.constant 5 : i32
        %dma_start3A_2253 = arith.constant 0 : i32
        %dma_start3A_2254 = arith.constant 0 : i32
        %dma_start3A_2255 = tpu.memref_slice %arg6[%dma_start3A_2251, %dma_start3A_2253, %dma_start3A_2254] : memref<8x64x128xf32, #tpu.memory_space<vmem>> -> memref<1x64x128xf32, #tpu.memory_space<vmem>>
        %dma_start3A_2256 = tpu.memref_squeeze %dma_start3A_2255 : memref<1x64x128xf32, #tpu.memory_space<vmem>> -> memref<64x128xf32, #tpu.memory_space<vmem>>
        %dma_start3A_2257 = arith.constant 0 : i32
        %dma_start3A_2258 = tpu.memref_slice %arg3[%dma_start3A_2257, %multiple_of3A_2250] : memref<64x1000000xf32, #tpu.memory_space<hbm>> -> memref<64x128xf32, #tpu.memory_space<hbm>>
        %dma_start3A_2259 = tpu.memref_slice %arg8[%dma_start3A_2252] : memref<8x!tpu.dma_semaphore, #tpu.memory_space<semaphore_mem>> -> memref<1x!tpu.dma_semaphore, #tpu.memory_space<semaphore_mem>>
        %dma_start3A_2260 = tpu.memref_squeeze %dma_start3A_2259 : memref<1x!tpu.dma_semaphore, #tpu.memory_space<semaphore_mem>> -> memref<!tpu.dma_semaphore, #tpu.memory_space<semaphore_mem>>
        %dma_start3A_2261 = arith.constant 0 : i32
        %dma_start3A_2262 = arith.constant 0 : i32
        %dma_start3A_2263 = tpu.memref_slice %arg6[%dma_start3A_2251, %dma_start3A_2261, %dma_start3A_2262] : memref<8x64x128xf32, #tpu.memory_space<vmem>> -> memref<1x64x128xf32, #tpu.memory_space<vmem>>
        %dma_start3A_2264 = tpu.memref_squeeze %dma_start3A_2263 : memref<1x64x128xf32, #tpu.memory_space<vmem>> -> memref<64x128xf32, #tpu.memory_space<vmem>>
        %dma_start3A_2265 = arith.constant 0 : i32
        %dma_start3A_2266 = tpu.memref_slice %arg3[%dma_start3A_2265, %multiple_of3A_2250] : memref<64x1000000xf32, #tpu.memory_space<hbm>> -> memref<64x128xf32, #tpu.memory_space<hbm>>
        tpu.enqueue_dma source(%dma_start3A_2266 : memref<64x128xf32, #tpu.memory_space<hbm>>) target(%dma_start3A_2264 : memref<64x128xf32, #tpu.memory_space<vmem>>) target_semaphore(%dma_start3A_2260 : memref<!tpu.dma_semaphore, #tpu.memory_space<semaphore_mem>>)
      } else {
      }
      %mul3A_1937 = arith.mulf %gather3A_1919, %gather3A_1919 : vector<16xf32>
      %mul3A_1938 = arith.mulf %gather3A_1923, %gather3A_1923 : vector<16xf32>
      %add3A_1939 = arith.addf %mul3A_1937, %mul3A_1938 : vector<16xf32>
      %mul3A_1940 = arith.mulf %gather3A_1927, %gather3A_1927 : vector<16xf32>
      %add3A_1941 = arith.addf %add3A_1939, %mul3A_1940 : vector<16xf32>
      %mul3A_1942 = arith.mulf %gather3A_1931, %gather3A_1931 : vector<16xf32>
      %add3A_1943 = arith.addf %add3A_1941, %mul3A_1942 : vector<16xf32>
      %reduce_sum3A_1944 = arith.constant true
      %reduce_sum3A_1945 = vector.broadcast %reduce_sum3A_1944 : i1 to vector<16xi1>
      %reduce_sum3A_1946 = tpu.scan <sum>, %add3A_1943 masked %reduce_sum3A_1945 : vector<16xf32>, vector<16xi1> -> vector<16xf32>
      %reduce_sum3A_1947 = vector.extract %reduce_sum3A_1946[15] : f32 from vector<16xf32>
      %broadcast_in_dim3A_1948 = vector.broadcast %reduce_sum3A_1947 : f32 to vector<16xf32>
      %bitcast3A_1949 = vector.bitcast %broadcast_in_dim3A_1948 : vector<16xf32> to vector<16xi32>
      %shift_right_arithmetic3A_1950 = arith.constant 1 : i32
      %shift_right_arithmetic3A_1951 = vector.broadcast %shift_right_arithmetic3A_1950 : i32 to vector<16xi32>
      %shift_right_arithmetic3A_1952 = arith.shrsi %bitcast3A_1949, %shift_right_arithmetic3A_1951 : vector<16xi32>
      %sub3A_1953 = arith.constant 1597463007 : i32
      %sub3A_1954 = vector.broadcast %sub3A_1953 : i32 to vector<16xi32>
      %sub3A_1955 = arith.subi %sub3A_1954, %shift_right_arithmetic3A_1952 : vector<16xi32>
      %bitcast3A_1956 = vector.bitcast %sub3A_1955 : vector<16xi32> to vector<16xf32>
      %mul3A_1957 = arith.constant 5.000000e-01 : f32
      %mul3A_1958 = vector.broadcast %mul3A_1957 : f32 to vector<16xf32>
      %mul3A_1959 = arith.mulf %mul3A_1958, %broadcast_in_dim3A_1948 : vector<16xf32>
      %mul3A_1960 = arith.mulf %mul3A_1959, %bitcast3A_1956 : vector<16xf32>
      %mul3A_1961 = arith.mulf %mul3A_1960, %bitcast3A_1956 : vector<16xf32>
      %sub3A_1962 = arith.constant 1.500000e+00 : f32
      %sub3A_1963 = vector.broadcast %sub3A_1962 : f32 to vector<16xf32>
      %sub3A_1964 = arith.subf %sub3A_1963, %mul3A_1961 : vector<16xf32>
      %mul3A_1965 = arith.mulf %bitcast3A_1956, %sub3A_1964 : vector<16xf32>
      %mul3A_1966 = arith.constant 5.000000e-01 : f32
      %mul3A_1967 = vector.broadcast %mul3A_1966 : f32 to vector<16xf32>
      %mul3A_1968 = arith.mulf %mul3A_1967, %broadcast_in_dim3A_1948 : vector<16xf32>
      %mul3A_1969 = arith.mulf %mul3A_1968, %mul3A_1965 : vector<16xf32>
      %mul3A_1970 = arith.mulf %mul3A_1969, %mul3A_1965 : vector<16xf32>
      %sub3A_1971 = arith.constant 1.500000e+00 : f32
      %sub3A_1972 = vector.broadcast %sub3A_1971 : f32 to vector<16xf32>
      %sub3A_1973 = arith.subf %sub3A_1972, %mul3A_1970 : vector<16xf32>
      %mul3A_1974 = arith.mulf %mul3A_1965, %sub3A_1973 : vector<16xf32>
      %mul3A_1975 = arith.constant 5.000000e-01 : f32
      %mul3A_1976 = vector.broadcast %mul3A_1975 : f32 to vector<16xf32>
      %mul3A_1977 = arith.mulf %mul3A_1976, %broadcast_in_dim3A_1948 : vector<16xf32>
      %mul3A_1978 = arith.mulf %mul3A_1977, %mul3A_1974 : vector<16xf32>
      %mul3A_1979 = arith.mulf %mul3A_1978, %mul3A_1974 : vector<16xf32>
      %sub3A_1980 = arith.constant 1.500000e+00 : f32
      %sub3A_1981 = vector.broadcast %sub3A_1980 : f32 to vector<16xf32>
      %sub3A_1982 = arith.subf %sub3A_1981, %mul3A_1979 : vector<16xf32>
      %mul3A_1983 = arith.mulf %mul3A_1974, %sub3A_1982 : vector<16xf32>
      %min3A_1984 = arith.constant 1.000000e+00 : f32
      %min3A_1985 = vector.broadcast %min3A_1984 : f32 to vector<16xf32>
      %min3A_1986 = arith.minimumf %mul3A_1983, %min3A_1985 : vector<16xf32>
      %add3A_1987 = arith.constant 0 : i32
      %add3A_1988 = vector.broadcast %add3A_1987 : i32 to vector<16xi32>
      %add3A_1989 = arith.addi %iota3A, %add3A_1988 : vector<16xi32>
      %mul3A_1990 = arith.mulf %gather3A_1919, %min3A_1986 : vector<16xf32>
      tpu.vector_store_idx %arg7[%add3A_1989, %broadcast_in_dim3A_1890], %mul3A_1990 : memref<64x512xf32, #tpu.memory_space<vmem>>[vector<16xi32>, vector<16xi32>], vector<16xf32>,
      %add3A_1991 = arith.constant 16 : i32
      %add3A_1992 = vector.broadcast %add3A_1991 : i32 to vector<16xi32>
      %add3A_1993 = arith.addi %iota3A, %add3A_1992 : vector<16xi32>
      %mul3A_1994 = arith.mulf %gather3A_1923, %min3A_1986 : vector<16xf32>
      tpu.vector_store_idx %arg7[%add3A_1993, %broadcast_in_dim3A_1890], %mul3A_1994 : memref<64x512xf32, #tpu.memory_space<vmem>>[vector<16xi32>, vector<16xi32>], vector<16xf32>,
      %add3A_1995 = arith.constant 32 : i32
      %add3A_1996 = vector.broadcast %add3A_1995 : i32 to vector<16xi32>
      %add3A_1997 = arith.addi %iota3A, %add3A_1996 : vector<16xi32>
      %mul3A_1998 = arith.mulf %gather3A_1927, %min3A_1986 : vector<16xf32>
      tpu.vector_store_idx %arg7[%add3A_1997, %broadcast_in_dim3A_1890], %mul3A_1998 : memref<64x512xf32, #tpu.memory_space<vmem>>[vector<16xi32>, vector<16xi32>], vector<16xf32>,
      %add3A_1999 = arith.constant 48 : i32
      %add3A_2000 = vector.broadcast %add3A_1999 : i32 to vector<16xi32>
      %add3A_2001 = arith.addi %iota3A, %add3A_2000 : vector<16xi32>
      %mul3A_2002 = arith.mulf %gather3A_1931, %min3A_1986 : vector<16xf32>
      tpu.vector_store_idx %arg7[%add3A_2001, %broadcast_in_dim3A_1890], %mul3A_2002 : memref<64x512xf32, #tpu.memory_space<vmem>>[vector<16xi32>, vector<16xi32>], vector<16xf32>,
      %mul3A_2003 = arith.constant 16 : i32
      %mul3A_2004 = arith.muli %scan3A_223, %mul3A_2003 : i32
      %add3A_2005 = arith.constant 14 : i32
      %add3A_2006 = arith.addi %mul3A_2004, %add3A_2005 : i32
      %broadcast_in_dim3A_2007 = vector.broadcast %add3A_2006 : i32 to vector<16xi32>
      %slice3A_2008 = vector.extract_strided_slice %get3A_228 {offsets = [14], sizes = [1], strides = [1]} : vector<16xi32> to vector<1xi32>
      %squeeze3A_2009 = vector.extract %slice3A_2008[0] : i32 from vector<1xi32>
      %dma_wait3A_2010 = arith.constant 6 : i32
      %dma_wait3A_2011 = arith.constant 6 : i32
      %dma_wait3A_2012 = arith.constant 0 : i32
      %dma_wait3A_2013 = arith.constant 0 : i32
      %dma_wait3A_2014 = tpu.memref_slice %arg6[%dma_wait3A_2010, %dma_wait3A_2012, %dma_wait3A_2013] : memref<8x64x128xf32, #tpu.memory_space<vmem>> -> memref<1x64x128xf32, #tpu.memory_space<vmem>>
      %dma_wait3A_2015 = tpu.memref_squeeze %dma_wait3A_2014 : memref<1x64x128xf32, #tpu.memory_space<vmem>> -> memref<64x128xf32, #tpu.memory_space<vmem>>
      %dma_wait3A_2016 = arith.constant 0 : i32
      %dma_wait3A_2017 = arith.constant 0 : i32
      %dma_wait3A_2018 = tpu.memref_slice %arg3[%dma_wait3A_2016, %dma_wait3A_2017] : memref<64x1000000xf32, #tpu.memory_space<hbm>> -> memref<64x128xf32, #tpu.memory_space<hbm>>
      %dma_wait3A_2019 = tpu.memref_slice %arg8[%dma_wait3A_2011] : memref<8x!tpu.dma_semaphore, #tpu.memory_space<semaphore_mem>> -> memref<1x!tpu.dma_semaphore, #tpu.memory_space<semaphore_mem>>
      %dma_wait3A_2020 = tpu.memref_squeeze %dma_wait3A_2019 : memref<1x!tpu.dma_semaphore, #tpu.memory_space<semaphore_mem>> -> memref<!tpu.dma_semaphore, #tpu.memory_space<semaphore_mem>>
      %dma_wait3A_2021 = arith.constant 0 : i32
      %dma_wait3A_2022 = arith.constant 0 : i32
      %dma_wait3A_2023 = tpu.memref_slice %arg6[%dma_wait3A_2010, %dma_wait3A_2021, %dma_wait3A_2022] : memref<8x64x128xf32, #tpu.memory_space<vmem>> -> memref<1x64x128xf32, #tpu.memory_space<vmem>>
      %dma_wait3A_2024 = tpu.memref_squeeze %dma_wait3A_2023 : memref<1x64x128xf32, #tpu.memory_space<vmem>> -> memref<64x128xf32, #tpu.memory_space<vmem>>
      %dma_wait3A_2025 = arith.constant 0 : i32
      %dma_wait3A_2026 = arith.constant 0 : i32
      %dma_wait3A_2027 = tpu.memref_slice %arg3[%dma_wait3A_2025, %dma_wait3A_2026] : memref<64x1000000xf32, #tpu.memory_space<hbm>> -> memref<64x128xf32, #tpu.memory_space<hbm>>
      tpu.wait_dma2 semaphore(%dma_wait3A_2020 : memref<!tpu.dma_semaphore, #tpu.memory_space<semaphore_mem>>) src(%dma_wait3A_2027 : memref<64x128xf32, #tpu.memory_space<hbm>>) dst(%dma_wait3A_2024 : memref<64x128xf32, #tpu.memory_space<vmem>>)
      %and3A_2028 = arith.constant 127 : i32
      %and3A_2029 = arith.andi %squeeze3A_2009, %and3A_2028 : i32
      %broadcast_in_dim3A_2030 = vector.broadcast %and3A_2029 : i32 to vector<16xi32>
      %broadcast_in_dim3A_2031 = arith.constant 6 : i32
      %broadcast_in_dim3A_2032 = vector.broadcast %broadcast_in_dim3A_2031 : i32 to vector<16xi32>
      %add3A_2033 = arith.constant 0 : i32
      %add3A_2034 = vector.broadcast %add3A_2033 : i32 to vector<16xi32>
      %add3A_2035 = arith.addi %iota3A, %add3A_2034 : vector<16xi32>
      %gather3A_2036 = tpu.vector_load_idx %arg6[%broadcast_in_dim3A_2032, %add3A_2035, %broadcast_in_dim3A_2030] : memref<8x64x128xf32, #tpu.memory_space<vmem>>[vector<16xi32>, vector<16xi32>, vector<16xi32>], vector<16xf32>,
      %add3A_2037 = arith.constant 16 : i32
      %add3A_2038 = vector.broadcast %add3A_2037 : i32 to vector<16xi32>
      %add3A_2039 = arith.addi %iota3A, %add3A_2038 : vector<16xi32>
      %gather3A_2040 = tpu.vector_load_idx %arg6[%broadcast_in_dim3A_2032, %add3A_2039, %broadcast_in_dim3A_2030] : memref<8x64x128xf32, #tpu.memory_space<vmem>>[vector<16xi32>, vector<16xi32>, vector<16xi32>], vector<16xf32>,
      %add3A_2041 = arith.constant 32 : i32
      %add3A_2042 = vector.broadcast %add3A_2041 : i32 to vector<16xi32>
      %add3A_2043 = arith.addi %iota3A, %add3A_2042 : vector<16xi32>
      %gather3A_2044 = tpu.vector_load_idx %arg6[%broadcast_in_dim3A_2032, %add3A_2043, %broadcast_in_dim3A_2030] : memref<8x64x128xf32, #tpu.memory_space<vmem>>[vector<16xi32>, vector<16xi32>, vector<16xi32>], vector<16xf32>,
      %add3A_2045 = arith.constant 48 : i32
      %add3A_2046 = vector.broadcast %add3A_2045 : i32 to vector<16xi32>
      %add3A_2047 = arith.addi %iota3A, %add3A_2046 : vector<16xi32>
      %gather3A_2048 = tpu.vector_load_idx %arg6[%broadcast_in_dim3A_2032, %add3A_2047, %broadcast_in_dim3A_2030] : memref<8x64x128xf32, #tpu.memory_space<vmem>>[vector<16xi32>, vector<16xi32>, vector<16xi32>], vector<16xf32>,
      %lt3A_2049 = arith.constant 31 : i32
      %lt3A_2050 = arith.cmpi slt, %scan3A_223, %lt3A_2049 : i32
      %convert_element_type3A_2051 = arith.extui %lt3A_2050 : i1 to i32
      %cond3A_2052 = arith.constant 0 : i32
      %cond3A_2053 = arith.cmpi ne, %convert_element_type3A_2051, %cond3A_2052 : i32
      scf.if %cond3A_2053 {
        %mul3A_2237 = arith.constant 16 : i32
        %mul3A_2238 = arith.muli %scan3A_223, %mul3A_2237 : i32
        %add3A_2239 = arith.addi %mul3A_34, %mul3A_2238 : i32
        %add3A_2240 = arith.constant 16 : i32
        %add3A_2241 = arith.addi %add3A_2239, %add3A_2240 : i32
        %get3A_2242 = arith.index_cast %add3A_2241 : i32 to index
        %get3A_2243 = tpu.vector_load %arg5[%get3A_2242] {strides = array<i32>} : memref<1024xi32, #tpu.memory_space<vmem>>, vector<16xi32>,
        %slice3A_2244 = vector.extract_strided_slice %get3A_2243 {offsets = [6], sizes = [1], strides = [1]} : vector<16xi32> to vector<1xi32>
        %squeeze3A_2245 = vector.extract %slice3A_2244[0] : i32 from vector<1xi32>
        %shift_right_arithmetic3A_2246 = arith.constant 7 : i32
        %shift_right_arithmetic3A_2247 = arith.shrsi %squeeze3A_2245, %shift_right_arithmetic3A_2246 : i32
        %mul3A_2248 = arith.constant 128 : i32
        %mul3A_2249 = arith.muli %shift_right_arithmetic3A_2247, %mul3A_2248 : i32
        %multiple_of3A_2250 = tpu.assume_multiple %mul3A_2249, 128 : i32
        %dma_start3A_2251 = arith.constant 6 : i32
        %dma_start3A_2252 = arith.constant 6 : i32
        %dma_start3A_2253 = arith.constant 0 : i32
        %dma_start3A_2254 = arith.constant 0 : i32
        %dma_start3A_2255 = tpu.memref_slice %arg6[%dma_start3A_2251, %dma_start3A_2253, %dma_start3A_2254] : memref<8x64x128xf32, #tpu.memory_space<vmem>> -> memref<1x64x128xf32, #tpu.memory_space<vmem>>
        %dma_start3A_2256 = tpu.memref_squeeze %dma_start3A_2255 : memref<1x64x128xf32, #tpu.memory_space<vmem>> -> memref<64x128xf32, #tpu.memory_space<vmem>>
        %dma_start3A_2257 = arith.constant 0 : i32
        %dma_start3A_2258 = tpu.memref_slice %arg3[%dma_start3A_2257, %multiple_of3A_2250] : memref<64x1000000xf32, #tpu.memory_space<hbm>> -> memref<64x128xf32, #tpu.memory_space<hbm>>
        %dma_start3A_2259 = tpu.memref_slice %arg8[%dma_start3A_2252] : memref<8x!tpu.dma_semaphore, #tpu.memory_space<semaphore_mem>> -> memref<1x!tpu.dma_semaphore, #tpu.memory_space<semaphore_mem>>
        %dma_start3A_2260 = tpu.memref_squeeze %dma_start3A_2259 : memref<1x!tpu.dma_semaphore, #tpu.memory_space<semaphore_mem>> -> memref<!tpu.dma_semaphore, #tpu.memory_space<semaphore_mem>>
        %dma_start3A_2261 = arith.constant 0 : i32
        %dma_start3A_2262 = arith.constant 0 : i32
        %dma_start3A_2263 = tpu.memref_slice %arg6[%dma_start3A_2251, %dma_start3A_2261, %dma_start3A_2262] : memref<8x64x128xf32, #tpu.memory_space<vmem>> -> memref<1x64x128xf32, #tpu.memory_space<vmem>>
        %dma_start3A_2264 = tpu.memref_squeeze %dma_start3A_2263 : memref<1x64x128xf32, #tpu.memory_space<vmem>> -> memref<64x128xf32, #tpu.memory_space<vmem>>
        %dma_start3A_2265 = arith.constant 0 : i32
        %dma_start3A_2266 = tpu.memref_slice %arg3[%dma_start3A_2265, %multiple_of3A_2250] : memref<64x1000000xf32, #tpu.memory_space<hbm>> -> memref<64x128xf32, #tpu.memory_space<hbm>>
        tpu.enqueue_dma source(%dma_start3A_2266 : memref<64x128xf32, #tpu.memory_space<hbm>>) target(%dma_start3A_2264 : memref<64x128xf32, #tpu.memory_space<vmem>>) target_semaphore(%dma_start3A_2260 : memref<!tpu.dma_semaphore, #tpu.memory_space<semaphore_mem>>)
      } else {
      }
      %mul3A_2054 = arith.mulf %gather3A_2036, %gather3A_2036 : vector<16xf32>
      %mul3A_2055 = arith.mulf %gather3A_2040, %gather3A_2040 : vector<16xf32>
      %add3A_2056 = arith.addf %mul3A_2054, %mul3A_2055 : vector<16xf32>
      %mul3A_2057 = arith.mulf %gather3A_2044, %gather3A_2044 : vector<16xf32>
      %add3A_2058 = arith.addf %add3A_2056, %mul3A_2057 : vector<16xf32>
      %mul3A_2059 = arith.mulf %gather3A_2048, %gather3A_2048 : vector<16xf32>
      %add3A_2060 = arith.addf %add3A_2058, %mul3A_2059 : vector<16xf32>
      %reduce_sum3A_2061 = arith.constant true
      %reduce_sum3A_2062 = vector.broadcast %reduce_sum3A_2061 : i1 to vector<16xi1>
      %reduce_sum3A_2063 = tpu.scan <sum>, %add3A_2060 masked %reduce_sum3A_2062 : vector<16xf32>, vector<16xi1> -> vector<16xf32>
      %reduce_sum3A_2064 = vector.extract %reduce_sum3A_2063[15] : f32 from vector<16xf32>
      %broadcast_in_dim3A_2065 = vector.broadcast %reduce_sum3A_2064 : f32 to vector<16xf32>
      %bitcast3A_2066 = vector.bitcast %broadcast_in_dim3A_2065 : vector<16xf32> to vector<16xi32>
      %shift_right_arithmetic3A_2067 = arith.constant 1 : i32
      %shift_right_arithmetic3A_2068 = vector.broadcast %shift_right_arithmetic3A_2067 : i32 to vector<16xi32>
      %shift_right_arithmetic3A_2069 = arith.shrsi %bitcast3A_2066, %shift_right_arithmetic3A_2068 : vector<16xi32>
      %sub3A_2070 = arith.constant 1597463007 : i32
      %sub3A_2071 = vector.broadcast %sub3A_2070 : i32 to vector<16xi32>
      %sub3A_2072 = arith.subi %sub3A_2071, %shift_right_arithmetic3A_2069 : vector<16xi32>
      %bitcast3A_2073 = vector.bitcast %sub3A_2072 : vector<16xi32> to vector<16xf32>
      %mul3A_2074 = arith.constant 5.000000e-01 : f32
      %mul3A_2075 = vector.broadcast %mul3A_2074 : f32 to vector<16xf32>
      %mul3A_2076 = arith.mulf %mul3A_2075, %broadcast_in_dim3A_2065 : vector<16xf32>
      %mul3A_2077 = arith.mulf %mul3A_2076, %bitcast3A_2073 : vector<16xf32>
      %mul3A_2078 = arith.mulf %mul3A_2077, %bitcast3A_2073 : vector<16xf32>
      %sub3A_2079 = arith.constant 1.500000e+00 : f32
      %sub3A_2080 = vector.broadcast %sub3A_2079 : f32 to vector<16xf32>
      %sub3A_2081 = arith.subf %sub3A_2080, %mul3A_2078 : vector<16xf32>
      %mul3A_2082 = arith.mulf %bitcast3A_2073, %sub3A_2081 : vector<16xf32>
      %mul3A_2083 = arith.constant 5.000000e-01 : f32
      %mul3A_2084 = vector.broadcast %mul3A_2083 : f32 to vector<16xf32>
      %mul3A_2085 = arith.mulf %mul3A_2084, %broadcast_in_dim3A_2065 : vector<16xf32>
      %mul3A_2086 = arith.mulf %mul3A_2085, %mul3A_2082 : vector<16xf32>
      %mul3A_2087 = arith.mulf %mul3A_2086, %mul3A_2082 : vector<16xf32>
      %sub3A_2088 = arith.constant 1.500000e+00 : f32
      %sub3A_2089 = vector.broadcast %sub3A_2088 : f32 to vector<16xf32>
      %sub3A_2090 = arith.subf %sub3A_2089, %mul3A_2087 : vector<16xf32>
      %mul3A_2091 = arith.mulf %mul3A_2082, %sub3A_2090 : vector<16xf32>
      %mul3A_2092 = arith.constant 5.000000e-01 : f32
      %mul3A_2093 = vector.broadcast %mul3A_2092 : f32 to vector<16xf32>
      %mul3A_2094 = arith.mulf %mul3A_2093, %broadcast_in_dim3A_2065 : vector<16xf32>
      %mul3A_2095 = arith.mulf %mul3A_2094, %mul3A_2091 : vector<16xf32>
      %mul3A_2096 = arith.mulf %mul3A_2095, %mul3A_2091 : vector<16xf32>
      %sub3A_2097 = arith.constant 1.500000e+00 : f32
      %sub3A_2098 = vector.broadcast %sub3A_2097 : f32 to vector<16xf32>
      %sub3A_2099 = arith.subf %sub3A_2098, %mul3A_2096 : vector<16xf32>
      %mul3A_2100 = arith.mulf %mul3A_2091, %sub3A_2099 : vector<16xf32>
      %min3A_2101 = arith.constant 1.000000e+00 : f32
      %min3A_2102 = vector.broadcast %min3A_2101 : f32 to vector<16xf32>
      %min3A_2103 = arith.minimumf %mul3A_2100, %min3A_2102 : vector<16xf32>
      %add3A_2104 = arith.constant 0 : i32
      %add3A_2105 = vector.broadcast %add3A_2104 : i32 to vector<16xi32>
      %add3A_2106 = arith.addi %iota3A, %add3A_2105 : vector<16xi32>
      %mul3A_2107 = arith.mulf %gather3A_2036, %min3A_2103 : vector<16xf32>
      tpu.vector_store_idx %arg7[%add3A_2106, %broadcast_in_dim3A_2007], %mul3A_2107 : memref<64x512xf32, #tpu.memory_space<vmem>>[vector<16xi32>, vector<16xi32>], vector<16xf32>,
      %add3A_2108 = arith.constant 16 : i32
      %add3A_2109 = vector.broadcast %add3A_2108 : i32 to vector<16xi32>
      %add3A_2110 = arith.addi %iota3A, %add3A_2109 : vector<16xi32>
      %mul3A_2111 = arith.mulf %gather3A_2040, %min3A_2103 : vector<16xf32>
      tpu.vector_store_idx %arg7[%add3A_2110, %broadcast_in_dim3A_2007], %mul3A_2111 : memref<64x512xf32, #tpu.memory_space<vmem>>[vector<16xi32>, vector<16xi32>], vector<16xf32>,
      %add3A_2112 = arith.constant 32 : i32
      %add3A_2113 = vector.broadcast %add3A_2112 : i32 to vector<16xi32>
      %add3A_2114 = arith.addi %iota3A, %add3A_2113 : vector<16xi32>
      %mul3A_2115 = arith.mulf %gather3A_2044, %min3A_2103 : vector<16xf32>
      tpu.vector_store_idx %arg7[%add3A_2114, %broadcast_in_dim3A_2007], %mul3A_2115 : memref<64x512xf32, #tpu.memory_space<vmem>>[vector<16xi32>, vector<16xi32>], vector<16xf32>,
      %add3A_2116 = arith.constant 48 : i32
      %add3A_2117 = vector.broadcast %add3A_2116 : i32 to vector<16xi32>
      %add3A_2118 = arith.addi %iota3A, %add3A_2117 : vector<16xi32>
      %mul3A_2119 = arith.mulf %gather3A_2048, %min3A_2103 : vector<16xf32>
      tpu.vector_store_idx %arg7[%add3A_2118, %broadcast_in_dim3A_2007], %mul3A_2119 : memref<64x512xf32, #tpu.memory_space<vmem>>[vector<16xi32>, vector<16xi32>], vector<16xf32>,
      %mul3A_2120 = arith.constant 16 : i32
      %mul3A_2121 = arith.muli %scan3A_223, %mul3A_2120 : i32
      %add3A_2122 = arith.constant 15 : i32
      %add3A_2123 = arith.addi %mul3A_2121, %add3A_2122 : i32
      %broadcast_in_dim3A_2124 = vector.broadcast %add3A_2123 : i32 to vector<16xi32>
      %slice3A_2125 = vector.extract_strided_slice %get3A_228 {offsets = [15], sizes = [1], strides = [1]} : vector<16xi32> to vector<1xi32>
      %squeeze3A_2126 = vector.extract %slice3A_2125[0] : i32 from vector<1xi32>
      %dma_wait3A_2127 = arith.constant 7 : i32
      %dma_wait3A_2128 = arith.constant 7 : i32
      %dma_wait3A_2129 = arith.constant 0 : i32
      %dma_wait3A_2130 = arith.constant 0 : i32
      %dma_wait3A_2131 = tpu.memref_slice %arg6[%dma_wait3A_2127, %dma_wait3A_2129, %dma_wait3A_2130] : memref<8x64x128xf32, #tpu.memory_space<vmem>> -> memref<1x64x128xf32, #tpu.memory_space<vmem>>
      %dma_wait3A_2132 = tpu.memref_squeeze %dma_wait3A_2131 : memref<1x64x128xf32, #tpu.memory_space<vmem>> -> memref<64x128xf32, #tpu.memory_space<vmem>>
      %dma_wait3A_2133 = arith.constant 0 : i32
      %dma_wait3A_2134 = arith.constant 0 : i32
      %dma_wait3A_2135 = tpu.memref_slice %arg3[%dma_wait3A_2133, %dma_wait3A_2134] : memref<64x1000000xf32, #tpu.memory_space<hbm>> -> memref<64x128xf32, #tpu.memory_space<hbm>>
      %dma_wait3A_2136 = tpu.memref_slice %arg8[%dma_wait3A_2128] : memref<8x!tpu.dma_semaphore, #tpu.memory_space<semaphore_mem>> -> memref<1x!tpu.dma_semaphore, #tpu.memory_space<semaphore_mem>>
      %dma_wait3A_2137 = tpu.memref_squeeze %dma_wait3A_2136 : memref<1x!tpu.dma_semaphore, #tpu.memory_space<semaphore_mem>> -> memref<!tpu.dma_semaphore, #tpu.memory_space<semaphore_mem>>
      %dma_wait3A_2138 = arith.constant 0 : i32
      %dma_wait3A_2139 = arith.constant 0 : i32
      %dma_wait3A_2140 = tpu.memref_slice %arg6[%dma_wait3A_2127, %dma_wait3A_2138, %dma_wait3A_2139] : memref<8x64x128xf32, #tpu.memory_space<vmem>> -> memref<1x64x128xf32, #tpu.memory_space<vmem>>
      %dma_wait3A_2141 = tpu.memref_squeeze %dma_wait3A_2140 : memref<1x64x128xf32, #tpu.memory_space<vmem>> -> memref<64x128xf32, #tpu.memory_space<vmem>>
      %dma_wait3A_2142 = arith.constant 0 : i32
      %dma_wait3A_2143 = arith.constant 0 : i32
      %dma_wait3A_2144 = tpu.memref_slice %arg3[%dma_wait3A_2142, %dma_wait3A_2143] : memref<64x1000000xf32, #tpu.memory_space<hbm>> -> memref<64x128xf32, #tpu.memory_space<hbm>>
      tpu.wait_dma2 semaphore(%dma_wait3A_2137 : memref<!tpu.dma_semaphore, #tpu.memory_space<semaphore_mem>>) src(%dma_wait3A_2144 : memref<64x128xf32, #tpu.memory_space<hbm>>) dst(%dma_wait3A_2141 : memref<64x128xf32, #tpu.memory_space<vmem>>)
      %and3A_2145 = arith.constant 127 : i32
      %and3A_2146 = arith.andi %squeeze3A_2126, %and3A_2145 : i32
      %broadcast_in_dim3A_2147 = vector.broadcast %and3A_2146 : i32 to vector<16xi32>
      %broadcast_in_dim3A_2148 = arith.constant 7 : i32
      %broadcast_in_dim3A_2149 = vector.broadcast %broadcast_in_dim3A_2148 : i32 to vector<16xi32>
      %add3A_2150 = arith.constant 0 : i32
      %add3A_2151 = vector.broadcast %add3A_2150 : i32 to vector<16xi32>
      %add3A_2152 = arith.addi %iota3A, %add3A_2151 : vector<16xi32>
      %gather3A_2153 = tpu.vector_load_idx %arg6[%broadcast_in_dim3A_2149, %add3A_2152, %broadcast_in_dim3A_2147] : memref<8x64x128xf32, #tpu.memory_space<vmem>>[vector<16xi32>, vector<16xi32>, vector<16xi32>], vector<16xf32>,
      %add3A_2154 = arith.constant 16 : i32
      %add3A_2155 = vector.broadcast %add3A_2154 : i32 to vector<16xi32>
      %add3A_2156 = arith.addi %iota3A, %add3A_2155 : vector<16xi32>
      %gather3A_2157 = tpu.vector_load_idx %arg6[%broadcast_in_dim3A_2149, %add3A_2156, %broadcast_in_dim3A_2147] : memref<8x64x128xf32, #tpu.memory_space<vmem>>[vector<16xi32>, vector<16xi32>, vector<16xi32>], vector<16xf32>,
      %add3A_2158 = arith.constant 32 : i32
      %add3A_2159 = vector.broadcast %add3A_2158 : i32 to vector<16xi32>
      %add3A_2160 = arith.addi %iota3A, %add3A_2159 : vector<16xi32>
      %gather3A_2161 = tpu.vector_load_idx %arg6[%broadcast_in_dim3A_2149, %add3A_2160, %broadcast_in_dim3A_2147] : memref<8x64x128xf32, #tpu.memory_space<vmem>>[vector<16xi32>, vector<16xi32>, vector<16xi32>], vector<16xf32>,
      %add3A_2162 = arith.constant 48 : i32
      %add3A_2163 = vector.broadcast %add3A_2162 : i32 to vector<16xi32>
      %add3A_2164 = arith.addi %iota3A, %add3A_2163 : vector<16xi32>
      %gather3A_2165 = tpu.vector_load_idx %arg6[%broadcast_in_dim3A_2149, %add3A_2164, %broadcast_in_dim3A_2147] : memref<8x64x128xf32, #tpu.memory_space<vmem>>[vector<16xi32>, vector<16xi32>, vector<16xi32>], vector<16xf32>,
      %lt3A_2166 = arith.constant 31 : i32
      %lt3A_2167 = arith.cmpi slt, %scan3A_223, %lt3A_2166 : i32
      %convert_element_type3A_2168 = arith.extui %lt3A_2167 : i1 to i32
      %cond3A_2169 = arith.constant 0 : i32
      %cond3A_2170 = arith.cmpi ne, %convert_element_type3A_2168, %cond3A_2169 : i32
      scf.if %cond3A_2170 {
        %mul3A_2237 = arith.constant 16 : i32
        %mul3A_2238 = arith.muli %scan3A_223, %mul3A_2237 : i32
        %add3A_2239 = arith.addi %mul3A_34, %mul3A_2238 : i32
        %add3A_2240 = arith.constant 16 : i32
        %add3A_2241 = arith.addi %add3A_2239, %add3A_2240 : i32
        %get3A_2242 = arith.index_cast %add3A_2241 : i32 to index
        %get3A_2243 = tpu.vector_load %arg5[%get3A_2242] {strides = array<i32>} : memref<1024xi32, #tpu.memory_space<vmem>>, vector<16xi32>,
        %slice3A_2244 = vector.extract_strided_slice %get3A_2243 {offsets = [7], sizes = [1], strides = [1]} : vector<16xi32> to vector<1xi32>
        %squeeze3A_2245 = vector.extract %slice3A_2244[0] : i32 from vector<1xi32>
        %shift_right_arithmetic3A_2246 = arith.constant 7 : i32
        %shift_right_arithmetic3A_2247 = arith.shrsi %squeeze3A_2245, %shift_right_arithmetic3A_2246 : i32
        %mul3A_2248 = arith.constant 128 : i32
        %mul3A_2249 = arith.muli %shift_right_arithmetic3A_2247, %mul3A_2248 : i32
        %multiple_of3A_2250 = tpu.assume_multiple %mul3A_2249, 128 : i32
        %dma_start3A_2251 = arith.constant 7 : i32
        %dma_start3A_2252 = arith.constant 7 : i32
        %dma_start3A_2253 = arith.constant 0 : i32
        %dma_start3A_2254 = arith.constant 0 : i32
        %dma_start3A_2255 = tpu.memref_slice %arg6[%dma_start3A_2251, %dma_start3A_2253, %dma_start3A_2254] : memref<8x64x128xf32, #tpu.memory_space<vmem>> -> memref<1x64x128xf32, #tpu.memory_space<vmem>>
        %dma_start3A_2256 = tpu.memref_squeeze %dma_start3A_2255 : memref<1x64x128xf32, #tpu.memory_space<vmem>> -> memref<64x128xf32, #tpu.memory_space<vmem>>
        %dma_start3A_2257 = arith.constant 0 : i32
        %dma_start3A_2258 = tpu.memref_slice %arg3[%dma_start3A_2257, %multiple_of3A_2250] : memref<64x1000000xf32, #tpu.memory_space<hbm>> -> memref<64x128xf32, #tpu.memory_space<hbm>>
        %dma_start3A_2259 = tpu.memref_slice %arg8[%dma_start3A_2252] : memref<8x!tpu.dma_semaphore, #tpu.memory_space<semaphore_mem>> -> memref<1x!tpu.dma_semaphore, #tpu.memory_space<semaphore_mem>>
        %dma_start3A_2260 = tpu.memref_squeeze %dma_start3A_2259 : memref<1x!tpu.dma_semaphore, #tpu.memory_space<semaphore_mem>> -> memref<!tpu.dma_semaphore, #tpu.memory_space<semaphore_mem>>
        %dma_start3A_2261 = arith.constant 0 : i32
        %dma_start3A_2262 = arith.constant 0 : i32
        %dma_start3A_2263 = tpu.memref_slice %arg6[%dma_start3A_2251, %dma_start3A_2261, %dma_start3A_2262] : memref<8x64x128xf32, #tpu.memory_space<vmem>> -> memref<1x64x128xf32, #tpu.memory_space<vmem>>
        %dma_start3A_2264 = tpu.memref_squeeze %dma_start3A_2263 : memref<1x64x128xf32, #tpu.memory_space<vmem>> -> memref<64x128xf32, #tpu.memory_space<vmem>>
        %dma_start3A_2265 = arith.constant 0 : i32
        %dma_start3A_2266 = tpu.memref_slice %arg3[%dma_start3A_2265, %multiple_of3A_2250] : memref<64x1000000xf32, #tpu.memory_space<hbm>> -> memref<64x128xf32, #tpu.memory_space<hbm>>
        tpu.enqueue_dma source(%dma_start3A_2266 : memref<64x128xf32, #tpu.memory_space<hbm>>) target(%dma_start3A_2264 : memref<64x128xf32, #tpu.memory_space<vmem>>) target_semaphore(%dma_start3A_2260 : memref<!tpu.dma_semaphore, #tpu.memory_space<semaphore_mem>>)
      } else {
      }
      %mul3A_2171 = arith.mulf %gather3A_2153, %gather3A_2153 : vector<16xf32>
      %mul3A_2172 = arith.mulf %gather3A_2157, %gather3A_2157 : vector<16xf32>
      %add3A_2173 = arith.addf %mul3A_2171, %mul3A_2172 : vector<16xf32>
      %mul3A_2174 = arith.mulf %gather3A_2161, %gather3A_2161 : vector<16xf32>
      %add3A_2175 = arith.addf %add3A_2173, %mul3A_2174 : vector<16xf32>
      %mul3A_2176 = arith.mulf %gather3A_2165, %gather3A_2165 : vector<16xf32>
      %add3A_2177 = arith.addf %add3A_2175, %mul3A_2176 : vector<16xf32>
      %reduce_sum3A_2178 = arith.constant true
      %reduce_sum3A_2179 = vector.broadcast %reduce_sum3A_2178 : i1 to vector<16xi1>
      %reduce_sum3A_2180 = tpu.scan <sum>, %add3A_2177 masked %reduce_sum3A_2179 : vector<16xf32>, vector<16xi1> -> vector<16xf32>
      %reduce_sum3A_2181 = vector.extract %reduce_sum3A_2180[15] : f32 from vector<16xf32>
      %broadcast_in_dim3A_2182 = vector.broadcast %reduce_sum3A_2181 : f32 to vector<16xf32>
      %bitcast3A_2183 = vector.bitcast %broadcast_in_dim3A_2182 : vector<16xf32> to vector<16xi32>
      %shift_right_arithmetic3A_2184 = arith.constant 1 : i32
      %shift_right_arithmetic3A_2185 = vector.broadcast %shift_right_arithmetic3A_2184 : i32 to vector<16xi32>
      %shift_right_arithmetic3A_2186 = arith.shrsi %bitcast3A_2183, %shift_right_arithmetic3A_2185 : vector<16xi32>
      %sub3A_2187 = arith.constant 1597463007 : i32
      %sub3A_2188 = vector.broadcast %sub3A_2187 : i32 to vector<16xi32>
      %sub3A_2189 = arith.subi %sub3A_2188, %shift_right_arithmetic3A_2186 : vector<16xi32>
      %bitcast3A_2190 = vector.bitcast %sub3A_2189 : vector<16xi32> to vector<16xf32>
      %mul3A_2191 = arith.constant 5.000000e-01 : f32
      %mul3A_2192 = vector.broadcast %mul3A_2191 : f32 to vector<16xf32>
      %mul3A_2193 = arith.mulf %mul3A_2192, %broadcast_in_dim3A_2182 : vector<16xf32>
      %mul3A_2194 = arith.mulf %mul3A_2193, %bitcast3A_2190 : vector<16xf32>
      %mul3A_2195 = arith.mulf %mul3A_2194, %bitcast3A_2190 : vector<16xf32>
      %sub3A_2196 = arith.constant 1.500000e+00 : f32
      %sub3A_2197 = vector.broadcast %sub3A_2196 : f32 to vector<16xf32>
      %sub3A_2198 = arith.subf %sub3A_2197, %mul3A_2195 : vector<16xf32>
      %mul3A_2199 = arith.mulf %bitcast3A_2190, %sub3A_2198 : vector<16xf32>
      %mul3A_2200 = arith.constant 5.000000e-01 : f32
      %mul3A_2201 = vector.broadcast %mul3A_2200 : f32 to vector<16xf32>
      %mul3A_2202 = arith.mulf %mul3A_2201, %broadcast_in_dim3A_2182 : vector<16xf32>
      %mul3A_2203 = arith.mulf %mul3A_2202, %mul3A_2199 : vector<16xf32>
      %mul3A_2204 = arith.mulf %mul3A_2203, %mul3A_2199 : vector<16xf32>
      %sub3A_2205 = arith.constant 1.500000e+00 : f32
      %sub3A_2206 = vector.broadcast %sub3A_2205 : f32 to vector<16xf32>
      %sub3A_2207 = arith.subf %sub3A_2206, %mul3A_2204 : vector<16xf32>
      %mul3A_2208 = arith.mulf %mul3A_2199, %sub3A_2207 : vector<16xf32>
      %mul3A_2209 = arith.constant 5.000000e-01 : f32
      %mul3A_2210 = vector.broadcast %mul3A_2209 : f32 to vector<16xf32>
      %mul3A_2211 = arith.mulf %mul3A_2210, %broadcast_in_dim3A_2182 : vector<16xf32>
      %mul3A_2212 = arith.mulf %mul3A_2211, %mul3A_2208 : vector<16xf32>
      %mul3A_2213 = arith.mulf %mul3A_2212, %mul3A_2208 : vector<16xf32>
      %sub3A_2214 = arith.constant 1.500000e+00 : f32
      %sub3A_2215 = vector.broadcast %sub3A_2214 : f32 to vector<16xf32>
      %sub3A_2216 = arith.subf %sub3A_2215, %mul3A_2213 : vector<16xf32>
      %mul3A_2217 = arith.mulf %mul3A_2208, %sub3A_2216 : vector<16xf32>
      %min3A_2218 = arith.constant 1.000000e+00 : f32
      %min3A_2219 = vector.broadcast %min3A_2218 : f32 to vector<16xf32>
      %min3A_2220 = arith.minimumf %mul3A_2217, %min3A_2219 : vector<16xf32>
      %add3A_2221 = arith.constant 0 : i32
      %add3A_2222 = vector.broadcast %add3A_2221 : i32 to vector<16xi32>
      %add3A_2223 = arith.addi %iota3A, %add3A_2222 : vector<16xi32>
      %mul3A_2224 = arith.mulf %gather3A_2153, %min3A_2220 : vector<16xf32>
      tpu.vector_store_idx %arg7[%add3A_2223, %broadcast_in_dim3A_2124], %mul3A_2224 : memref<64x512xf32, #tpu.memory_space<vmem>>[vector<16xi32>, vector<16xi32>], vector<16xf32>,
      %add3A_2225 = arith.constant 16 : i32
      %add3A_2226 = vector.broadcast %add3A_2225 : i32 to vector<16xi32>
      %add3A_2227 = arith.addi %iota3A, %add3A_2226 : vector<16xi32>
      %mul3A_2228 = arith.mulf %gather3A_2157, %min3A_2220 : vector<16xf32>
      tpu.vector_store_idx %arg7[%add3A_2227, %broadcast_in_dim3A_2124], %mul3A_2228 : memref<64x512xf32, #tpu.memory_space<vmem>>[vector<16xi32>, vector<16xi32>], vector<16xf32>,
      %add3A_2229 = arith.constant 32 : i32
      %add3A_2230 = vector.broadcast %add3A_2229 : i32 to vector<16xi32>
      %add3A_2231 = arith.addi %iota3A, %add3A_2230 : vector<16xi32>
      %mul3A_2232 = arith.mulf %gather3A_2161, %min3A_2220 : vector<16xf32>
      tpu.vector_store_idx %arg7[%add3A_2231, %broadcast_in_dim3A_2124], %mul3A_2232 : memref<64x512xf32, #tpu.memory_space<vmem>>[vector<16xi32>, vector<16xi32>], vector<16xf32>,
      %add3A_2233 = arith.constant 48 : i32
      %add3A_2234 = vector.broadcast %add3A_2233 : i32 to vector<16xi32>
      %add3A_2235 = arith.addi %iota3A, %add3A_2234 : vector<16xi32>
      %mul3A_2236 = arith.mulf %gather3A_2165, %min3A_2220 : vector<16xf32>
      tpu.vector_store_idx %arg7[%add3A_2235, %broadcast_in_dim3A_2124], %mul3A_2236 : memref<64x512xf32, #tpu.memory_space<vmem>>[vector<16xi32>, vector<16xi32>], vector<16xf32>,
    }
    %scan3A_220 = arith.constant 32 : i32
    %mul3A_221 = arith.constant 512 : i32
    %mul3A_222 = arith.muli %add3A, %mul3A_221 : i32
    "tpu.region"() ({
      %run_scoped3A = tpu.sem_alloc : memref<!tpu.dma_semaphore, #tpu.memory_space<semaphore_mem>>
      %dma_start3A_223 = arith.constant 0 : i32
      %dma_start3A_224 = tpu.memref_slice %arg4[%dma_start3A_223, %mul3A_222] : memref<64x16384xf32, #tpu.memory_space<hbm>> -> memref<64x512xf32, #tpu.memory_space<hbm>>
      %dma_start3A_225 = arith.constant 0 : i32
      %dma_start3A_226 = tpu.memref_slice %arg4[%dma_start3A_225, %mul3A_222] : memref<64x16384xf32, #tpu.memory_space<hbm>> -> memref<64x512xf32, #tpu.memory_space<hbm>>
      tpu.enqueue_dma source(%arg7 : memref<64x512xf32, #tpu.memory_space<vmem>>) target(%dma_start3A_226 : memref<64x512xf32, #tpu.memory_space<hbm>>) target_semaphore(%run_scoped3A : memref<!tpu.dma_semaphore, #tpu.memory_space<semaphore_mem>>)
      %dma_wait3A = arith.constant 0 : i32
      %dma_wait3A_227 = tpu.memref_slice %arg4[%dma_wait3A, %mul3A_222] : memref<64x16384xf32, #tpu.memory_space<hbm>> -> memref<64x512xf32, #tpu.memory_space<hbm>>
      %dma_wait3A_228 = arith.constant 0 : i32
      %dma_wait3A_229 = tpu.memref_slice %arg4[%dma_wait3A_228, %mul3A_222] : memref<64x16384xf32, #tpu.memory_space<hbm>> -> memref<64x512xf32, #tpu.memory_space<hbm>>
      tpu.wait_dma2 semaphore(%run_scoped3A : memref<!tpu.dma_semaphore, #tpu.memory_space<semaphore_mem>>) src(%arg7 : memref<64x512xf32, #tpu.memory_space<vmem>>) dst(%dma_wait3A_229 : memref<64x512xf32, #tpu.memory_space<hbm>>)
      tpu.yield
    }) : () -> ()
    return
  }
}

</mosaic_0001>

<sc_bundles>
// kernel: kernel.3.cloned.1.call-start
scs
__scs_entry_jumppad:
0x0: {  	(pc) =	sbr.rel $0x88, $3  }
0x1: {  	(tag) =	ssettag $0x0;
	lr =	simm.s32 $0x1  }
0x2: {  	[smem:$0x3F9F] =	sst lr;
	_ =	strace $0xD0000000  }
0x3: {  	_ = 	snop  }
0x4: {  	_ = 	snop  }
0x5: {  	_ = 	snop  }
0x6: {  	_ = 	snop  }
0x7: {  	_ = 	snop  }
__scs_overlays_trampoline_lowered:
0x8: {  	[smem:$0x3FAE] =	sst s0  }
0x9: {  	[smem:$0x3FAF] =	sst s1  }
0xa: {  	[smem:$0x3FB0] =	sst s2  }
0xb: {  	[smem:$0x3FB1] =	sst s3  }
0xc: {  	[smem:$0x3FB2] =	sst s4  }
0xd: {  	[smem:$0x3FB3] =	sst s5  }
0xe: {  	[smem:$0x3FB4] =	sst s6  }
0xf: {  	[smem:$0x3FB5] =	sst s7  }
0x10: {  	[smem:$0x3FB6] =	sst s8  }
0x11: {  	[smem:$0x3FB7] =	sst s9;
	s0 =	simm.s32 @!p0 $0x0  }
0x12: {  	s1 =	sld [smem:$0x3F9D];
	s0 =	simm.s32 @p0 $0x1  }
0x13: {  	[smem:$0x3FB8] =	sst s0;
	s0 =	simm.s32 @!p1 $0x0  }
0x14: {  	s2 =	sld [smem:$0x3F9C];
	s0 =	simm.s32 @p1 $0x1  }
0x15: {  	[smem:$0x3FB9] =	sst s0;
	s0 =	simm.s32 @!p2 $0x0  }
0x16: {  	s3 =	sld [smem:$0x3FDB];
	s0 =	simm.s32 @p2 $0x1  }
0x17: {  	s4 =	simm.s32 $0x1BF5;
	[smem:$0x3FBB] =	sst s0  }
0x18: {  	s0 =	sld [smem:$0x3F9E];
	_ =	swait.ge [sflag:s4], $0x0  }
0x19: {  	s7 =	sld [smem:$0x3F9F]  }
0x1a: {  	s8 =	sadd.s32 $0xFFFFE003, lr  }
0x1b: {  	s9 =	sadd.s32 $0xFFFFFEF7, lr;
	s5 =	simm.s32 $0xFFFFFFFF;
	p2 =	slt.u32 s8, $0xFFFFF086  }
0x1c: {  	p1 =	slt.u32 s9, $0xF7A;
	s5 =	simm.s32 @!p2 $0x0  }
0x1d: {  	s5 =	simm.s32 @p1 $0x1;
	p0 =	seq.s32 s7, s2  }
0x1e: {  	s7 =	smul.u32 @!p0 $0xF7A, s2;
	p2 =	seq.s32 @!p0 s5, $0x0  }
0x1f: {  	s9 =	smul.u32 $0xF7A, s1;
	s8 =	simm.s32 @!p0 $0x1BF5;
	p2 =	por !p2, p0  }
0x20: {  	[sflag:s8] =	ssyncset.s32 @!p0 $0xFFFFF086;
	s6 =	sadd.s32 @!p0 s3, s7;
	s7 =	simm.s32 @!p0 $0x108  }
0x21: {  	s3 =	sadd.s32 s3, s9;
	s6 =	sadd.s32 @!p0 $0x88, s6;
	s7 =	simm.s32 @p2 $0x1082  }
0x22: {  	[simem:s7], [sflag:s8] =	dma.local @!p0 [hbm:s6], $0xF7A  }
0x23: {  	s9 =	sor.u32 $0xD0000000, s2;
	s6 =	simm.s32 $0x108;
	_ =	swait.ge @!p0 [sflag:s8], $0x0  }
0x24: {  	s3 =	sadd.s32 $0x88, s3;
	s6 =	simm.s32 @!p1 $0x1082;
	[sflag:s4] =	ssyncset.s32 $0xFFFFF086  }
0x25: {  	[simem:s6], [sflag:s4] =	dma.local [hbm:s3], $0xF7A  }
0x26: {  	[smem:$0x3F9F] =	sst s1;
	(tag) =	ssettag s2;
	_ =	strace s9  }
0x27: {  	s1 =	sld [smem:$0x3FAF]  }
0x28: {  	s2 =	sld [smem:$0x3FB0]  }
0x29: {  	s4 =	sld [smem:$0x3FB2]  }
0x2a: {  	p0 =	seq.s32 s5, $0x0;
	s5 =	sld [smem:$0x3FB3]  }
0x2b: {  	s6 =	sld [smem:$0x3FB4]  }
0x2c: {  	s7 =	sld [smem:$0x3FB5]  }
0x2d: {  	s3 =	simm.s32 $0x108;
	s8 =	sld [smem:$0x3FB6]  }
0x2e: {  	s3 =	simm.s32 @!p0 $0x1082;
	s9 =	sld [smem:$0x3FB7]  }
0x2f: {  	lr =	sadd.s32 s0, s3;
	s0 =	sld [smem:$0x3FAE]  }
0x30: {  	s3 =	sld [smem:$0x3FB1]  }
0x31: {  	[smem:$0x3FBA] =	sst s10  }
0x32: {  	s10 =	sld [smem:$0x3FB8];
	_ =	sdelay $0x3  }
0x33: {  	p0 =	seq.s32 s10, $0x1;
	s10 =	sld [smem:$0x3FBA];
	_ =	sdelay $0x3  }
0x34: {  	[smem:$0x3FBA] =	sst s10  }
0x35: {  	s10 =	sld [smem:$0x3FB9];
	_ =	sdelay $0x3  }
0x36: {  	p1 =	seq.s32 s10, $0x1;
	s10 =	sld [smem:$0x3FBA];
	_ =	sdelay $0x3  }
0x37: {  	[smem:$0x3FBA] =	sst s10  }
0x38: {  	s10 =	sld [smem:$0x3FBB]  }
0x39: {  	_ = 	snop;
	(pc) =	sbr.ind lr, $3  }
0x3a: {  	_ = 	snop  }
0x3b: {  	_ = 	snop  }
0x3c: {  	p2 =	seq.s32 s10, $0x1;
	s10 =	sld [smem:$0x3FBA]  }
0x3d: {  	_ =	shalt  }
0x3e: {  	_ =	shalt  }
0x3f: {  	_ =	shalt  }
0x40: {  	_ =	shalt  }
0x41: {  	_ =	shalt  }
0x42: {  	_ =	shalt  }
0x43: {  	_ =	shalt  }
0x44: {  	_ =	shalt  }
0x45: {  	_ =	shalt  }
0x46: {  	_ =	shalt  }
0x47: {  	_ =	shalt  }
0x48: {  	_ =	shalt  }
0x49: {  	_ =	shalt  }
0x4a: {  	_ =	shalt  }
0x4b: {  	_ =	shalt  }
0x4c: {  	_ =	shalt  }
0x4d: {  	_ =	shalt  }
0x4e: {  	_ =	shalt  }
0x4f: {  	_ =	shalt  }
0x50: {  	_ =	shalt  }
0x51: {  	_ =	shalt  }
0x52: {  	_ =	shalt  }
0x53: {  	_ =	shalt  }
0x54: {  	_ =	shalt  }
0x55: {  	_ =	shalt  }
0x56: {  	_ =	shalt  }
0x57: {  	_ =	shalt  }
0x58: {  	_ =	shalt  }
0x59: {  	_ =	shalt  }
0x5a: {  	_ =	shalt  }
0x5b: {  	_ =	shalt  }
0x5c: {  	_ =	shalt  }
0x5d: {  	_ =	shalt  }
0x5e: {  	_ =	shalt  }
0x5f: {  	_ =	shalt  }
0x60: {  	_ =	shalt  }
0x61: {  	_ =	shalt  }
0x62: {  	_ =	shalt  }
0x63: {  	_ =	shalt  }
0x64: {  	_ =	shalt  }
0x65: {  	_ =	shalt  }
0x66: {  	_ =	shalt  }
0x67: {  	_ =	shalt  }
0x68: {  	_ =	shalt  }
0x69: {  	_ =	shalt  }
0x6a: {  	_ =	shalt  }
0x6b: {  	_ =	shalt  }
0x6c: {  	_ =	shalt  }
0x6d: {  	_ =	shalt  }
0x6e: {  	_ =	shalt  }
0x6f: {  	_ =	shalt  }
0x70: {  	_ =	shalt  }
0x71: {  	_ =	shalt  }
0x72: {  	_ =	shalt  }
0x73: {  	_ =	shalt  }
0x74: {  	_ =	shalt  }
0x75: {  	_ =	shalt  }
0x76: {  	_ =	shalt  }
0x77: {  	_ =	shalt  }
0x78: {  	_ =	shalt  }
0x79: {  	_ =	shalt  }
0x7a: {  	_ =	shalt  }
0x7b: {  	_ =	shalt  }
0x7c: {  	_ =	shalt  }
0x7d: {  	_ =	shalt  }
0x7e: {  	_ =	shalt  }
0x7f: {  	_ =	shalt  }
0x80: {  	_ =	shalt  }
0x81: {  	_ =	shalt  }
0x82: {  	_ =	shalt  }
0x83: {  	_ =	shalt  }
0x84: {  	_ =	shalt  }
0x85: {  	_ =	shalt  }
0x86: {  	_ =	shalt  }
0x87: {  	_ =	shalt  }
.Lfunc_end0:
.L_simem_size_0:
called_computation_lowered:
.L_overlay_start_0:
0x88: {  	s2 =	sld [smem:$0x3FD9]  }
0x89: {  	s3 =	sld [smem:$0x3FFE];
	_ =	sdelay $0x1  }
0x8a: {  	s1 =	srdreg.scid  }
0x8b: {  	s0 =	sand.u32 $0x1, s1  }
0x8c: {  	s18 =	sshll.u32 s0, $0xA;
	s2 =	sadd.s32 s3, s2  }
0x8d: {  	s2 =	sadd.s32 s2, s18  }
0x8e: {  	[smem:$0x3FC6] =	sst s2  }
0x8f: {  	_ = 	snop  }
0x90: {  	s2 =	sld [smem:$0x3FC9]  }
0x91: {  	s19 =	sld [smem:$0x3FC8]  }
0x92: {  	s4 =	sld [smem:$0x3FD0];
	(tm) =	ssettm $0x1  }
0x93: {  	s5 =	sld [smem:$0x3FFB];
	_ =	sdelay $0x3  }
0x94: {  	_ =	strace s5  }
0x95: {  	s5 =	sld [smem:$0x3FFC];
	_ =	sdelay $0x3  }
0x96: {  	_ =	strace s5  }
0x97: {  	s5 =	sld [smem:$0x3FFD];
	_ =	sdelay $0x3  }
0x98: {  	_ =	strace s5  }
0x99: {  	_ =	strace $0x8FFFFFFF  }
0x9a: {  	s20 =	sld [smem:$0x3FDB];
	_ =	sdelay $0x1  }
0x9b: {  	s6 =	simm.s32 $_scs_section_size  }
0x9c: {  	s7 =	simm.s32 $_size__tile_overlayer_lowered;
	s8 =	simm.s32 $_tile_overlayer_lowered  }
0x9d: {  	s23 =	simm.s32 $0x1BFF;
	s22 =	sshll.u32 s8, $0x1;
	s5 =	sadd.s32 s6, s20  }
0x9e: {  	s9 =	simm.s32 $0x0;
	s21 =	sshll.u32 s7, $0x1;
	s7 =	sadd.s32 s22, s5  }
0x9f: {  	[timem:s9], [sflag:s23] =	dma.local [hbm:s7], s21  }
0xa0: {  	_ =	swait.ge [sflag:s23], s21  }
0xa1: {  	s6 =	ssub.s32 $0x0, s21;
	[sflag:s23] =	ssyncset.done $0x0  }
0xa2: {  	[sflag:s23] =	ssyncadd.s32 s6;
	_ =	sdelay $0x1  }
0xa3: {  	s24 =	simm.s32 $0x1B8B  }
0xa4: {  	_ =	swait.ge [sflag:s24], $0x1  }
0xa5: {  	[sflag:s24] =	ssyncset.done $0x0  }
0xa6: {  	s25 =	simm.s32 $0x1B8E;
	[sflag:s24] =	ssyncadd.s32 $0xFFFFFFFF  }
0xa7: {  	s26 =	simm.s32 $execute0_lowered;
	[smem:$0x3FD2] =	sst s25  }
0xa8: {  	s6 =	sshll.u32 s26, $0x1;
	_ =	strace $0x80000046;
	[dreg:$0x1] =	wrdreg $0xFFFFFFFF  }
0xa9: {  	s28 =	simm.s32 $_size_execute0_lowered;
	s5 =	sadd.s32 s5, s6;
	[dreg:$0x0] =	wrdreg $0x0  }
0xaa: {  	s6 =	sshll.u32 s28, $0x1;
	[dreg:$0x2] =	wrdreg s5  }
0xab: {  	[dreg:$0x3] =	wrdreg s6  }
0xac: {  	[dreg:$0x4] =	wrdreg $0xC0  }
0xad: {  	_ =	task [dreg:s9], $0x5FFFF  }
0xae: {  	[dreg:$0x1] =	wrdreg $0xFFFFFFFF  }
0xaf: {  	[dreg:$0x0] =	wrdreg $0x60  }
0xb0: {  	[dreg:$0x2] =	wrdreg s2  }
0xb1: {  	[dreg:$0x3] =	wrdreg s19  }
0xb2: {  	[dreg:$0x4] =	wrdreg s4  }
0xb3: {  	[dreg:$0x5] =	wrdreg $0x9  }
0xb4: {  	_ =	task.clear_ibuf [dreg:s9], $0x6FFFF;
	_ =	strace $0x90000046  }
0xb5: {  	s29 =	simm.s32 $0x9;
	_ =	strace $0x80000048  }
0xb6: {  	_ =	swait.ge [sflag:s29], $0x1  }
0xb7: {  	[sflag:s29] =	ssyncadd.s32 $0xFFFFFFFF  }
0xb8: {  	_ =	strace $0x90000048  }
0xb9: {  	_ =	sfence  }
0xba: {  	s30 =	sld [smem:$0x0];
	_ =	sdelay $0x2  }
0xbb: {  	s31 =	sshll.u32 s1, $0xD;
	s1 =	sshrl.u32 s1, $0x2  }
0xbc: {  	s3 =	sand.u32 $0x4000, s31;
	s1 =	sadd.s32 s1, s30  }
0xbd: {  	s0 =	sor.u32 s3, s0;
	s1 =	sshll.u32 s1, $0x11  }
0xbe: {  	s0 =	sor.u32 s1, s0  }
0xbf: {  	s0 =	sadd.s32 $0x8F2B, s0  }
0xc0: {  	[sflag:s0] =	ssyncadd.remote.s32 $0x1  }
0xc1: {  	_ =	sfence.sel $0xFFFF  }
0xc2: {  	[dreg:$0x0] =	wrdreg $0xFFFFFFFF;
	(pc) =	sbr.abs _section_cstart, $3  }
0xc3: {  	[dreg:$0x1] =	wrdreg $0xFFFFFFFF  }
0xc4: {  	_ =	task.clear_ibuf [dreg:s9], $0x2FFFF;
	_ =	strace $0x9FFFFFFF  }
0xc5: {  	(tm) =	ssettm $0x7FFFFFFF  }
tec
execute0_lowered:
.L_overlay_start_1:
0x0: {  	(tag) =	ssettag $0x1  }
0x1: {  	v0 =	vimm.s32 $0x1380  }
0x2: {  	vm14 =	vcmask $0x300;
	vm13 =	vcmask $0x704;
	vm12 =	vcmask $0xB08  }
0x3: {  	vm11 =	vcmask $0xF0C;
	vm10 =	vcmask $0x1310;
	vm9 =	vcmask $0x1714  }
0x4: {  	vm8 =	vcmask $0x1B18;
	vm7 =	vcmask $0x1F1C;
	vm6 =	vcmask $0x2320  }
0x5: {  	vm5 =	vcmask $0x2724;
	v1 =	vlaneseq.u32;
	vm4 =	vcmask $0x2B28  }
0x6: {  	vm3 =	vcmask $0x2F2C;
	vm2 =	vcmask $0x3330;
	vm1 =	vcmask $0x3734  }
0x7: {  	vm0 =	vcmask $0x3B38;
	v5 =	vimm.s32 $0x3380;
	v6 =	vimm.s32 $0x5380  }
0x8: {  	v7 =	vimm.s32 $0x7380;
	v0 =	vsel vm14, $0x0, v0;
	v5 =	vsel vm14, $0x2000, v5  }
0x9: {  	v6 =	vsel vm14, $0x4000, v6;
	v7 =	vsel vm14, $0x6000, v7;
	v0 =	vsel vm13, $0x80, v0  }
0xa: {  	v5 =	vsel vm13, $0x2080, v5;
	v6 =	vsel vm13, $0x4080, v6;
	v7 =	vsel vm13, $0x6080, v7  }
0xb: {  	v0 =	vsel vm12, $0x100, v0;
	v5 =	vsel vm12, $0x2100, v5;
	v6 =	vsel vm12, $0x4100, v6  }
0xc: {  	v7 =	vsel vm12, $0x6100, v7;
	v0 =	vsel vm11, $0x180, v0;
	v5 =	vsel vm11, $0x2180, v5  }
0xd: {  	v6 =	vsel vm11, $0x4180, v6;
	v7 =	vsel vm11, $0x6180, v7;
	v0 =	vsel vm10, $0x200, v0  }
0xe: {  	v5 =	vsel vm10, $0x2200, v5;
	v6 =	vsel vm10, $0x4200, v6;
	v7 =	vsel vm10, $0x6200, v7  }
0xf: {  	v0 =	vsel vm9, $0x280, v0;
	v5 =	vsel vm9, $0x2280, v5;
	v6 =	vsel vm9, $0x4280, v6  }
0x10: {  	v7 =	vsel vm9, $0x6280, v7;
	v0 =	vsel vm8, $0x300, v0;
	v5 =	vsel vm8, $0x2300, v5  }
0x11: {  	v6 =	vsel vm8, $0x4300, v6;
	v7 =	vsel vm8, $0x6300, v7;
	v0 =	vsel vm7, $0x380, v0  }
0x12: {  	v5 =	vsel vm7, $0x2380, v5;
	v6 =	vsel vm7, $0x4380, v6;
	v7 =	vsel vm7, $0x6380, v7  }
0x13: {  	v0 =	vsel vm6, $0x1000, v0;
	v5 =	vsel vm6, $0x3000, v5;
	v6 =	vsel vm6, $0x5000, v6  }
0x14: {  	v7 =	vsel vm6, $0x7000, v7;
	v2 =	vsel vm5, $0x1080, v0;
	v0 =	vmul.u32 $0x80, v1  }
0x15: {  	s0 =	srdreg.scid;
	s3 =	rddreg [dreg:$0x0];
	v5 =	vsel vm5, $0x3080, v5;
	v6 =	vsel vm5, $0x5080, v6;
	v7 =	vsel vm5, $0x7080, v7  }
0x16: {  	s7 =	stileid.u32;
	s5 =	rddreg [dreg:$0x2];
	s4 =	simm.s32 $0x1;
	v1 =	vsel vm4, $0x1100, v2;
	v5 =	vsel vm4, $0x3100, v5;
	v6 =	vsel vm4, $0x5100, v6  }
0x17: {  	s6 =	simm.s32 $0x0;
	s11 =	simm.s32 $0x7A1400;
	s12 =	simm.s32 $0x400;
	v7 =	vsel vm4, $0x7100, v7;
	v2 =	vsel vm3, $0x1180, v1;
	v1 =	vor.u32 $0x800, v0  }
0x18: {  	s14 =	simm.s32 $0x4400;
	s15 =	simm.s32 $0x6400;
	s16 =	simm.s32 $0x8400;
	v5 =	vsel vm3, $0x3180, v5;
	v6 =	vsel vm3, $0x5180, v6;
	v7 =	vsel vm3, $0x7180, v7  }
0x19: {  	s17 =	simm.s32 $0xA400;
	s18 =	simm.s32 $0xC400;
	s19 =	simm.s32 $0xE400;
	v8 =	vor.u32 $0x2000, v0;
	v9 =	vor.u32 $0x2800, v0;
	v10 =	vor.u32 $0x3000, v0  }
0x1a: {  	s20 =	simm.s32 $0x10400;
	s21 =	simm.s32 $0x2;
	s22 =	simm.s32 $0x3;
	v11 =	vor.u32 $0x3800, v0;
	v12 =	vor.u32 $0x4000, v0;
	v13 =	vor.u32 $0x4800, v0  }
0x1b: {  	s23 =	simm.s32 $0x4;
	s0 =	sand.u32 $0x1, s0;
	s1 =	sshll.u32 s7, $0x1;
	v14 =	vor.u32 $0x5000, v0;
	v15 =	vor.u32 $0x5800, v0;
	v16 =	vor.u32 $0x6000, v0  }
0x1c: {  	s28 =	simm.s32 $0x8;
	[smem:$0x7FF] =	sst s6;
	s2 =	sor.u32 s0, s1;
	v17 =	vor.u32 $0x6800, v0;
	v18 =	vor.u32 $0x7000, v0;
	v19 =	vor.u32 $0x7800, v0  }
0x1d: {  	p1 =	seq.s32 s0, $0x1;
	s1 =	rddreg [dreg:$0x1];
	s24 =	ssub.s32 $0x2, s0;
	v20 =	vor.u32 $0x8000, v0;
	v21 =	vor.u32 $0x8800, v0;
	v22 =	vor.u32 $0x9000, v0  }
0x1e: {  	_ =	strace $0x80000047;
	s6 =	sshll.u32 s0, $0x9;
	p0 =	seq.s32 s2, $0x0;
	v23 =	vor.u32 $0x9800, v0;
	v24 =	vor.u32 $0xA000, v0;
	v25 =	vor.u32 $0xA800, v0  }
0x1f: {  	s25 =	sshrl.u32 s24, $0x1;
	s29 =	sshll.u32 s2, $0x9;
	p0 =	por !p0, !p1;
	v26 =	vor.u32 $0xB000, v0;
	v27 =	vor.u32 $0xB800, v0;
	v28 =	vor.u32 $0xC000, v0  }
0x20: {  	s31 =	sor.u32 $0x10, s6;
	s2 =	simm.s32 $0x0;
	p0 =	por !p0, !p0;
	v29 =	vor.u32 $0xC800, v0;
	v30 =	vor.u32 $0xD000, v0;
	v31 =	vor.u32 $0xD800, v0  }
0x21: {  	s0 =	sadd.s32 s5, s29;
	[dreg:$0x7] =	wrdreg s31;
	s4 =	simm.s32 @!p0 $0x0;
	v32 =	vor.u32 $0xE000, v0;
	v33 =	vor.u32 $0xE800, v0;
	v34 =	vor.u32 $0xF000, v0  }
0x22: {  	[dreg:$0x5] =	wrdreg s0;
	s4 =	ssub.s32 s7, s4;
	s7 =	ssub.s32 s24, s25;
	v35 =	vor.u32 $0xF800, v0;
	v3 =	vsel vm2, $0x1200, v2;
	v2 =	vor.u32 $0x1000, v0  }
0x23: {  	s24 =	simm.s32 $0x5;
	s25 =	simm.s32 $0x6;
	s8 =	sshll.u32 s4, $0x7;
	v5 =	vsel vm2, $0x3200, v5;
	v6 =	vsel vm2, $0x5200, v6;
	v7 =	vsel vm2, $0x7200, v7  }
0x24: {  	s4 =	simm.s32 $0x1;
	s30 =	smax.u32 s7, $0x1;
	s26 =	sand.u32 $0x1FFFFF80, s8;
	v4 =	vsel vm1, $0x1280, v3;
	v3 =	vor.u32 $0x1800, v0;
	v5 =	vsel vm1, $0x3280, v5  }
0x25: {  	s7 =	simm.s32 $0x2400;
	[dreg:$0x6] =	wrdreg s30;
	s3 =	sadd.s32 s3, s26;
	v6 =	vsel vm1, $0x5280, v6;
	v7 =	vsel vm1, $0x7280, v7;
	v4 =	vsel vm0, $0x1300, v4  }
0x26: {  	s26 =	simm.s32 $0x7;
	[dreg:$0x4] =	wrdreg s3;
	s3 =	simm.s32 $0x9;
	v5 =	vsel vm0, $0x3300, v5;
	v6 =	vsel vm0, $0x5300, v6;
	v7 =	vsel vm0, $0x7300, v7  }
.LBB2_1:
0x27: {  	[dreg:$0x8] =	wrdreg s2  }
0x28: {  	s0 =	simm.s32 $0x0;
	s29 =	rddreg [dreg:$0x4]  }
0x29: {  	[tilespmem:s0], [sflag:$0x9] =	stream.linear.gather [hbm4b:s29+s0], $0x400, $0x38;
	[tilespmem:$0x18400] =	vst v63  }
0x2a: {  	_ =	swait.ge [sflag:s3], $0x400  }
0x2b: {  	[sflag:s3] =	ssyncset.done $0x0  }
0x2c: {  	[sflag:s3] =	ssyncadd.s32 $0xFFFFFC00  }
0x2d: {  	v36 =	vld [tilespmem:s6+$0x0];
	_ =	sdelay $0x4  }
0x2e: {  	(v2sf) =	vpush v36, $0x0  }
0x2f: {  	(v2sf) =	vpush v36, $0x1;
	_ =	sdelay $0x1  }
0x30: {  	(v2sf) =	vpush v36, $0x2;
	_ =	sdelay $0x4  }
0x31: {  	(v2sf) =	vpush v36, $0x3  }
0x32: {  	(v2sf) =	vpush v36, $0x4;
	_ =	sdelay $0x5  }
0x33: {  	s30 =	spop (v2sf);
	(v2sf) =	vpush v36, $0x5  }
0x34: {  	s31 =	spop (v2sf);
	(v2sf) =	vpush v36, $0x6  }
0x35: {  	s0 =	sand.u32 $0xFFFFF80, s30  }
0x36: {  	s0 =	sadd.s32 s1, s0;
	s2 =	spop (v2sf)  }
0x37: {  	(v2sf) =	vpush v36, $0x7;
	[tilespmem:s12], [sflag:$0x1] =	stream.strided.gather [hbm4b:s0+s12], $0x2000, s11, s12, $0x38;
	[tilespmem:$0x18400] =	vst v63  }
0x38: {  	s0 =	sand.u32 $0xFFFFF80, s31  }
0x39: {  	s0 =	sadd.s32 s1, s0  }
0x3a: {  	[tilespmem:s7], [sflag:$0x2] =	stream.strided.gather [hbm4b:s0+s12], $0x2000, s11, s12, $0x38;
	[tilespmem:$0x18400] =	vst v63  }
0x3b: {  	s3 =	spop (v2sf);
	s0 =	sand.u32 $0xFFFFF80, s2  }
0x3c: {  	s5 =	sand.u32 $0xFFFFF80, s3;
	s8 =	spop (v2sf);
	s0 =	sadd.s32 s1, s0  }
0x3d: {  	[tilespmem:s14], [sflag:$0x3] =	stream.strided.gather [hbm4b:s0+s12], $0x2000, s11, s12, $0x38;
	[tilespmem:$0x18400] =	vst v63  }
0x3e: {  	s9 =	sand.u32 $0xFFFFF80, s8;
	s0 =	sadd.s32 s1, s5  }
0x3f: {  	[tilespmem:s15], [sflag:$0x4] =	stream.strided.gather [hbm4b:s0+s12], $0x2000, s11, s12, $0x38;
	[tilespmem:$0x18400] =	vst v63  }
0x40: {  	s0 =	sadd.s32 s1, s9  }
0x41: {  	[tilespmem:s16], [sflag:$0x5] =	stream.strided.gather [hbm4b:s0+s12], $0x2000, s11, s12, $0x38;
	[tilespmem:$0x18400] =	vst v63  }
0x42: {  	s10 =	spop (v2sf)  }
0x43: {  	s13 =	sand.u32 $0xFFFFF80, s10;
	s29 =	spop (v2sf)  }
0x44: {  	s0 =	sadd.s32 s1, s13;
	s30 =	sand.u32 $0xFFFFF80, s29  }
0x45: {  	[tilespmem:s17], [sflag:$0x6] =	stream.strided.gather [hbm4b:s0+s12], $0x2000, s11, s12, $0x38;
	[tilespmem:$0x18400] =	vst v63  }
0x46: {  	s31 =	spop (v2sf);
	s0 =	sadd.s32 s1, s30  }
0x47: {  	[tilespmem:s18], [sflag:$0x7] =	stream.strided.gather [hbm4b:s0+s12], $0x2000, s11, s12, $0x38;
	[tilespmem:$0x18400] =	vst v63  }
0x48: {  	s0 =	sand.u32 $0xFFFFF80, s31  }
0x49: {  	s2 =	simm.s32 $0xF;
	s10 =	rddreg [dreg:$0x7];
	s0 =	sadd.s32 s1, s0  }
0x4a: {  	[tilespmem:s19], [sflag:$0x8] =	stream.strided.gather [hbm4b:s0+s12], $0x2000, s11, s12, $0x38;
	[tilespmem:$0x18400] =	vst v63  }
.LBB2_2:
0x4b: {  	s0 =	sadd.s32 $0xFFFFFFF1, s2  }
0x4c: {  	s3 =	sadd.s32 s6, s0  }
0x4d: {  	s5 =	sand.u32 $0x70, s0;
	s3 =	sand.u32 $0x380, s3  }
0x4e: {  	s3 =	sor.u32 s5, s3  }
0x4f: {  	v36 =	vld [tilespmem:s3+$0x0];
	_ =	sdelay $0x4  }
0x50: {  	(v2sf) =	vpush v36, $0x0;
	_ =	sdelay $0xe  }
0x51: {  	s31 =	spop (v2sf)  }
0x52: {  	s3 =	sand.u32 $0x7F, s31  }
0x53: {  	v37 =	vor.u32 s3, v0  }
0x54: {  	v38 =	vor.u32 s3, v1  }
0x55: {  	_ =	swait.ge [sflag:s4], $0x2000  }
0x56: {  	[sflag:s4] =	ssyncset.done $0x0;
	v39 =	vor.u32 s3, v2  }
0x57: {  	[sflag:s4] =	ssyncadd.s32 $0xFFFFE000  }
0x58: {  	v40 =	vor.u32 s3, v3;
	v37 =	vld.idx.msk [tilespmem:v37+s12+$0x0], $0xffff  }
0x59: {  	v38 =	vld.idx.msk [tilespmem:v38+s12+$0x0], $0xffff;
	_ =	sdelay $0x1  }
0x5a: {  	v39 =	vld.idx.msk [tilespmem:v39+s12+$0x0], $0xffff;
	_ =	sdelay $0x1  }
0x5b: {  	v40 =	vld.idx.msk [tilespmem:v40+s12+$0x0], $0xffff  }
0x5c: {  	v41 =	vmul.f32 v37, v37;
	v42 =	vmul.f32 v38, v38;
	_ =	sdelay $0x1  }
0x5d: {  	v59 =	vmul.f32 v39, v39;
	v41 =	vadd.f32 v42, v41;
	_ =	sdelay $0x1  }
0x5e: {  	v60 =	vmul.f32 v40, v40;
	v41 =	vadd.f32 v59, v41;
	_ =	sdelay $0x1  }
0x5f: {  	v41 =	vadd.f32 v60, v41;
	_ =	sdelay $0x1  }
0x60: {  	(xrf2) =	vadd.scan.msk.f32 $0xffff, v41;
	_ =	sdelay $0x9  }
0x61: {  	v41, _, _ =	vpop (xrf2)  }
0x62: {  	v41 =	vbroadcast v41, $0xF;
	_ =	sdelay $0x1  }
0x63: {  	v61 =	vshra.s32 v41, $0x1;
	v41 =	vmul.f32 $5.000000000e-01, v41  }
0x64: {  	v42 =	vsub.s32 $0x5F3759DF, v61  }
0x65: {  	v43 =	vmul.f32 v42, v41;
	_ =	sdelay $0x1  }
0x66: {  	v43 =	vmul.f32 v42, v43;
	_ =	sdelay $0x1  }
0x67: {  	v43 =	vsub.f32 $1.500000000e+00, v43;
	_ =	sdelay $0x1  }
0x68: {  	v42 =	vmul.f32 v42, v43;
	_ =	sdelay $0x1  }
0x69: {  	(v2sf) =	vpush v36, $0x8;
	v43 =	vmul.f32 v42, v41;
	_ =	sdelay $0x1  }
0x6a: {  	v43 =	vmul.f32 v43, v42;
	_ =	sdelay $0x1  }
0x6b: {  	(v2sf) =	vpush v36, $0x1;
	v43 =	vsub.f32 $1.500000000e+00, v43;
	_ =	sdelay $0x1  }
0x6c: {  	v42 =	vmul.f32 v43, v42;
	_ =	sdelay $0x1  }
0x6d: {  	v41 =	vmul.f32 v42, v41;
	_ =	sdelay $0x1  }
0x6e: {  	v62 =	vmov s0;
	v41 =	vmul.f32 v41, v42  }
0x6f: {  	v44 =	vshll.u32 v62, $0x3  }
0x70: {  	v44 =	vand.u32 $0xC00, v44;
	v43 =	vand.u32 $0x70, v62;
	v41 =	vsub.f32 $1.500000000e+00, v41  }
0x71: {  	v43 =	vor.u32 v43, v44  }
0x72: {  	v63 =	vor.u32 v4, v43;
	v41 =	vmul.f32 v41, v42  }
0x73: {  	s9 =	spop (v2sf);
	v44 =	vor.u32 v5, v43  }
0x74: {  	s3 =	sand.u32 $0xFFFFF80, s9;
	v45 =	vor.u32 v6, v43;
	v41 =	vmin.f32 v41, $1.000000000e+00  }
0x75: {  	s0 =	sadd.s32 s1, s3;
	v43 =	vor.u32 v7, v43;
	v37 =	vmul.f32 v41, v37  }
0x76: {  	[tilespmem:s12], [sflag:$0x1] =	stream.strided.gather [hbm4b:s0+s12], $0x2000, s11, s12, $0x38;
	v38 =	vmul.f32 v41, v38;
	[tilespmem:$0x18400] =	vst v63  }
0x77: {  	s5 =	spop (v2sf);
	v48 =	vmul.f32 v41, v39;
	[tilespmem:v63+s20+$0x0] =	vst.idx.msk $0xffff, v37  }
0x78: {  	s0 =	sand.u32 $0x7F, s5;
	v49 =	vmul.f32 v41, v40;
	[tilespmem:v44+s20+$0x0] =	vst.idx.msk $0xffff, v38  }
0x79: {  	v50 =	vor.u32 s0, v8;
	[tilespmem:v45+s20+$0x0] =	vst.idx.msk $0xffff, v48  }
0x7a: {  	v51 =	vor.u32 s0, v9;
	[tilespmem:v43+s20+$0x0] =	vst.idx.msk $0xffff, v49  }
0x7b: {  	_ =	swait.ge [sflag:s21], $0x2000  }
0x7c: {  	v52 =	vor.u32 s0, v10;
	[sflag:s21] =	ssyncset.done $0x0  }
0x7d: {  	[sflag:s21] =	ssyncadd.s32 $0xFFFFE000  }
0x7e: {  	v53 =	vor.u32 s0, v11;
	v37 =	vld.idx.msk [tilespmem:v50+s12+$0x0], $0xffff  }
0x7f: {  	v38 =	vld.idx.msk [tilespmem:v51+s12+$0x0], $0xffff;
	_ =	sdelay $0x1  }
0x80: {  	v39 =	vld.idx.msk [tilespmem:v52+s12+$0x0], $0xffff;
	_ =	sdelay $0x1  }
0x81: {  	v40 =	vld.idx.msk [tilespmem:v53+s12+$0x0], $0xffff  }
0x82: {  	v54 =	vmul.f32 v37, v37;
	v55 =	vmul.f32 v38, v38;
	_ =	sdelay $0x1  }
0x83: {  	v56 =	vmul.f32 v39, v39;
	v41 =	vadd.f32 v55, v54;
	_ =	sdelay $0x1  }
0x84: {  	v57 =	vmul.f32 v40, v40;
	v41 =	vadd.f32 v56, v41;
	_ =	sdelay $0x1  }
0x85: {  	v41 =	vadd.f32 v57, v41;
	_ =	sdelay $0x1  }
0x86: {  	(xrf2) =	vadd.scan.msk.f32 $0xffff, v41;
	_ =	sdelay $0x9  }
0x87: {  	v41, _, _ =	vpop (xrf2)  }
0x88: {  	v41 =	vbroadcast v41, $0xF;
	_ =	sdelay $0x1  }
0x89: {  	v58 =	vshra.s32 v41, $0x1;
	v41 =	vmul.f32 $5.000000000e-01, v41  }
0x8a: {  	v42 =	vsub.s32 $0x5F3759DF, v58  }
0x8b: {  	v59 =	vmul.f32 v42, v41;
	_ =	sdelay $0x1  }
0x8c: {  	v43 =	vmul.f32 v42, v59;
	_ =	sdelay $0x1  }
0x8d: {  	v43 =	vsub.f32 $1.500000000e+00, v43;
	_ =	sdelay $0x1  }
0x8e: {  	v42 =	vmul.f32 v42, v43;
	_ =	sdelay $0x1  }
0x8f: {  	(v2sf) =	vpush v36, $0x9;
	v43 =	vmul.f32 v42, v41;
	_ =	sdelay $0x1  }
0x90: {  	v43 =	vmul.f32 v43, v42;
	_ =	sdelay $0x1  }
0x91: {  	(v2sf) =	vpush v36, $0x2;
	v43 =	vsub.f32 $1.500000000e+00, v43;
	_ =	sdelay $0x1  }
0x92: {  	v42 =	vmul.f32 v43, v42;
	_ =	sdelay $0x1  }
0x93: {  	v41 =	vmul.f32 v42, v41  }
0x94: {  	s8 =	sadd.s32 $0xFFFFFFF2, s2  }
0x95: {  	v60 =	vmov s8;
	v41 =	vmul.f32 v41, v42  }
0x96: {  	v61 =	vshll.u32 v60, $0x3  }
0x97: {  	v44 =	vand.u32 $0xC00, v61;
	v43 =	vand.u32 $0x71, v60;
	v41 =	vsub.f32 $1.500000000e+00, v41  }
0x98: {  	v43 =	vor.u32 v43, v44  }
0x99: {  	v62 =	vor.u32 v4, v43;
	v41 =	vmul.f32 v41, v42  }
0x9a: {  	s29 =	spop (v2sf);
	v44 =	vor.u32 v5, v43  }
0x9b: {  	s13 =	sand.u32 $0xFFFFF80, s29;
	v63 =	vor.u32 v6, v43;
	v41 =	vmin.f32 v41, $1.000000000e+00  }
0x9c: {  	s0 =	sadd.s32 s1, s13;
	v43 =	vor.u32 v7, v43;
	v37 =	vmul.f32 v41, v37  }
0x9d: {  	[tilespmem:s7], [sflag:$0x2] =	stream.strided.gather [hbm4b:s0+s12], $0x2000, s11, s12, $0x38;
	v38 =	vmul.f32 v41, v38;
	[tilespmem:$0x18400] =	vst v63  }
0x9e: {  	s30 =	spop (v2sf);
	v48 =	vmul.f32 v41, v39;
	[tilespmem:v62+s20+$0x0] =	vst.idx.msk $0xffff, v37  }
0x9f: {  	s0 =	sand.u32 $0x7F, s30;
	v49 =	vmul.f32 v41, v40;
	[tilespmem:v44+s20+$0x0] =	vst.idx.msk $0xffff, v38  }
0xa0: {  	v50 =	vor.u32 s0, v12;
	[tilespmem:v63+s20+$0x0] =	vst.idx.msk $0xffff, v48  }
0xa1: {  	v51 =	vor.u32 s0, v13;
	[tilespmem:v43+s20+$0x0] =	vst.idx.msk $0xffff, v49  }
0xa2: {  	_ =	swait.ge [sflag:s22], $0x2000  }
0xa3: {  	v52 =	vor.u32 s0, v14;
	[sflag:s22] =	ssyncset.done $0x0  }
0xa4: {  	[sflag:s22] =	ssyncadd.s32 $0xFFFFE000  }
0xa5: {  	v53 =	vor.u32 s0, v15;
	v37 =	vld.idx.msk [tilespmem:v50+s12+$0x0], $0xffff  }
0xa6: {  	v38 =	vld.idx.msk [tilespmem:v51+s12+$0x0], $0xffff;
	_ =	sdelay $0x1  }
0xa7: {  	v39 =	vld.idx.msk [tilespmem:v52+s12+$0x0], $0xffff;
	_ =	sdelay $0x1  }
0xa8: {  	v40 =	vld.idx.msk [tilespmem:v53+s12+$0x0], $0xffff  }
0xa9: {  	v54 =	vmul.f32 v37, v37;
	v55 =	vmul.f32 v38, v38;
	_ =	sdelay $0x1  }
0xaa: {  	v56 =	vmul.f32 v39, v39;
	v41 =	vadd.f32 v55, v54;
	_ =	sdelay $0x1  }
0xab: {  	v57 =	vmul.f32 v40, v40;
	v41 =	vadd.f32 v56, v41;
	_ =	sdelay $0x1  }
0xac: {  	v41 =	vadd.f32 v57, v41;
	_ =	sdelay $0x1  }
0xad: {  	(xrf2) =	vadd.scan.msk.f32 $0xffff, v41;
	_ =	sdelay $0x9  }
0xae: {  	v41, _, _ =	vpop (xrf2)  }
0xaf: {  	v41 =	vbroadcast v41, $0xF;
	_ =	sdelay $0x1  }
0xb0: {  	v58 =	vshra.s32 v41, $0x1;
	v41 =	vmul.f32 $5.000000000e-01, v41  }
0xb1: {  	v42 =	vsub.s32 $0x5F3759DF, v58  }
0xb2: {  	v59 =	vmul.f32 v42, v41;
	_ =	sdelay $0x1  }
0xb3: {  	v43 =	vmul.f32 v42, v59;
	_ =	sdelay $0x1  }
0xb4: {  	v43 =	vsub.f32 $1.500000000e+00, v43;
	_ =	sdelay $0x1  }
0xb5: {  	v42 =	vmul.f32 v42, v43;
	_ =	sdelay $0x1  }
0xb6: {  	(v2sf) =	vpush v36, $0xA;
	v43 =	vmul.f32 v42, v41;
	_ =	sdelay $0x1  }
0xb7: {  	v43 =	vmul.f32 v43, v42;
	_ =	sdelay $0x1  }
0xb8: {  	(v2sf) =	vpush v36, $0x3;
	v43 =	vsub.f32 $1.500000000e+00, v43;
	_ =	sdelay $0x1  }
0xb9: {  	v42 =	vmul.f32 v43, v42;
	_ =	sdelay $0x1  }
0xba: {  	v41 =	vmul.f32 v42, v41  }
0xbb: {  	s31 =	sadd.s32 $0xFFFFFFF3, s2  }
0xbc: {  	v60 =	vmov s31;
	v41 =	vmul.f32 v41, v42  }
0xbd: {  	v61 =	vshll.u32 v60, $0x3  }
0xbe: {  	v44 =	vand.u32 $0xC00, v61;
	v43 =	vand.u32 $0x72, v60;
	v41 =	vsub.f32 $1.500000000e+00, v41  }
0xbf: {  	v43 =	vor.u32 v43, v44  }
0xc0: {  	v62 =	vor.u32 v4, v43;
	v41 =	vmul.f32 v41, v42  }
0xc1: {  	s30 =	spop (v2sf);
	v44 =	vor.u32 v5, v43  }
0xc2: {  	s3 =	sand.u32 $0xFFFFF80, s30;
	v63 =	vor.u32 v6, v43;
	v41 =	vmin.f32 v41, $1.000000000e+00  }
0xc3: {  	s0 =	sadd.s32 s1, s3;
	v43 =	vor.u32 v7, v43;
	v37 =	vmul.f32 v41, v37  }
0xc4: {  	[tilespmem:s14], [sflag:$0x3] =	stream.strided.gather [hbm4b:s0+s12], $0x2000, s11, s12, $0x38;
	v38 =	vmul.f32 v41, v38;
	[tilespmem:$0x18400] =	vst v63  }
0xc5: {  	s5 =	spop (v2sf);
	v48 =	vmul.f32 v41, v39;
	[tilespmem:v62+s20+$0x0] =	vst.idx.msk $0xffff, v37  }
0xc6: {  	s0 =	sand.u32 $0x7F, s5;
	v49 =	vmul.f32 v41, v40;
	[tilespmem:v44+s20+$0x0] =	vst.idx.msk $0xffff, v38  }
0xc7: {  	v50 =	vor.u32 s0, v16;
	[tilespmem:v63+s20+$0x0] =	vst.idx.msk $0xffff, v48  }
0xc8: {  	v51 =	vor.u32 s0, v17;
	[tilespmem:v43+s20+$0x0] =	vst.idx.msk $0xffff, v49  }
0xc9: {  	_ =	swait.ge [sflag:s23], $0x2000  }
0xca: {  	v52 =	vor.u32 s0, v18;
	[sflag:s23] =	ssyncset.done $0x0  }
0xcb: {  	[sflag:s23] =	ssyncadd.s32 $0xFFFFE000  }
0xcc: {  	v53 =	vor.u32 s0, v19;
	v37 =	vld.idx.msk [tilespmem:v50+s12+$0x0], $0xffff  }
0xcd: {  	v38 =	vld.idx.msk [tilespmem:v51+s12+$0x0], $0xffff;
	_ =	sdelay $0x1  }
0xce: {  	v39 =	vld.idx.msk [tilespmem:v52+s12+$0x0], $0xffff;
	_ =	sdelay $0x1  }
0xcf: {  	v40 =	vld.idx.msk [tilespmem:v53+s12+$0x0], $0xffff  }
0xd0: {  	v54 =	vmul.f32 v37, v37;
	v55 =	vmul.f32 v38, v38;
	_ =	sdelay $0x1  }
0xd1: {  	v56 =	vmul.f32 v39, v39;
	v41 =	vadd.f32 v55, v54;
	_ =	sdelay $0x1  }
0xd2: {  	v57 =	vmul.f32 v40, v40;
	v41 =	vadd.f32 v56, v41;
	_ =	sdelay $0x1  }
0xd3: {  	v41 =	vadd.f32 v57, v41;
	_ =	sdelay $0x1  }
0xd4: {  	(xrf2) =	vadd.scan.msk.f32 $0xffff, v41;
	_ =	sdelay $0x9  }
0xd5: {  	v41, _, _ =	vpop (xrf2)  }
0xd6: {  	v41 =	vbroadcast v41, $0xF;
	_ =	sdelay $0x1  }
0xd7: {  	v58 =	vshra.s32 v41, $0x1;
	v41 =	vmul.f32 $5.000000000e-01, v41  }
0xd8: {  	v42 =	vsub.s32 $0x5F3759DF, v58  }
0xd9: {  	v59 =	vmul.f32 v42, v41;
	_ =	sdelay $0x1  }
0xda: {  	v43 =	vmul.f32 v42, v59;
	_ =	sdelay $0x1  }
0xdb: {  	v43 =	vsub.f32 $1.500000000e+00, v43;
	_ =	sdelay $0x1  }
0xdc: {  	v42 =	vmul.f32 v42, v43;
	_ =	sdelay $0x1  }
0xdd: {  	(v2sf) =	vpush v36, $0xB;
	v43 =	vmul.f32 v42, v41;
	_ =	sdelay $0x1  }
0xde: {  	v43 =	vmul.f32 v43, v42;
	_ =	sdelay $0x1  }
0xdf: {  	(v2sf) =	vpush v36, $0x4;
	v43 =	vsub.f32 $1.500000000e+00, v43;
	_ =	sdelay $0x1  }
0xe0: {  	v42 =	vmul.f32 v43, v42;
	_ =	sdelay $0x1  }
0xe1: {  	v41 =	vmul.f32 v42, v41  }
0xe2: {  	s7 =	sadd.s32 $0xFFFFFFF4, s2  }
0xe3: {  	v60 =	vmov s7;
	v41 =	vmul.f32 v41, v42  }
0xe4: {  	v61 =	vshll.u32 v60, $0x3  }
0xe5: {  	v44 =	vand.u32 $0xC00, v61;
	v43 =	vand.u32 $0x73, v60;
	v41 =	vsub.f32 $1.500000000e+00, v41  }
0xe6: {  	v43 =	vor.u32 v43, v44  }
0xe7: {  	v62 =	vor.u32 v4, v43;
	v41 =	vmul.f32 v41, v42  }
0xe8: {  	s5 =	spop (v2sf);
	v44 =	vor.u32 v5, v43  }
0xe9: {  	s8 =	sand.u32 $0xFFFFF80, s5;
	v63 =	vor.u32 v6, v43;
	v41 =	vmin.f32 v41, $1.000000000e+00  }
0xea: {  	s0 =	sadd.s32 s1, s8;
	v43 =	vor.u32 v7, v43;
	v37 =	vmul.f32 v41, v37  }
0xeb: {  	[tilespmem:s15], [sflag:$0x4] =	stream.strided.gather [hbm4b:s0+s12], $0x2000, s11, s12, $0x38;
	v38 =	vmul.f32 v41, v38;
	[tilespmem:$0x18400] =	vst v63  }
0xec: {  	s13 =	spop (v2sf);
	v48 =	vmul.f32 v41, v39;
	[tilespmem:v62+s20+$0x0] =	vst.idx.msk $0xffff, v37  }
0xed: {  	s0 =	sand.u32 $0x7F, s13;
	v49 =	vmul.f32 v41, v40;
	[tilespmem:v44+s20+$0x0] =	vst.idx.msk $0xffff, v38  }
0xee: {  	v50 =	vor.u32 s0, v20;
	[tilespmem:v63+s20+$0x0] =	vst.idx.msk $0xffff, v48  }
0xef: {  	v51 =	vor.u32 s0, v21;
	[tilespmem:v43+s20+$0x0] =	vst.idx.msk $0xffff, v49  }
0xf0: {  	_ =	swait.ge [sflag:s24], $0x2000  }
0xf1: {  	v52 =	vor.u32 s0, v22;
	[sflag:s24] =	ssyncset.done $0x0  }
0xf2: {  	[sflag:s24] =	ssyncadd.s32 $0xFFFFE000  }
0xf3: {  	v53 =	vor.u32 s0, v23;
	v37 =	vld.idx.msk [tilespmem:v50+s12+$0x0], $0xffff  }
0xf4: {  	v38 =	vld.idx.msk [tilespmem:v51+s12+$0x0], $0xffff;
	_ =	sdelay $0x1  }
0xf5: {  	v39 =	vld.idx.msk [tilespmem:v52+s12+$0x0], $0xffff;
	_ =	sdelay $0x1  }
0xf6: {  	v40 =	vld.idx.msk [tilespmem:v53+s12+$0x0], $0xffff  }
0xf7: {  	v54 =	vmul.f32 v37, v37;
	v55 =	vmul.f32 v38, v38;
	_ =	sdelay $0x1  }
0xf8: {  	v56 =	vmul.f32 v39, v39;
	v41 =	vadd.f32 v55, v54;
	_ =	sdelay $0x1  }
0xf9: {  	v57 =	vmul.f32 v40, v40;
	v41 =	vadd.f32 v56, v41;
	_ =	sdelay $0x1  }
0xfa: {  	v41 =	vadd.f32 v57, v41;
	_ =	sdelay $0x1  }
0xfb: {  	(xrf2) =	vadd.scan.msk.f32 $0xffff, v41;
	_ =	sdelay $0x9  }
0xfc: {  	v41, _, _ =	vpop (xrf2)  }
0xfd: {  	v41 =	vbroadcast v41, $0xF;
	_ =	sdelay $0x1  }
0xfe: {  	v58 =	vshra.s32 v41, $0x1;
	v41 =	vmul.f32 $5.000000000e-01, v41  }
0xff: {  	v42 =	vsub.s32 $0x5F3759DF, v58  }
0x100: {  	v59 =	vmul.f32 v42, v41;
	_ =	sdelay $0x1  }
0x101: {  	v43 =	vmul.f32 v42, v59;
	_ =	sdelay $0x1  }
0x102: {  	v43 =	vsub.f32 $1.500000000e+00, v43;
	_ =	sdelay $0x1  }
0x103: {  	v42 =	vmul.f32 v42, v43;
	_ =	sdelay $0x1  }
0x104: {  	(v2sf) =	vpush v36, $0xC;
	v43 =	vmul.f32 v42, v41;
	_ =	sdelay $0x1  }
0x105: {  	v43 =	vmul.f32 v43, v42;
	_ =	sdelay $0x1  }
0x106: {  	(v2sf) =	vpush v36, $0x5;
	v43 =	vsub.f32 $1.500000000e+00, v43;
	_ =	sdelay $0x1  }
0x107: {  	v42 =	vmul.f32 v43, v42;
	_ =	sdelay $0x1  }
0x108: {  	v41 =	vmul.f32 v42, v41  }
0x109: {  	s31 =	sadd.s32 $0xFFFFFFF5, s2  }
0x10a: {  	v60 =	vmov s31;
	v41 =	vmul.f32 v41, v42  }
0x10b: {  	v61 =	vshll.u32 v60, $0x3  }
0x10c: {  	v44 =	vand.u32 $0xC00, v61;
	v43 =	vand.u32 $0x74, v60;
	v41 =	vsub.f32 $1.500000000e+00, v41  }
0x10d: {  	v43 =	vor.u32 v43, v44  }
0x10e: {  	v62 =	vor.u32 v4, v43;
	v41 =	vmul.f32 v41, v42  }
0x10f: {  	s7 =	spop (v2sf);
	v44 =	vor.u32 v5, v43  }
0x110: {  	s3 =	sand.u32 $0xFFFFF80, s7;
	v63 =	vor.u32 v6, v43;
	v41 =	vmin.f32 v41, $1.000000000e+00  }
0x111: {  	s0 =	sadd.s32 s1, s3;
	v43 =	vor.u32 v7, v43;
	v37 =	vmul.f32 v41, v37  }
0x112: {  	[tilespmem:s16], [sflag:$0x5] =	stream.strided.gather [hbm4b:s0+s12], $0x2000, s11, s12, $0x38;
	v38 =	vmul.f32 v41, v38;
	[tilespmem:$0x18400] =	vst v63  }
0x113: {  	s8 =	spop (v2sf);
	v48 =	vmul.f32 v41, v39;
	[tilespmem:v62+s20+$0x0] =	vst.idx.msk $0xffff, v37  }
0x114: {  	s0 =	sand.u32 $0x7F, s8;
	v49 =	vmul.f32 v41, v40;
	[tilespmem:v44+s20+$0x0] =	vst.idx.msk $0xffff, v38  }
0x115: {  	v50 =	vor.u32 s0, v24;
	[tilespmem:v63+s20+$0x0] =	vst.idx.msk $0xffff, v48  }
0x116: {  	v51 =	vor.u32 s0, v25;
	[tilespmem:v43+s20+$0x0] =	vst.idx.msk $0xffff, v49  }
0x117: {  	_ =	swait.ge [sflag:s25], $0x2000  }
0x118: {  	v52 =	vor.u32 s0, v26;
	[sflag:s25] =	ssyncset.done $0x0  }
0x119: {  	[sflag:s25] =	ssyncadd.s32 $0xFFFFE000  }
0x11a: {  	v53 =	vor.u32 s0, v27;
	v37 =	vld.idx.msk [tilespmem:v50+s12+$0x0], $0xffff  }
0x11b: {  	v38 =	vld.idx.msk [tilespmem:v51+s12+$0x0], $0xffff;
	_ =	sdelay $0x1  }
0x11c: {  	v39 =	vld.idx.msk [tilespmem:v52+s12+$0x0], $0xffff;
	_ =	sdelay $0x1  }
0x11d: {  	v40 =	vld.idx.msk [tilespmem:v53+s12+$0x0], $0xffff  }
0x11e: {  	v54 =	vmul.f32 v37, v37;
	v55 =	vmul.f32 v38, v38;
	_ =	sdelay $0x1  }
0x11f: {  	v56 =	vmul.f32 v39, v39;
	v41 =	vadd.f32 v55, v54;
	_ =	sdelay $0x1  }
0x120: {  	v57 =	vmul.f32 v40, v40;
	v41 =	vadd.f32 v56, v41;
	_ =	sdelay $0x1  }
0x121: {  	v41 =	vadd.f32 v57, v41;
	_ =	sdelay $0x1  }
0x122: {  	(xrf2) =	vadd.scan.msk.f32 $0xffff, v41;
	_ =	sdelay $0x9  }
0x123: {  	v41, _, _ =	vpop (xrf2)  }
0x124: {  	v41 =	vbroadcast v41, $0xF;
	_ =	sdelay $0x1  }
0x125: {  	v58 =	vshra.s32 v41, $0x1;
	v41 =	vmul.f32 $5.000000000e-01, v41  }
0x126: {  	v42 =	vsub.s32 $0x5F3759DF, v58  }
0x127: {  	v59 =	vmul.f32 v42, v41;
	_ =	sdelay $0x1  }
0x128: {  	v43 =	vmul.f32 v42, v59;
	_ =	sdelay $0x1  }
0x129: {  	v43 =	vsub.f32 $1.500000000e+00, v43;
	_ =	sdelay $0x1  }
0x12a: {  	v42 =	vmul.f32 v42, v43;
	_ =	sdelay $0x1  }
0x12b: {  	(v2sf) =	vpush v36, $0xD;
	v43 =	vmul.f32 v42, v41;
	_ =	sdelay $0x1  }
0x12c: {  	v43 =	vmul.f32 v43, v42;
	_ =	sdelay $0x1  }
0x12d: {  	(v2sf) =	vpush v36, $0x6;
	v43 =	vsub.f32 $1.500000000e+00, v43;
	_ =	sdelay $0x1  }
0x12e: {  	v42 =	vmul.f32 v43, v42;
	_ =	sdelay $0x1  }
0x12f: {  	v41 =	vmul.f32 v42, v41  }
0x130: {  	s13 =	sadd.s32 $0xFFFFFFF6, s2  }
0x131: {  	v60 =	vmov s13;
	v41 =	vmul.f32 v41, v42  }
0x132: {  	v61 =	vshll.u32 v60, $0x3  }
0x133: {  	v44 =	vand.u32 $0xC00, v61;
	v43 =	vand.u32 $0x75, v60;
	v41 =	vsub.f32 $1.500000000e+00, v41  }
0x134: {  	v43 =	vor.u32 v43, v44  }
0x135: {  	v62 =	vor.u32 v4, v43;
	v41 =	vmul.f32 v41, v42  }
0x136: {  	s8 =	spop (v2sf);
	v44 =	vor.u32 v5, v43  }
0x137: {  	s31 =	sand.u32 $0xFFFFF80, s8;
	v63 =	vor.u32 v6, v43;
	v41 =	vmin.f32 v41, $1.000000000e+00  }
0x138: {  	s0 =	sadd.s32 s1, s31;
	v43 =	vor.u32 v7, v43;
	v37 =	vmul.f32 v41, v37  }
0x139: {  	[tilespmem:s17], [sflag:$0x6] =	stream.strided.gather [hbm4b:s0+s12], $0x2000, s11, s12, $0x38;
	v38 =	vmul.f32 v41, v38;
	[tilespmem:$0x18400] =	vst v63  }
0x13a: {  	s3 =	spop (v2sf);
	v48 =	vmul.f32 v41, v39;
	[tilespmem:v62+s20+$0x0] =	vst.idx.msk $0xffff, v37  }
0x13b: {  	s0 =	sand.u32 $0x7F, s3;
	v49 =	vmul.f32 v41, v40;
	[tilespmem:v44+s20+$0x0] =	vst.idx.msk $0xffff, v38  }
0x13c: {  	v50 =	vor.u32 s0, v28;
	[tilespmem:v63+s20+$0x0] =	vst.idx.msk $0xffff, v48  }
0x13d: {  	v51 =	vor.u32 s0, v29;
	[tilespmem:v43+s20+$0x0] =	vst.idx.msk $0xffff, v49  }
0x13e: {  	_ =	swait.ge [sflag:s26], $0x2000  }
0x13f: {  	v52 =	vor.u32 s0, v30;
	[sflag:s26] =	ssyncset.done $0x0  }
0x140: {  	[sflag:s26] =	ssyncadd.s32 $0xFFFFE000  }
0x141: {  	v53 =	vor.u32 s0, v31;
	v37 =	vld.idx.msk [tilespmem:v50+s12+$0x0], $0xffff  }
0x142: {  	v38 =	vld.idx.msk [tilespmem:v51+s12+$0x0], $0xffff;
	_ =	sdelay $0x1  }
0x143: {  	v39 =	vld.idx.msk [tilespmem:v52+s12+$0x0], $0xffff;
	_ =	sdelay $0x1  }
0x144: {  	v40 =	vld.idx.msk [tilespmem:v53+s12+$0x0], $0xffff  }
0x145: {  	v54 =	vmul.f32 v37, v37;
	v55 =	vmul.f32 v38, v38;
	_ =	sdelay $0x1  }
0x146: {  	v56 =	vmul.f32 v39, v39;
	v41 =	vadd.f32 v55, v54;
	_ =	sdelay $0x1  }
0x147: {  	v57 =	vmul.f32 v40, v40;
	v41 =	vadd.f32 v56, v41;
	_ =	sdelay $0x1  }
0x148: {  	v41 =	vadd.f32 v57, v41;
	_ =	sdelay $0x1  }
0x149: {  	(xrf2) =	vadd.scan.msk.f32 $0xffff, v41;
	_ =	sdelay $0x9  }
0x14a: {  	v41, _, _ =	vpop (xrf2)  }
0x14b: {  	v41 =	vbroadcast v41, $0xF;
	_ =	sdelay $0x1  }
0x14c: {  	v58 =	vshra.s32 v41, $0x1;
	v41 =	vmul.f32 $5.000000000e-01, v41  }
0x14d: {  	v42 =	vsub.s32 $0x5F3759DF, v58  }
0x14e: {  	v59 =	vmul.f32 v42, v41;
	_ =	sdelay $0x1  }
0x14f: {  	v43 =	vmul.f32 v42, v59;
	_ =	sdelay $0x1  }
0x150: {  	v43 =	vsub.f32 $1.500000000e+00, v43;
	_ =	sdelay $0x1  }
0x151: {  	v42 =	vmul.f32 v42, v43;
	_ =	sdelay $0x1  }
0x152: {  	(v2sf) =	vpush v36, $0xE;
	v43 =	vmul.f32 v42, v41;
	_ =	sdelay $0x1  }
0x153: {  	v43 =	vmul.f32 v43, v42;
	_ =	sdelay $0x1  }
0x154: {  	(v2sf) =	vpush v36, $0x7;
	v43 =	vsub.f32 $1.500000000e+00, v43;
	_ =	sdelay $0x1  }
0x155: {  	v42 =	vmul.f32 v43, v42;
	_ =	sdelay $0x1  }
0x156: {  	v41 =	vmul.f32 v42, v41  }
0x157: {  	s13 =	sadd.s32 $0xFFFFFFF7, s2  }
0x158: {  	v60 =	vmov s13;
	v41 =	vmul.f32 v41, v42  }
0x159: {  	v61 =	vshll.u32 v60, $0x3  }
0x15a: {  	v44 =	vand.u32 $0xC00, v61;
	v43 =	vand.u32 $0x76, v60;
	v41 =	vsub.f32 $1.500000000e+00, v41  }
0x15b: {  	v43 =	vor.u32 v43, v44  }
0x15c: {  	v62 =	vor.u32 v4, v43;
	v41 =	vmul.f32 v41, v42  }
0x15d: {  	s0 =	spop (v2sf);
	v44 =	vor.u32 v5, v43  }
0x15e: {  	s31 =	sand.u32 $0xFFFFF80, s0;
	v63 =	vor.u32 v6, v43;
	v41 =	vmin.f32 v41, $1.000000000e+00  }
0x15f: {  	s3 =	sadd.s32 s1, s31;
	v43 =	vor.u32 v7, v43;
	v37 =	vmul.f32 v41, v37  }
0x160: {  	[tilespmem:s18], [sflag:$0x7] =	stream.strided.gather [hbm4b:s3+s12], $0x2000, s11, s12, $0x38;
	v38 =	vmul.f32 v41, v38;
	[tilespmem:$0x18400] =	vst v63  }
0x161: {  	s13 =	spop (v2sf);
	v48 =	vmul.f32 v41, v39;
	[tilespmem:v62+s20+$0x0] =	vst.idx.msk $0xffff, v37  }
0x162: {  	s3 =	sand.u32 $0x7F, s13;
	v49 =	vmul.f32 v41, v40;
	[tilespmem:v44+s20+$0x0] =	vst.idx.msk $0xffff, v38  }
0x163: {  	v50 =	vor.u32 s3, v32;
	[tilespmem:v63+s20+$0x0] =	vst.idx.msk $0xffff, v48  }
0x164: {  	v51 =	vor.u32 s3, v33;
	[tilespmem:v43+s20+$0x0] =	vst.idx.msk $0xffff, v49  }
0x165: {  	_ =	swait.ge [sflag:s28], $0x2000  }
0x166: {  	v52 =	vor.u32 s3, v34;
	[sflag:s28] =	ssyncset.done $0x0  }
0x167: {  	[sflag:s28] =	ssyncadd.s32 $0xFFFFE000  }
0x168: {  	v53 =	vor.u32 s3, v35;
	v37 =	vld.idx.msk [tilespmem:v50+s12+$0x0], $0xffff  }
0x169: {  	v38 =	vld.idx.msk [tilespmem:v51+s12+$0x0], $0xffff;
	_ =	sdelay $0x1  }
0x16a: {  	v39 =	vld.idx.msk [tilespmem:v52+s12+$0x0], $0xffff;
	_ =	sdelay $0x1  }
0x16b: {  	v40 =	vld.idx.msk [tilespmem:v53+s12+$0x0], $0xffff  }
0x16c: {  	v54 =	vmul.f32 v37, v37;
	v55 =	vmul.f32 v38, v38;
	_ =	sdelay $0x1  }
0x16d: {  	v56 =	vmul.f32 v39, v39;
	v41 =	vadd.f32 v55, v54;
	_ =	sdelay $0x1  }
0x16e: {  	v57 =	vmul.f32 v40, v40;
	v41 =	vadd.f32 v56, v41;
	_ =	sdelay $0x1  }
0x16f: {  	v41 =	vadd.f32 v57, v41;
	_ =	sdelay $0x1  }
0x170: {  	(xrf2) =	vadd.scan.msk.f32 $0xffff, v41;
	_ =	sdelay $0x9  }
0x171: {  	v41, _, _ =	vpop (xrf2)  }
0x172: {  	v41 =	vbroadcast v41, $0xF;
	_ =	sdelay $0x1  }
0x173: {  	v58 =	vshra.s32 v41, $0x1;
	v41 =	vmul.f32 $5.000000000e-01, v41  }
0x174: {  	v42 =	vsub.s32 $0x5F3759DF, v58  }
0x175: {  	v59 =	vmul.f32 v42, v41;
	_ =	sdelay $0x1  }
0x176: {  	v43 =	vmul.f32 v42, v59;
	_ =	sdelay $0x1  }
0x177: {  	v43 =	vsub.f32 $1.500000000e+00, v43;
	_ =	sdelay $0x1  }
0x178: {  	v42 =	vmul.f32 v42, v43;
	_ =	sdelay $0x1  }
0x179: {  	(v2sf) =	vpush v36, $0xF;
	v60 =	vmul.f32 v42, v41;
	_ =	sdelay $0x1  }
0x17a: {  	v36 =	vmul.f32 v60, v42;
	_ =	sdelay $0x1  }
0x17b: {  	v36 =	vsub.f32 $1.500000000e+00, v36;
	_ =	sdelay $0x1  }
0x17c: {  	v36 =	vmul.f32 v36, v42;
	_ =	sdelay $0x1  }
0x17d: {  	v41 =	vmul.f32 v36, v41  }
0x17e: {  	s31 =	sadd.s32 $0xFFFFFFF8, s2  }
0x17f: {  	v61 =	vmov s31;
	v41 =	vmul.f32 v41, v36  }
0x180: {  	v62 =	vshll.u32 v61, $0x3  }
0x181: {  	v43 =	vand.u32 $0xC00, v62;
	v42 =	vand.u32 $0x77, v61;
	v41 =	vsub.f32 $1.500000000e+00, v41  }
0x182: {  	v42 =	vor.u32 v42, v43  }
0x183: {  	v63 =	vor.u32 v4, v42;
	v36 =	vmul.f32 v41, v36  }
0x184: {  	s3 =	spop (v2sf);
	v43 =	vor.u32 v5, v42  }
0x185: {  	s31 =	sand.u32 $0xFFFFF80, s3;
	v48 =	vor.u32 v6, v42;
	v36 =	vmin.f32 v36, $1.000000000e+00  }
0x186: {  	s31 =	sadd.s32 s1, s31;
	v42 =	vor.u32 v7, v42;
	v37 =	vmul.f32 v36, v37  }
0x187: {  	[tilespmem:s19], [sflag:$0x8] =	stream.strided.gather [hbm4b:s31+s12], $0x2000, s11, s12, $0x38;
	v38 =	vmul.f32 v36, v38;
	[tilespmem:$0x18400] =	vst v63  }
0x188: {  	v49 =	vmul.f32 v36, v39;
	[tilespmem:v63+s20+$0x0] =	vst.idx.msk $0xffff, v37  }
0x189: {  	s9 =	sand.u32 $0x7F, s9;
	v36 =	vmul.f32 v36, v40;
	[tilespmem:v43+s20+$0x0] =	vst.idx.msk $0xffff, v38  }
0x18a: {  	v50 =	vor.u32 s9, v0;
	[tilespmem:v48+s20+$0x0] =	vst.idx.msk $0xffff, v49  }
0x18b: {  	v51 =	vor.u32 s9, v1;
	[tilespmem:v42+s20+$0x0] =	vst.idx.msk $0xffff, v36  }
0x18c: {  	_ =	swait.ge [sflag:s4], $0x2000  }
0x18d: {  	v52 =	vor.u32 s9, v2;
	[sflag:s4] =	ssyncset.done $0x0  }
0x18e: {  	[sflag:s4] =	ssyncadd.s32 $0xFFFFE000  }
0x18f: {  	v53 =	vor.u32 s9, v3;
	v37 =	vld.idx.msk [tilespmem:v50+s12+$0x0], $0xffff  }
0x190: {  	v36 =	vld.idx.msk [tilespmem:v51+s12+$0x0], $0xffff;
	_ =	sdelay $0x1  }
0x191: {  	v38 =	vld.idx.msk [tilespmem:v52+s12+$0x0], $0xffff;
	_ =	sdelay $0x1  }
0x192: {  	v39 =	vld.idx.msk [tilespmem:v53+s12+$0x0], $0xffff  }
0x193: {  	v54 =	vmul.f32 v37, v37;
	v55 =	vmul.f32 v36, v36;
	_ =	sdelay $0x1  }
0x194: {  	v56 =	vmul.f32 v38, v38;
	v40 =	vadd.f32 v55, v54;
	_ =	sdelay $0x1  }
0x195: {  	v57 =	vmul.f32 v39, v39;
	v40 =	vadd.f32 v56, v40;
	_ =	sdelay $0x1  }
0x196: {  	v40 =	vadd.f32 v57, v40;
	_ =	sdelay $0x1  }
0x197: {  	(xrf2) =	vadd.scan.msk.f32 $0xffff, v40;
	_ =	sdelay $0x9  }
0x198: {  	v40, _, _ =	vpop (xrf2)  }
0x199: {  	v40 =	vbroadcast v40, $0xF;
	_ =	sdelay $0x1  }
0x19a: {  	v58 =	vshra.s32 v40, $0x1;
	v40 =	vmul.f32 $5.000000000e-01, v40  }
0x19b: {  	v41 =	vsub.s32 $0x5F3759DF, v58  }
0x19c: {  	v59 =	vmul.f32 v41, v40;
	_ =	sdelay $0x1  }
0x19d: {  	p0 =	seq.s32 s2, $0x1FF;
	v42 =	vmul.f32 v41, v59  }
0x19e: {  	v43 =	vld @!p0 [tilespmem:s10+$0x0]  }
0x19f: {  	v42 =	vsub.f32 $1.500000000e+00, v42;
	_ =	sdelay $0x1  }
0x1a0: {  	v41 =	vmul.f32 v41, v42;
	_ =	sdelay $0x1  }
0x1a1: {  	(v2sf) =	vpush @!p0 v43, $0x0;
	v42 =	vmul.f32 v41, v40;
	_ =	sdelay $0x1  }
0x1a2: {  	v42 =	vmul.f32 v42, v41;
	_ =	sdelay $0x1  }
0x1a3: {  	v42 =	vsub.f32 $1.500000000e+00, v42;
	_ =	sdelay $0x1  }
0x1a4: {  	v41 =	vmul.f32 v42, v41;
	_ =	sdelay $0x1  }
0x1a5: {  	v40 =	vmul.f32 v41, v40  }
0x1a6: {  	s13 =	sadd.s32 $0xFFFFFFF9, s2  }
0x1a7: {  	v60 =	vmov s13;
	v40 =	vmul.f32 v40, v41  }
0x1a8: {  	v61 =	vshll.u32 v60, $0x3  }
0x1a9: {  	v43 =	vand.u32 $0xC00, v61;
	v42 =	vand.u32 $0x78, v60;
	v40 =	vsub.f32 $1.500000000e+00, v40  }
0x1aa: {  	v42 =	vor.u32 v42, v43  }
0x1ab: {  	v62 =	vor.u32 v4, v42;
	v40 =	vmul.f32 v40, v41  }
0x1ac: {  	s9 =	spop @!p0 (v2sf);
	v43 =	vor.u32 v5, v42  }
0x1ad: {  	s9 =	sand.u32 @!p0 $0xFFFFF80, s9;
	v63 =	vor.u32 v6, v42;
	v40 =	vmin.f32 v40, $1.000000000e+00  }
0x1ae: {  	s31 =	simm.s32 @!p0 $0x400;
	s13 =	sadd.s32 @!p0 s1, s9;
	s9 =	simm.s32 @!p0 $0x7A1400;
	v42 =	vor.u32 v7, v42;
	v37 =	vmul.f32 v40, v37  }
0x1af: {  	[tilespmem:s31], [sflag:$0x1] =	stream.strided.gather @!p0 [hbm4b:s13+s31], $0x2000, s9, s31, $0x38;
	v36 =	vmul.f32 v40, v36;
	[tilespmem:$0x18400] =	vst v63  }
0x1b0: {  	v48 =	vmul.f32 v40, v38;
	[tilespmem:v62+s20+$0x0] =	vst.idx.msk $0xffff, v37  }
0x1b1: {  	s29 =	sand.u32 $0x7F, s29;
	v49 =	vmul.f32 v40, v39;
	[tilespmem:v43+s20+$0x0] =	vst.idx.msk $0xffff, v36  }
0x1b2: {  	v50 =	vor.u32 s29, v8;
	[tilespmem:v63+s20+$0x0] =	vst.idx.msk $0xffff, v48  }
0x1b3: {  	v51 =	vor.u32 s29, v9;
	[tilespmem:v42+s20+$0x0] =	vst.idx.msk $0xffff, v49  }
0x1b4: {  	_ =	swait.ge [sflag:s21], $0x2000  }
0x1b5: {  	v52 =	vor.u32 s29, v10;
	[sflag:s21] =	ssyncset.done $0x0  }
0x1b6: {  	[sflag:s21] =	ssyncadd.s32 $0xFFFFE000  }
0x1b7: {  	v53 =	vor.u32 s29, v11;
	v37 =	vld.idx.msk [tilespmem:v50+s12+$0x0], $0xffff  }
0x1b8: {  	v36 =	vld.idx.msk [tilespmem:v51+s12+$0x0], $0xffff;
	_ =	sdelay $0x1  }
0x1b9: {  	v38 =	vld.idx.msk [tilespmem:v52+s12+$0x0], $0xffff;
	_ =	sdelay $0x1  }
0x1ba: {  	v39 =	vld.idx.msk [tilespmem:v53+s12+$0x0], $0xffff  }
0x1bb: {  	v54 =	vmul.f32 v37, v37;
	v55 =	vmul.f32 v36, v36;
	_ =	sdelay $0x1  }
0x1bc: {  	v56 =	vmul.f32 v38, v38;
	v40 =	vadd.f32 v55, v54;
	_ =	sdelay $0x1  }
0x1bd: {  	v57 =	vmul.f32 v39, v39;
	v40 =	vadd.f32 v56, v40;
	_ =	sdelay $0x1  }
0x1be: {  	v40 =	vadd.f32 v57, v40;
	_ =	sdelay $0x1  }
0x1bf: {  	(xrf2) =	vadd.scan.msk.f32 $0xffff, v40;
	_ =	sdelay $0x9  }
0x1c0: {  	v40, _, _ =	vpop (xrf2)  }
0x1c1: {  	v40 =	vbroadcast v40, $0xF;
	_ =	sdelay $0x1  }
0x1c2: {  	v58 =	vshra.s32 v40, $0x1;
	v40 =	vmul.f32 $5.000000000e-01, v40  }
0x1c3: {  	v41 =	vsub.s32 $0x5F3759DF, v58  }
0x1c4: {  	v59 =	vmul.f32 v41, v40;
	_ =	sdelay $0x1  }
0x1c5: {  	v42 =	vmul.f32 v41, v59  }
0x1c6: {  	v43 =	vld @!p0 [tilespmem:s10+$0x0]  }
0x1c7: {  	v42 =	vsub.f32 $1.500000000e+00, v42;
	_ =	sdelay $0x1  }
0x1c8: {  	v41 =	vmul.f32 v41, v42;
	_ =	sdelay $0x1  }
0x1c9: {  	(v2sf) =	vpush @!p0 v43, $0x1;
	v42 =	vmul.f32 v41, v40;
	_ =	sdelay $0x1  }
0x1ca: {  	v42 =	vmul.f32 v42, v41;
	_ =	sdelay $0x1  }
0x1cb: {  	v42 =	vsub.f32 $1.500000000e+00, v42;
	_ =	sdelay $0x1  }
0x1cc: {  	v41 =	vmul.f32 v42, v41;
	_ =	sdelay $0x1  }
0x1cd: {  	v40 =	vmul.f32 v41, v40  }
0x1ce: {  	s29 =	sadd.s32 $0xFFFFFFFA, s2  }
0x1cf: {  	v60 =	vmov s29;
	v40 =	vmul.f32 v40, v41  }
0x1d0: {  	v61 =	vshll.u32 v60, $0x3  }
0x1d1: {  	v43 =	vand.u32 $0xC00, v61;
	v42 =	vand.u32 $0x79, v60;
	v40 =	vsub.f32 $1.500000000e+00, v40  }
0x1d2: {  	v42 =	vor.u32 v42, v43  }
0x1d3: {  	v62 =	vor.u32 v4, v42;
	v40 =	vmul.f32 v40, v41  }
0x1d4: {  	s13 =	spop @!p0 (v2sf);
	v43 =	vor.u32 v5, v42  }
0x1d5: {  	s13 =	sand.u32 @!p0 $0xFFFFF80, s13;
	v63 =	vor.u32 v6, v42;
	v40 =	vmin.f32 v40, $1.000000000e+00  }
0x1d6: {  	s29 =	simm.s32 @!p0 $0x2400;
	s13 =	sadd.s32 @!p0 s1, s13;
	v42 =	vor.u32 v7, v42;
	v37 =	vmul.f32 v40, v37  }
0x1d7: {  	[tilespmem:s29], [sflag:$0x2] =	stream.strided.gather @!p0 [hbm4b:s13+s31], $0x2000, s9, s31, $0x38;
	v36 =	vmul.f32 v40, v36;
	[tilespmem:$0x18400] =	vst v63  }
0x1d8: {  	v48 =	vmul.f32 v40, v38;
	[tilespmem:v62+s20+$0x0] =	vst.idx.msk $0xffff, v37  }
0x1d9: {  	s29 =	sand.u32 $0x7F, s30;
	v49 =	vmul.f32 v40, v39;
	[tilespmem:v43+s20+$0x0] =	vst.idx.msk $0xffff, v36  }
0x1da: {  	v50 =	vor.u32 s29, v12;
	[tilespmem:v63+s20+$0x0] =	vst.idx.msk $0xffff, v48  }
0x1db: {  	v51 =	vor.u32 s29, v13;
	[tilespmem:v42+s20+$0x0] =	vst.idx.msk $0xffff, v49  }
0x1dc: {  	_ =	swait.ge [sflag:s22], $0x2000  }
0x1dd: {  	v52 =	vor.u32 s29, v14;
	[sflag:s22] =	ssyncset.done $0x0  }
0x1de: {  	[sflag:s22] =	ssyncadd.s32 $0xFFFFE000  }
0x1df: {  	v53 =	vor.u32 s29, v15;
	v37 =	vld.idx.msk [tilespmem:v50+s12+$0x0], $0xffff  }
0x1e0: {  	v36 =	vld.idx.msk [tilespmem:v51+s12+$0x0], $0xffff;
	_ =	sdelay $0x1  }
0x1e1: {  	v38 =	vld.idx.msk [tilespmem:v52+s12+$0x0], $0xffff;
	_ =	sdelay $0x1  }
0x1e2: {  	v39 =	vld.idx.msk [tilespmem:v53+s12+$0x0], $0xffff  }
0x1e3: {  	v54 =	vmul.f32 v37, v37;
	v55 =	vmul.f32 v36, v36;
	_ =	sdelay $0x1  }
0x1e4: {  	v56 =	vmul.f32 v38, v38;
	v40 =	vadd.f32 v55, v54;
	_ =	sdelay $0x1  }
0x1e5: {  	v57 =	vmul.f32 v39, v39;
	v40 =	vadd.f32 v56, v40;
	_ =	sdelay $0x1  }
0x1e6: {  	v40 =	vadd.f32 v57, v40;
	_ =	sdelay $0x1  }
0x1e7: {  	(xrf2) =	vadd.scan.msk.f32 $0xffff, v40;
	_ =	sdelay $0x9  }
0x1e8: {  	v40, _, _ =	vpop (xrf2)  }
0x1e9: {  	v40 =	vbroadcast v40, $0xF;
	_ =	sdelay $0x1  }
0x1ea: {  	v58 =	vshra.s32 v40, $0x1;
	v40 =	vmul.f32 $5.000000000e-01, v40  }
0x1eb: {  	v41 =	vsub.s32 $0x5F3759DF, v58  }
0x1ec: {  	v59 =	vmul.f32 v41, v40;
	_ =	sdelay $0x1  }
0x1ed: {  	v42 =	vmul.f32 v41, v59  }
0x1ee: {  	v43 =	vld @!p0 [tilespmem:s10+$0x0]  }
0x1ef: {  	v42 =	vsub.f32 $1.500000000e+00, v42;
	_ =	sdelay $0x1  }
0x1f0: {  	v41 =	vmul.f32 v41, v42;
	_ =	sdelay $0x1  }
0x1f1: {  	(v2sf) =	vpush @!p0 v43, $0x2;
	v42 =	vmul.f32 v41, v40;
	_ =	sdelay $0x1  }
0x1f2: {  	v42 =	vmul.f32 v42, v41;
	_ =	sdelay $0x1  }
0x1f3: {  	v42 =	vsub.f32 $1.500000000e+00, v42;
	_ =	sdelay $0x1  }
0x1f4: {  	v41 =	vmul.f32 v42, v41;
	_ =	sdelay $0x1  }
0x1f5: {  	v40 =	vmul.f32 v41, v40  }
0x1f6: {  	s30 =	sadd.s32 $0xFFFFFFFB, s2  }
0x1f7: {  	v60 =	vmov s30;
	v40 =	vmul.f32 v40, v41  }
0x1f8: {  	v61 =	vshll.u32 v60, $0x3  }
0x1f9: {  	v43 =	vand.u32 $0xC00, v61;
	v42 =	vand.u32 $0x7A, v60;
	v40 =	vsub.f32 $1.500000000e+00, v40  }
0x1fa: {  	v42 =	vor.u32 v42, v43  }
0x1fb: {  	v62 =	vor.u32 v4, v42;
	v40 =	vmul.f32 v40, v41  }
0x1fc: {  	s13 =	spop @!p0 (v2sf);
	v43 =	vor.u32 v5, v42  }
0x1fd: {  	s13 =	sand.u32 @!p0 $0xFFFFF80, s13;
	v63 =	vor.u32 v6, v42;
	v40 =	vmin.f32 v40, $1.000000000e+00  }
0x1fe: {  	s29 =	simm.s32 @!p0 $0x4400;
	s13 =	sadd.s32 @!p0 s1, s13;
	v42 =	vor.u32 v7, v42;
	v37 =	vmul.f32 v40, v37  }
0x1ff: {  	[tilespmem:s29], [sflag:$0x3] =	stream.strided.gather @!p0 [hbm4b:s13+s31], $0x2000, s9, s31, $0x38;
	v36 =	vmul.f32 v40, v36;
	[tilespmem:$0x18400] =	vst v63  }
0x200: {  	v48 =	vmul.f32 v40, v38;
	[tilespmem:v62+s20+$0x0] =	vst.idx.msk $0xffff, v37  }
0x201: {  	s5 =	sand.u32 $0x7F, s5;
	v49 =	vmul.f32 v40, v39;
	[tilespmem:v43+s20+$0x0] =	vst.idx.msk $0xffff, v36  }
0x202: {  	v50 =	vor.u32 s5, v16;
	[tilespmem:v63+s20+$0x0] =	vst.idx.msk $0xffff, v48  }
0x203: {  	v51 =	vor.u32 s5, v17;
	[tilespmem:v42+s20+$0x0] =	vst.idx.msk $0xffff, v49  }
0x204: {  	_ =	swait.ge [sflag:s23], $0x2000  }
0x205: {  	v52 =	vor.u32 s5, v18;
	[sflag:s23] =	ssyncset.done $0x0  }
0x206: {  	[sflag:s23] =	ssyncadd.s32 $0xFFFFE000  }
0x207: {  	v53 =	vor.u32 s5, v19;
	v37 =	vld.idx.msk [tilespmem:v50+s12+$0x0], $0xffff  }
0x208: {  	v36 =	vld.idx.msk [tilespmem:v51+s12+$0x0], $0xffff;
	_ =	sdelay $0x1  }
0x209: {  	v38 =	vld.idx.msk [tilespmem:v52+s12+$0x0], $0xffff;
	_ =	sdelay $0x1  }
0x20a: {  	v39 =	vld.idx.msk [tilespmem:v53+s12+$0x0], $0xffff  }
0x20b: {  	v54 =	vmul.f32 v37, v37;
	v55 =	vmul.f32 v36, v36;
	_ =	sdelay $0x1  }
0x20c: {  	v56 =	vmul.f32 v38, v38;
	v40 =	vadd.f32 v55, v54;
	_ =	sdelay $0x1  }
0x20d: {  	v57 =	vmul.f32 v39, v39;
	v40 =	vadd.f32 v56, v40;
	_ =	sdelay $0x1  }
0x20e: {  	v40 =	vadd.f32 v57, v40;
	_ =	sdelay $0x1  }
0x20f: {  	(xrf2) =	vadd.scan.msk.f32 $0xffff, v40;
	_ =	sdelay $0x9  }
0x210: {  	v40, _, _ =	vpop (xrf2)  }
0x211: {  	v40 =	vbroadcast v40, $0xF;
	_ =	sdelay $0x1  }
0x212: {  	v58 =	vshra.s32 v40, $0x1;
	v40 =	vmul.f32 $5.000000000e-01, v40  }
0x213: {  	v41 =	vsub.s32 $0x5F3759DF, v58  }
0x214: {  	v59 =	vmul.f32 v41, v40;
	_ =	sdelay $0x1  }
0x215: {  	v42 =	vmul.f32 v41, v59  }
0x216: {  	v43 =	vld @!p0 [tilespmem:s10+$0x0]  }
0x217: {  	v42 =	vsub.f32 $1.500000000e+00, v42;
	_ =	sdelay $0x1  }
0x218: {  	v41 =	vmul.f32 v41, v42;
	_ =	sdelay $0x1  }
0x219: {  	(v2sf) =	vpush @!p0 v43, $0x3;
	v42 =	vmul.f32 v41, v40;
	_ =	sdelay $0x1  }
0x21a: {  	v42 =	vmul.f32 v42, v41;
	_ =	sdelay $0x1  }
0x21b: {  	v42 =	vsub.f32 $1.500000000e+00, v42;
	_ =	sdelay $0x1  }
0x21c: {  	v41 =	vmul.f32 v42, v41;
	_ =	sdelay $0x1  }
0x21d: {  	v40 =	vmul.f32 v41, v40  }
0x21e: {  	s29 =	sadd.s32 $0xFFFFFFFC, s2  }
0x21f: {  	v60 =	vmov s29;
	v40 =	vmul.f32 v40, v41  }
0x220: {  	v61 =	vshll.u32 v60, $0x3  }
0x221: {  	v43 =	vand.u32 $0xC00, v61;
	v42 =	vand.u32 $0x7B, v60;
	v40 =	vsub.f32 $1.500000000e+00, v40  }
0x222: {  	v42 =	vor.u32 v42, v43  }
0x223: {  	v62 =	vor.u32 v4, v42;
	v40 =	vmul.f32 v40, v41  }
0x224: {  	s5 =	spop @!p0 (v2sf);
	v43 =	vor.u32 v5, v42  }
0x225: {  	s5 =	sand.u32 @!p0 $0xFFFFF80, s5;
	v63 =	vor.u32 v6, v42;
	v40 =	vmin.f32 v40, $1.000000000e+00  }
0x226: {  	s13 =	simm.s32 @!p0 $0x6400;
	s5 =	sadd.s32 @!p0 s1, s5;
	v42 =	vor.u32 v7, v42;
	v37 =	vmul.f32 v40, v37  }
0x227: {  	[tilespmem:s13], [sflag:$0x4] =	stream.strided.gather @!p0 [hbm4b:s5+s31], $0x2000, s9, s31, $0x38;
	v36 =	vmul.f32 v40, v36;
	[tilespmem:$0x18400] =	vst v63  }
0x228: {  	v48 =	vmul.f32 v40, v38;
	[tilespmem:v62+s20+$0x0] =	vst.idx.msk $0xffff, v37  }
0x229: {  	s30 =	sand.u32 $0x7F, s7;
	v49 =	vmul.f32 v40, v39;
	[tilespmem:v43+s20+$0x0] =	vst.idx.msk $0xffff, v36  }
0x22a: {  	v50 =	vor.u32 s30, v20;
	[tilespmem:v63+s20+$0x0] =	vst.idx.msk $0xffff, v48  }
0x22b: {  	v51 =	vor.u32 s30, v21;
	[tilespmem:v42+s20+$0x0] =	vst.idx.msk $0xffff, v49  }
0x22c: {  	_ =	swait.ge [sflag:s24], $0x2000  }
0x22d: {  	v52 =	vor.u32 s30, v22;
	[sflag:s24] =	ssyncset.done $0x0  }
0x22e: {  	[sflag:s24] =	ssyncadd.s32 $0xFFFFE000  }
0x22f: {  	v53 =	vor.u32 s30, v23;
	v37 =	vld.idx.msk [tilespmem:v50+s12+$0x0], $0xffff  }
0x230: {  	v36 =	vld.idx.msk [tilespmem:v51+s12+$0x0], $0xffff;
	_ =	sdelay $0x1  }
0x231: {  	v38 =	vld.idx.msk [tilespmem:v52+s12+$0x0], $0xffff;
	_ =	sdelay $0x1  }
0x232: {  	v39 =	vld.idx.msk [tilespmem:v53+s12+$0x0], $0xffff  }
0x233: {  	v54 =	vmul.f32 v37, v37;
	v55 =	vmul.f32 v36, v36;
	_ =	sdelay $0x1  }
0x234: {  	v56 =	vmul.f32 v38, v38;
	v40 =	vadd.f32 v55, v54;
	_ =	sdelay $0x1  }
0x235: {  	v57 =	vmul.f32 v39, v39;
	v40 =	vadd.f32 v56, v40;
	_ =	sdelay $0x1  }
0x236: {  	v40 =	vadd.f32 v57, v40;
	_ =	sdelay $0x1  }
0x237: {  	(xrf2) =	vadd.scan.msk.f32 $0xffff, v40;
	_ =	sdelay $0x9  }
0x238: {  	v40, _, _ =	vpop (xrf2)  }
0x239: {  	v40 =	vbroadcast v40, $0xF;
	_ =	sdelay $0x1  }
0x23a: {  	v58 =	vshra.s32 v40, $0x1;
	v40 =	vmul.f32 $5.000000000e-01, v40  }
0x23b: {  	v41 =	vsub.s32 $0x5F3759DF, v58  }
0x23c: {  	v59 =	vmul.f32 v41, v40;
	_ =	sdelay $0x1  }
0x23d: {  	v42 =	vmul.f32 v41, v59  }
0x23e: {  	v43 =	vld @!p0 [tilespmem:s10+$0x0]  }
0x23f: {  	v42 =	vsub.f32 $1.500000000e+00, v42;
	_ =	sdelay $0x1  }
0x240: {  	v41 =	vmul.f32 v41, v42;
	_ =	sdelay $0x1  }
0x241: {  	(v2sf) =	vpush @!p0 v43, $0x4;
	v42 =	vmul.f32 v41, v40;
	_ =	sdelay $0x1  }
0x242: {  	v42 =	vmul.f32 v42, v41;
	_ =	sdelay $0x1  }
0x243: {  	v42 =	vsub.f32 $1.500000000e+00, v42;
	_ =	sdelay $0x1  }
0x244: {  	v41 =	vmul.f32 v42, v41;
	_ =	sdelay $0x1  }
0x245: {  	v40 =	vmul.f32 v41, v40  }
0x246: {  	s7 =	sadd.s32 $0xFFFFFFFD, s2  }
0x247: {  	v60 =	vmov s7;
	v40 =	vmul.f32 v40, v41  }
0x248: {  	v61 =	vshll.u32 v60, $0x3  }
0x249: {  	v43 =	vand.u32 $0xC00, v61;
	v42 =	vand.u32 $0x7C, v60;
	v40 =	vsub.f32 $1.500000000e+00, v40  }
0x24a: {  	v42 =	vor.u32 v42, v43  }
0x24b: {  	v62 =	vor.u32 v4, v42;
	v40 =	vmul.f32 v40, v41  }
0x24c: {  	s5 =	spop @!p0 (v2sf);
	v43 =	vor.u32 v5, v42  }
0x24d: {  	s5 =	sand.u32 @!p0 $0xFFFFF80, s5;
	v63 =	vor.u32 v6, v42;
	v40 =	vmin.f32 v40, $1.000000000e+00  }
0x24e: {  	s7 =	simm.s32 @!p0 $0x8400;
	s5 =	sadd.s32 @!p0 s1, s5;
	v42 =	vor.u32 v7, v42;
	v37 =	vmul.f32 v40, v37  }
0x24f: {  	[tilespmem:s7], [sflag:$0x5] =	stream.strided.gather @!p0 [hbm4b:s5+s31], $0x2000, s9, s31, $0x38;
	v36 =	vmul.f32 v40, v36;
	[tilespmem:$0x18400] =	vst v63  }
0x250: {  	v48 =	vmul.f32 v40, v38;
	[tilespmem:v62+s20+$0x0] =	vst.idx.msk $0xffff, v37  }
0x251: {  	s8 =	sand.u32 $0x7F, s8;
	v49 =	vmul.f32 v40, v39;
	[tilespmem:v43+s20+$0x0] =	vst.idx.msk $0xffff, v36  }
0x252: {  	v50 =	vor.u32 s8, v24;
	[tilespmem:v63+s20+$0x0] =	vst.idx.msk $0xffff, v48  }
0x253: {  	v51 =	vor.u32 s8, v25;
	[tilespmem:v42+s20+$0x0] =	vst.idx.msk $0xffff, v49  }
0x254: {  	_ =	swait.ge [sflag:s25], $0x2000  }
0x255: {  	v52 =	vor.u32 s8, v26;
	[sflag:s25] =	ssyncset.done $0x0  }
0x256: {  	[sflag:s25] =	ssyncadd.s32 $0xFFFFE000  }
0x257: {  	v53 =	vor.u32 s8, v27;
	v37 =	vld.idx.msk [tilespmem:v50+s12+$0x0], $0xffff  }
0x258: {  	v36 =	vld.idx.msk [tilespmem:v51+s12+$0x0], $0xffff;
	_ =	sdelay $0x1  }
0x259: {  	v38 =	vld.idx.msk [tilespmem:v52+s12+$0x0], $0xffff;
	_ =	sdelay $0x1  }
0x25a: {  	v39 =	vld.idx.msk [tilespmem:v53+s12+$0x0], $0xffff  }
0x25b: {  	v54 =	vmul.f32 v37, v37;
	v55 =	vmul.f32 v36, v36;
	_ =	sdelay $0x1  }
0x25c: {  	v56 =	vmul.f32 v38, v38;
	v40 =	vadd.f32 v55, v54;
	_ =	sdelay $0x1  }
0x25d: {  	v57 =	vmul.f32 v39, v39;
	v40 =	vadd.f32 v56, v40;
	_ =	sdelay $0x1  }
0x25e: {  	v40 =	vadd.f32 v57, v40;
	_ =	sdelay $0x1  }
0x25f: {  	(xrf2) =	vadd.scan.msk.f32 $0xffff, v40;
	_ =	sdelay $0x9  }
0x260: {  	v40, _, _ =	vpop (xrf2)  }
0x261: {  	v40 =	vbroadcast v40, $0xF;
	_ =	sdelay $0x1  }
0x262: {  	v58 =	vshra.s32 v40, $0x1;
	v40 =	vmul.f32 $5.000000000e-01, v40  }
0x263: {  	v41 =	vsub.s32 $0x5F3759DF, v58  }
0x264: {  	v59 =	vmul.f32 v41, v40;
	_ =	sdelay $0x1  }
0x265: {  	v42 =	vmul.f32 v41, v59  }
0x266: {  	v43 =	vld @!p0 [tilespmem:s10+$0x0]  }
0x267: {  	v42 =	vsub.f32 $1.500000000e+00, v42;
	_ =	sdelay $0x1  }
0x268: {  	v41 =	vmul.f32 v41, v42;
	_ =	sdelay $0x1  }
0x269: {  	(v2sf) =	vpush @!p0 v43, $0x5;
	v42 =	vmul.f32 v41, v40;
	_ =	sdelay $0x1  }
0x26a: {  	v42 =	vmul.f32 v42, v41;
	_ =	sdelay $0x1  }
0x26b: {  	v42 =	vsub.f32 $1.500000000e+00, v42;
	_ =	sdelay $0x1  }
0x26c: {  	v41 =	vmul.f32 v42, v41;
	_ =	sdelay $0x1  }
0x26d: {  	v40 =	vmul.f32 v41, v40  }
0x26e: {  	s13 =	sadd.s32 $0xFFFFFFFE, s2  }
0x26f: {  	v60 =	vmov s13;
	v40 =	vmul.f32 v40, v41  }
0x270: {  	v61 =	vshll.u32 v60, $0x3  }
0x271: {  	v43 =	vand.u32 $0xC00, v61;
	v42 =	vand.u32 $0x7D, v60;
	v40 =	vsub.f32 $1.500000000e+00, v40  }
0x272: {  	v42 =	vor.u32 v42, v43  }
0x273: {  	v62 =	vor.u32 v4, v42;
	v40 =	vmul.f32 v40, v41  }
0x274: {  	s5 =	spop @!p0 (v2sf);
	v43 =	vor.u32 v5, v42  }
0x275: {  	s5 =	sand.u32 @!p0 $0xFFFFF80, s5;
	v63 =	vor.u32 v6, v42;
	v40 =	vmin.f32 v40, $1.000000000e+00  }
0x276: {  	s7 =	simm.s32 @!p0 $0xA400;
	s5 =	sadd.s32 @!p0 s1, s5;
	v42 =	vor.u32 v7, v42;
	v37 =	vmul.f32 v40, v37  }
0x277: {  	[tilespmem:s7], [sflag:$0x6] =	stream.strided.gather @!p0 [hbm4b:s5+s31], $0x2000, s9, s31, $0x38;
	v36 =	vmul.f32 v40, v36;
	[tilespmem:$0x18400] =	vst v63  }
0x278: {  	v48 =	vmul.f32 v40, v38;
	[tilespmem:v62+s20+$0x0] =	vst.idx.msk $0xffff, v37  }
0x279: {  	s0 =	sand.u32 $0x7F, s0;
	v49 =	vmul.f32 v40, v39;
	[tilespmem:v43+s20+$0x0] =	vst.idx.msk $0xffff, v36  }
0x27a: {  	v50 =	vor.u32 s0, v28;
	[tilespmem:v63+s20+$0x0] =	vst.idx.msk $0xffff, v48  }
0x27b: {  	v51 =	vor.u32 s0, v29;
	[tilespmem:v42+s20+$0x0] =	vst.idx.msk $0xffff, v49  }
0x27c: {  	_ =	swait.ge [sflag:s26], $0x2000  }
0x27d: {  	v52 =	vor.u32 s0, v30;
	[sflag:s26] =	ssyncset.done $0x0  }
0x27e: {  	[sflag:s26] =	ssyncadd.s32 $0xFFFFE000  }
0x27f: {  	v53 =	vor.u32 s0, v31;
	v37 =	vld.idx.msk [tilespmem:v50+s12+$0x0], $0xffff  }
0x280: {  	v36 =	vld.idx.msk [tilespmem:v51+s12+$0x0], $0xffff;
	_ =	sdelay $0x1  }
0x281: {  	v38 =	vld.idx.msk [tilespmem:v52+s12+$0x0], $0xffff;
	_ =	sdelay $0x1  }
0x282: {  	v39 =	vld.idx.msk [tilespmem:v53+s12+$0x0], $0xffff  }
0x283: {  	v54 =	vmul.f32 v37, v37;
	v55 =	vmul.f32 v36, v36;
	_ =	sdelay $0x1  }
0x284: {  	v56 =	vmul.f32 v38, v38;
	v40 =	vadd.f32 v55, v54;
	_ =	sdelay $0x1  }
0x285: {  	v57 =	vmul.f32 v39, v39;
	v40 =	vadd.f32 v56, v40;
	_ =	sdelay $0x1  }
0x286: {  	v40 =	vadd.f32 v57, v40;
	_ =	sdelay $0x1  }
0x287: {  	(xrf2) =	vadd.scan.msk.f32 $0xffff, v40;
	_ =	sdelay $0x9  }
0x288: {  	v40, _, _ =	vpop (xrf2)  }
0x289: {  	v40 =	vbroadcast v40, $0xF;
	_ =	sdelay $0x1  }
0x28a: {  	v58 =	vshra.s32 v40, $0x1;
	v40 =	vmul.f32 $5.000000000e-01, v40  }
0x28b: {  	v41 =	vsub.s32 $0x5F3759DF, v58  }
0x28c: {  	v59 =	vmul.f32 v41, v40;
	_ =	sdelay $0x1  }
0x28d: {  	v42 =	vmul.f32 v41, v59  }
0x28e: {  	v43 =	vld @!p0 [tilespmem:s10+$0x0]  }
0x28f: {  	v42 =	vsub.f32 $1.500000000e+00, v42;
	_ =	sdelay $0x1  }
0x290: {  	v41 =	vmul.f32 v41, v42;
	_ =	sdelay $0x1  }
0x291: {  	(v2sf) =	vpush @!p0 v43, $0x6;
	v42 =	vmul.f32 v41, v40;
	_ =	sdelay $0x1  }
0x292: {  	v42 =	vmul.f32 v42, v41;
	_ =	sdelay $0x1  }
0x293: {  	v42 =	vsub.f32 $1.500000000e+00, v42;
	_ =	sdelay $0x1  }
0x294: {  	v41 =	vmul.f32 v42, v41;
	_ =	sdelay $0x1  }
0x295: {  	v40 =	vmul.f32 v41, v40  }
0x296: {  	s29 =	sadd.s32 $0xFFFFFFFF, s2  }
0x297: {  	v60 =	vmov s29;
	v40 =	vmul.f32 v40, v41  }
0x298: {  	v61 =	vshll.u32 v60, $0x3  }
0x299: {  	v43 =	vand.u32 $0xC00, v61;
	v42 =	vand.u32 $0x7E, v60;
	v40 =	vsub.f32 $1.500000000e+00, v40  }
0x29a: {  	v42 =	vor.u32 v42, v43  }
0x29b: {  	v62 =	vor.u32 v4, v42;
	v40 =	vmul.f32 v40, v41  }
0x29c: {  	s0 =	spop @!p0 (v2sf);
	v43 =	vor.u32 v5, v42  }
0x29d: {  	s0 =	sand.u32 @!p0 $0xFFFFF80, s0;
	v63 =	vor.u32 v6, v42;
	v40 =	vmin.f32 v40, $1.000000000e+00  }
0x29e: {  	s5 =	simm.s32 @!p0 $0xC400;
	s0 =	sadd.s32 @!p0 s1, s0;
	v42 =	vor.u32 v7, v42;
	v37 =	vmul.f32 v40, v37  }
0x29f: {  	[tilespmem:s5], [sflag:$0x7] =	stream.strided.gather @!p0 [hbm4b:s0+s31], $0x2000, s9, s31, $0x38;
	v36 =	vmul.f32 v40, v36;
	[tilespmem:$0x18400] =	vst v63  }
0x2a0: {  	v46 =	vmul.f32 v40, v38;
	[tilespmem:v62+s20+$0x0] =	vst.idx.msk $0xffff, v37  }
0x2a1: {  	s30 =	sand.u32 $0x7F, s3;
	v47 =	vmul.f32 v40, v39;
	[tilespmem:v43+s20+$0x0] =	vst.idx.msk $0xffff, v36  }
0x2a2: {  	v48 =	vor.u32 s30, v32;
	[tilespmem:v63+s20+$0x0] =	vst.idx.msk $0xffff, v46  }
0x2a3: {  	v49 =	vor.u32 s30, v33;
	[tilespmem:v42+s20+$0x0] =	vst.idx.msk $0xffff, v47  }
0x2a4: {  	_ =	swait.ge [sflag:s28], $0x2000  }
0x2a5: {  	v50 =	vor.u32 s30, v34;
	[sflag:s28] =	ssyncset.done $0x0  }
0x2a6: {  	[sflag:s28] =	ssyncadd.s32 $0xFFFFE000  }
0x2a7: {  	v51 =	vor.u32 s30, v35;
	v37 =	vld.idx.msk [tilespmem:v48+s12+$0x0], $0xffff  }
0x2a8: {  	v36 =	vld.idx.msk [tilespmem:v49+s12+$0x0], $0xffff;
	_ =	sdelay $0x1  }
0x2a9: {  	v38 =	vld.idx.msk [tilespmem:v50+s12+$0x0], $0xffff;
	_ =	sdelay $0x1  }
0x2aa: {  	v39 =	vld.idx.msk [tilespmem:v51+s12+$0x0], $0xffff  }
0x2ab: {  	v52 =	vmul.f32 v37, v37;
	v53 =	vmul.f32 v36, v36;
	_ =	sdelay $0x1  }
0x2ac: {  	v54 =	vmul.f32 v38, v38;
	v40 =	vadd.f32 v53, v52;
	_ =	sdelay $0x1  }
0x2ad: {  	v55 =	vmul.f32 v39, v39;
	v40 =	vadd.f32 v54, v40;
	_ =	sdelay $0x1  }
0x2ae: {  	v40 =	vadd.f32 v55, v40;
	_ =	sdelay $0x1  }
0x2af: {  	(xrf2) =	vadd.scan.msk.f32 $0xffff, v40;
	_ =	sdelay $0x9  }
0x2b0: {  	v40, _, _ =	vpop (xrf2)  }
0x2b1: {  	v40 =	vbroadcast v40, $0xF;
	_ =	sdelay $0x1  }
0x2b2: {  	v56 =	vshra.s32 v40, $0x1;
	v40 =	vmul.f32 $5.000000000e-01, v40  }
0x2b3: {  	v41 =	vsub.s32 $0x5F3759DF, v56  }
0x2b4: {  	v57 =	vmul.f32 v41, v40  }
0x2b5: {  	v43 =	vld @!p0 [tilespmem:s10+$0x0]  }
0x2b6: {  	v42 =	vmul.f32 v41, v57;
	_ =	sdelay $0x1  }
0x2b7: {  	v42 =	vsub.f32 $1.500000000e+00, v42;
	_ =	sdelay $0x1  }
0x2b8: {  	(v2sf) =	vpush @!p0 v43, $0x7;
	v41 =	vmul.f32 v41, v42;
	_ =	sdelay $0x1  }
0x2b9: {  	v42 =	vmul.f32 v41, v40;
	_ =	sdelay $0x1  }
0x2ba: {  	v42 =	vmul.f32 v42, v41;
	_ =	sdelay $0x1  }
0x2bb: {  	v42 =	vsub.f32 $1.500000000e+00, v42;
	_ =	sdelay $0x1  }
0x2bc: {  	v41 =	vmul.f32 v42, v41;
	_ =	sdelay $0x1  }
0x2bd: {  	v40 =	vmul.f32 v41, v40;
	_ =	sdelay $0x1  }
0x2be: {  	v58 =	vmov s2;
	v40 =	vmul.f32 v40, v41  }
0x2bf: {  	v59 =	vshll.u32 v58, $0x3  }
0x2c0: {  	v43 =	vand.u32 $0xC00, v59;
	v42 =	vand.u32 $0x7F, v58;
	v40 =	vsub.f32 $1.500000000e+00, v40  }
0x2c1: {  	s0 =	spop @!p0 (v2sf);
	v42 =	vor.u32 v42, v43  }
0x2c2: {  	s0 =	sand.u32 @!p0 $0xFFFFF80, s0;
	v60 =	vor.u32 v4, v42;
	v40 =	vmul.f32 v40, v41  }
0x2c3: {  	s3 =	simm.s32 @!p0 $0xE400;
	s2 =	sadd.s32 $0x10, s2;
	s0 =	sadd.s32 @!p0 s1, s0;
	v43 =	vor.u32 v5, v42  }
0x2c4: {  	[tilespmem:s3], [sflag:$0x8] =	stream.strided.gather @!p0 [hbm4b:s0+s31], $0x2000, s9, s31, $0x38;
	v61 =	vor.u32 v6, v42;
	v40 =	vmin.f32 v40, $1.000000000e+00;
	[tilespmem:$0x18400] =	vst v63  }
0x2c5: {  	p0 =	sne.s32 s2, $0x20F;
	v42 =	vor.u32 v7, v42;
	v37 =	vmul.f32 v40, v37  }
.Ltmp0:
0x2c6: {  	v36 =	vmul.f32 v40, v36;
	(pc) =	sbr.rel @p0 .LBB2_2-.Ltmp0, $4  }
0x2c7: {  	v62 =	vmul.f32 v40, v38;
	[tilespmem:v60+s20+$0x0] =	vst.idx.msk $0xffff, v37  }
0x2c8: {  	v63 =	vmul.f32 v40, v39;
	[tilespmem:v43+s20+$0x0] =	vst.idx.msk $0xffff, v36  }
0x2c9: {  	[tilespmem:v61+s20+$0x0] =	vst.idx.msk $0xffff, v62  }
0x2ca: {  	s7 =	simm.s32 $0x2400;
	s10 =	sadd.s32 $0x10, s10;
	[tilespmem:v42+s20+$0x0] =	vst.idx.msk $0xffff, v63  }
0x2cb: {  	s0 =	rddreg [dreg:$0x5];
	s2 =	simm.s32 $0x1000;
	s3 =	simm.s32 $0x20000  }
0x2cc: {  	[hbm4b:s0+s2] =	stream.strided.scatter [tilespmem:s20], [sflag:$0x9], $0x8000, s3, s2, $0x38;
	[tilespmem:$0x18400] =	vst v63  }
0x2cd: {  	s3 =	simm.s32 $0x9  }
0x2ce: {  	_ =	swait.ge [sflag:s3], $0x8000  }
0x2cf: {  	s30 =	rddreg [dreg:$0x8]  }
0x2d0: {  	s31 =	rddreg [dreg:$0x6];
	s2 =	sadd.s32 $0x1, s30  }
0x2d1: {  	p0 =	sne.s32 s2, s31  }
.Ltmp1:
0x2d2: {  	_ = 	snop;
	(pc) =	sbr.rel @p0 .LBB2_1-.Ltmp1, $3  }
0x2d3: {  	_ =	sdelay $0x1  }
0x2d4: {  	[sflag:s3] =	ssyncset.done $0x0  }
0x2d5: {  	[sflag:s3] =	ssyncadd.s32 $0xFFFF8000  }
0x2d6: {  	_ =	sfence.sel $0x180000  }
0x2d7: {  	[bflag:$0x0] =	sbarrier.arrive $0xFFFF  }
0x2d8: {  	_ =	strace $0x90000047  }
0x2d9: {  	s0 =	stileid.u32;
	[bflag:$0x2] =	sbarrier.arrive $0xFFFF  }
0x2da: {  	p0 =	sne.s32 s0, $0x0;
	s0 =	rddreg [dreg:$0x3]  }
0x2db: {  	s0 =	sadd.s32 @!p0 $0x100000, s0  }
0x2dc: {  	[sflag:s0] =	ssyncadd.tile.s32 @!p0 $0x1;
	_ =	shalt  }
.Lfunc_end2:
_tile_overlayer_lowered:
.L_overlay_start_2:
0x2dd: {  	(tag) =	ssettag $0x2  }
0x2de: {  	s0 =	rddreg [dreg:$0x0];
	s2 =	stileid.u32  }
0x2df: {  	s1 =	rddreg [dreg:$0x1];
	p0 =	sne.s32 s2, $0x0  }
0x2e0: {  	s3 =	rddreg [dreg:$0x2];
	[bflag:$0x3] =	sbarrier.arrive $0xFFFF;
	s2 =	simm.s32 @!p0 $0x1C09  }
0x2e1: {  	[timem:s3], [sflag:s2] =	dma.local @!p0 [hbm:s0], s1  }
0x2e2: {  	s0 =	simm.s32 @!p0 $0x9  }
0x2e3: {  	_ =	swait.ge @!p0 [sflag:s0], s1  }
0x2e4: {  	s1 =	ssub.s32 @!p0 $0x0, s1;
	[sflag:s0] =	ssyncset.done @!p0 $0x0  }
0x2e5: {  	[sflag:s0] =	ssyncadd.s32 @!p0 s1  }
0x2e6: {  	[bflag:$0x3] =	sbarrier.arrive $0xFFFF  }
0x2e7: {  	_ =	shalt  }

</sc_bundles>
